<compile_context>
chip_gen: v7x
topology: tpu7x:2x2x1
jax: 0.10.2.dev20260603
libtpu: 0.0.44.dev20260713+nightly
codegen_flags: <defaults>
</compile_context>

<pallas_src>
import jax
import jax.numpy as jnp
import numpy as np
from jax import lax
from jax.experimental import pallas as pl
from jax.experimental.pallas import tpu as pltpu
from jax.experimental.pallas import tpu_sc as plsc

N = 10000
E = 320000
DIM = 128
H = 256
G = 128
TEMP = 0.66
IMIN = -0.1
IMAX = 1.1
L0_SHIFT = float(TEMP * np.log2(-IMIN / IMAX))

NC = 2
NS = 16
NW = NC * NS
NH = 1
E2 = E // NH
CE = E2 // NW
CH = 80
NCHUNK = CE // CH

EB = 4000
NEB = E2 // EB

NP = 10240
DUMP = N
NB = 640
NBLK = NP // NB


XCH = 80
NXCH = N // XCH


def _xe_body(femb, xidx, xe_out, iv, rv, sem):
    c = lax.axis_index("c")
    s = lax.axis_index("s")
    wid = c * NS + s

    for k in range((NXCH + NW - 1) // NW):
        cid = wid + k * NW

        @pl.when(cid < NXCH)
        def _():
            base = cid * XCH
            pltpu.sync_copy(xidx.at[pl.ds(base, XCH)], iv)
            pltpu.async_copy(femb.at[iv], rv, sem).wait()
            pltpu.sync_copy(rv, xe_out.at[pl.ds(base, XCH)])


def _sc_xe(femb, xidx):
    mesh = plsc.VectorSubcoreMesh(core_axis_name="c", subcore_axis_name="s",
                                  num_cores=NC, num_subcores=NS)
    f = pl.kernel(
        _xe_body,
        out_type=jax.ShapeDtypeStruct((N, DIM), jnp.float32),
        mesh=mesh,
        scratch_types=(
            pltpu.VMEM((XCH,), jnp.int32),
            pltpu.VMEM((XCH, DIM), jnp.float32),
            pltpu.SemaphoreType.DMA,
        ),
    )
    return f(femb, xidx)


def _gather_body(xe, fedge, src, dst, ea0, ea1, pe_out, ge_out,
                 is0, id0, ie0, if0, is1, id1, ie1, if1,
                 ra0, rb0, rc0, rd0, ra1, rb1, rc1, rd1,
                 os1, os2, gsem0, gsem1, isem0, isem1, wsem):
    c = lax.axis_index("c")
    s = lax.axis_index("s")
    wid = c * NS + s
    iall = ((is0, id0, ie0, if0), (is1, id1, ie1, if1))
    srcs = (src, dst, ea0, ea1)
    bufs = ((ra0, rb0, rc0, rd0), (ra1, rb1, rc1, rd1))
    gsem = (gsem0, gsem1)
    isem = (isem0, isem1)

    def fire_idx(ci, p):
        base = wid * CE + ci * CH
        for k in range(4):
            pltpu.async_copy(srcs[k].at[pl.ds(base, CH)], iall[p][k],
                             isem[p])

    def fire_gathers(ci, p):
        ra, rb, rc, rd = bufs[p]
        for k in range(4):
            pltpu.make_async_copy(srcs[k].at[pl.ds(0, CH)], iall[p][k],
                                  isem[p]).wait()
        pltpu.async_copy(xe.at[iall[p][0]], ra, gsem[p])
        pltpu.async_copy(xe.at[iall[p][1]], rb, gsem[p])
        pltpu.async_copy(fedge.at[iall[p][2]], rc, gsem[p])
        pltpu.async_copy(fedge.at[iall[p][3]], rd, gsem[p])

    def step(ci, p, first, last):
        ra, rb, rc, rd = bufs[p]
        for buf in (ra, rb, rc, rd):
            pltpu.make_async_copy(xe.at[pl.ds(0, CH)], buf, gsem[p]).wait()
        if not last:
            fire_idx(ci + 2, p)
        if not first:
            pltpu.make_async_copy(pe_out.at[pl.ds(0, CH)], os1, wsem).wait()
            pltpu.make_async_copy(ge_out.at[pl.ds(0, CH)], os2, wsem).wait()

        def mul2(r, _):
            for cc in range(DIM // 16):
                sl = pl.ds(cc * 16, 16)
                os1[r, sl] = ra[r, sl] * rb[r, sl]
                os2[r, sl] = rc[r, sl] * rd[r, sl]
            return 0

        lax.fori_loop(0, CH, mul2, 0)
        base = wid * CE + ci * CH
        pltpu.async_copy(os1, pe_out.at[pl.ds(base, CH)], wsem)
        pltpu.async_copy(os2, ge_out.at[pl.ds(base, CH)], wsem)
        if not last:
            fire_gathers(ci + 2, p)

    fire_idx(0, 0)
    fire_gathers(0, 0)
    fire_idx(1, 1)
    fire_gathers(1, 1)
    step(0, 0, first=True, last=False)

    def loop(it, _):
        step(2 * it + 1, 1, first=False, last=False)
        step(2 * it + 2, 0, first=False, last=False)
        return 0

    lax.fori_loop(0, (NCHUNK - 3) // 2, loop, 0)
    step(NCHUNK - 2, 1, first=False, last=True)
    step(NCHUNK - 1, 0, first=False, last=True)
    pltpu.make_async_copy(pe_out.at[pl.ds(0, CH)], os1, wsem).wait()
    pltpu.make_async_copy(ge_out.at[pl.ds(0, CH)], os2, wsem).wait()


def _sc_gather(xe, fedge, src, dst, ea0, ea1):
    mesh = plsc.VectorSubcoreMesh(core_axis_name="c", subcore_axis_name="s",
                                  num_cores=NC, num_subcores=NS)
    f = pl.kernel(
        _gather_body,
        out_type=(jax.ShapeDtypeStruct((E2, DIM), jnp.float32),
                  jax.ShapeDtypeStruct((E2, DIM), jnp.float32)),
        mesh=mesh,
        scratch_types=(
            pltpu.VMEM((CH,), jnp.int32),
            pltpu.VMEM((CH,), jnp.int32),
            pltpu.VMEM((CH,), jnp.int32),
            pltpu.VMEM((CH,), jnp.int32),
            pltpu.VMEM((CH,), jnp.int32),
            pltpu.VMEM((CH,), jnp.int32),
            pltpu.VMEM((CH,), jnp.int32),
            pltpu.VMEM((CH,), jnp.int32),
            pltpu.VMEM((CH, DIM), jnp.float32),
            pltpu.VMEM((CH, DIM), jnp.float32),
            pltpu.VMEM((CH, DIM), jnp.float32),
            pltpu.VMEM((CH, DIM), jnp.float32),
            pltpu.VMEM((CH, DIM), jnp.float32),
            pltpu.VMEM((CH, DIM), jnp.float32),
            pltpu.VMEM((CH, DIM), jnp.float32),
            pltpu.VMEM((CH, DIM), jnp.float32),
            pltpu.VMEM((CH, DIM), jnp.float32),
            pltpu.VMEM((CH, DIM), jnp.float32),
            pltpu.SemaphoreType.DMA,
            pltpu.SemaphoreType.DMA,
            pltpu.SemaphoreType.DMA,
            pltpu.SemaphoreType.DMA,
            pltpu.SemaphoreType.DMA,
        ),
    )
    return f(xe, fedge, src, dst, ea0, ea1)


def _mlp_body(pe_ref, ge_ref, dst_ref, w1, b1, w2, b2, l1w, l1b, l2w, l2b,
              msg_ref, mdst_ref, l0_ref, ne_ref):
    i = pl.program_id(0)
    ge = ge_ref[...]
    h = jnp.maximum(
        lax.dot_general(ge, w1[...], (((1,), (1,)), ((), ())),
                        preferred_element_type=jnp.float32) + b1[...], 0.0)
    loc = jnp.sum(h * w2[...], axis=1, keepdims=True) + b2[...]
    sig = jax.nn.sigmoid(loc)
    sgate = jnp.clip(sig * (IMAX - IMIN) + IMIN, 0.0, 1.0)
    maskv = (sgate > 0.0).astype(jnp.float32)
    l0p = jnp.sum(jax.nn.sigmoid(loc - L0_SHIFT))
    nep = jnp.sum(maskv)

    pe = pe_ref[...]
    h2 = jnp.maximum(
        lax.dot_general(pe, l1w[...], (((1,), (1,)), ((), ())),
                        preferred_element_type=jnp.float32) + l1b[...], 0.0)
    pw = lax.dot_general(h2, l2w[...], (((1,), (1,)), ((), ())),
                         preferred_element_type=jnp.float32) + l2b[...]
    msg_ref[...] = pw * sgate

    dstv = dst_ref[0]
    mdst_ref[0] = jnp.where(sgate > 0.0, dstv, DUMP)

    @pl.when(i == 0)
    def _():
        l0_ref[...] = jnp.zeros((1, 1), jnp.float32)
        ne_ref[...] = jnp.zeros((1, 1), jnp.float32)

    l0_ref[...] += jnp.reshape(l0p, (1, 1))
    ne_ref[...] += jnp.reshape(nep, (1, 1))


def _tc_mlp(pe, ge, dst3, w1, b1, w2, b2, l1w, l1b, l2w, l2b):
    full = lambda shp: pl.BlockSpec(shp, lambda i: (0,) * len(shp))
    return pl.pallas_call(
        _mlp_body,
        grid=(NEB,),
        in_specs=[
            pl.BlockSpec((EB, DIM), lambda i: (i, 0)),
            pl.BlockSpec((EB, DIM), lambda i: (i, 0)),
            pl.BlockSpec((1, EB, 1), lambda i: (i, 0, 0)),
            full((H, DIM)), full((1, H)), full((1, H)), full((1, 1)),
            full((H, DIM)), full((1, H)), full((DIM, H)), full((1, DIM)),
        ],
        out_specs=[
            pl.BlockSpec((EB, DIM), lambda i: (i, 0)),
            pl.BlockSpec((1, EB, 1), lambda i: (i, 0, 0)),
            pl.BlockSpec((1, 1), lambda i: (0, 0)),
            pl.BlockSpec((1, 1), lambda i: (0, 0)),
        ],
        out_shape=[
            jax.ShapeDtypeStruct((E2, DIM), jnp.float32),
            jax.ShapeDtypeStruct((NEB, EB, 1), jnp.int32),
            jax.ShapeDtypeStruct((1, 1), jnp.float32),
            jax.ShapeDtypeStruct((1, 1), jnp.float32),
        ],
    )(pe, ge, dst3, w1, b1, w2, b2, l1w, l1b, l2w, l2b)


NPS = NP // NS
ZR = 128
SCH = 80


NSCH = CE // SCH


def _scatter_msg_body(msgx, dste, msum, mv0, mv1, dv0, dv1, zb,
                      lsem0, lsem1, ssem0, ssem1, acc):
    c = lax.axis_index("c")
    s = lax.axis_index("s")
    mv = (mv0, mv1)
    dv = (dv0, dv1)
    lsem = (lsem0, lsem1)
    ssem = (ssem0, ssem1)

    def zrow(r, _):
        for cc in range(DIM // 16):
            zb[r, pl.ds(cc * 16, 16)] = jnp.zeros((16,), jnp.float32)
        return 0

    lax.fori_loop(0, ZR, zrow, 0)
    stripe = s * NPS
    for k in range(NPS // ZR):
        pltpu.sync_copy(zb, acc.at[pl.ds(stripe + k * ZR, ZR)])
    plsc.subcore_barrier()

    ebase = c * (E2 // NC) + s * CE

    def fire_loads(ci, p):
        pltpu.async_copy(dste.at[pl.ds(ebase + ci * SCH, SCH)], dv[p],
                         lsem[p])
        pltpu.async_copy(msgx.at[pl.ds(ebase + ci * SCH, SCH)], mv[p],
                         lsem[p])

    def step(ci, p, first, last):
        q = 1 - p
        pltpu.make_async_copy(dste.at[pl.ds(0, SCH)], dv[p], lsem[p]).wait()
        pltpu.make_async_copy(msgx.at[pl.ds(0, SCH)], mv[p], lsem[p]).wait()
        pltpu.async_copy(mv[p], acc.at[dv[p]], ssem[p], add=True)
        if not first:
            pltpu.make_async_copy(msgx.at[pl.ds(0, SCH)], mv[q],
                                  ssem[q]).wait()
        if not last:
            fire_loads(ci + 1, q)

    fire_loads(0, 0)
    step(0, 0, first=True, last=False)

    def loop(it, _):
        step(2 * it + 1, 1, first=False, last=False)
        step(2 * it + 2, 0, first=False, last=False)
        return 0

    lax.fori_loop(0, (NSCH - 3) // 2, loop, 0)
    step(NSCH - 2, 1, first=False, last=False)
    step(NSCH - 1, 0, first=False, last=True)
    pltpu.make_async_copy(msgx.at[pl.ds(0, SCH)], mv0, ssem0).wait()
    plsc.subcore_barrier()

    for k in range(NPS // ZR):
        sl = pl.ds(stripe + k * ZR, ZR)
        pltpu.sync_copy(acc.at[sl], zb)
        pltpu.sync_copy(zb, msum.at[pl.ds(c * NP + stripe + k * ZR, ZR)])


def _sc_scatter_msg(msgx, dste):
    mesh = plsc.VectorSubcoreMesh(core_axis_name="c", subcore_axis_name="s",
                                  num_cores=NC, num_subcores=NS)
    f = pl.kernel(
        _scatter_msg_body,
        out_type=jax.ShapeDtypeStruct((NC * NP, DIM), jnp.float32),
        mesh=mesh,
        scratch_types=(
            pltpu.VMEM((SCH, DIM), jnp.float32),
            pltpu.VMEM((SCH, DIM), jnp.float32),
            pltpu.VMEM((SCH,), jnp.int32),
            pltpu.VMEM((SCH,), jnp.int32),
            pltpu.VMEM((ZR, DIM), jnp.float32),
            pltpu.SemaphoreType.DMA,
            pltpu.SemaphoreType.DMA,
            pltpu.SemaphoreType.DMA,
            pltpu.SemaphoreType.DMA,
            pltpu.VMEM_SHARED((NP, DIM), jnp.float32),
        ),
    )
    return f(msgx, dste)


def _scatter_cnt_body(mdst, csum, ones, dv0, dv1, zb,
                      lsem0, lsem1, ssem0, ssem1, acc):
    c = lax.axis_index("c")
    s = lax.axis_index("s")
    dv = (dv0, dv1)
    lsem = (lsem0, lsem1)
    ssem = (ssem0, ssem1)

    def zrow(r, _):
        for cc in range(DIM // 16):
            zb[r, pl.ds(cc * 16, 16)] = jnp.zeros((16,), jnp.float32)
        return 0

    lax.fori_loop(0, ZR, zrow, 0)

    e0 = jnp.where(lax.iota(jnp.int32, 16) == 0,
                   jnp.float32(1.0), jnp.float32(0.0))

    def orow(r, _):
        ones[r, pl.ds(0, 16)] = e0
        for cc in range(1, DIM // 16):
            ones[r, pl.ds(cc * 16, 16)] = jnp.zeros((16,), jnp.float32)
        return 0

    lax.fori_loop(0, SCH, orow, 0)
    stripe = s * NPS
    for k in range(NPS // ZR):
        pltpu.sync_copy(zb, acc.at[pl.ds(stripe + k * ZR, ZR)])
    plsc.subcore_barrier()

    ebase = c * (E2 // NC) + s * CE

    def fire_load(ci, p):
        pltpu.async_copy(mdst.at[pl.ds(ebase + ci * SCH, SCH)], dv[p],
                         lsem[p])

    def step(ci, p, first, last):
        q = 1 - p
        pltpu.make_async_copy(mdst.at[pl.ds(0, SCH)], dv[p], lsem[p]).wait()
        pltpu.async_copy(ones, acc.at[dv[p]], ssem[p], add=True)
        if not first:
            pltpu.make_async_copy(csum.at[pl.ds(0, SCH)], ones,
                                  ssem[q]).wait()
        if not last:
            fire_load(ci + 1, q)

    fire_load(0, 0)
    step(0, 0, first=True, last=False)

    def loop(it, _):
        step(2 * it + 1, 1, first=False, last=False)
        step(2 * it + 2, 0, first=False, last=False)
        return 0

    lax.fori_loop(0, (NSCH - 3) // 2, loop, 0)
    step(NSCH - 2, 1, first=False, last=False)
    step(NSCH - 1, 0, first=False, last=True)
    pltpu.make_async_copy(csum.at[pl.ds(0, SCH)], ones, ssem0).wait()
    plsc.subcore_barrier()

    for k in range(NPS // ZR):
        sl = pl.ds(stripe + k * ZR, ZR)
        pltpu.sync_copy(acc.at[sl], zb)
        pltpu.sync_copy(zb, csum.at[pl.ds(c * NP + stripe + k * ZR, ZR)])


def _sc_scatter_cnt(mdst):
    mesh = plsc.VectorSubcoreMesh(core_axis_name="c", subcore_axis_name="s",
                                  num_cores=NC, num_subcores=NS)
    f = pl.kernel(
        _scatter_cnt_body,
        out_type=jax.ShapeDtypeStruct((NC * NP, DIM), jnp.float32),
        mesh=mesh,
        scratch_types=(
            pltpu.VMEM((SCH, DIM), jnp.float32),
            pltpu.VMEM((SCH,), jnp.int32),
            pltpu.VMEM((SCH,), jnp.int32),
            pltpu.VMEM((ZR, DIM), jnp.float32),
            pltpu.SemaphoreType.DMA,
            pltpu.SemaphoreType.DMA,
            pltpu.SemaphoreType.DMA,
            pltpu.SemaphoreType.DMA,
            pltpu.VMEM_SHARED((NP, DIM), jnp.float32),
        ),
    )
    return f(mdst)


def _fin_body(msum_ref, csum_ref, batch_ref, gw, gb,
              out_ref, l2_ref, pooled, gcnt):
    i = pl.program_id(0)

    @pl.when(i == 0)
    def _():
        pooled[...] = jnp.zeros((G, DIM), jnp.float32)
        gcnt[...] = jnp.zeros((G, 1), jnp.float32)
        l2_ref[...] = jnp.zeros((1, 1), jnp.float32)

    mm = msum_ref[...]
    m = mm[0] + mm[1]
    cc = csum_ref[...]
    cn = cc[0, :, 0:1] + cc[1, :, 0:1]
    upd = m / jnp.maximum(cn, 1.0)
    l2_ref[...] += jnp.reshape(jnp.sum(upd * upd), (1, 1))

    bv = batch_ref[0, 0, :]
    oh = (bv[None, :] == lax.broadcasted_iota(jnp.int32, (G, NB), 0)
          ).astype(jnp.float32)
    pooled[...] += lax.dot_general(oh, upd, (((1,), (0,)), ((), ())),
                                   preferred_element_type=jnp.float32)
    gcnt[...] += jnp.sum(oh, axis=1, keepdims=True)

    @pl.when(i == NBLK - 1)
    def _():
        p = pooled[...] / jnp.maximum(gcnt[...], 1.0)
        out_ref[...] = lax.dot_general(p, gw[...], (((1,), (1,)), ((), ())),
                                       preferred_element_type=jnp.float32) \
            + gb[...]


def _tc_finish(msum, csum, batch3, gw, gb):
    return pl.pallas_call(
        _fin_body,
        grid=(NBLK,),
        in_specs=[
            pl.BlockSpec((2, NB, DIM), lambda i: (0, i, 0)),
            pl.BlockSpec((2, NB, DIM), lambda i: (0, i, 0)),
            pl.BlockSpec((1, 1, NB), lambda i: (i, 0, 0)),
            pl.BlockSpec((2, DIM), lambda i: (0, 0)),
            pl.BlockSpec((1, 2), lambda i: (0, 0)),
        ],
        out_specs=[
            pl.BlockSpec((G, 2), lambda i: (0, 0)),
            pl.BlockSpec((1, 1), lambda i: (0, 0)),
        ],
        out_shape=[
            jax.ShapeDtypeStruct((G, 2), jnp.float32),
            jax.ShapeDtypeStruct((1, 1), jnp.float32),
        ],
        scratch_shapes=[
            pltpu.VMEM((G, DIM), jnp.float32),
            pltpu.VMEM((G, 1), jnp.float32),
        ],
    )(msum, csum, batch3, gw, gb)


def kernel(x, edge_index, edge_attr, batch, is_training,
           feature_emb, fe_edge, lp_w1, lp_b1, lp_w2, lp_b2,
           lin1_w, lin1_b, lin2_w, lin2_b, g_w, g_b):
    xidx = x[:, 0].astype(jnp.int32)
    src = edge_index[0].astype(jnp.int32)
    dst = edge_index[1].astype(jnp.int32)
    ea0 = edge_attr[:, 0].astype(jnp.int32)
    ea1 = edge_attr[:, 1].astype(jnp.int32)

    xe = _sc_xe(feature_emb, xidx)

    pe, ge = _sc_gather(xe, fe_edge, src, dst, ea0, ea1)
    msg, mdst3, l0_sum, ne_sum = _tc_mlp(
        pe, ge, dst.reshape(NEB, EB, 1),
        lp_w1, lp_b1.reshape(1, H), lp_w2.reshape(1, H), lp_b2.reshape(1, 1),
        lin1_w, lin1_b.reshape(1, H), lin2_w, lin2_b.reshape(1, DIM))
    msum = _sc_scatter_msg(msg, dst).reshape(NC, NP, DIM)
    csum = _sc_scatter_cnt(mdst3.reshape(E2)).reshape(NC, NP, DIM)

    batch_pad = jnp.concatenate(
        [batch.astype(jnp.int32), jnp.full((NP - N,), G, jnp.int32)])
    out, l2 = _tc_finish(msum, csum, batch_pad.reshape(NBLK, 1, NB),
                         g_w, g_b.reshape(1, 2))

    l0 = l0_sum[0, 0] / float(E)
    l2s = l2[0, 0]
    num_edges = ne_sum[0, 0].astype(jnp.int32)
    return out, l0, l2s, num_edges

# --- scband reference (transcript-rebuilt; emitter-appended) ---
"""Pipeline reference for scband-l0-sign-56607668961860 (READ-ONLY COPY).

The authoritative reference and input builder live on the scoring server;
editing this copy changes nothing except your own understanding.
"""

import jax, jax.numpy as jnp
import numpy as np

N = 10000
E = 320000
DIM = 128
H = 256
NF = 10000
G = 128
TEMP = 0.66
IMIN = -0.1
IMAX = 1.1


def _linear_params(k, fo, fi):
    k1, k2 = jax.random.split(k)
    bound = 1.0 / np.sqrt(fi)
    w = jax.random.uniform(k1, (fo, fi), minval=-bound, maxval=bound, dtype=jnp.float32)
    b = jax.random.uniform(k2, (fo,), minval=-bound, maxval=bound, dtype=jnp.float32)
    return w, b


def setup_inputs(seed: int = 0) -> dict:
    key = jax.random.key(seed)
    ks = jax.random.split(key, 12)
    x = jax.random.randint(ks[0], (N, 1), 0, NF)
    edge_index = jax.random.randint(ks[1], (2, E), 0, N)
    edge_attr = jax.random.randint(ks[2], (E, 2), 0, NF)
    batch = jnp.sort(jax.random.randint(ks[3], (N,), 0, G))
    feature_emb = jax.random.normal(ks[4], (NF, DIM), dtype=jnp.float32)
    fe_edge = 0.2 + 0.01 * jax.random.normal(ks[5], (NF, DIM), dtype=jnp.float32)
    lp_w1, lp_b1 = _linear_params(ks[6], H, DIM)
    lp_w2, lp_b2 = _linear_params(ks[7], 1, H)
    lp_w2 = lp_w2 + 0.2
    lin1_w, lin1_b = _linear_params(ks[8], H, DIM)
    lin2_w, lin2_b = _linear_params(ks[9], DIM, H)
    g_w, g_b = _linear_params(ks[10], 2, DIM)
    return {"x": x, "edge_index": edge_index, "edge_attr": edge_attr, "batch": batch,
            "is_training": False,
            "feature_emb": feature_emb, "fe_edge": fe_edge,
            "lp_w1": lp_w1, "lp_b1": lp_b1, "lp_w2": lp_w2, "lp_b2": lp_b2,
            "lin1_w": lin1_w, "lin1_b": lin1_b, "lin2_w": lin2_w, "lin2_b": lin2_b,
            "g_w": g_w, "g_b": g_b}


def reference(x, edge_index, edge_attr, batch, is_training,
              feature_emb, fe_edge, lp_w1, lp_b1, lp_w2, lp_b2,
              lin1_w, lin1_b, lin2_w, lin2_b, g_w, g_b):
    # node feature embedding lookup, x: [N,1] -> squeeze(1)
    xe = jnp.take(feature_emb, x[:, 0], axis=0)  # [N, DIM]

    # LinkPred on edge_attr (sr transposed to [2, E]); eval path (no dropout / no noise)
    sr = edge_attr.T
    sender_emb = jnp.take(fe_edge, sr[0], axis=0)
    receiver_emb = jnp.take(fe_edge, sr[1], axis=0)
    _input = sender_emb * receiver_emb
    h_relu = jax.nn.relu(_input @ lp_w1.T + lp_b1)
    loc = h_relu @ lp_w2.T + lp_b2  # [E, 1]
    s = jax.nn.sigmoid(loc) * (IMAX - IMIN) + IMIN
    s = jnp.clip(s, 0.0, 1.0)
    l0_penaty = jnp.mean(jax.nn.sigmoid(loc - TEMP * np.log2(-IMIN / IMAX)))

    # construct_pred_edge: keep edges with s > 0. Implemented as a mask so the
    # mean aggregation denominator counts only surviving edges (equivalent math).
    sv = s[:, 0]
    mask = (sv > 0).astype(xe.dtype)  # [E]

    # SIGN message passing (aggr='mean', flow source_to_target: x_j=src, x_i=dst)
    src = edge_index[0]
    dst = edge_index[1]
    x_i = jnp.take(xe, dst, axis=0)
    x_j = jnp.take(xe, src, axis=0)
    pairwise = jax.nn.relu((x_i * x_j) @ lin1_w.T + lin1_b) @ lin2_w.T + lin2_b  # [E, DIM]
    msg = pairwise * sv[:, None] * mask[:, None]
    msg_sum = jax.ops.segment_sum(msg, dst, num_segments=N)
    cnt = jax.ops.segment_sum(mask, dst, num_segments=N)
    updated_nodes = msg_sum / jnp.maximum(cnt, 1.0)[:, None]  # [N, DIM]

    l2_penaty = jnp.sum(updated_nodes * updated_nodes)

    # global_mean_pool over batch ids
    g_sum = jax.ops.segment_sum(updated_nodes, batch, num_segments=G)
    g_cnt = jax.ops.segment_sum(jnp.ones((N,), updated_nodes.dtype), batch, num_segments=G)
    graph_embedding = g_sum / jnp.maximum(g_cnt, 1.0)[:, None]

    out = graph_embedding @ g_w.T + g_b  # [G, 2]
    num_edges = jnp.sum(mask).astype(jnp.int32)
    return (out, l0_penaty, l2_penaty, num_edges)

if __name__ == "__main__":
    import jax
    _d = setup_inputs()
    print(jax.jit(kernel)(*tuple(_d.values())))

</pallas_src>

<mosaic_0001>
#map = affine_map<(d0, d1) -> (0, 0)>
#map1 = affine_map<(d0, d1) -> (0)>
module attributes {stable_mosaic.version = 14 : i64} {
  func.func @_xe_body(%arg0: i32, %arg1: i32, %arg2: memref<10000x128xf32, #tpu.memory_space<hbm>>, %arg3: memref<10000xi32, #tpu.memory_space<hbm>>, %arg4: memref<10000x128xf32, #tpu.memory_space<hbm>>, %arg5: memref<80xi32, #tpu.memory_space<vmem>>, %arg6: memref<80x128xf32, #tpu.memory_space<vmem>>, %arg7: memref<!tpu.dma_semaphore, #tpu.memory_space<semaphore_mem>>) attributes {dimension_semantics = [#tpu.dimension_semantics<core_parallel>, #tpu.dimension_semantics<subcore_parallel>], iteration_bounds = array<i64: 2, 16>, scalar_prefetch = 0 : i64, scratch_operands = 3 : i64, tpu.core_type = #tpu.core_type<sc_vector_subcore>, window_params = [{transform_indices = #map}, {transform_indices = #map1}, {transform_indices = #map}]} {
    %mul3A = arith.constant 16 : i32
    %mul3A_0 = arith.muli %arg0, %mul3A : i32
    %add3A = arith.addi %mul3A_0, %arg1 : i32
    %add3A_1 = arith.constant 0 : i32
    %add3A_2 = arith.addi %add3A, %add3A_1 : i32
    %lt3A = arith.constant 125 : i32
    %lt3A_3 = arith.cmpi slt, %add3A_2, %lt3A : i32
    %convert_element_type3A = arith.extui %lt3A_3 : i1 to i32
    %cond3A = arith.constant 0 : i32
    %cond3A_4 = arith.cmpi ne, %convert_element_type3A, %cond3A : i32
    scf.if %cond3A_4 {
      %mul3A_26 = arith.constant 80 : i32
      %mul3A_27 = arith.muli %add3A_2, %mul3A_26 : i32
      "tpu.region"() ({
        %run_scoped3A = tpu.sem_alloc : memref<!tpu.dma_semaphore, #tpu.memory_space<semaphore_mem>>
        %dma_start3A_32 = tpu.memref_slice %arg3[%mul3A_27] : memref<10000xi32, #tpu.memory_space<hbm>> -> memref<80xi32, #tpu.memory_space<hbm>>
        %dma_start3A_33 = tpu.memref_slice %arg3[%mul3A_27] : memref<10000xi32, #tpu.memory_space<hbm>> -> memref<80xi32, #tpu.memory_space<hbm>>
        tpu.enqueue_dma source(%dma_start3A_33 : memref<80xi32, #tpu.memory_space<hbm>>) target(%arg5 : memref<80xi32, #tpu.memory_space<vmem>>) target_semaphore(%run_scoped3A : memref<!tpu.dma_semaphore, #tpu.memory_space<semaphore_mem>>)
        %dma_wait3A_34 = tpu.memref_slice %arg3[%mul3A_27] : memref<10000xi32, #tpu.memory_space<hbm>> -> memref<80xi32, #tpu.memory_space<hbm>>
        %dma_wait3A_35 = tpu.memref_slice %arg3[%mul3A_27] : memref<10000xi32, #tpu.memory_space<hbm>> -> memref<80xi32, #tpu.memory_space<hbm>>
        tpu.wait_dma2 semaphore(%run_scoped3A : memref<!tpu.dma_semaphore, #tpu.memory_space<semaphore_mem>>) src(%dma_wait3A_35 : memref<80xi32, #tpu.memory_space<hbm>>) dst(%arg5 : memref<80xi32, #tpu.memory_space<vmem>>)
        tpu.yield
      }) : () -> ()
      %dma_start3A = arith.constant 0 : i32
      %dma_start3A_28 = arith.constant 0 : i32
      %dma_start3A_29 = tpu.memref_slice %arg2[%dma_start3A, %dma_start3A_28] : memref<10000x128xf32, #tpu.memory_space<hbm>> -> memref<10000x128xf32, #tpu.memory_space<hbm>>
      tpu.enqueue_indirect_dma source(%dma_start3A_29 : memref<10000x128xf32, #tpu.memory_space<hbm>>) target(%arg6 : memref<80x128xf32, #tpu.memory_space<vmem>>) offsets(%arg5 : memref<80xi32, #tpu.memory_space<vmem>>) semaphore(%arg7 : memref<!tpu.dma_semaphore, #tpu.memory_space<semaphore_mem>>)
      %dma_wait3A = arith.constant 0 : i32
      %dma_wait3A_30 = arith.constant 0 : i32
      %dma_wait3A_31 = tpu.memref_slice %arg2[%dma_wait3A, %dma_wait3A_30] : memref<10000x128xf32, #tpu.memory_space<hbm>> -> memref<10000x128xf32, #tpu.memory_space<hbm>>
      tpu.wait_indirect_dma semaphore(%arg7 : memref<!tpu.dma_semaphore, #tpu.memory_space<semaphore_mem>>) src(%dma_wait3A_31 : memref<10000x128xf32, #tpu.memory_space<hbm>>) dst(%arg6 : memref<80x128xf32, #tpu.memory_space<vmem>>)
      "tpu.region"() ({
        %run_scoped3A = tpu.sem_alloc : memref<!tpu.dma_semaphore, #tpu.memory_space<semaphore_mem>>
        %dma_start3A_32 = arith.constant 0 : i32
        %dma_start3A_33 = tpu.memref_slice %arg4[%mul3A_27, %dma_start3A_32] : memref<10000x128xf32, #tpu.memory_space<hbm>> -> memref<80x128xf32, #tpu.memory_space<hbm>>
        %dma_start3A_34 = arith.constant 0 : i32
        %dma_start3A_35 = tpu.memref_slice %arg4[%mul3A_27, %dma_start3A_34] : memref<10000x128xf32, #tpu.memory_space<hbm>> -> memref<80x128xf32, #tpu.memory_space<hbm>>
        tpu.enqueue_dma source(%arg6 : memref<80x128xf32, #tpu.memory_space<vmem>>) target(%dma_start3A_35 : memref<80x128xf32, #tpu.memory_space<hbm>>) target_semaphore(%run_scoped3A : memref<!tpu.dma_semaphore, #tpu.memory_space<semaphore_mem>>)
        %dma_wait3A_36 = arith.constant 0 : i32
        %dma_wait3A_37 = tpu.memref_slice %arg4[%mul3A_27, %dma_wait3A_36] : memref<10000x128xf32, #tpu.memory_space<hbm>> -> memref<80x128xf32, #tpu.memory_space<hbm>>
        %dma_wait3A_38 = arith.constant 0 : i32
        %dma_wait3A_39 = tpu.memref_slice %arg4[%mul3A_27, %dma_wait3A_38] : memref<10000x128xf32, #tpu.memory_space<hbm>> -> memref<80x128xf32, #tpu.memory_space<hbm>>
        tpu.wait_dma2 semaphore(%run_scoped3A : memref<!tpu.dma_semaphore, #tpu.memory_space<semaphore_mem>>) src(%arg6 : memref<80x128xf32, #tpu.memory_space<vmem>>) dst(%dma_wait3A_39 : memref<80x128xf32, #tpu.memory_space<hbm>>)
        tpu.yield
      }) : () -> ()
    } else {
    }
    %add3A_5 = arith.constant 32 : i32
    %add3A_6 = arith.addi %add3A, %add3A_5 : i32
    %lt3A_7 = arith.constant 125 : i32
    %lt3A_8 = arith.cmpi slt, %add3A_6, %lt3A_7 : i32
    %convert_element_type3A_9 = arith.extui %lt3A_8 : i1 to i32
    %cond3A_10 = arith.constant 0 : i32
    %cond3A_11 = arith.cmpi ne, %convert_element_type3A_9, %cond3A_10 : i32
    scf.if %cond3A_11 {
      %mul3A_26 = arith.constant 80 : i32
      %mul3A_27 = arith.muli %add3A_6, %mul3A_26 : i32
      "tpu.region"() ({
        %run_scoped3A = tpu.sem_alloc : memref<!tpu.dma_semaphore, #tpu.memory_space<semaphore_mem>>
        %dma_start3A_32 = tpu.memref_slice %arg3[%mul3A_27] : memref<10000xi32, #tpu.memory_space<hbm>> -> memref<80xi32, #tpu.memory_space<hbm>>
        %dma_start3A_33 = tpu.memref_slice %arg3[%mul3A_27] : memref<10000xi32, #tpu.memory_space<hbm>> -> memref<80xi32, #tpu.memory_space<hbm>>
        tpu.enqueue_dma source(%dma_start3A_33 : memref<80xi32, #tpu.memory_space<hbm>>) target(%arg5 : memref<80xi32, #tpu.memory_space<vmem>>) target_semaphore(%run_scoped3A : memref<!tpu.dma_semaphore, #tpu.memory_space<semaphore_mem>>)
        %dma_wait3A_34 = tpu.memref_slice %arg3[%mul3A_27] : memref<10000xi32, #tpu.memory_space<hbm>> -> memref<80xi32, #tpu.memory_space<hbm>>
        %dma_wait3A_35 = tpu.memref_slice %arg3[%mul3A_27] : memref<10000xi32, #tpu.memory_space<hbm>> -> memref<80xi32, #tpu.memory_space<hbm>>
        tpu.wait_dma2 semaphore(%run_scoped3A : memref<!tpu.dma_semaphore, #tpu.memory_space<semaphore_mem>>) src(%dma_wait3A_35 : memref<80xi32, #tpu.memory_space<hbm>>) dst(%arg5 : memref<80xi32, #tpu.memory_space<vmem>>)
        tpu.yield
      }) : () -> ()
      %dma_start3A = arith.constant 0 : i32
      %dma_start3A_28 = arith.constant 0 : i32
      %dma_start3A_29 = tpu.memref_slice %arg2[%dma_start3A, %dma_start3A_28] : memref<10000x128xf32, #tpu.memory_space<hbm>> -> memref<10000x128xf32, #tpu.memory_space<hbm>>
      tpu.enqueue_indirect_dma source(%dma_start3A_29 : memref<10000x128xf32, #tpu.memory_space<hbm>>) target(%arg6 : memref<80x128xf32, #tpu.memory_space<vmem>>) offsets(%arg5 : memref<80xi32, #tpu.memory_space<vmem>>) semaphore(%arg7 : memref<!tpu.dma_semaphore, #tpu.memory_space<semaphore_mem>>)
      %dma_wait3A = arith.constant 0 : i32
      %dma_wait3A_30 = arith.constant 0 : i32
      %dma_wait3A_31 = tpu.memref_slice %arg2[%dma_wait3A, %dma_wait3A_30] : memref<10000x128xf32, #tpu.memory_space<hbm>> -> memref<10000x128xf32, #tpu.memory_space<hbm>>
      tpu.wait_indirect_dma semaphore(%arg7 : memref<!tpu.dma_semaphore, #tpu.memory_space<semaphore_mem>>) src(%dma_wait3A_31 : memref<10000x128xf32, #tpu.memory_space<hbm>>) dst(%arg6 : memref<80x128xf32, #tpu.memory_space<vmem>>)
      "tpu.region"() ({
        %run_scoped3A = tpu.sem_alloc : memref<!tpu.dma_semaphore, #tpu.memory_space<semaphore_mem>>
        %dma_start3A_32 = arith.constant 0 : i32
        %dma_start3A_33 = tpu.memref_slice %arg4[%mul3A_27, %dma_start3A_32] : memref<10000x128xf32, #tpu.memory_space<hbm>> -> memref<80x128xf32, #tpu.memory_space<hbm>>
        %dma_start3A_34 = arith.constant 0 : i32
        %dma_start3A_35 = tpu.memref_slice %arg4[%mul3A_27, %dma_start3A_34] : memref<10000x128xf32, #tpu.memory_space<hbm>> -> memref<80x128xf32, #tpu.memory_space<hbm>>
        tpu.enqueue_dma source(%arg6 : memref<80x128xf32, #tpu.memory_space<vmem>>) target(%dma_start3A_35 : memref<80x128xf32, #tpu.memory_space<hbm>>) target_semaphore(%run_scoped3A : memref<!tpu.dma_semaphore, #tpu.memory_space<semaphore_mem>>)
        %dma_wait3A_36 = arith.constant 0 : i32
        %dma_wait3A_37 = tpu.memref_slice %arg4[%mul3A_27, %dma_wait3A_36] : memref<10000x128xf32, #tpu.memory_space<hbm>> -> memref<80x128xf32, #tpu.memory_space<hbm>>
        %dma_wait3A_38 = arith.constant 0 : i32
        %dma_wait3A_39 = tpu.memref_slice %arg4[%mul3A_27, %dma_wait3A_38] : memref<10000x128xf32, #tpu.memory_space<hbm>> -> memref<80x128xf32, #tpu.memory_space<hbm>>
        tpu.wait_dma2 semaphore(%run_scoped3A : memref<!tpu.dma_semaphore, #tpu.memory_space<semaphore_mem>>) src(%arg6 : memref<80x128xf32, #tpu.memory_space<vmem>>) dst(%dma_wait3A_39 : memref<80x128xf32, #tpu.memory_space<hbm>>)
        tpu.yield
      }) : () -> ()
    } else {
    }
    %add3A_12 = arith.constant 64 : i32
    %add3A_13 = arith.addi %add3A, %add3A_12 : i32
    %lt3A_14 = arith.constant 125 : i32
    %lt3A_15 = arith.cmpi slt, %add3A_13, %lt3A_14 : i32
    %convert_element_type3A_16 = arith.extui %lt3A_15 : i1 to i32
    %cond3A_17 = arith.constant 0 : i32
    %cond3A_18 = arith.cmpi ne, %convert_element_type3A_16, %cond3A_17 : i32
    scf.if %cond3A_18 {
      %mul3A_26 = arith.constant 80 : i32
      %mul3A_27 = arith.muli %add3A_13, %mul3A_26 : i32
      "tpu.region"() ({
        %run_scoped3A = tpu.sem_alloc : memref<!tpu.dma_semaphore, #tpu.memory_space<semaphore_mem>>
        %dma_start3A_32 = tpu.memref_slice %arg3[%mul3A_27] : memref<10000xi32, #tpu.memory_space<hbm>> -> memref<80xi32, #tpu.memory_space<hbm>>
        %dma_start3A_33 = tpu.memref_slice %arg3[%mul3A_27] : memref<10000xi32, #tpu.memory_space<hbm>> -> memref<80xi32, #tpu.memory_space<hbm>>
        tpu.enqueue_dma source(%dma_start3A_33 : memref<80xi32, #tpu.memory_space<hbm>>) target(%arg5 : memref<80xi32, #tpu.memory_space<vmem>>) target_semaphore(%run_scoped3A : memref<!tpu.dma_semaphore, #tpu.memory_space<semaphore_mem>>)
        %dma_wait3A_34 = tpu.memref_slice %arg3[%mul3A_27] : memref<10000xi32, #tpu.memory_space<hbm>> -> memref<80xi32, #tpu.memory_space<hbm>>
        %dma_wait3A_35 = tpu.memref_slice %arg3[%mul3A_27] : memref<10000xi32, #tpu.memory_space<hbm>> -> memref<80xi32, #tpu.memory_space<hbm>>
        tpu.wait_dma2 semaphore(%run_scoped3A : memref<!tpu.dma_semaphore, #tpu.memory_space<semaphore_mem>>) src(%dma_wait3A_35 : memref<80xi32, #tpu.memory_space<hbm>>) dst(%arg5 : memref<80xi32, #tpu.memory_space<vmem>>)
        tpu.yield
      }) : () -> ()
      %dma_start3A = arith.constant 0 : i32
      %dma_start3A_28 = arith.constant 0 : i32
      %dma_start3A_29 = tpu.memref_slice %arg2[%dma_start3A, %dma_start3A_28] : memref<10000x128xf32, #tpu.memory_space<hbm>> -> memref<10000x128xf32, #tpu.memory_space<hbm>>
      tpu.enqueue_indirect_dma source(%dma_start3A_29 : memref<10000x128xf32, #tpu.memory_space<hbm>>) target(%arg6 : memref<80x128xf32, #tpu.memory_space<vmem>>) offsets(%arg5 : memref<80xi32, #tpu.memory_space<vmem>>) semaphore(%arg7 : memref<!tpu.dma_semaphore, #tpu.memory_space<semaphore_mem>>)
      %dma_wait3A = arith.constant 0 : i32
      %dma_wait3A_30 = arith.constant 0 : i32
      %dma_wait3A_31 = tpu.memref_slice %arg2[%dma_wait3A, %dma_wait3A_30] : memref<10000x128xf32, #tpu.memory_space<hbm>> -> memref<10000x128xf32, #tpu.memory_space<hbm>>
      tpu.wait_indirect_dma semaphore(%arg7 : memref<!tpu.dma_semaphore, #tpu.memory_space<semaphore_mem>>) src(%dma_wait3A_31 : memref<10000x128xf32, #tpu.memory_space<hbm>>) dst(%arg6 : memref<80x128xf32, #tpu.memory_space<vmem>>)
      "tpu.region"() ({
        %run_scoped3A = tpu.sem_alloc : memref<!tpu.dma_semaphore, #tpu.memory_space<semaphore_mem>>
        %dma_start3A_32 = arith.constant 0 : i32
        %dma_start3A_33 = tpu.memref_slice %arg4[%mul3A_27, %dma_start3A_32] : memref<10000x128xf32, #tpu.memory_space<hbm>> -> memref<80x128xf32, #tpu.memory_space<hbm>>
        %dma_start3A_34 = arith.constant 0 : i32
        %dma_start3A_35 = tpu.memref_slice %arg4[%mul3A_27, %dma_start3A_34] : memref<10000x128xf32, #tpu.memory_space<hbm>> -> memref<80x128xf32, #tpu.memory_space<hbm>>
        tpu.enqueue_dma source(%arg6 : memref<80x128xf32, #tpu.memory_space<vmem>>) target(%dma_start3A_35 : memref<80x128xf32, #tpu.memory_space<hbm>>) target_semaphore(%run_scoped3A : memref<!tpu.dma_semaphore, #tpu.memory_space<semaphore_mem>>)
        %dma_wait3A_36 = arith.constant 0 : i32
        %dma_wait3A_37 = tpu.memref_slice %arg4[%mul3A_27, %dma_wait3A_36] : memref<10000x128xf32, #tpu.memory_space<hbm>> -> memref<80x128xf32, #tpu.memory_space<hbm>>
        %dma_wait3A_38 = arith.constant 0 : i32
        %dma_wait3A_39 = tpu.memref_slice %arg4[%mul3A_27, %dma_wait3A_38] : memref<10000x128xf32, #tpu.memory_space<hbm>> -> memref<80x128xf32, #tpu.memory_space<hbm>>
        tpu.wait_dma2 semaphore(%run_scoped3A : memref<!tpu.dma_semaphore, #tpu.memory_space<semaphore_mem>>) src(%arg6 : memref<80x128xf32, #tpu.memory_space<vmem>>) dst(%dma_wait3A_39 : memref<80x128xf32, #tpu.memory_space<hbm>>)
        tpu.yield
      }) : () -> ()
    } else {
    }
    %add3A_19 = arith.constant 96 : i32
    %add3A_20 = arith.addi %add3A, %add3A_19 : i32
    %lt3A_21 = arith.constant 125 : i32
    %lt3A_22 = arith.cmpi slt, %add3A_20, %lt3A_21 : i32
    %convert_element_type3A_23 = arith.extui %lt3A_22 : i1 to i32
    %cond3A_24 = arith.constant 0 : i32
    %cond3A_25 = arith.cmpi ne, %convert_element_type3A_23, %cond3A_24 : i32
    scf.if %cond3A_25 {
      %mul3A_26 = arith.constant 80 : i32
      %mul3A_27 = arith.muli %add3A_20, %mul3A_26 : i32
      "tpu.region"() ({
        %run_scoped3A = tpu.sem_alloc : memref<!tpu.dma_semaphore, #tpu.memory_space<semaphore_mem>>
        %dma_start3A_32 = tpu.memref_slice %arg3[%mul3A_27] : memref<10000xi32, #tpu.memory_space<hbm>> -> memref<80xi32, #tpu.memory_space<hbm>>
        %dma_start3A_33 = tpu.memref_slice %arg3[%mul3A_27] : memref<10000xi32, #tpu.memory_space<hbm>> -> memref<80xi32, #tpu.memory_space<hbm>>
        tpu.enqueue_dma source(%dma_start3A_33 : memref<80xi32, #tpu.memory_space<hbm>>) target(%arg5 : memref<80xi32, #tpu.memory_space<vmem>>) target_semaphore(%run_scoped3A : memref<!tpu.dma_semaphore, #tpu.memory_space<semaphore_mem>>)
        %dma_wait3A_34 = tpu.memref_slice %arg3[%mul3A_27] : memref<10000xi32, #tpu.memory_space<hbm>> -> memref<80xi32, #tpu.memory_space<hbm>>
        %dma_wait3A_35 = tpu.memref_slice %arg3[%mul3A_27] : memref<10000xi32, #tpu.memory_space<hbm>> -> memref<80xi32, #tpu.memory_space<hbm>>
        tpu.wait_dma2 semaphore(%run_scoped3A : memref<!tpu.dma_semaphore, #tpu.memory_space<semaphore_mem>>) src(%dma_wait3A_35 : memref<80xi32, #tpu.memory_space<hbm>>) dst(%arg5 : memref<80xi32, #tpu.memory_space<vmem>>)
        tpu.yield
      }) : () -> ()
      %dma_start3A = arith.constant 0 : i32
      %dma_start3A_28 = arith.constant 0 : i32
      %dma_start3A_29 = tpu.memref_slice %arg2[%dma_start3A, %dma_start3A_28] : memref<10000x128xf32, #tpu.memory_space<hbm>> -> memref<10000x128xf32, #tpu.memory_space<hbm>>
      tpu.enqueue_indirect_dma source(%dma_start3A_29 : memref<10000x128xf32, #tpu.memory_space<hbm>>) target(%arg6 : memref<80x128xf32, #tpu.memory_space<vmem>>) offsets(%arg5 : memref<80xi32, #tpu.memory_space<vmem>>) semaphore(%arg7 : memref<!tpu.dma_semaphore, #tpu.memory_space<semaphore_mem>>)
      %dma_wait3A = arith.constant 0 : i32
      %dma_wait3A_30 = arith.constant 0 : i32
      %dma_wait3A_31 = tpu.memref_slice %arg2[%dma_wait3A, %dma_wait3A_30] : memref<10000x128xf32, #tpu.memory_space<hbm>> -> memref<10000x128xf32, #tpu.memory_space<hbm>>
      tpu.wait_indirect_dma semaphore(%arg7 : memref<!tpu.dma_semaphore, #tpu.memory_space<semaphore_mem>>) src(%dma_wait3A_31 : memref<10000x128xf32, #tpu.memory_space<hbm>>) dst(%arg6 : memref<80x128xf32, #tpu.memory_space<vmem>>)
      "tpu.region"() ({
        %run_scoped3A = tpu.sem_alloc : memref<!tpu.dma_semaphore, #tpu.memory_space<semaphore_mem>>
        %dma_start3A_32 = arith.constant 0 : i32
        %dma_start3A_33 = tpu.memref_slice %arg4[%mul3A_27, %dma_start3A_32] : memref<10000x128xf32, #tpu.memory_space<hbm>> -> memref<80x128xf32, #tpu.memory_space<hbm>>
        %dma_start3A_34 = arith.constant 0 : i32
        %dma_start3A_35 = tpu.memref_slice %arg4[%mul3A_27, %dma_start3A_34] : memref<10000x128xf32, #tpu.memory_space<hbm>> -> memref<80x128xf32, #tpu.memory_space<hbm>>
        tpu.enqueue_dma source(%arg6 : memref<80x128xf32, #tpu.memory_space<vmem>>) target(%dma_start3A_35 : memref<80x128xf32, #tpu.memory_space<hbm>>) target_semaphore(%run_scoped3A : memref<!tpu.dma_semaphore, #tpu.memory_space<semaphore_mem>>)
        %dma_wait3A_36 = arith.constant 0 : i32
        %dma_wait3A_37 = tpu.memref_slice %arg4[%mul3A_27, %dma_wait3A_36] : memref<10000x128xf32, #tpu.memory_space<hbm>> -> memref<80x128xf32, #tpu.memory_space<hbm>>
        %dma_wait3A_38 = arith.constant 0 : i32
        %dma_wait3A_39 = tpu.memref_slice %arg4[%mul3A_27, %dma_wait3A_38] : memref<10000x128xf32, #tpu.memory_space<hbm>> -> memref<80x128xf32, #tpu.memory_space<hbm>>
        tpu.wait_dma2 semaphore(%run_scoped3A : memref<!tpu.dma_semaphore, #tpu.memory_space<semaphore_mem>>) src(%arg6 : memref<80x128xf32, #tpu.memory_space<vmem>>) dst(%dma_wait3A_39 : memref<80x128xf32, #tpu.memory_space<hbm>>)
        tpu.yield
      }) : () -> ()
    } else {
    }
    return
  }
}

#map = affine_map<(d0, d1) -> (0)>
#map1 = affine_map<(d0, d1) -> (0, 0)>
module attributes {stable_mosaic.version = 14 : i64} {
  func.func @_scatter_cnt_body(%arg0: i32, %arg1: i32, %arg2: memref<320000xi32, #tpu.memory_space<hbm>>, %arg3: memref<20480x128xf32, #tpu.memory_space<hbm>>, %arg4: memref<80x128xf32, #tpu.memory_space<vmem>>, %arg5: memref<80xi32, #tpu.memory_space<vmem>>, %arg6: memref<80xi32, #tpu.memory_space<vmem>>, %arg7: memref<128x128xf32, #tpu.memory_space<vmem>>, %arg8: memref<!tpu.dma_semaphore, #tpu.memory_space<semaphore_mem>>, %arg9: memref<!tpu.dma_semaphore, #tpu.memory_space<semaphore_mem>>, %arg10: memref<!tpu.dma_semaphore, #tpu.memory_space<semaphore_mem>>, %arg11: memref<!tpu.dma_semaphore, #tpu.memory_space<semaphore_mem>>, %arg12: memref<10240x128xf32, #tpu.memory_space<vmem_shared>>) attributes {dimension_semantics = [#tpu.dimension_semantics<core_parallel>, #tpu.dimension_semantics<subcore_parallel>], iteration_bounds = array<i64: 2, 16>, scalar_prefetch = 0 : i64, scratch_operands = 9 : i64, tpu.core_type = #tpu.core_type<sc_vector_subcore>, window_params = [{transform_indices = #map}, {transform_indices = #map1}]} {
    %scan3A = arith.constant 0 : i32
    %scan3A_0 = arith.constant 0 : i32
    %scan3A_1 = arith.constant 128 : i32
    %scan3A_2 = arith.addi %scan3A_0, %scan3A_1 : i32
    %scan3A_3 = arith.constant 1 : i32
    %scan3A_4 = scf.for %scan3A_124 = %scan3A_0 to %scan3A_2 step %scan3A_3 iter_args(%scan3A_125 = %scan3A) -> (i32)  : i32 {
      %broadcast_in_dim3A_126 = arith.constant 0.000000e+00 : f32
      %broadcast_in_dim3A_127 = vector.broadcast %broadcast_in_dim3A_126 : f32 to vector<16xf32>
      %swap3A = arith.index_cast %scan3A_124 : i32 to index
      %swap3A_128 = arith.constant 0 : index
      %swap3A_129 = tpu.vector_load %arg7[%swap3A, %swap3A_128] {strides = array<i32>} : memref<128x128xf32, #tpu.memory_space<vmem>>, vector<1x16xf32>,
      %swap3A_130 = vector.shape_cast %swap3A_129 : vector<1x16xf32> to vector<16xf32>
      %swap3A_131 = vector.shape_cast %broadcast_in_dim3A_127 : vector<16xf32> to vector<1x16xf32>
      tpu.vector_store %arg7[%swap3A, %swap3A_128], %swap3A_131 {strides = array<i32>} : memref<128x128xf32, #tpu.memory_space<vmem>>, vector<1x16xf32>,
      %broadcast_in_dim3A_132 = arith.constant 0.000000e+00 : f32
      %broadcast_in_dim3A_133 = vector.broadcast %broadcast_in_dim3A_132 : f32 to vector<16xf32>
      %swap3A_134 = arith.index_cast %scan3A_124 : i32 to index
      %swap3A_135 = arith.constant 16 : index
      %swap3A_136 = tpu.vector_load %arg7[%swap3A_134, %swap3A_135] {strides = array<i32>} : memref<128x128xf32, #tpu.memory_space<vmem>>, vector<1x16xf32>,
      %swap3A_137 = vector.shape_cast %swap3A_136 : vector<1x16xf32> to vector<16xf32>
      %swap3A_138 = vector.shape_cast %broadcast_in_dim3A_133 : vector<16xf32> to vector<1x16xf32>
      tpu.vector_store %arg7[%swap3A_134, %swap3A_135], %swap3A_138 {strides = array<i32>} : memref<128x128xf32, #tpu.memory_space<vmem>>, vector<1x16xf32>,
      %broadcast_in_dim3A_139 = arith.constant 0.000000e+00 : f32
      %broadcast_in_dim3A_140 = vector.broadcast %broadcast_in_dim3A_139 : f32 to vector<16xf32>
      %swap3A_141 = arith.index_cast %scan3A_124 : i32 to index
      %swap3A_142 = arith.constant 32 : index
      %swap3A_143 = tpu.vector_load %arg7[%swap3A_141, %swap3A_142] {strides = array<i32>} : memref<128x128xf32, #tpu.memory_space<vmem>>, vector<1x16xf32>,
      %swap3A_144 = vector.shape_cast %swap3A_143 : vector<1x16xf32> to vector<16xf32>
      %swap3A_145 = vector.shape_cast %broadcast_in_dim3A_140 : vector<16xf32> to vector<1x16xf32>
      tpu.vector_store %arg7[%swap3A_141, %swap3A_142], %swap3A_145 {strides = array<i32>} : memref<128x128xf32, #tpu.memory_space<vmem>>, vector<1x16xf32>,
      %broadcast_in_dim3A_146 = arith.constant 0.000000e+00 : f32
      %broadcast_in_dim3A_147 = vector.broadcast %broadcast_in_dim3A_146 : f32 to vector<16xf32>
      %swap3A_148 = arith.index_cast %scan3A_124 : i32 to index
      %swap3A_149 = arith.constant 48 : index
      %swap3A_150 = tpu.vector_load %arg7[%swap3A_148, %swap3A_149] {strides = array<i32>} : memref<128x128xf32, #tpu.memory_space<vmem>>, vector<1x16xf32>,
      %swap3A_151 = vector.shape_cast %swap3A_150 : vector<1x16xf32> to vector<16xf32>
      %swap3A_152 = vector.shape_cast %broadcast_in_dim3A_147 : vector<16xf32> to vector<1x16xf32>
      tpu.vector_store %arg7[%swap3A_148, %swap3A_149], %swap3A_152 {strides = array<i32>} : memref<128x128xf32, #tpu.memory_space<vmem>>, vector<1x16xf32>,
      %broadcast_in_dim3A_153 = arith.constant 0.000000e+00 : f32
      %broadcast_in_dim3A_154 = vector.broadcast %broadcast_in_dim3A_153 : f32 to vector<16xf32>
      %swap3A_155 = arith.index_cast %scan3A_124 : i32 to index
      %swap3A_156 = arith.constant 64 : index
      %swap3A_157 = tpu.vector_load %arg7[%swap3A_155, %swap3A_156] {strides = array<i32>} : memref<128x128xf32, #tpu.memory_space<vmem>>, vector<1x16xf32>,
      %swap3A_158 = vector.shape_cast %swap3A_157 : vector<1x16xf32> to vector<16xf32>
      %swap3A_159 = vector.shape_cast %broadcast_in_dim3A_154 : vector<16xf32> to vector<1x16xf32>
      tpu.vector_store %arg7[%swap3A_155, %swap3A_156], %swap3A_159 {strides = array<i32>} : memref<128x128xf32, #tpu.memory_space<vmem>>, vector<1x16xf32>,
      %broadcast_in_dim3A_160 = arith.constant 0.000000e+00 : f32
      %broadcast_in_dim3A_161 = vector.broadcast %broadcast_in_dim3A_160 : f32 to vector<16xf32>
      %swap3A_162 = arith.index_cast %scan3A_124 : i32 to index
      %swap3A_163 = arith.constant 80 : index
      %swap3A_164 = tpu.vector_load %arg7[%swap3A_162, %swap3A_163] {strides = array<i32>} : memref<128x128xf32, #tpu.memory_space<vmem>>, vector<1x16xf32>,
      %swap3A_165 = vector.shape_cast %swap3A_164 : vector<1x16xf32> to vector<16xf32>
      %swap3A_166 = vector.shape_cast %broadcast_in_dim3A_161 : vector<16xf32> to vector<1x16xf32>
      tpu.vector_store %arg7[%swap3A_162, %swap3A_163], %swap3A_166 {strides = array<i32>} : memref<128x128xf32, #tpu.memory_space<vmem>>, vector<1x16xf32>,
      %broadcast_in_dim3A_167 = arith.constant 0.000000e+00 : f32
      %broadcast_in_dim3A_168 = vector.broadcast %broadcast_in_dim3A_167 : f32 to vector<16xf32>
      %swap3A_169 = arith.index_cast %scan3A_124 : i32 to index
      %swap3A_170 = arith.constant 96 : index
      %swap3A_171 = tpu.vector_load %arg7[%swap3A_169, %swap3A_170] {strides = array<i32>} : memref<128x128xf32, #tpu.memory_space<vmem>>, vector<1x16xf32>,
      %swap3A_172 = vector.shape_cast %swap3A_171 : vector<1x16xf32> to vector<16xf32>
      %swap3A_173 = vector.shape_cast %broadcast_in_dim3A_168 : vector<16xf32> to vector<1x16xf32>
      tpu.vector_store %arg7[%swap3A_169, %swap3A_170], %swap3A_173 {strides = array<i32>} : memref<128x128xf32, #tpu.memory_space<vmem>>, vector<1x16xf32>,
      %broadcast_in_dim3A_174 = arith.constant 0.000000e+00 : f32
      %broadcast_in_dim3A_175 = vector.broadcast %broadcast_in_dim3A_174 : f32 to vector<16xf32>
      %swap3A_176 = arith.index_cast %scan3A_124 : i32 to index
      %swap3A_177 = arith.constant 112 : index
      %swap3A_178 = tpu.vector_load %arg7[%swap3A_176, %swap3A_177] {strides = array<i32>} : memref<128x128xf32, #tpu.memory_space<vmem>>, vector<1x16xf32>,
      %swap3A_179 = vector.shape_cast %swap3A_178 : vector<1x16xf32> to vector<16xf32>
      %swap3A_180 = vector.shape_cast %broadcast_in_dim3A_175 : vector<16xf32> to vector<1x16xf32>
      tpu.vector_store %arg7[%swap3A_176, %swap3A_177], %swap3A_180 {strides = array<i32>} : memref<128x128xf32, #tpu.memory_space<vmem>>, vector<1x16xf32>,
      %scan3A_181 = arith.constant 0 : i32
      scf.yield %scan3A_181 : i32
    }
    %scan3A_5 = arith.constant 128 : i32
    %iota3A = tpu.iota {dimensions = array<i32: 0>} : vector<16xi32>
    %eq3A = arith.constant 0 : i32
    %eq3A_6 = vector.broadcast %eq3A : i32 to vector<16xi32>
    %eq3A_7 = arith.cmpi eq, %iota3A, %eq3A_6 : vector<16xi32>
    %jit3A = arith.constant 1.000000e+00 : f32
    %jit3A_8 = arith.constant 0.000000e+00 : f32
    %broadcast_in_dim3A = vector.broadcast %jit3A : f32 to vector<16xf32>
    %broadcast_in_dim3A_9 = vector.broadcast %jit3A_8 : f32 to vector<16xf32>
    %select_n3A = arith.select %eq3A_7, %broadcast_in_dim3A, %broadcast_in_dim3A_9 : vector<16xi1>, vector<16xf32>
    %scan3A_10 = arith.constant 0 : i32
    %scan3A_11 = arith.constant 0 : i32
    %scan3A_12 = arith.constant 80 : i32
    %scan3A_13 = arith.addi %scan3A_11, %scan3A_12 : i32
    %scan3A_14 = arith.constant 1 : i32
    %scan3A_15 = scf.for %scan3A_124 = %scan3A_11 to %scan3A_13 step %scan3A_14 iter_args(%scan3A_125 = %scan3A_10) -> (i32)  : i32 {
      %swap3A = arith.index_cast %scan3A_124 : i32 to index
      %swap3A_126 = arith.constant 0 : index
      %swap3A_127 = tpu.vector_load %arg4[%swap3A, %swap3A_126] {strides = array<i32>} : memref<80x128xf32, #tpu.memory_space<vmem>>, vector<1x16xf32>,
      %swap3A_128 = vector.shape_cast %swap3A_127 : vector<1x16xf32> to vector<16xf32>
      %swap3A_129 = vector.shape_cast %select_n3A : vector<16xf32> to vector<1x16xf32>
      tpu.vector_store %arg4[%swap3A, %swap3A_126], %swap3A_129 {strides = array<i32>} : memref<80x128xf32, #tpu.memory_space<vmem>>, vector<1x16xf32>,
      %broadcast_in_dim3A_130 = arith.constant 0.000000e+00 : f32
      %broadcast_in_dim3A_131 = vector.broadcast %broadcast_in_dim3A_130 : f32 to vector<16xf32>
      %swap3A_132 = arith.index_cast %scan3A_124 : i32 to index
      %swap3A_133 = arith.constant 16 : index
      %swap3A_134 = tpu.vector_load %arg4[%swap3A_132, %swap3A_133] {strides = array<i32>} : memref<80x128xf32, #tpu.memory_space<vmem>>, vector<1x16xf32>,
      %swap3A_135 = vector.shape_cast %swap3A_134 : vector<1x16xf32> to vector<16xf32>
      %swap3A_136 = vector.shape_cast %broadcast_in_dim3A_131 : vector<16xf32> to vector<1x16xf32>
      tpu.vector_store %arg4[%swap3A_132, %swap3A_133], %swap3A_136 {strides = array<i32>} : memref<80x128xf32, #tpu.memory_space<vmem>>, vector<1x16xf32>,
      %broadcast_in_dim3A_137 = arith.constant 0.000000e+00 : f32
      %broadcast_in_dim3A_138 = vector.broadcast %broadcast_in_dim3A_137 : f32 to vector<16xf32>
      %swap3A_139 = arith.index_cast %scan3A_124 : i32 to index
      %swap3A_140 = arith.constant 32 : index
      %swap3A_141 = tpu.vector_load %arg4[%swap3A_139, %swap3A_140] {strides = array<i32>} : memref<80x128xf32, #tpu.memory_space<vmem>>, vector<1x16xf32>,
      %swap3A_142 = vector.shape_cast %swap3A_141 : vector<1x16xf32> to vector<16xf32>
      %swap3A_143 = vector.shape_cast %broadcast_in_dim3A_138 : vector<16xf32> to vector<1x16xf32>
      tpu.vector_store %arg4[%swap3A_139, %swap3A_140], %swap3A_143 {strides = array<i32>} : memref<80x128xf32, #tpu.memory_space<vmem>>, vector<1x16xf32>,
      %broadcast_in_dim3A_144 = arith.constant 0.000000e+00 : f32
      %broadcast_in_dim3A_145 = vector.broadcast %broadcast_in_dim3A_144 : f32 to vector<16xf32>
      %swap3A_146 = arith.index_cast %scan3A_124 : i32 to index
      %swap3A_147 = arith.constant 48 : index
      %swap3A_148 = tpu.vector_load %arg4[%swap3A_146, %swap3A_147] {strides = array<i32>} : memref<80x128xf32, #tpu.memory_space<vmem>>, vector<1x16xf32>,
      %swap3A_149 = vector.shape_cast %swap3A_148 : vector<1x16xf32> to vector<16xf32>
      %swap3A_150 = vector.shape_cast %broadcast_in_dim3A_145 : vector<16xf32> to vector<1x16xf32>
      tpu.vector_store %arg4[%swap3A_146, %swap3A_147], %swap3A_150 {strides = array<i32>} : memref<80x128xf32, #tpu.memory_space<vmem>>, vector<1x16xf32>,
      %broadcast_in_dim3A_151 = arith.constant 0.000000e+00 : f32
      %broadcast_in_dim3A_152 = vector.broadcast %broadcast_in_dim3A_151 : f32 to vector<16xf32>
      %swap3A_153 = arith.index_cast %scan3A_124 : i32 to index
      %swap3A_154 = arith.constant 64 : index
      %swap3A_155 = tpu.vector_load %arg4[%swap3A_153, %swap3A_154] {strides = array<i32>} : memref<80x128xf32, #tpu.memory_space<vmem>>, vector<1x16xf32>,
      %swap3A_156 = vector.shape_cast %swap3A_155 : vector<1x16xf32> to vector<16xf32>
      %swap3A_157 = vector.shape_cast %broadcast_in_dim3A_152 : vector<16xf32> to vector<1x16xf32>
      tpu.vector_store %arg4[%swap3A_153, %swap3A_154], %swap3A_157 {strides = array<i32>} : memref<80x128xf32, #tpu.memory_space<vmem>>, vector<1x16xf32>,
      %broadcast_in_dim3A_158 = arith.constant 0.000000e+00 : f32
      %broadcast_in_dim3A_159 = vector.broadcast %broadcast_in_dim3A_158 : f32 to vector<16xf32>
      %swap3A_160 = arith.index_cast %scan3A_124 : i32 to index
      %swap3A_161 = arith.constant 80 : index
      %swap3A_162 = tpu.vector_load %arg4[%swap3A_160, %swap3A_161] {strides = array<i32>} : memref<80x128xf32, #tpu.memory_space<vmem>>, vector<1x16xf32>,
      %swap3A_163 = vector.shape_cast %swap3A_162 : vector<1x16xf32> to vector<16xf32>
      %swap3A_164 = vector.shape_cast %broadcast_in_dim3A_159 : vector<16xf32> to vector<1x16xf32>
      tpu.vector_store %arg4[%swap3A_160, %swap3A_161], %swap3A_164 {strides = array<i32>} : memref<80x128xf32, #tpu.memory_space<vmem>>, vector<1x16xf32>,
      %broadcast_in_dim3A_165 = arith.constant 0.000000e+00 : f32
      %broadcast_in_dim3A_166 = vector.broadcast %broadcast_in_dim3A_165 : f32 to vector<16xf32>
      %swap3A_167 = arith.index_cast %scan3A_124 : i32 to index
      %swap3A_168 = arith.constant 96 : index
      %swap3A_169 = tpu.vector_load %arg4[%swap3A_167, %swap3A_168] {strides = array<i32>} : memref<80x128xf32, #tpu.memory_space<vmem>>, vector<1x16xf32>,
      %swap3A_170 = vector.shape_cast %swap3A_169 : vector<1x16xf32> to vector<16xf32>
      %swap3A_171 = vector.shape_cast %broadcast_in_dim3A_166 : vector<16xf32> to vector<1x16xf32>
      tpu.vector_store %arg4[%swap3A_167, %swap3A_168], %swap3A_171 {strides = array<i32>} : memref<80x128xf32, #tpu.memory_space<vmem>>, vector<1x16xf32>,
      %broadcast_in_dim3A_172 = arith.constant 0.000000e+00 : f32
      %broadcast_in_dim3A_173 = vector.broadcast %broadcast_in_dim3A_172 : f32 to vector<16xf32>
      %swap3A_174 = arith.index_cast %scan3A_124 : i32 to index
      %swap3A_175 = arith.constant 112 : index
      %swap3A_176 = tpu.vector_load %arg4[%swap3A_174, %swap3A_175] {strides = array<i32>} : memref<80x128xf32, #tpu.memory_space<vmem>>, vector<1x16xf32>,
      %swap3A_177 = vector.shape_cast %swap3A_176 : vector<1x16xf32> to vector<16xf32>
      %swap3A_178 = vector.shape_cast %broadcast_in_dim3A_173 : vector<16xf32> to vector<1x16xf32>
      tpu.vector_store %arg4[%swap3A_174, %swap3A_175], %swap3A_178 {strides = array<i32>} : memref<80x128xf32, #tpu.memory_space<vmem>>, vector<1x16xf32>,
      %scan3A_179 = arith.constant 0 : i32
      scf.yield %scan3A_179 : i32
    }
    %scan3A_16 = arith.constant 80 : i32
    %mul3A = arith.constant 640 : i32
    %mul3A_17 = arith.muli %arg1, %mul3A : i32
    %add3A = arith.constant 0 : i32
    %add3A_18 = arith.addi %mul3A_17, %add3A : i32
    "tpu.region"() ({
      %run_scoped3A = tpu.sem_alloc : memref<!tpu.dma_semaphore, #tpu.memory_space<semaphore_mem>>
      %dma_start3A_124 = arith.constant 0 : i32
      %dma_start3A_125 = tpu.memref_slice %arg12[%add3A_18, %dma_start3A_124] : memref<10240x128xf32, #tpu.memory_space<vmem_shared>> -> memref<128x128xf32, #tpu.memory_space<vmem_shared>>
      %dma_start3A_126 = arith.constant 0 : i32
      %dma_start3A_127 = tpu.memref_slice %arg12[%add3A_18, %dma_start3A_126] : memref<10240x128xf32, #tpu.memory_space<vmem_shared>> -> memref<128x128xf32, #tpu.memory_space<vmem_shared>>
      tpu.enqueue_dma source(%arg7 : memref<128x128xf32, #tpu.memory_space<vmem>>) target(%dma_start3A_127 : memref<128x128xf32, #tpu.memory_space<vmem_shared>>) target_semaphore(%run_scoped3A : memref<!tpu.dma_semaphore, #tpu.memory_space<semaphore_mem>>)
      %dma_wait3A_128 = arith.constant 0 : i32
      %dma_wait3A_129 = tpu.memref_slice %arg12[%add3A_18, %dma_wait3A_128] : memref<10240x128xf32, #tpu.memory_space<vmem_shared>> -> memref<128x128xf32, #tpu.memory_space<vmem_shared>>
      %dma_wait3A_130 = arith.constant 0 : i32
      %dma_wait3A_131 = tpu.memref_slice %arg12[%add3A_18, %dma_wait3A_130] : memref<10240x128xf32, #tpu.memory_space<vmem_shared>> -> memref<128x128xf32, #tpu.memory_space<vmem_shared>>
      tpu.wait_dma2 semaphore(%run_scoped3A : memref<!tpu.dma_semaphore, #tpu.memory_space<semaphore_mem>>) src(%arg7 : memref<128x128xf32, #tpu.memory_space<vmem>>) dst(%dma_wait3A_131 : memref<128x128xf32, #tpu.memory_space<vmem_shared>>)
      tpu.yield
    }) : () -> ()
    %add3A_19 = arith.constant 128 : i32
    %add3A_20 = arith.addi %mul3A_17, %add3A_19 : i32
    "tpu.region"() ({
      %run_scoped3A = tpu.sem_alloc : memref<!tpu.dma_semaphore, #tpu.memory_space<semaphore_mem>>
      %dma_start3A_124 = arith.constant 0 : i32
      %dma_start3A_125 = tpu.memref_slice %arg12[%add3A_20, %dma_start3A_124] : memref<10240x128xf32, #tpu.memory_space<vmem_shared>> -> memref<128x128xf32, #tpu.memory_space<vmem_shared>>
      %dma_start3A_126 = arith.constant 0 : i32
      %dma_start3A_127 = tpu.memref_slice %arg12[%add3A_20, %dma_start3A_126] : memref<10240x128xf32, #tpu.memory_space<vmem_shared>> -> memref<128x128xf32, #tpu.memory_space<vmem_shared>>
      tpu.enqueue_dma source(%arg7 : memref<128x128xf32, #tpu.memory_space<vmem>>) target(%dma_start3A_127 : memref<128x128xf32, #tpu.memory_space<vmem_shared>>) target_semaphore(%run_scoped3A : memref<!tpu.dma_semaphore, #tpu.memory_space<semaphore_mem>>)
      %dma_wait3A_128 = arith.constant 0 : i32
      %dma_wait3A_129 = tpu.memref_slice %arg12[%add3A_20, %dma_wait3A_128] : memref<10240x128xf32, #tpu.memory_space<vmem_shared>> -> memref<128x128xf32, #tpu.memory_space<vmem_shared>>
      %dma_wait3A_130 = arith.constant 0 : i32
      %dma_wait3A_131 = tpu.memref_slice %arg12[%add3A_20, %dma_wait3A_130] : memref<10240x128xf32, #tpu.memory_space<vmem_shared>> -> memref<128x128xf32, #tpu.memory_space<vmem_shared>>
      tpu.wait_dma2 semaphore(%run_scoped3A : memref<!tpu.dma_semaphore, #tpu.memory_space<semaphore_mem>>) src(%arg7 : memref<128x128xf32, #tpu.memory_space<vmem>>) dst(%dma_wait3A_131 : memref<128x128xf32, #tpu.memory_space<vmem_shared>>)
      tpu.yield
    }) : () -> ()
    %add3A_21 = arith.constant 256 : i32
    %add3A_22 = arith.addi %mul3A_17, %add3A_21 : i32
    "tpu.region"() ({
      %run_scoped3A = tpu.sem_alloc : memref<!tpu.dma_semaphore, #tpu.memory_space<semaphore_mem>>
      %dma_start3A_124 = arith.constant 0 : i32
      %dma_start3A_125 = tpu.memref_slice %arg12[%add3A_22, %dma_start3A_124] : memref<10240x128xf32, #tpu.memory_space<vmem_shared>> -> memref<128x128xf32, #tpu.memory_space<vmem_shared>>
      %dma_start3A_126 = arith.constant 0 : i32
      %dma_start3A_127 = tpu.memref_slice %arg12[%add3A_22, %dma_start3A_126] : memref<10240x128xf32, #tpu.memory_space<vmem_shared>> -> memref<128x128xf32, #tpu.memory_space<vmem_shared>>
      tpu.enqueue_dma source(%arg7 : memref<128x128xf32, #tpu.memory_space<vmem>>) target(%dma_start3A_127 : memref<128x128xf32, #tpu.memory_space<vmem_shared>>) target_semaphore(%run_scoped3A : memref<!tpu.dma_semaphore, #tpu.memory_space<semaphore_mem>>)
      %dma_wait3A_128 = arith.constant 0 : i32
      %dma_wait3A_129 = tpu.memref_slice %arg12[%add3A_22, %dma_wait3A_128] : memref<10240x128xf32, #tpu.memory_space<vmem_shared>> -> memref<128x128xf32, #tpu.memory_space<vmem_shared>>
      %dma_wait3A_130 = arith.constant 0 : i32
      %dma_wait3A_131 = tpu.memref_slice %arg12[%add3A_22, %dma_wait3A_130] : memref<10240x128xf32, #tpu.memory_space<vmem_shared>> -> memref<128x128xf32, #tpu.memory_space<vmem_shared>>
      tpu.wait_dma2 semaphore(%run_scoped3A : memref<!tpu.dma_semaphore, #tpu.memory_space<semaphore_mem>>) src(%arg7 : memref<128x128xf32, #tpu.memory_space<vmem>>) dst(%dma_wait3A_131 : memref<128x128xf32, #tpu.memory_space<vmem_shared>>)
      tpu.yield
    }) : () -> ()
    %add3A_23 = arith.constant 384 : i32
    %add3A_24 = arith.addi %mul3A_17, %add3A_23 : i32
    "tpu.region"() ({
      %run_scoped3A = tpu.sem_alloc : memref<!tpu.dma_semaphore, #tpu.memory_space<semaphore_mem>>
      %dma_start3A_124 = arith.constant 0 : i32
      %dma_start3A_125 = tpu.memref_slice %arg12[%add3A_24, %dma_start3A_124] : memref<10240x128xf32, #tpu.memory_space<vmem_shared>> -> memref<128x128xf32, #tpu.memory_space<vmem_shared>>
      %dma_start3A_126 = arith.constant 0 : i32
      %dma_start3A_127 = tpu.memref_slice %arg12[%add3A_24, %dma_start3A_126] : memref<10240x128xf32, #tpu.memory_space<vmem_shared>> -> memref<128x128xf32, #tpu.memory_space<vmem_shared>>
      tpu.enqueue_dma source(%arg7 : memref<128x128xf32, #tpu.memory_space<vmem>>) target(%dma_start3A_127 : memref<128x128xf32, #tpu.memory_space<vmem_shared>>) target_semaphore(%run_scoped3A : memref<!tpu.dma_semaphore, #tpu.memory_space<semaphore_mem>>)
      %dma_wait3A_128 = arith.constant 0 : i32
      %dma_wait3A_129 = tpu.memref_slice %arg12[%add3A_24, %dma_wait3A_128] : memref<10240x128xf32, #tpu.memory_space<vmem_shared>> -> memref<128x128xf32, #tpu.memory_space<vmem_shared>>
      %dma_wait3A_130 = arith.constant 0 : i32
      %dma_wait3A_131 = tpu.memref_slice %arg12[%add3A_24, %dma_wait3A_130] : memref<10240x128xf32, #tpu.memory_space<vmem_shared>> -> memref<128x128xf32, #tpu.memory_space<vmem_shared>>
      tpu.wait_dma2 semaphore(%run_scoped3A : memref<!tpu.dma_semaphore, #tpu.memory_space<semaphore_mem>>) src(%arg7 : memref<128x128xf32, #tpu.memory_space<vmem>>) dst(%dma_wait3A_131 : memref<128x128xf32, #tpu.memory_space<vmem_shared>>)
      tpu.yield
    }) : () -> ()
    %add3A_25 = arith.constant 512 : i32
    %add3A_26 = arith.addi %mul3A_17, %add3A_25 : i32
    "tpu.region"() ({
      %run_scoped3A = tpu.sem_alloc : memref<!tpu.dma_semaphore, #tpu.memory_space<semaphore_mem>>
      %dma_start3A_124 = arith.constant 0 : i32
      %dma_start3A_125 = tpu.memref_slice %arg12[%add3A_26, %dma_start3A_124] : memref<10240x128xf32, #tpu.memory_space<vmem_shared>> -> memref<128x128xf32, #tpu.memory_space<vmem_shared>>
      %dma_start3A_126 = arith.constant 0 : i32
      %dma_start3A_127 = tpu.memref_slice %arg12[%add3A_26, %dma_start3A_126] : memref<10240x128xf32, #tpu.memory_space<vmem_shared>> -> memref<128x128xf32, #tpu.memory_space<vmem_shared>>
      tpu.enqueue_dma source(%arg7 : memref<128x128xf32, #tpu.memory_space<vmem>>) target(%dma_start3A_127 : memref<128x128xf32, #tpu.memory_space<vmem_shared>>) target_semaphore(%run_scoped3A : memref<!tpu.dma_semaphore, #tpu.memory_space<semaphore_mem>>)
      %dma_wait3A_128 = arith.constant 0 : i32
      %dma_wait3A_129 = tpu.memref_slice %arg12[%add3A_26, %dma_wait3A_128] : memref<10240x128xf32, #tpu.memory_space<vmem_shared>> -> memref<128x128xf32, #tpu.memory_space<vmem_shared>>
      %dma_wait3A_130 = arith.constant 0 : i32
      %dma_wait3A_131 = tpu.memref_slice %arg12[%add3A_26, %dma_wait3A_130] : memref<10240x128xf32, #tpu.memory_space<vmem_shared>> -> memref<128x128xf32, #tpu.memory_space<vmem_shared>>
      tpu.wait_dma2 semaphore(%run_scoped3A : memref<!tpu.dma_semaphore, #tpu.memory_space<semaphore_mem>>) src(%arg7 : memref<128x128xf32, #tpu.memory_space<vmem>>) dst(%dma_wait3A_131 : memref<128x128xf32, #tpu.memory_space<vmem_shared>>)
      tpu.yield
    }) : () -> ()
    %barrier3A = arith.constant 0 : index
    tpu.barrier barrier_id(%barrier3A)
    %mul3A_27 = arith.constant 160000 : i32
    %mul3A_28 = arith.muli %arg0, %mul3A_27 : i32
    %mul3A_29 = arith.constant 10000 : i32
    %mul3A_30 = arith.muli %arg1, %mul3A_29 : i32
    %add3A_31 = arith.addi %mul3A_28, %mul3A_30 : i32
    %add3A_32 = arith.constant 0 : i32
    %add3A_33 = arith.addi %add3A_31, %add3A_32 : i32
    %dma_start3A = tpu.memref_slice %arg2[%add3A_33] : memref<320000xi32, #tpu.memory_space<hbm>> -> memref<80xi32, #tpu.memory_space<hbm>>
    %dma_start3A_34 = tpu.memref_slice %arg2[%add3A_33] : memref<320000xi32, #tpu.memory_space<hbm>> -> memref<80xi32, #tpu.memory_space<hbm>>
    tpu.enqueue_dma source(%dma_start3A_34 : memref<80xi32, #tpu.memory_space<hbm>>) target(%arg5 : memref<80xi32, #tpu.memory_space<vmem>>) target_semaphore(%arg8 : memref<!tpu.dma_semaphore, #tpu.memory_space<semaphore_mem>>)
    %dma_wait3A = arith.constant 0 : i32
    %dma_wait3A_35 = tpu.memref_slice %arg2[%dma_wait3A] : memref<320000xi32, #tpu.memory_space<hbm>> -> memref<80xi32, #tpu.memory_space<hbm>>
    %dma_wait3A_36 = arith.constant 0 : i32
    %dma_wait3A_37 = tpu.memref_slice %arg2[%dma_wait3A_36] : memref<320000xi32, #tpu.memory_space<hbm>> -> memref<80xi32, #tpu.memory_space<hbm>>
    tpu.wait_dma2 semaphore(%arg8 : memref<!tpu.dma_semaphore, #tpu.memory_space<semaphore_mem>>) src(%dma_wait3A_37 : memref<80xi32, #tpu.memory_space<hbm>>) dst(%arg5 : memref<80xi32, #tpu.memory_space<vmem>>)
    %dma_start3A_38 = arith.constant 0 : i32
    %dma_start3A_39 = arith.constant 0 : i32
    %dma_start3A_40 = tpu.memref_slice %arg12[%dma_start3A_38, %dma_start3A_39] : memref<10240x128xf32, #tpu.memory_space<vmem_shared>> -> memref<10240x128xf32, #tpu.memory_space<vmem_shared>>
    tpu.enqueue_indirect_dma source(%arg4 : memref<80x128xf32, #tpu.memory_space<vmem>>) target(%dma_start3A_40 : memref<10240x128xf32, #tpu.memory_space<vmem_shared>>) offsets(%arg5 : memref<80xi32, #tpu.memory_space<vmem>>) semaphore(%arg10 : memref<!tpu.dma_semaphore, #tpu.memory_space<semaphore_mem>>) {add = true}
    %add3A_41 = arith.constant 80 : i32
    %add3A_42 = arith.addi %add3A_31, %add3A_41 : i32
    %dma_start3A_43 = tpu.memref_slice %arg2[%add3A_42] : memref<320000xi32, #tpu.memory_space<hbm>> -> memref<80xi32, #tpu.memory_space<hbm>>
    %dma_start3A_44 = tpu.memref_slice %arg2[%add3A_42] : memref<320000xi32, #tpu.memory_space<hbm>> -> memref<80xi32, #tpu.memory_space<hbm>>
    tpu.enqueue_dma source(%dma_start3A_44 : memref<80xi32, #tpu.memory_space<hbm>>) target(%arg6 : memref<80xi32, #tpu.memory_space<vmem>>) target_semaphore(%arg9 : memref<!tpu.dma_semaphore, #tpu.memory_space<semaphore_mem>>)
    %scan3A_45 = arith.constant 0 : i32
    %scan3A_46 = arith.constant 0 : i32
    %scan3A_47 = arith.constant 61 : i32
    %scan3A_48 = arith.addi %scan3A_46, %scan3A_47 : i32
    %scan3A_49 = arith.constant 1 : i32
    %scan3A_50 = scf.for %scan3A_124 = %scan3A_46 to %scan3A_48 step %scan3A_49 iter_args(%scan3A_125 = %scan3A_45) -> (i32)  : i32 {
      %mul3A_126 = arith.constant 2 : i32
      %mul3A_127 = arith.muli %mul3A_126, %scan3A_124 : i32
      %add3A_128 = arith.constant 1 : i32
      %add3A_129 = arith.addi %mul3A_127, %add3A_128 : i32
      %dma_wait3A_130 = arith.constant 0 : i32
      %dma_wait3A_131 = tpu.memref_slice %arg2[%dma_wait3A_130] : memref<320000xi32, #tpu.memory_space<hbm>> -> memref<80xi32, #tpu.memory_space<hbm>>
      %dma_wait3A_132 = arith.constant 0 : i32
      %dma_wait3A_133 = tpu.memref_slice %arg2[%dma_wait3A_132] : memref<320000xi32, #tpu.memory_space<hbm>> -> memref<80xi32, #tpu.memory_space<hbm>>
      tpu.wait_dma2 semaphore(%arg9 : memref<!tpu.dma_semaphore, #tpu.memory_space<semaphore_mem>>) src(%dma_wait3A_133 : memref<80xi32, #tpu.memory_space<hbm>>) dst(%arg6 : memref<80xi32, #tpu.memory_space<vmem>>)
      %dma_start3A_134 = arith.constant 0 : i32
      %dma_start3A_135 = arith.constant 0 : i32
      %dma_start3A_136 = tpu.memref_slice %arg12[%dma_start3A_134, %dma_start3A_135] : memref<10240x128xf32, #tpu.memory_space<vmem_shared>> -> memref<10240x128xf32, #tpu.memory_space<vmem_shared>>
      tpu.enqueue_indirect_dma source(%arg4 : memref<80x128xf32, #tpu.memory_space<vmem>>) target(%dma_start3A_136 : memref<10240x128xf32, #tpu.memory_space<vmem_shared>>) offsets(%arg6 : memref<80xi32, #tpu.memory_space<vmem>>) semaphore(%arg11 : memref<!tpu.dma_semaphore, #tpu.memory_space<semaphore_mem>>) {add = true}
      %dma_wait3A_137 = arith.constant 0 : i32
      %dma_wait3A_138 = arith.constant 0 : i32
      %dma_wait3A_139 = tpu.memref_slice %arg3[%dma_wait3A_137, %dma_wait3A_138] : memref<20480x128xf32, #tpu.memory_space<hbm>> -> memref<80x128xf32, #tpu.memory_space<hbm>>
      %dma_wait3A_140 = arith.constant 0 : i32
      %dma_wait3A_141 = arith.constant 0 : i32
      %dma_wait3A_142 = tpu.memref_slice %arg3[%dma_wait3A_140, %dma_wait3A_141] : memref<20480x128xf32, #tpu.memory_space<hbm>> -> memref<80x128xf32, #tpu.memory_space<hbm>>
      tpu.wait_dma2 semaphore(%arg10 : memref<!tpu.dma_semaphore, #tpu.memory_space<semaphore_mem>>) src(%dma_wait3A_142 : memref<80x128xf32, #tpu.memory_space<hbm>>) dst(%arg4 : memref<80x128xf32, #tpu.memory_space<vmem>>)
      %add3A_143 = arith.constant 1 : i32
      %add3A_144 = arith.addi %add3A_129, %add3A_143 : i32
      %mul3A_145 = arith.constant 80 : i32
      %mul3A_146 = arith.muli %add3A_144, %mul3A_145 : i32
      %add3A_147 = arith.addi %add3A_31, %mul3A_146 : i32
      %dma_start3A_148 = tpu.memref_slice %arg2[%add3A_147] : memref<320000xi32, #tpu.memory_space<hbm>> -> memref<80xi32, #tpu.memory_space<hbm>>
      %dma_start3A_149 = tpu.memref_slice %arg2[%add3A_147] : memref<320000xi32, #tpu.memory_space<hbm>> -> memref<80xi32, #tpu.memory_space<hbm>>
      tpu.enqueue_dma source(%dma_start3A_149 : memref<80xi32, #tpu.memory_space<hbm>>) target(%arg5 : memref<80xi32, #tpu.memory_space<vmem>>) target_semaphore(%arg8 : memref<!tpu.dma_semaphore, #tpu.memory_space<semaphore_mem>>)
      %mul3A_150 = arith.constant 2 : i32
      %mul3A_151 = arith.muli %mul3A_150, %scan3A_124 : i32
      %add3A_152 = arith.constant 2 : i32
      %add3A_153 = arith.addi %mul3A_151, %add3A_152 : i32
      %dma_wait3A_154 = arith.constant 0 : i32
      %dma_wait3A_155 = tpu.memref_slice %arg2[%dma_wait3A_154] : memref<320000xi32, #tpu.memory_space<hbm>> -> memref<80xi32, #tpu.memory_space<hbm>>
      %dma_wait3A_156 = arith.constant 0 : i32
      %dma_wait3A_157 = tpu.memref_slice %arg2[%dma_wait3A_156] : memref<320000xi32, #tpu.memory_space<hbm>> -> memref<80xi32, #tpu.memory_space<hbm>>
      tpu.wait_dma2 semaphore(%arg8 : memref<!tpu.dma_semaphore, #tpu.memory_space<semaphore_mem>>) src(%dma_wait3A_157 : memref<80xi32, #tpu.memory_space<hbm>>) dst(%arg5 : memref<80xi32, #tpu.memory_space<vmem>>)
      %dma_start3A_158 = arith.constant 0 : i32
      %dma_start3A_159 = arith.constant 0 : i32
      %dma_start3A_160 = tpu.memref_slice %arg12[%dma_start3A_158, %dma_start3A_159] : memref<10240x128xf32, #tpu.memory_space<vmem_shared>> -> memref<10240x128xf32, #tpu.memory_space<vmem_shared>>
      tpu.enqueue_indirect_dma source(%arg4 : memref<80x128xf32, #tpu.memory_space<vmem>>) target(%dma_start3A_160 : memref<10240x128xf32, #tpu.memory_space<vmem_shared>>) offsets(%arg5 : memref<80xi32, #tpu.memory_space<vmem>>) semaphore(%arg10 : memref<!tpu.dma_semaphore, #tpu.memory_space<semaphore_mem>>) {add = true}
      %dma_wait3A_161 = arith.constant 0 : i32
      %dma_wait3A_162 = arith.constant 0 : i32
      %dma_wait3A_163 = tpu.memref_slice %arg3[%dma_wait3A_161, %dma_wait3A_162] : memref<20480x128xf32, #tpu.memory_space<hbm>> -> memref<80x128xf32, #tpu.memory_space<hbm>>
      %dma_wait3A_164 = arith.constant 0 : i32
      %dma_wait3A_165 = arith.constant 0 : i32
      %dma_wait3A_166 = tpu.memref_slice %arg3[%dma_wait3A_164, %dma_wait3A_165] : memref<20480x128xf32, #tpu.memory_space<hbm>> -> memref<80x128xf32, #tpu.memory_space<hbm>>
      tpu.wait_dma2 semaphore(%arg11 : memref<!tpu.dma_semaphore, #tpu.memory_space<semaphore_mem>>) src(%dma_wait3A_166 : memref<80x128xf32, #tpu.memory_space<hbm>>) dst(%arg4 : memref<80x128xf32, #tpu.memory_space<vmem>>)
      %add3A_167 = arith.constant 1 : i32
      %add3A_168 = arith.addi %add3A_153, %add3A_167 : i32
      %mul3A_169 = arith.constant 80 : i32
      %mul3A_170 = arith.muli %add3A_168, %mul3A_169 : i32
      %add3A_171 = arith.addi %add3A_31, %mul3A_170 : i32
      %dma_start3A_172 = tpu.memref_slice %arg2[%add3A_171] : memref<320000xi32, #tpu.memory_space<hbm>> -> memref<80xi32, #tpu.memory_space<hbm>>
      %dma_start3A_173 = tpu.memref_slice %arg2[%add3A_171] : memref<320000xi32, #tpu.memory_space<hbm>> -> memref<80xi32, #tpu.memory_space<hbm>>
      tpu.enqueue_dma source(%dma_start3A_173 : memref<80xi32, #tpu.memory_space<hbm>>) target(%arg6 : memref<80xi32, #tpu.memory_space<vmem>>) target_semaphore(%arg9 : memref<!tpu.dma_semaphore, #tpu.memory_space<semaphore_mem>>)
      %scan3A_174 = arith.constant 0 : i32
      scf.yield %scan3A_174 : i32
    }
    %scan3A_51 = arith.constant 61 : i32
    %dma_wait3A_52 = arith.constant 0 : i32
    %dma_wait3A_53 = tpu.memref_slice %arg2[%dma_wait3A_52] : memref<320000xi32, #tpu.memory_space<hbm>> -> memref<80xi32, #tpu.memory_space<hbm>>
    %dma_wait3A_54 = arith.constant 0 : i32
    %dma_wait3A_55 = tpu.memref_slice %arg2[%dma_wait3A_54] : memref<320000xi32, #tpu.memory_space<hbm>> -> memref<80xi32, #tpu.memory_space<hbm>>
    tpu.wait_dma2 semaphore(%arg9 : memref<!tpu.dma_semaphore, #tpu.memory_space<semaphore_mem>>) src(%dma_wait3A_55 : memref<80xi32, #tpu.memory_space<hbm>>) dst(%arg6 : memref<80xi32, #tpu.memory_space<vmem>>)
    %dma_start3A_56 = arith.constant 0 : i32
    %dma_start3A_57 = arith.constant 0 : i32
    %dma_start3A_58 = tpu.memref_slice %arg12[%dma_start3A_56, %dma_start3A_57] : memref<10240x128xf32, #tpu.memory_space<vmem_shared>> -> memref<10240x128xf32, #tpu.memory_space<vmem_shared>>
    tpu.enqueue_indirect_dma source(%arg4 : memref<80x128xf32, #tpu.memory_space<vmem>>) target(%dma_start3A_58 : memref<10240x128xf32, #tpu.memory_space<vmem_shared>>) offsets(%arg6 : memref<80xi32, #tpu.memory_space<vmem>>) semaphore(%arg11 : memref<!tpu.dma_semaphore, #tpu.memory_space<semaphore_mem>>) {add = true}
    %dma_wait3A_59 = arith.constant 0 : i32
    %dma_wait3A_60 = arith.constant 0 : i32
    %dma_wait3A_61 = tpu.memref_slice %arg3[%dma_wait3A_59, %dma_wait3A_60] : memref<20480x128xf32, #tpu.memory_space<hbm>> -> memref<80x128xf32, #tpu.memory_space<hbm>>
    %dma_wait3A_62 = arith.constant 0 : i32
    %dma_wait3A_63 = arith.constant 0 : i32
    %dma_wait3A_64 = tpu.memref_slice %arg3[%dma_wait3A_62, %dma_wait3A_63] : memref<20480x128xf32, #tpu.memory_space<hbm>> -> memref<80x128xf32, #tpu.memory_space<hbm>>
    tpu.wait_dma2 semaphore(%arg10 : memref<!tpu.dma_semaphore, #tpu.memory_space<semaphore_mem>>) src(%dma_wait3A_64 : memref<80x128xf32, #tpu.memory_space<hbm>>) dst(%arg4 : memref<80x128xf32, #tpu.memory_space<vmem>>)
    %add3A_65 = arith.constant 9920 : i32
    %add3A_66 = arith.addi %add3A_31, %add3A_65 : i32
    %dma_start3A_67 = tpu.memref_slice %arg2[%add3A_66] : memref<320000xi32, #tpu.memory_space<hbm>> -> memref<80xi32, #tpu.memory_space<hbm>>
    %dma_start3A_68 = tpu.memref_slice %arg2[%add3A_66] : memref<320000xi32, #tpu.memory_space<hbm>> -> memref<80xi32, #tpu.memory_space<hbm>>
    tpu.enqueue_dma source(%dma_start3A_68 : memref<80xi32, #tpu.memory_space<hbm>>) target(%arg5 : memref<80xi32, #tpu.memory_space<vmem>>) target_semaphore(%arg8 : memref<!tpu.dma_semaphore, #tpu.memory_space<semaphore_mem>>)
    %dma_wait3A_69 = arith.constant 0 : i32
    %dma_wait3A_70 = tpu.memref_slice %arg2[%dma_wait3A_69] : memref<320000xi32, #tpu.memory_space<hbm>> -> memref<80xi32, #tpu.memory_space<hbm>>
    %dma_wait3A_71 = arith.constant 0 : i32
    %dma_wait3A_72 = tpu.memref_slice %arg2[%dma_wait3A_71] : memref<320000xi32, #tpu.memory_space<hbm>> -> memref<80xi32, #tpu.memory_space<hbm>>
    tpu.wait_dma2 semaphore(%arg8 : memref<!tpu.dma_semaphore, #tpu.memory_space<semaphore_mem>>) src(%dma_wait3A_72 : memref<80xi32, #tpu.memory_space<hbm>>) dst(%arg5 : memref<80xi32, #tpu.memory_space<vmem>>)
    %dma_start3A_73 = arith.constant 0 : i32
    %dma_start3A_74 = arith.constant 0 : i32
    %dma_start3A_75 = tpu.memref_slice %arg12[%dma_start3A_73, %dma_start3A_74] : memref<10240x128xf32, #tpu.memory_space<vmem_shared>> -> memref<10240x128xf32, #tpu.memory_space<vmem_shared>>
    tpu.enqueue_indirect_dma source(%arg4 : memref<80x128xf32, #tpu.memory_space<vmem>>) target(%dma_start3A_75 : memref<10240x128xf32, #tpu.memory_space<vmem_shared>>) offsets(%arg5 : memref<80xi32, #tpu.memory_space<vmem>>) semaphore(%arg10 : memref<!tpu.dma_semaphore, #tpu.memory_space<semaphore_mem>>) {add = true}
    %dma_wait3A_76 = arith.constant 0 : i32
    %dma_wait3A_77 = arith.constant 0 : i32
    %dma_wait3A_78 = tpu.memref_slice %arg3[%dma_wait3A_76, %dma_wait3A_77] : memref<20480x128xf32, #tpu.memory_space<hbm>> -> memref<80x128xf32, #tpu.memory_space<hbm>>
    %dma_wait3A_79 = arith.constant 0 : i32
    %dma_wait3A_80 = arith.constant 0 : i32
    %dma_wait3A_81 = tpu.memref_slice %arg3[%dma_wait3A_79, %dma_wait3A_80] : memref<20480x128xf32, #tpu.memory_space<hbm>> -> memref<80x128xf32, #tpu.memory_space<hbm>>
    tpu.wait_dma2 semaphore(%arg11 : memref<!tpu.dma_semaphore, #tpu.memory_space<semaphore_mem>>) src(%dma_wait3A_81 : memref<80x128xf32, #tpu.memory_space<hbm>>) dst(%arg4 : memref<80x128xf32, #tpu.memory_space<vmem>>)
    %dma_wait3A_82 = arith.constant 0 : i32
    %dma_wait3A_83 = arith.constant 0 : i32
    %dma_wait3A_84 = tpu.memref_slice %arg3[%dma_wait3A_82, %dma_wait3A_83] : memref<20480x128xf32, #tpu.memory_space<hbm>> -> memref<80x128xf32, #tpu.memory_space<hbm>>
    %dma_wait3A_85 = arith.constant 0 : i32
    %dma_wait3A_86 = arith.constant 0 : i32
    %dma_wait3A_87 = tpu.memref_slice %arg3[%dma_wait3A_85, %dma_wait3A_86] : memref<20480x128xf32, #tpu.memory_space<hbm>> -> memref<80x128xf32, #tpu.memory_space<hbm>>
    tpu.wait_dma2 semaphore(%arg10 : memref<!tpu.dma_semaphore, #tpu.memory_space<semaphore_mem>>) src(%dma_wait3A_87 : memref<80x128xf32, #tpu.memory_space<hbm>>) dst(%arg4 : memref<80x128xf32, #tpu.memory_space<vmem>>)
    %barrier3A_88 = arith.constant 0 : index
    tpu.barrier barrier_id(%barrier3A_88)
    %add3A_89 = arith.constant 0 : i32
    %add3A_90 = arith.addi %mul3A_17, %add3A_89 : i32
    "tpu.region"() ({
      %run_scoped3A = tpu.sem_alloc : memref<!tpu.dma_semaphore, #tpu.memory_space<semaphore_mem>>
      %dma_start3A_124 = arith.constant 0 : i32
      %dma_start3A_125 = tpu.memref_slice %arg12[%add3A_90, %dma_start3A_124] : memref<10240x128xf32, #tpu.memory_space<vmem_shared>> -> memref<128x128xf32, #tpu.memory_space<vmem_shared>>
      %dma_start3A_126 = arith.constant 0 : i32
      %dma_start3A_127 = tpu.memref_slice %arg12[%add3A_90, %dma_start3A_126] : memref<10240x128xf32, #tpu.memory_space<vmem_shared>> -> memref<128x128xf32, #tpu.memory_space<vmem_shared>>
      tpu.enqueue_dma source(%dma_start3A_127 : memref<128x128xf32, #tpu.memory_space<vmem_shared>>) target(%arg7 : memref<128x128xf32, #tpu.memory_space<vmem>>) target_semaphore(%run_scoped3A : memref<!tpu.dma_semaphore, #tpu.memory_space<semaphore_mem>>)
      %dma_wait3A_128 = arith.constant 0 : i32
      %dma_wait3A_129 = tpu.memref_slice %arg12[%add3A_90, %dma_wait3A_128] : memref<10240x128xf32, #tpu.memory_space<vmem_shared>> -> memref<128x128xf32, #tpu.memory_space<vmem_shared>>
      %dma_wait3A_130 = arith.constant 0 : i32
      %dma_wait3A_131 = tpu.memref_slice %arg12[%add3A_90, %dma_wait3A_130] : memref<10240x128xf32, #tpu.memory_space<vmem_shared>> -> memref<128x128xf32, #tpu.memory_space<vmem_shared>>
      tpu.wait_dma2 semaphore(%run_scoped3A : memref<!tpu.dma_semaphore, #tpu.memory_space<semaphore_mem>>) src(%dma_wait3A_131 : memref<128x128xf32, #tpu.memory_space<vmem_shared>>) dst(%arg7 : memref<128x128xf32, #tpu.memory_space<vmem>>)
      tpu.yield
    }) : () -> ()
    %mul3A_91 = arith.constant 10240 : i32
    %mul3A_92 = arith.muli %arg0, %mul3A_91 : i32
    %add3A_93 = arith.addi %mul3A_92, %mul3A_17 : i32
    %add3A_94 = arith.constant 0 : i32
    %add3A_95 = arith.addi %add3A_93, %add3A_94 : i32
    "tpu.region"() ({
      %run_scoped3A = tpu.sem_alloc : memref<!tpu.dma_semaphore, #tpu.memory_space<semaphore_mem>>
      %dma_start3A_124 = arith.constant 0 : i32
      %dma_start3A_125 = tpu.memref_slice %arg3[%add3A_95, %dma_start3A_124] : memref<20480x128xf32, #tpu.memory_space<hbm>> -> memref<128x128xf32, #tpu.memory_space<hbm>>
      %dma_start3A_126 = arith.constant 0 : i32
      %dma_start3A_127 = tpu.memref_slice %arg3[%add3A_95, %dma_start3A_126] : memref<20480x128xf32, #tpu.memory_space<hbm>> -> memref<128x128xf32, #tpu.memory_space<hbm>>
      tpu.enqueue_dma source(%arg7 : memref<128x128xf32, #tpu.memory_space<vmem>>) target(%dma_start3A_127 : memref<128x128xf32, #tpu.memory_space<hbm>>) target_semaphore(%run_scoped3A : memref<!tpu.dma_semaphore, #tpu.memory_space<semaphore_mem>>)
      %dma_wait3A_128 = arith.constant 0 : i32
      %dma_wait3A_129 = tpu.memref_slice %arg3[%add3A_95, %dma_wait3A_128] : memref<20480x128xf32, #tpu.memory_space<hbm>> -> memref<128x128xf32, #tpu.memory_space<hbm>>
      %dma_wait3A_130 = arith.constant 0 : i32
      %dma_wait3A_131 = tpu.memref_slice %arg3[%add3A_95, %dma_wait3A_130] : memref<20480x128xf32, #tpu.memory_space<hbm>> -> memref<128x128xf32, #tpu.memory_space<hbm>>
      tpu.wait_dma2 semaphore(%run_scoped3A : memref<!tpu.dma_semaphore, #tpu.memory_space<semaphore_mem>>) src(%arg7 : memref<128x128xf32, #tpu.memory_space<vmem>>) dst(%dma_wait3A_131 : memref<128x128xf32, #tpu.memory_space<hbm>>)
      tpu.yield
    }) : () -> ()
    %add3A_96 = arith.constant 128 : i32
    %add3A_97 = arith.addi %mul3A_17, %add3A_96 : i32
    "tpu.region"() ({
      %run_scoped3A = tpu.sem_alloc : memref<!tpu.dma_semaphore, #tpu.memory_space<semaphore_mem>>
      %dma_start3A_124 = arith.constant 0 : i32
      %dma_start3A_125 = tpu.memref_slice %arg12[%add3A_97, %dma_start3A_124] : memref<10240x128xf32, #tpu.memory_space<vmem_shared>> -> memref<128x128xf32, #tpu.memory_space<vmem_shared>>
      %dma_start3A_126 = arith.constant 0 : i32
      %dma_start3A_127 = tpu.memref_slice %arg12[%add3A_97, %dma_start3A_126] : memref<10240x128xf32, #tpu.memory_space<vmem_shared>> -> memref<128x128xf32, #tpu.memory_space<vmem_shared>>
      tpu.enqueue_dma source(%dma_start3A_127 : memref<128x128xf32, #tpu.memory_space<vmem_shared>>) target(%arg7 : memref<128x128xf32, #tpu.memory_space<vmem>>) target_semaphore(%run_scoped3A : memref<!tpu.dma_semaphore, #tpu.memory_space<semaphore_mem>>)
      %dma_wait3A_128 = arith.constant 0 : i32
      %dma_wait3A_129 = tpu.memref_slice %arg12[%add3A_97, %dma_wait3A_128] : memref<10240x128xf32, #tpu.memory_space<vmem_shared>> -> memref<128x128xf32, #tpu.memory_space<vmem_shared>>
      %dma_wait3A_130 = arith.constant 0 : i32
      %dma_wait3A_131 = tpu.memref_slice %arg12[%add3A_97, %dma_wait3A_130] : memref<10240x128xf32, #tpu.memory_space<vmem_shared>> -> memref<128x128xf32, #tpu.memory_space<vmem_shared>>
      tpu.wait_dma2 semaphore(%run_scoped3A : memref<!tpu.dma_semaphore, #tpu.memory_space<semaphore_mem>>) src(%dma_wait3A_131 : memref<128x128xf32, #tpu.memory_space<vmem_shared>>) dst(%arg7 : memref<128x128xf32, #tpu.memory_space<vmem>>)
      tpu.yield
    }) : () -> ()
    %mul3A_98 = arith.constant 10240 : i32
    %mul3A_99 = arith.muli %arg0, %mul3A_98 : i32
    %add3A_100 = arith.addi %mul3A_99, %mul3A_17 : i32
    %add3A_101 = arith.constant 128 : i32
    %add3A_102 = arith.addi %add3A_100, %add3A_101 : i32
    "tpu.region"() ({
      %run_scoped3A = tpu.sem_alloc : memref<!tpu.dma_semaphore, #tpu.memory_space<semaphore_mem>>
      %dma_start3A_124 = arith.constant 0 : i32
      %dma_start3A_125 = tpu.memref_slice %arg3[%add3A_102, %dma_start3A_124] : memref<20480x128xf32, #tpu.memory_space<hbm>> -> memref<128x128xf32, #tpu.memory_space<hbm>>
      %dma_start3A_126 = arith.constant 0 : i32
      %dma_start3A_127 = tpu.memref_slice %arg3[%add3A_102, %dma_start3A_126] : memref<20480x128xf32, #tpu.memory_space<hbm>> -> memref<128x128xf32, #tpu.memory_space<hbm>>
      tpu.enqueue_dma source(%arg7 : memref<128x128xf32, #tpu.memory_space<vmem>>) target(%dma_start3A_127 : memref<128x128xf32, #tpu.memory_space<hbm>>) target_semaphore(%run_scoped3A : memref<!tpu.dma_semaphore, #tpu.memory_space<semaphore_mem>>)
      %dma_wait3A_128 = arith.constant 0 : i32
      %dma_wait3A_129 = tpu.memref_slice %arg3[%add3A_102, %dma_wait3A_128] : memref<20480x128xf32, #tpu.memory_space<hbm>> -> memref<128x128xf32, #tpu.memory_space<hbm>>
      %dma_wait3A_130 = arith.constant 0 : i32
      %dma_wait3A_131 = tpu.memref_slice %arg3[%add3A_102, %dma_wait3A_130] : memref<20480x128xf32, #tpu.memory_space<hbm>> -> memref<128x128xf32, #tpu.memory_space<hbm>>
      tpu.wait_dma2 semaphore(%run_scoped3A : memref<!tpu.dma_semaphore, #tpu.memory_space<semaphore_mem>>) src(%arg7 : memref<128x128xf32, #tpu.memory_space<vmem>>) dst(%dma_wait3A_131 : memref<128x128xf32, #tpu.memory_space<hbm>>)
      tpu.yield
    }) : () -> ()
    %add3A_103 = arith.constant 256 : i32
    %add3A_104 = arith.addi %mul3A_17, %add3A_103 : i32
    "tpu.region"() ({
      %run_scoped3A = tpu.sem_alloc : memref<!tpu.dma_semaphore, #tpu.memory_space<semaphore_mem>>
      %dma_start3A_124 = arith.constant 0 : i32
      %dma_start3A_125 = tpu.memref_slice %arg12[%add3A_104, %dma_start3A_124] : memref<10240x128xf32, #tpu.memory_space<vmem_shared>> -> memref<128x128xf32, #tpu.memory_space<vmem_shared>>
      %dma_start3A_126 = arith.constant 0 : i32
      %dma_start3A_127 = tpu.memref_slice %arg12[%add3A_104, %dma_start3A_126] : memref<10240x128xf32, #tpu.memory_space<vmem_shared>> -> memref<128x128xf32, #tpu.memory_space<vmem_shared>>
      tpu.enqueue_dma source(%dma_start3A_127 : memref<128x128xf32, #tpu.memory_space<vmem_shared>>) target(%arg7 : memref<128x128xf32, #tpu.memory_space<vmem>>) target_semaphore(%run_scoped3A : memref<!tpu.dma_semaphore, #tpu.memory_space<semaphore_mem>>)
      %dma_wait3A_128 = arith.constant 0 : i32
      %dma_wait3A_129 = tpu.memref_slice %arg12[%add3A_104, %dma_wait3A_128] : memref<10240x128xf32, #tpu.memory_space<vmem_shared>> -> memref<128x128xf32, #tpu.memory_space<vmem_shared>>
      %dma_wait3A_130 = arith.constant 0 : i32
      %dma_wait3A_131 = tpu.memref_slice %arg12[%add3A_104, %dma_wait3A_130] : memref<10240x128xf32, #tpu.memory_space<vmem_shared>> -> memref<128x128xf32, #tpu.memory_space<vmem_shared>>
      tpu.wait_dma2 semaphore(%run_scoped3A : memref<!tpu.dma_semaphore, #tpu.memory_space<semaphore_mem>>) src(%dma_wait3A_131 : memref<128x128xf32, #tpu.memory_space<vmem_shared>>) dst(%arg7 : memref<128x128xf32, #tpu.memory_space<vmem>>)
      tpu.yield
    }) : () -> ()
    %mul3A_105 = arith.constant 10240 : i32
    %mul3A_106 = arith.muli %arg0, %mul3A_105 : i32
    %add3A_107 = arith.addi %mul3A_106, %mul3A_17 : i32
    %add3A_108 = arith.constant 256 : i32
    %add3A_109 = arith.addi %add3A_107, %add3A_108 : i32
    "tpu.region"() ({
      %run_scoped3A = tpu.sem_alloc : memref<!tpu.dma_semaphore, #tpu.memory_space<semaphore_mem>>
      %dma_start3A_124 = arith.constant 0 : i32
      %dma_start3A_125 = tpu.memref_slice %arg3[%add3A_109, %dma_start3A_124] : memref<20480x128xf32, #tpu.memory_space<hbm>> -> memref<128x128xf32, #tpu.memory_space<hbm>>
      %dma_start3A_126 = arith.constant 0 : i32
      %dma_start3A_127 = tpu.memref_slice %arg3[%add3A_109, %dma_start3A_126] : memref<20480x128xf32, #tpu.memory_space<hbm>> -> memref<128x128xf32, #tpu.memory_space<hbm>>
      tpu.enqueue_dma source(%arg7 : memref<128x128xf32, #tpu.memory_space<vmem>>) target(%dma_start3A_127 : memref<128x128xf32, #tpu.memory_space<hbm>>) target_semaphore(%run_scoped3A : memref<!tpu.dma_semaphore, #tpu.memory_space<semaphore_mem>>)
      %dma_wait3A_128 = arith.constant 0 : i32
      %dma_wait3A_129 = tpu.memref_slice %arg3[%add3A_109, %dma_wait3A_128] : memref<20480x128xf32, #tpu.memory_space<hbm>> -> memref<128x128xf32, #tpu.memory_space<hbm>>
      %dma_wait3A_130 = arith.constant 0 : i32
      %dma_wait3A_131 = tpu.memref_slice %arg3[%add3A_109, %dma_wait3A_130] : memref<20480x128xf32, #tpu.memory_space<hbm>> -> memref<128x128xf32, #tpu.memory_space<hbm>>
      tpu.wait_dma2 semaphore(%run_scoped3A : memref<!tpu.dma_semaphore, #tpu.memory_space<semaphore_mem>>) src(%arg7 : memref<128x128xf32, #tpu.memory_space<vmem>>) dst(%dma_wait3A_131 : memref<128x128xf32, #tpu.memory_space<hbm>>)
      tpu.yield
    }) : () -> ()
    %add3A_110 = arith.constant 384 : i32
    %add3A_111 = arith.addi %mul3A_17, %add3A_110 : i32
    "tpu.region"() ({
      %run_scoped3A = tpu.sem_alloc : memref<!tpu.dma_semaphore, #tpu.memory_space<semaphore_mem>>
      %dma_start3A_124 = arith.constant 0 : i32
      %dma_start3A_125 = tpu.memref_slice %arg12[%add3A_111, %dma_start3A_124] : memref<10240x128xf32, #tpu.memory_space<vmem_shared>> -> memref<128x128xf32, #tpu.memory_space<vmem_shared>>
      %dma_start3A_126 = arith.constant 0 : i32
      %dma_start3A_127 = tpu.memref_slice %arg12[%add3A_111, %dma_start3A_126] : memref<10240x128xf32, #tpu.memory_space<vmem_shared>> -> memref<128x128xf32, #tpu.memory_space<vmem_shared>>
      tpu.enqueue_dma source(%dma_start3A_127 : memref<128x128xf32, #tpu.memory_space<vmem_shared>>) target(%arg7 : memref<128x128xf32, #tpu.memory_space<vmem>>) target_semaphore(%run_scoped3A : memref<!tpu.dma_semaphore, #tpu.memory_space<semaphore_mem>>)
      %dma_wait3A_128 = arith.constant 0 : i32
      %dma_wait3A_129 = tpu.memref_slice %arg12[%add3A_111, %dma_wait3A_128] : memref<10240x128xf32, #tpu.memory_space<vmem_shared>> -> memref<128x128xf32, #tpu.memory_space<vmem_shared>>
      %dma_wait3A_130 = arith.constant 0 : i32
      %dma_wait3A_131 = tpu.memref_slice %arg12[%add3A_111, %dma_wait3A_130] : memref<10240x128xf32, #tpu.memory_space<vmem_shared>> -> memref<128x128xf32, #tpu.memory_space<vmem_shared>>
      tpu.wait_dma2 semaphore(%run_scoped3A : memref<!tpu.dma_semaphore, #tpu.memory_space<semaphore_mem>>) src(%dma_wait3A_131 : memref<128x128xf32, #tpu.memory_space<vmem_shared>>) dst(%arg7 : memref<128x128xf32, #tpu.memory_space<vmem>>)
      tpu.yield
    }) : () -> ()
    %mul3A_112 = arith.constant 10240 : i32
    %mul3A_113 = arith.muli %arg0, %mul3A_112 : i32
    %add3A_114 = arith.addi %mul3A_113, %mul3A_17 : i32
    %add3A_115 = arith.constant 384 : i32
    %add3A_116 = arith.addi %add3A_114, %add3A_115 : i32
    "tpu.region"() ({
      %run_scoped3A = tpu.sem_alloc : memref<!tpu.dma_semaphore, #tpu.memory_space<semaphore_mem>>
      %dma_start3A_124 = arith.constant 0 : i32
      %dma_start3A_125 = tpu.memref_slice %arg3[%add3A_116, %dma_start3A_124] : memref<20480x128xf32, #tpu.memory_space<hbm>> -> memref<128x128xf32, #tpu.memory_space<hbm>>
      %dma_start3A_126 = arith.constant 0 : i32
      %dma_start3A_127 = tpu.memref_slice %arg3[%add3A_116, %dma_start3A_126] : memref<20480x128xf32, #tpu.memory_space<hbm>> -> memref<128x128xf32, #tpu.memory_space<hbm>>
      tpu.enqueue_dma source(%arg7 : memref<128x128xf32, #tpu.memory_space<vmem>>) target(%dma_start3A_127 : memref<128x128xf32, #tpu.memory_space<hbm>>) target_semaphore(%run_scoped3A : memref<!tpu.dma_semaphore, #tpu.memory_space<semaphore_mem>>)
      %dma_wait3A_128 = arith.constant 0 : i32
      %dma_wait3A_129 = tpu.memref_slice %arg3[%add3A_116, %dma_wait3A_128] : memref<20480x128xf32, #tpu.memory_space<hbm>> -> memref<128x128xf32, #tpu.memory_space<hbm>>
      %dma_wait3A_130 = arith.constant 0 : i32
      %dma_wait3A_131 = tpu.memref_slice %arg3[%add3A_116, %dma_wait3A_130] : memref<20480x128xf32, #tpu.memory_space<hbm>> -> memref<128x128xf32, #tpu.memory_space<hbm>>
      tpu.wait_dma2 semaphore(%run_scoped3A : memref<!tpu.dma_semaphore, #tpu.memory_space<semaphore_mem>>) src(%arg7 : memref<128x128xf32, #tpu.memory_space<vmem>>) dst(%dma_wait3A_131 : memref<128x128xf32, #tpu.memory_space<hbm>>)
      tpu.yield
    }) : () -> ()
    %add3A_117 = arith.constant 512 : i32
    %add3A_118 = arith.addi %mul3A_17, %add3A_117 : i32
    "tpu.region"() ({
      %run_scoped3A = tpu.sem_alloc : memref<!tpu.dma_semaphore, #tpu.memory_space<semaphore_mem>>
      %dma_start3A_124 = arith.constant 0 : i32
      %dma_start3A_125 = tpu.memref_slice %arg12[%add3A_118, %dma_start3A_124] : memref<10240x128xf32, #tpu.memory_space<vmem_shared>> -> memref<128x128xf32, #tpu.memory_space<vmem_shared>>
      %dma_start3A_126 = arith.constant 0 : i32
      %dma_start3A_127 = tpu.memref_slice %arg12[%add3A_118, %dma_start3A_126] : memref<10240x128xf32, #tpu.memory_space<vmem_shared>> -> memref<128x128xf32, #tpu.memory_space<vmem_shared>>
      tpu.enqueue_dma source(%dma_start3A_127 : memref<128x128xf32, #tpu.memory_space<vmem_shared>>) target(%arg7 : memref<128x128xf32, #tpu.memory_space<vmem>>) target_semaphore(%run_scoped3A : memref<!tpu.dma_semaphore, #tpu.memory_space<semaphore_mem>>)
      %dma_wait3A_128 = arith.constant 0 : i32
      %dma_wait3A_129 = tpu.memref_slice %arg12[%add3A_118, %dma_wait3A_128] : memref<10240x128xf32, #tpu.memory_space<vmem_shared>> -> memref<128x128xf32, #tpu.memory_space<vmem_shared>>
      %dma_wait3A_130 = arith.constant 0 : i32
      %dma_wait3A_131 = tpu.memref_slice %arg12[%add3A_118, %dma_wait3A_130] : memref<10240x128xf32, #tpu.memory_space<vmem_shared>> -> memref<128x128xf32, #tpu.memory_space<vmem_shared>>
      tpu.wait_dma2 semaphore(%run_scoped3A : memref<!tpu.dma_semaphore, #tpu.memory_space<semaphore_mem>>) src(%dma_wait3A_131 : memref<128x128xf32, #tpu.memory_space<vmem_shared>>) dst(%arg7 : memref<128x128xf32, #tpu.memory_space<vmem>>)
      tpu.yield
    }) : () -> ()
    %mul3A_119 = arith.constant 10240 : i32
    %mul3A_120 = arith.muli %arg0, %mul3A_119 : i32
    %add3A_121 = arith.addi %mul3A_120, %mul3A_17 : i32
    %add3A_122 = arith.constant 512 : i32
    %add3A_123 = arith.addi %add3A_121, %add3A_122 : i32
    "tpu.region"() ({
      %run_scoped3A = tpu.sem_alloc : memref<!tpu.dma_semaphore, #tpu.memory_space<semaphore_mem>>
      %dma_start3A_124 = arith.constant 0 : i32
      %dma_start3A_125 = tpu.memref_slice %arg3[%add3A_123, %dma_start3A_124] : memref<20480x128xf32, #tpu.memory_space<hbm>> -> memref<128x128xf32, #tpu.memory_space<hbm>>
      %dma_start3A_126 = arith.constant 0 : i32
      %dma_start3A_127 = tpu.memref_slice %arg3[%add3A_123, %dma_start3A_126] : memref<20480x128xf32, #tpu.memory_space<hbm>> -> memref<128x128xf32, #tpu.memory_space<hbm>>
      tpu.enqueue_dma source(%arg7 : memref<128x128xf32, #tpu.memory_space<vmem>>) target(%dma_start3A_127 : memref<128x128xf32, #tpu.memory_space<hbm>>) target_semaphore(%run_scoped3A : memref<!tpu.dma_semaphore, #tpu.memory_space<semaphore_mem>>)
      %dma_wait3A_128 = arith.constant 0 : i32
      %dma_wait3A_129 = tpu.memref_slice %arg3[%add3A_123, %dma_wait3A_128] : memref<20480x128xf32, #tpu.memory_space<hbm>> -> memref<128x128xf32, #tpu.memory_space<hbm>>
      %dma_wait3A_130 = arith.constant 0 : i32
      %dma_wait3A_131 = tpu.memref_slice %arg3[%add3A_123, %dma_wait3A_130] : memref<20480x128xf32, #tpu.memory_space<hbm>> -> memref<128x128xf32, #tpu.memory_space<hbm>>
      tpu.wait_dma2 semaphore(%run_scoped3A : memref<!tpu.dma_semaphore, #tpu.memory_space<semaphore_mem>>) src(%arg7 : memref<128x128xf32, #tpu.memory_space<vmem>>) dst(%dma_wait3A_131 : memref<128x128xf32, #tpu.memory_space<hbm>>)
      tpu.yield
    }) : () -> ()
    return
  }
}

#map = affine_map<(d0, d1) -> (0, 0)>
#map1 = affine_map<(d0, d1) -> (0)>
module attributes {stable_mosaic.version = 14 : i64} {
  func.func @_gather_body(%arg0: i32, %arg1: i32, %arg2: memref<10000x128xf32, #tpu.memory_space<hbm>>, %arg3: memref<10000x128xf32, #tpu.memory_space<hbm>>, %arg4: memref<320000xi32, #tpu.memory_space<hbm>>, %arg5: memref<320000xi32, #tpu.memory_space<hbm>>, %arg6: memref<320000xi32, #tpu.memory_space<hbm>>, %arg7: memref<320000xi32, #tpu.memory_space<hbm>>, %arg8: memref<320000x128xf32, #tpu.memory_space<hbm>>, %arg9: memref<320000x128xf32, #tpu.memory_space<hbm>>, %arg10: memref<80xi32, #tpu.memory_space<vmem>>, %arg11: memref<80xi32, #tpu.memory_space<vmem>>, %arg12: memref<80xi32, #tpu.memory_space<vmem>>, %arg13: memref<80xi32, #tpu.memory_space<vmem>>, %arg14: memref<80xi32, #tpu.memory_space<vmem>>, %arg15: memref<80xi32, #tpu.memory_space<vmem>>, %arg16: memref<80xi32, #tpu.memory_space<vmem>>, %arg17: memref<80xi32, #tpu.memory_space<vmem>>, %arg18: memref<80x128xf32, #tpu.memory_space<vmem>>, %arg19: memref<80x128xf32, #tpu.memory_space<vmem>>, %arg20: memref<80x128xf32, #tpu.memory_space<vmem>>, %arg21: memref<80x128xf32, #tpu.memory_space<vmem>>, %arg22: memref<80x128xf32, #tpu.memory_space<vmem>>, %arg23: memref<80x128xf32, #tpu.memory_space<vmem>>, %arg24: memref<80x128xf32, #tpu.memory_space<vmem>>, %arg25: memref<80x128xf32, #tpu.memory_space<vmem>>, %arg26: memref<80x128xf32, #tpu.memory_space<vmem>>, %arg27: memref<80x128xf32, #tpu.memory_space<vmem>>, %arg28: memref<!tpu.dma_semaphore, #tpu.memory_space<semaphore_mem>>, %arg29: memref<!tpu.dma_semaphore, #tpu.memory_space<semaphore_mem>>, %arg30: memref<!tpu.dma_semaphore, #tpu.memory_space<semaphore_mem>>, %arg31: memref<!tpu.dma_semaphore, #tpu.memory_space<semaphore_mem>>, %arg32: memref<!tpu.dma_semaphore, #tpu.memory_space<semaphore_mem>>) attributes {dimension_semantics = [#tpu.dimension_semantics<core_parallel>, #tpu.dimension_semantics<subcore_parallel>], iteration_bounds = array<i64: 2, 16>, scalar_prefetch = 0 : i64, scratch_operands = 23 : i64, tpu.core_type = #tpu.core_type<sc_vector_subcore>, window_params = [{transform_indices = #map}, {transform_indices = #map}, {transform_indices = #map1}, {transform_indices = #map1}, {transform_indices = #map1}, {transform_indices = #map1}, {transform_indices = #map}, {transform_indices = #map}]} {
    %mul3A = arith.constant 16 : i32
    %mul3A_0 = arith.muli %arg0, %mul3A : i32
    %add3A = arith.addi %mul3A_0, %arg1 : i32
    %mul3A_1 = arith.constant 10000 : i32
    %mul3A_2 = arith.muli %add3A, %mul3A_1 : i32
    %add3A_3 = arith.constant 0 : i32
    %add3A_4 = arith.addi %mul3A_2, %add3A_3 : i32
    %dma_start3A = tpu.memref_slice %arg4[%add3A_4] : memref<320000xi32, #tpu.memory_space<hbm>> -> memref<80xi32, #tpu.memory_space<hbm>>
    %dma_start3A_5 = tpu.memref_slice %arg4[%add3A_4] : memref<320000xi32, #tpu.memory_space<hbm>> -> memref<80xi32, #tpu.memory_space<hbm>>
    tpu.enqueue_dma source(%dma_start3A_5 : memref<80xi32, #tpu.memory_space<hbm>>) target(%arg10 : memref<80xi32, #tpu.memory_space<vmem>>) target_semaphore(%arg30 : memref<!tpu.dma_semaphore, #tpu.memory_space<semaphore_mem>>)
    %dma_start3A_6 = tpu.memref_slice %arg5[%add3A_4] : memref<320000xi32, #tpu.memory_space<hbm>> -> memref<80xi32, #tpu.memory_space<hbm>>
    %dma_start3A_7 = tpu.memref_slice %arg5[%add3A_4] : memref<320000xi32, #tpu.memory_space<hbm>> -> memref<80xi32, #tpu.memory_space<hbm>>
    tpu.enqueue_dma source(%dma_start3A_7 : memref<80xi32, #tpu.memory_space<hbm>>) target(%arg11 : memref<80xi32, #tpu.memory_space<vmem>>) target_semaphore(%arg30 : memref<!tpu.dma_semaphore, #tpu.memory_space<semaphore_mem>>)
    %dma_start3A_8 = tpu.memref_slice %arg6[%add3A_4] : memref<320000xi32, #tpu.memory_space<hbm>> -> memref<80xi32, #tpu.memory_space<hbm>>
    %dma_start3A_9 = tpu.memref_slice %arg6[%add3A_4] : memref<320000xi32, #tpu.memory_space<hbm>> -> memref<80xi32, #tpu.memory_space<hbm>>
    tpu.enqueue_dma source(%dma_start3A_9 : memref<80xi32, #tpu.memory_space<hbm>>) target(%arg12 : memref<80xi32, #tpu.memory_space<vmem>>) target_semaphore(%arg30 : memref<!tpu.dma_semaphore, #tpu.memory_space<semaphore_mem>>)
    %dma_start3A_10 = tpu.memref_slice %arg7[%add3A_4] : memref<320000xi32, #tpu.memory_space<hbm>> -> memref<80xi32, #tpu.memory_space<hbm>>
    %dma_start3A_11 = tpu.memref_slice %arg7[%add3A_4] : memref<320000xi32, #tpu.memory_space<hbm>> -> memref<80xi32, #tpu.memory_space<hbm>>
    tpu.enqueue_dma source(%dma_start3A_11 : memref<80xi32, #tpu.memory_space<hbm>>) target(%arg13 : memref<80xi32, #tpu.memory_space<vmem>>) target_semaphore(%arg30 : memref<!tpu.dma_semaphore, #tpu.memory_space<semaphore_mem>>)
    %dma_wait3A = arith.constant 0 : i32
    %dma_wait3A_12 = tpu.memref_slice %arg4[%dma_wait3A] : memref<320000xi32, #tpu.memory_space<hbm>> -> memref<80xi32, #tpu.memory_space<hbm>>
    %dma_wait3A_13 = arith.constant 0 : i32
    %dma_wait3A_14 = tpu.memref_slice %arg4[%dma_wait3A_13] : memref<320000xi32, #tpu.memory_space<hbm>> -> memref<80xi32, #tpu.memory_space<hbm>>
    tpu.wait_dma2 semaphore(%arg30 : memref<!tpu.dma_semaphore, #tpu.memory_space<semaphore_mem>>) src(%dma_wait3A_14 : memref<80xi32, #tpu.memory_space<hbm>>) dst(%arg10 : memref<80xi32, #tpu.memory_space<vmem>>)
    %dma_wait3A_15 = arith.constant 0 : i32
    %dma_wait3A_16 = tpu.memref_slice %arg5[%dma_wait3A_15] : memref<320000xi32, #tpu.memory_space<hbm>> -> memref<80xi32, #tpu.memory_space<hbm>>
    %dma_wait3A_17 = arith.constant 0 : i32
    %dma_wait3A_18 = tpu.memref_slice %arg5[%dma_wait3A_17] : memref<320000xi32, #tpu.memory_space<hbm>> -> memref<80xi32, #tpu.memory_space<hbm>>
    tpu.wait_dma2 semaphore(%arg30 : memref<!tpu.dma_semaphore, #tpu.memory_space<semaphore_mem>>) src(%dma_wait3A_18 : memref<80xi32, #tpu.memory_space<hbm>>) dst(%arg11 : memref<80xi32, #tpu.memory_space<vmem>>)
    %dma_wait3A_19 = arith.constant 0 : i32
    %dma_wait3A_20 = tpu.memref_slice %arg6[%dma_wait3A_19] : memref<320000xi32, #tpu.memory_space<hbm>> -> memref<80xi32, #tpu.memory_space<hbm>>
    %dma_wait3A_21 = arith.constant 0 : i32
    %dma_wait3A_22 = tpu.memref_slice %arg6[%dma_wait3A_21] : memref<320000xi32, #tpu.memory_space<hbm>> -> memref<80xi32, #tpu.memory_space<hbm>>
    tpu.wait_dma2 semaphore(%arg30 : memref<!tpu.dma_semaphore, #tpu.memory_space<semaphore_mem>>) src(%dma_wait3A_22 : memref<80xi32, #tpu.memory_space<hbm>>) dst(%arg12 : memref<80xi32, #tpu.memory_space<vmem>>)
    %dma_wait3A_23 = arith.constant 0 : i32
    %dma_wait3A_24 = tpu.memref_slice %arg7[%dma_wait3A_23] : memref<320000xi32, #tpu.memory_space<hbm>> -> memref<80xi32, #tpu.memory_space<hbm>>
    %dma_wait3A_25 = arith.constant 0 : i32
    %dma_wait3A_26 = tpu.memref_slice %arg7[%dma_wait3A_25] : memref<320000xi32, #tpu.memory_space<hbm>> -> memref<80xi32, #tpu.memory_space<hbm>>
    tpu.wait_dma2 semaphore(%arg30 : memref<!tpu.dma_semaphore, #tpu.memory_space<semaphore_mem>>) src(%dma_wait3A_26 : memref<80xi32, #tpu.memory_space<hbm>>) dst(%arg13 : memref<80xi32, #tpu.memory_space<vmem>>)
    %dma_start3A_27 = arith.constant 0 : i32
    %dma_start3A_28 = arith.constant 0 : i32
    %dma_start3A_29 = tpu.memref_slice %arg2[%dma_start3A_27, %dma_start3A_28] : memref<10000x128xf32, #tpu.memory_space<hbm>> -> memref<10000x128xf32, #tpu.memory_space<hbm>>
    tpu.enqueue_indirect_dma source(%dma_start3A_29 : memref<10000x128xf32, #tpu.memory_space<hbm>>) target(%arg18 : memref<80x128xf32, #tpu.memory_space<vmem>>) offsets(%arg10 : memref<80xi32, #tpu.memory_space<vmem>>) semaphore(%arg28 : memref<!tpu.dma_semaphore, #tpu.memory_space<semaphore_mem>>)
    %dma_start3A_30 = arith.constant 0 : i32
    %dma_start3A_31 = arith.constant 0 : i32
    %dma_start3A_32 = tpu.memref_slice %arg2[%dma_start3A_30, %dma_start3A_31] : memref<10000x128xf32, #tpu.memory_space<hbm>> -> memref<10000x128xf32, #tpu.memory_space<hbm>>
    tpu.enqueue_indirect_dma source(%dma_start3A_32 : memref<10000x128xf32, #tpu.memory_space<hbm>>) target(%arg19 : memref<80x128xf32, #tpu.memory_space<vmem>>) offsets(%arg11 : memref<80xi32, #tpu.memory_space<vmem>>) semaphore(%arg28 : memref<!tpu.dma_semaphore, #tpu.memory_space<semaphore_mem>>)
    %dma_start3A_33 = arith.constant 0 : i32
    %dma_start3A_34 = arith.constant 0 : i32
    %dma_start3A_35 = tpu.memref_slice %arg3[%dma_start3A_33, %dma_start3A_34] : memref<10000x128xf32, #tpu.memory_space<hbm>> -> memref<10000x128xf32, #tpu.memory_space<hbm>>
    tpu.enqueue_indirect_dma source(%dma_start3A_35 : memref<10000x128xf32, #tpu.memory_space<hbm>>) target(%arg20 : memref<80x128xf32, #tpu.memory_space<vmem>>) offsets(%arg12 : memref<80xi32, #tpu.memory_space<vmem>>) semaphore(%arg28 : memref<!tpu.dma_semaphore, #tpu.memory_space<semaphore_mem>>)
    %dma_start3A_36 = arith.constant 0 : i32
    %dma_start3A_37 = arith.constant 0 : i32
    %dma_start3A_38 = tpu.memref_slice %arg3[%dma_start3A_36, %dma_start3A_37] : memref<10000x128xf32, #tpu.memory_space<hbm>> -> memref<10000x128xf32, #tpu.memory_space<hbm>>
    tpu.enqueue_indirect_dma source(%dma_start3A_38 : memref<10000x128xf32, #tpu.memory_space<hbm>>) target(%arg21 : memref<80x128xf32, #tpu.memory_space<vmem>>) offsets(%arg13 : memref<80xi32, #tpu.memory_space<vmem>>) semaphore(%arg28 : memref<!tpu.dma_semaphore, #tpu.memory_space<semaphore_mem>>)
    %mul3A_39 = arith.constant 10000 : i32
    %mul3A_40 = arith.muli %add3A, %mul3A_39 : i32
    %add3A_41 = arith.constant 80 : i32
    %add3A_42 = arith.addi %mul3A_40, %add3A_41 : i32
    %dma_start3A_43 = tpu.memref_slice %arg4[%add3A_42] : memref<320000xi32, #tpu.memory_space<hbm>> -> memref<80xi32, #tpu.memory_space<hbm>>
    %dma_start3A_44 = tpu.memref_slice %arg4[%add3A_42] : memref<320000xi32, #tpu.memory_space<hbm>> -> memref<80xi32, #tpu.memory_space<hbm>>
    tpu.enqueue_dma source(%dma_start3A_44 : memref<80xi32, #tpu.memory_space<hbm>>) target(%arg14 : memref<80xi32, #tpu.memory_space<vmem>>) target_semaphore(%arg31 : memref<!tpu.dma_semaphore, #tpu.memory_space<semaphore_mem>>)
    %dma_start3A_45 = tpu.memref_slice %arg5[%add3A_42] : memref<320000xi32, #tpu.memory_space<hbm>> -> memref<80xi32, #tpu.memory_space<hbm>>
    %dma_start3A_46 = tpu.memref_slice %arg5[%add3A_42] : memref<320000xi32, #tpu.memory_space<hbm>> -> memref<80xi32, #tpu.memory_space<hbm>>
    tpu.enqueue_dma source(%dma_start3A_46 : memref<80xi32, #tpu.memory_space<hbm>>) target(%arg15 : memref<80xi32, #tpu.memory_space<vmem>>) target_semaphore(%arg31 : memref<!tpu.dma_semaphore, #tpu.memory_space<semaphore_mem>>)
    %dma_start3A_47 = tpu.memref_slice %arg6[%add3A_42] : memref<320000xi32, #tpu.memory_space<hbm>> -> memref<80xi32, #tpu.memory_space<hbm>>
    %dma_start3A_48 = tpu.memref_slice %arg6[%add3A_42] : memref<320000xi32, #tpu.memory_space<hbm>> -> memref<80xi32, #tpu.memory_space<hbm>>
    tpu.enqueue_dma source(%dma_start3A_48 : memref<80xi32, #tpu.memory_space<hbm>>) target(%arg16 : memref<80xi32, #tpu.memory_space<vmem>>) target_semaphore(%arg31 : memref<!tpu.dma_semaphore, #tpu.memory_space<semaphore_mem>>)
    %dma_start3A_49 = tpu.memref_slice %arg7[%add3A_42] : memref<320000xi32, #tpu.memory_space<hbm>> -> memref<80xi32, #tpu.memory_space<hbm>>
    %dma_start3A_50 = tpu.memref_slice %arg7[%add3A_42] : memref<320000xi32, #tpu.memory_space<hbm>> -> memref<80xi32, #tpu.memory_space<hbm>>
    tpu.enqueue_dma source(%dma_start3A_50 : memref<80xi32, #tpu.memory_space<hbm>>) target(%arg17 : memref<80xi32, #tpu.memory_space<vmem>>) target_semaphore(%arg31 : memref<!tpu.dma_semaphore, #tpu.memory_space<semaphore_mem>>)
    %dma_wait3A_51 = arith.constant 0 : i32
    %dma_wait3A_52 = tpu.memref_slice %arg4[%dma_wait3A_51] : memref<320000xi32, #tpu.memory_space<hbm>> -> memref<80xi32, #tpu.memory_space<hbm>>
    %dma_wait3A_53 = arith.constant 0 : i32
    %dma_wait3A_54 = tpu.memref_slice %arg4[%dma_wait3A_53] : memref<320000xi32, #tpu.memory_space<hbm>> -> memref<80xi32, #tpu.memory_space<hbm>>
    tpu.wait_dma2 semaphore(%arg31 : memref<!tpu.dma_semaphore, #tpu.memory_space<semaphore_mem>>) src(%dma_wait3A_54 : memref<80xi32, #tpu.memory_space<hbm>>) dst(%arg14 : memref<80xi32, #tpu.memory_space<vmem>>)
    %dma_wait3A_55 = arith.constant 0 : i32
    %dma_wait3A_56 = tpu.memref_slice %arg5[%dma_wait3A_55] : memref<320000xi32, #tpu.memory_space<hbm>> -> memref<80xi32, #tpu.memory_space<hbm>>
    %dma_wait3A_57 = arith.constant 0 : i32
    %dma_wait3A_58 = tpu.memref_slice %arg5[%dma_wait3A_57] : memref<320000xi32, #tpu.memory_space<hbm>> -> memref<80xi32, #tpu.memory_space<hbm>>
    tpu.wait_dma2 semaphore(%arg31 : memref<!tpu.dma_semaphore, #tpu.memory_space<semaphore_mem>>) src(%dma_wait3A_58 : memref<80xi32, #tpu.memory_space<hbm>>) dst(%arg15 : memref<80xi32, #tpu.memory_space<vmem>>)
    %dma_wait3A_59 = arith.constant 0 : i32
    %dma_wait3A_60 = tpu.memref_slice %arg6[%dma_wait3A_59] : memref<320000xi32, #tpu.memory_space<hbm>> -> memref<80xi32, #tpu.memory_space<hbm>>
    %dma_wait3A_61 = arith.constant 0 : i32
    %dma_wait3A_62 = tpu.memref_slice %arg6[%dma_wait3A_61] : memref<320000xi32, #tpu.memory_space<hbm>> -> memref<80xi32, #tpu.memory_space<hbm>>
    tpu.wait_dma2 semaphore(%arg31 : memref<!tpu.dma_semaphore, #tpu.memory_space<semaphore_mem>>) src(%dma_wait3A_62 : memref<80xi32, #tpu.memory_space<hbm>>) dst(%arg16 : memref<80xi32, #tpu.memory_space<vmem>>)
    %dma_wait3A_63 = arith.constant 0 : i32
    %dma_wait3A_64 = tpu.memref_slice %arg7[%dma_wait3A_63] : memref<320000xi32, #tpu.memory_space<hbm>> -> memref<80xi32, #tpu.memory_space<hbm>>
    %dma_wait3A_65 = arith.constant 0 : i32
    %dma_wait3A_66 = tpu.memref_slice %arg7[%dma_wait3A_65] : memref<320000xi32, #tpu.memory_space<hbm>> -> memref<80xi32, #tpu.memory_space<hbm>>
    tpu.wait_dma2 semaphore(%arg31 : memref<!tpu.dma_semaphore, #tpu.memory_space<semaphore_mem>>) src(%dma_wait3A_66 : memref<80xi32, #tpu.memory_space<hbm>>) dst(%arg17 : memref<80xi32, #tpu.memory_space<vmem>>)
    %dma_start3A_67 = arith.constant 0 : i32
    %dma_start3A_68 = arith.constant 0 : i32
    %dma_start3A_69 = tpu.memref_slice %arg2[%dma_start3A_67, %dma_start3A_68] : memref<10000x128xf32, #tpu.memory_space<hbm>> -> memref<10000x128xf32, #tpu.memory_space<hbm>>
    tpu.enqueue_indirect_dma source(%dma_start3A_69 : memref<10000x128xf32, #tpu.memory_space<hbm>>) target(%arg22 : memref<80x128xf32, #tpu.memory_space<vmem>>) offsets(%arg14 : memref<80xi32, #tpu.memory_space<vmem>>) semaphore(%arg29 : memref<!tpu.dma_semaphore, #tpu.memory_space<semaphore_mem>>)
    %dma_start3A_70 = arith.constant 0 : i32
    %dma_start3A_71 = arith.constant 0 : i32
    %dma_start3A_72 = tpu.memref_slice %arg2[%dma_start3A_70, %dma_start3A_71] : memref<10000x128xf32, #tpu.memory_space<hbm>> -> memref<10000x128xf32, #tpu.memory_space<hbm>>
    tpu.enqueue_indirect_dma source(%dma_start3A_72 : memref<10000x128xf32, #tpu.memory_space<hbm>>) target(%arg23 : memref<80x128xf32, #tpu.memory_space<vmem>>) offsets(%arg15 : memref<80xi32, #tpu.memory_space<vmem>>) semaphore(%arg29 : memref<!tpu.dma_semaphore, #tpu.memory_space<semaphore_mem>>)
    %dma_start3A_73 = arith.constant 0 : i32
    %dma_start3A_74 = arith.constant 0 : i32
    %dma_start3A_75 = tpu.memref_slice %arg3[%dma_start3A_73, %dma_start3A_74] : memref<10000x128xf32, #tpu.memory_space<hbm>> -> memref<10000x128xf32, #tpu.memory_space<hbm>>
    tpu.enqueue_indirect_dma source(%dma_start3A_75 : memref<10000x128xf32, #tpu.memory_space<hbm>>) target(%arg24 : memref<80x128xf32, #tpu.memory_space<vmem>>) offsets(%arg16 : memref<80xi32, #tpu.memory_space<vmem>>) semaphore(%arg29 : memref<!tpu.dma_semaphore, #tpu.memory_space<semaphore_mem>>)
    %dma_start3A_76 = arith.constant 0 : i32
    %dma_start3A_77 = arith.constant 0 : i32
    %dma_start3A_78 = tpu.memref_slice %arg3[%dma_start3A_76, %dma_start3A_77] : memref<10000x128xf32, #tpu.memory_space<hbm>> -> memref<10000x128xf32, #tpu.memory_space<hbm>>
    tpu.enqueue_indirect_dma source(%dma_start3A_78 : memref<10000x128xf32, #tpu.memory_space<hbm>>) target(%arg25 : memref<80x128xf32, #tpu.memory_space<vmem>>) offsets(%arg17 : memref<80xi32, #tpu.memory_space<vmem>>) semaphore(%arg29 : memref<!tpu.dma_semaphore, #tpu.memory_space<semaphore_mem>>)
    %dma_wait3A_79 = arith.constant 0 : i32
    %dma_wait3A_80 = arith.constant 0 : i32
    %dma_wait3A_81 = tpu.memref_slice %arg2[%dma_wait3A_79, %dma_wait3A_80] : memref<10000x128xf32, #tpu.memory_space<hbm>> -> memref<80x128xf32, #tpu.memory_space<hbm>>
    %dma_wait3A_82 = arith.constant 0 : i32
    %dma_wait3A_83 = arith.constant 0 : i32
    %dma_wait3A_84 = tpu.memref_slice %arg2[%dma_wait3A_82, %dma_wait3A_83] : memref<10000x128xf32, #tpu.memory_space<hbm>> -> memref<80x128xf32, #tpu.memory_space<hbm>>
    tpu.wait_dma2 semaphore(%arg28 : memref<!tpu.dma_semaphore, #tpu.memory_space<semaphore_mem>>) src(%dma_wait3A_84 : memref<80x128xf32, #tpu.memory_space<hbm>>) dst(%arg18 : memref<80x128xf32, #tpu.memory_space<vmem>>)
    %dma_wait3A_85 = arith.constant 0 : i32
    %dma_wait3A_86 = arith.constant 0 : i32
    %dma_wait3A_87 = tpu.memref_slice %arg2[%dma_wait3A_85, %dma_wait3A_86] : memref<10000x128xf32, #tpu.memory_space<hbm>> -> memref<80x128xf32, #tpu.memory_space<hbm>>
    %dma_wait3A_88 = arith.constant 0 : i32
    %dma_wait3A_89 = arith.constant 0 : i32
    %dma_wait3A_90 = tpu.memref_slice %arg2[%dma_wait3A_88, %dma_wait3A_89] : memref<10000x128xf32, #tpu.memory_space<hbm>> -> memref<80x128xf32, #tpu.memory_space<hbm>>
    tpu.wait_dma2 semaphore(%arg28 : memref<!tpu.dma_semaphore, #tpu.memory_space<semaphore_mem>>) src(%dma_wait3A_90 : memref<80x128xf32, #tpu.memory_space<hbm>>) dst(%arg19 : memref<80x128xf32, #tpu.memory_space<vmem>>)
    %dma_wait3A_91 = arith.constant 0 : i32
    %dma_wait3A_92 = arith.constant 0 : i32
    %dma_wait3A_93 = tpu.memref_slice %arg2[%dma_wait3A_91, %dma_wait3A_92] : memref<10000x128xf32, #tpu.memory_space<hbm>> -> memref<80x128xf32, #tpu.memory_space<hbm>>
    %dma_wait3A_94 = arith.constant 0 : i32
    %dma_wait3A_95 = arith.constant 0 : i32
    %dma_wait3A_96 = tpu.memref_slice %arg2[%dma_wait3A_94, %dma_wait3A_95] : memref<10000x128xf32, #tpu.memory_space<hbm>> -> memref<80x128xf32, #tpu.memory_space<hbm>>
    tpu.wait_dma2 semaphore(%arg28 : memref<!tpu.dma_semaphore, #tpu.memory_space<semaphore_mem>>) src(%dma_wait3A_96 : memref<80x128xf32, #tpu.memory_space<hbm>>) dst(%arg20 : memref<80x128xf32, #tpu.memory_space<vmem>>)
    %dma_wait3A_97 = arith.constant 0 : i32
    %dma_wait3A_98 = arith.constant 0 : i32
    %dma_wait3A_99 = tpu.memref_slice %arg2[%dma_wait3A_97, %dma_wait3A_98] : memref<10000x128xf32, #tpu.memory_space<hbm>> -> memref<80x128xf32, #tpu.memory_space<hbm>>
    %dma_wait3A_100 = arith.constant 0 : i32
    %dma_wait3A_101 = arith.constant 0 : i32
    %dma_wait3A_102 = tpu.memref_slice %arg2[%dma_wait3A_100, %dma_wait3A_101] : memref<10000x128xf32, #tpu.memory_space<hbm>> -> memref<80x128xf32, #tpu.memory_space<hbm>>
    tpu.wait_dma2 semaphore(%arg28 : memref<!tpu.dma_semaphore, #tpu.memory_space<semaphore_mem>>) src(%dma_wait3A_102 : memref<80x128xf32, #tpu.memory_space<hbm>>) dst(%arg21 : memref<80x128xf32, #tpu.memory_space<vmem>>)
    %mul3A_103 = arith.constant 10000 : i32
    %mul3A_104 = arith.muli %add3A, %mul3A_103 : i32
    %add3A_105 = arith.constant 160 : i32
    %add3A_106 = arith.addi %mul3A_104, %add3A_105 : i32
    %dma_start3A_107 = tpu.memref_slice %arg4[%add3A_106] : memref<320000xi32, #tpu.memory_space<hbm>> -> memref<80xi32, #tpu.memory_space<hbm>>
    %dma_start3A_108 = tpu.memref_slice %arg4[%add3A_106] : memref<320000xi32, #tpu.memory_space<hbm>> -> memref<80xi32, #tpu.memory_space<hbm>>
    tpu.enqueue_dma source(%dma_start3A_108 : memref<80xi32, #tpu.memory_space<hbm>>) target(%arg10 : memref<80xi32, #tpu.memory_space<vmem>>) target_semaphore(%arg30 : memref<!tpu.dma_semaphore, #tpu.memory_space<semaphore_mem>>)
    %dma_start3A_109 = tpu.memref_slice %arg5[%add3A_106] : memref<320000xi32, #tpu.memory_space<hbm>> -> memref<80xi32, #tpu.memory_space<hbm>>
    %dma_start3A_110 = tpu.memref_slice %arg5[%add3A_106] : memref<320000xi32, #tpu.memory_space<hbm>> -> memref<80xi32, #tpu.memory_space<hbm>>
    tpu.enqueue_dma source(%dma_start3A_110 : memref<80xi32, #tpu.memory_space<hbm>>) target(%arg11 : memref<80xi32, #tpu.memory_space<vmem>>) target_semaphore(%arg30 : memref<!tpu.dma_semaphore, #tpu.memory_space<semaphore_mem>>)
    %dma_start3A_111 = tpu.memref_slice %arg6[%add3A_106] : memref<320000xi32, #tpu.memory_space<hbm>> -> memref<80xi32, #tpu.memory_space<hbm>>
    %dma_start3A_112 = tpu.memref_slice %arg6[%add3A_106] : memref<320000xi32, #tpu.memory_space<hbm>> -> memref<80xi32, #tpu.memory_space<hbm>>
    tpu.enqueue_dma source(%dma_start3A_112 : memref<80xi32, #tpu.memory_space<hbm>>) target(%arg12 : memref<80xi32, #tpu.memory_space<vmem>>) target_semaphore(%arg30 : memref<!tpu.dma_semaphore, #tpu.memory_space<semaphore_mem>>)
    %dma_start3A_113 = tpu.memref_slice %arg7[%add3A_106] : memref<320000xi32, #tpu.memory_space<hbm>> -> memref<80xi32, #tpu.memory_space<hbm>>
    %dma_start3A_114 = tpu.memref_slice %arg7[%add3A_106] : memref<320000xi32, #tpu.memory_space<hbm>> -> memref<80xi32, #tpu.memory_space<hbm>>
    tpu.enqueue_dma source(%dma_start3A_114 : memref<80xi32, #tpu.memory_space<hbm>>) target(%arg13 : memref<80xi32, #tpu.memory_space<vmem>>) target_semaphore(%arg30 : memref<!tpu.dma_semaphore, #tpu.memory_space<semaphore_mem>>)
    %scan3A = arith.constant 0 : i32
    %scan3A_115 = arith.constant 0 : i32
    %scan3A_116 = arith.constant 80 : i32
    %scan3A_117 = arith.addi %scan3A_115, %scan3A_116 : i32
    %scan3A_118 = arith.constant 1 : i32
    %scan3A_119 = scf.for %scan3A_290 = %scan3A_115 to %scan3A_117 step %scan3A_118 iter_args(%scan3A_291 = %scan3A) -> (i32)  : i32 {
      %get3A = arith.index_cast %scan3A_290 : i32 to index
      %get3A_292 = arith.constant 0 : index
      %get3A_293 = tpu.vector_load %arg18[%get3A, %get3A_292] {strides = array<i32>} : memref<80x128xf32, #tpu.memory_space<vmem>>, vector<1x16xf32>,
      %get3A_294 = vector.shape_cast %get3A_293 : vector<1x16xf32> to vector<16xf32>
      %get3A_295 = arith.index_cast %scan3A_290 : i32 to index
      %get3A_296 = arith.constant 0 : index
      %get3A_297 = tpu.vector_load %arg19[%get3A_295, %get3A_296] {strides = array<i32>} : memref<80x128xf32, #tpu.memory_space<vmem>>, vector<1x16xf32>,
      %get3A_298 = vector.shape_cast %get3A_297 : vector<1x16xf32> to vector<16xf32>
      %mul3A_299 = arith.mulf %get3A_294, %get3A_298 : vector<16xf32>
      %swap3A = arith.index_cast %scan3A_290 : i32 to index
      %swap3A_300 = arith.constant 0 : index
      %swap3A_301 = tpu.vector_load %arg26[%swap3A, %swap3A_300] {strides = array<i32>} : memref<80x128xf32, #tpu.memory_space<vmem>>, vector<1x16xf32>,
      %swap3A_302 = vector.shape_cast %swap3A_301 : vector<1x16xf32> to vector<16xf32>
      %swap3A_303 = vector.shape_cast %mul3A_299 : vector<16xf32> to vector<1x16xf32>
      tpu.vector_store %arg26[%swap3A, %swap3A_300], %swap3A_303 {strides = array<i32>} : memref<80x128xf32, #tpu.memory_space<vmem>>, vector<1x16xf32>,
      %get3A_304 = arith.index_cast %scan3A_290 : i32 to index
      %get3A_305 = arith.constant 0 : index
      %get3A_306 = tpu.vector_load %arg20[%get3A_304, %get3A_305] {strides = array<i32>} : memref<80x128xf32, #tpu.memory_space<vmem>>, vector<1x16xf32>,
      %get3A_307 = vector.shape_cast %get3A_306 : vector<1x16xf32> to vector<16xf32>
      %get3A_308 = arith.index_cast %scan3A_290 : i32 to index
      %get3A_309 = arith.constant 0 : index
      %get3A_310 = tpu.vector_load %arg21[%get3A_308, %get3A_309] {strides = array<i32>} : memref<80x128xf32, #tpu.memory_space<vmem>>, vector<1x16xf32>,
      %get3A_311 = vector.shape_cast %get3A_310 : vector<1x16xf32> to vector<16xf32>
      %mul3A_312 = arith.mulf %get3A_307, %get3A_311 : vector<16xf32>
      %swap3A_313 = arith.index_cast %scan3A_290 : i32 to index
      %swap3A_314 = arith.constant 0 : index
      %swap3A_315 = tpu.vector_load %arg27[%swap3A_313, %swap3A_314] {strides = array<i32>} : memref<80x128xf32, #tpu.memory_space<vmem>>, vector<1x16xf32>,
      %swap3A_316 = vector.shape_cast %swap3A_315 : vector<1x16xf32> to vector<16xf32>
      %swap3A_317 = vector.shape_cast %mul3A_312 : vector<16xf32> to vector<1x16xf32>
      tpu.vector_store %arg27[%swap3A_313, %swap3A_314], %swap3A_317 {strides = array<i32>} : memref<80x128xf32, #tpu.memory_space<vmem>>, vector<1x16xf32>,
      %get3A_318 = arith.index_cast %scan3A_290 : i32 to index
      %get3A_319 = arith.constant 16 : index
      %get3A_320 = tpu.vector_load %arg18[%get3A_318, %get3A_319] {strides = array<i32>} : memref<80x128xf32, #tpu.memory_space<vmem>>, vector<1x16xf32>,
      %get3A_321 = vector.shape_cast %get3A_320 : vector<1x16xf32> to vector<16xf32>
      %get3A_322 = arith.index_cast %scan3A_290 : i32 to index
      %get3A_323 = arith.constant 16 : index
      %get3A_324 = tpu.vector_load %arg19[%get3A_322, %get3A_323] {strides = array<i32>} : memref<80x128xf32, #tpu.memory_space<vmem>>, vector<1x16xf32>,
      %get3A_325 = vector.shape_cast %get3A_324 : vector<1x16xf32> to vector<16xf32>
      %mul3A_326 = arith.mulf %get3A_321, %get3A_325 : vector<16xf32>
      %swap3A_327 = arith.index_cast %scan3A_290 : i32 to index
      %swap3A_328 = arith.constant 16 : index
      %swap3A_329 = tpu.vector_load %arg26[%swap3A_327, %swap3A_328] {strides = array<i32>} : memref<80x128xf32, #tpu.memory_space<vmem>>, vector<1x16xf32>,
      %swap3A_330 = vector.shape_cast %swap3A_329 : vector<1x16xf32> to vector<16xf32>
      %swap3A_331 = vector.shape_cast %mul3A_326 : vector<16xf32> to vector<1x16xf32>
      tpu.vector_store %arg26[%swap3A_327, %swap3A_328], %swap3A_331 {strides = array<i32>} : memref<80x128xf32, #tpu.memory_space<vmem>>, vector<1x16xf32>,
      %get3A_332 = arith.index_cast %scan3A_290 : i32 to index
      %get3A_333 = arith.constant 16 : index
      %get3A_334 = tpu.vector_load %arg20[%get3A_332, %get3A_333] {strides = array<i32>} : memref<80x128xf32, #tpu.memory_space<vmem>>, vector<1x16xf32>,
      %get3A_335 = vector.shape_cast %get3A_334 : vector<1x16xf32> to vector<16xf32>
      %get3A_336 = arith.index_cast %scan3A_290 : i32 to index
      %get3A_337 = arith.constant 16 : index
      %get3A_338 = tpu.vector_load %arg21[%get3A_336, %get3A_337] {strides = array<i32>} : memref<80x128xf32, #tpu.memory_space<vmem>>, vector<1x16xf32>,
      %get3A_339 = vector.shape_cast %get3A_338 : vector<1x16xf32> to vector<16xf32>
      %mul3A_340 = arith.mulf %get3A_335, %get3A_339 : vector<16xf32>
      %swap3A_341 = arith.index_cast %scan3A_290 : i32 to index
      %swap3A_342 = arith.constant 16 : index
      %swap3A_343 = tpu.vector_load %arg27[%swap3A_341, %swap3A_342] {strides = array<i32>} : memref<80x128xf32, #tpu.memory_space<vmem>>, vector<1x16xf32>,
      %swap3A_344 = vector.shape_cast %swap3A_343 : vector<1x16xf32> to vector<16xf32>
      %swap3A_345 = vector.shape_cast %mul3A_340 : vector<16xf32> to vector<1x16xf32>
      tpu.vector_store %arg27[%swap3A_341, %swap3A_342], %swap3A_345 {strides = array<i32>} : memref<80x128xf32, #tpu.memory_space<vmem>>, vector<1x16xf32>,
      %get3A_346 = arith.index_cast %scan3A_290 : i32 to index
      %get3A_347 = arith.constant 32 : index
      %get3A_348 = tpu.vector_load %arg18[%get3A_346, %get3A_347] {strides = array<i32>} : memref<80x128xf32, #tpu.memory_space<vmem>>, vector<1x16xf32>,
      %get3A_349 = vector.shape_cast %get3A_348 : vector<1x16xf32> to vector<16xf32>
      %get3A_350 = arith.index_cast %scan3A_290 : i32 to index
      %get3A_351 = arith.constant 32 : index
      %get3A_352 = tpu.vector_load %arg19[%get3A_350, %get3A_351] {strides = array<i32>} : memref<80x128xf32, #tpu.memory_space<vmem>>, vector<1x16xf32>,
      %get3A_353 = vector.shape_cast %get3A_352 : vector<1x16xf32> to vector<16xf32>
      %mul3A_354 = arith.mulf %get3A_349, %get3A_353 : vector<16xf32>
      %swap3A_355 = arith.index_cast %scan3A_290 : i32 to index
      %swap3A_356 = arith.constant 32 : index
      %swap3A_357 = tpu.vector_load %arg26[%swap3A_355, %swap3A_356] {strides = array<i32>} : memref<80x128xf32, #tpu.memory_space<vmem>>, vector<1x16xf32>,
      %swap3A_358 = vector.shape_cast %swap3A_357 : vector<1x16xf32> to vector<16xf32>
      %swap3A_359 = vector.shape_cast %mul3A_354 : vector<16xf32> to vector<1x16xf32>
      tpu.vector_store %arg26[%swap3A_355, %swap3A_356], %swap3A_359 {strides = array<i32>} : memref<80x128xf32, #tpu.memory_space<vmem>>, vector<1x16xf32>,
      %get3A_360 = arith.index_cast %scan3A_290 : i32 to index
      %get3A_361 = arith.constant 32 : index
      %get3A_362 = tpu.vector_load %arg20[%get3A_360, %get3A_361] {strides = array<i32>} : memref<80x128xf32, #tpu.memory_space<vmem>>, vector<1x16xf32>,
      %get3A_363 = vector.shape_cast %get3A_362 : vector<1x16xf32> to vector<16xf32>
      %get3A_364 = arith.index_cast %scan3A_290 : i32 to index
      %get3A_365 = arith.constant 32 : index
      %get3A_366 = tpu.vector_load %arg21[%get3A_364, %get3A_365] {strides = array<i32>} : memref<80x128xf32, #tpu.memory_space<vmem>>, vector<1x16xf32>,
      %get3A_367 = vector.shape_cast %get3A_366 : vector<1x16xf32> to vector<16xf32>
      %mul3A_368 = arith.mulf %get3A_363, %get3A_367 : vector<16xf32>
      %swap3A_369 = arith.index_cast %scan3A_290 : i32 to index
      %swap3A_370 = arith.constant 32 : index
      %swap3A_371 = tpu.vector_load %arg27[%swap3A_369, %swap3A_370] {strides = array<i32>} : memref<80x128xf32, #tpu.memory_space<vmem>>, vector<1x16xf32>,
      %swap3A_372 = vector.shape_cast %swap3A_371 : vector<1x16xf32> to vector<16xf32>
      %swap3A_373 = vector.shape_cast %mul3A_368 : vector<16xf32> to vector<1x16xf32>
      tpu.vector_store %arg27[%swap3A_369, %swap3A_370], %swap3A_373 {strides = array<i32>} : memref<80x128xf32, #tpu.memory_space<vmem>>, vector<1x16xf32>,
      %get3A_374 = arith.index_cast %scan3A_290 : i32 to index
      %get3A_375 = arith.constant 48 : index
      %get3A_376 = tpu.vector_load %arg18[%get3A_374, %get3A_375] {strides = array<i32>} : memref<80x128xf32, #tpu.memory_space<vmem>>, vector<1x16xf32>,
      %get3A_377 = vector.shape_cast %get3A_376 : vector<1x16xf32> to vector<16xf32>
      %get3A_378 = arith.index_cast %scan3A_290 : i32 to index
      %get3A_379 = arith.constant 48 : index
      %get3A_380 = tpu.vector_load %arg19[%get3A_378, %get3A_379] {strides = array<i32>} : memref<80x128xf32, #tpu.memory_space<vmem>>, vector<1x16xf32>,
      %get3A_381 = vector.shape_cast %get3A_380 : vector<1x16xf32> to vector<16xf32>
      %mul3A_382 = arith.mulf %get3A_377, %get3A_381 : vector<16xf32>
      %swap3A_383 = arith.index_cast %scan3A_290 : i32 to index
      %swap3A_384 = arith.constant 48 : index
      %swap3A_385 = tpu.vector_load %arg26[%swap3A_383, %swap3A_384] {strides = array<i32>} : memref<80x128xf32, #tpu.memory_space<vmem>>, vector<1x16xf32>,
      %swap3A_386 = vector.shape_cast %swap3A_385 : vector<1x16xf32> to vector<16xf32>
      %swap3A_387 = vector.shape_cast %mul3A_382 : vector<16xf32> to vector<1x16xf32>
      tpu.vector_store %arg26[%swap3A_383, %swap3A_384], %swap3A_387 {strides = array<i32>} : memref<80x128xf32, #tpu.memory_space<vmem>>, vector<1x16xf32>,
      %get3A_388 = arith.index_cast %scan3A_290 : i32 to index
      %get3A_389 = arith.constant 48 : index
      %get3A_390 = tpu.vector_load %arg20[%get3A_388, %get3A_389] {strides = array<i32>} : memref<80x128xf32, #tpu.memory_space<vmem>>, vector<1x16xf32>,
      %get3A_391 = vector.shape_cast %get3A_390 : vector<1x16xf32> to vector<16xf32>
      %get3A_392 = arith.index_cast %scan3A_290 : i32 to index
      %get3A_393 = arith.constant 48 : index
      %get3A_394 = tpu.vector_load %arg21[%get3A_392, %get3A_393] {strides = array<i32>} : memref<80x128xf32, #tpu.memory_space<vmem>>, vector<1x16xf32>,
      %get3A_395 = vector.shape_cast %get3A_394 : vector<1x16xf32> to vector<16xf32>
      %mul3A_396 = arith.mulf %get3A_391, %get3A_395 : vector<16xf32>
      %swap3A_397 = arith.index_cast %scan3A_290 : i32 to index
      %swap3A_398 = arith.constant 48 : index
      %swap3A_399 = tpu.vector_load %arg27[%swap3A_397, %swap3A_398] {strides = array<i32>} : memref<80x128xf32, #tpu.memory_space<vmem>>, vector<1x16xf32>,
      %swap3A_400 = vector.shape_cast %swap3A_399 : vector<1x16xf32> to vector<16xf32>
      %swap3A_401 = vector.shape_cast %mul3A_396 : vector<16xf32> to vector<1x16xf32>
      tpu.vector_store %arg27[%swap3A_397, %swap3A_398], %swap3A_401 {strides = array<i32>} : memref<80x128xf32, #tpu.memory_space<vmem>>, vector<1x16xf32>,
      %get3A_402 = arith.index_cast %scan3A_290 : i32 to index
      %get3A_403 = arith.constant 64 : index
      %get3A_404 = tpu.vector_load %arg18[%get3A_402, %get3A_403] {strides = array<i32>} : memref<80x128xf32, #tpu.memory_space<vmem>>, vector<1x16xf32>,
      %get3A_405 = vector.shape_cast %get3A_404 : vector<1x16xf32> to vector<16xf32>
      %get3A_406 = arith.index_cast %scan3A_290 : i32 to index
      %get3A_407 = arith.constant 64 : index
      %get3A_408 = tpu.vector_load %arg19[%get3A_406, %get3A_407] {strides = array<i32>} : memref<80x128xf32, #tpu.memory_space<vmem>>, vector<1x16xf32>,
      %get3A_409 = vector.shape_cast %get3A_408 : vector<1x16xf32> to vector<16xf32>
      %mul3A_410 = arith.mulf %get3A_405, %get3A_409 : vector<16xf32>
      %swap3A_411 = arith.index_cast %scan3A_290 : i32 to index
      %swap3A_412 = arith.constant 64 : index
      %swap3A_413 = tpu.vector_load %arg26[%swap3A_411, %swap3A_412] {strides = array<i32>} : memref<80x128xf32, #tpu.memory_space<vmem>>, vector<1x16xf32>,
      %swap3A_414 = vector.shape_cast %swap3A_413 : vector<1x16xf32> to vector<16xf32>
      %swap3A_415 = vector.shape_cast %mul3A_410 : vector<16xf32> to vector<1x16xf32>
      tpu.vector_store %arg26[%swap3A_411, %swap3A_412], %swap3A_415 {strides = array<i32>} : memref<80x128xf32, #tpu.memory_space<vmem>>, vector<1x16xf32>,
      %get3A_416 = arith.index_cast %scan3A_290 : i32 to index
      %get3A_417 = arith.constant 64 : index
      %get3A_418 = tpu.vector_load %arg20[%get3A_416, %get3A_417] {strides = array<i32>} : memref<80x128xf32, #tpu.memory_space<vmem>>, vector<1x16xf32>,
      %get3A_419 = vector.shape_cast %get3A_418 : vector<1x16xf32> to vector<16xf32>
      %get3A_420 = arith.index_cast %scan3A_290 : i32 to index
      %get3A_421 = arith.constant 64 : index
      %get3A_422 = tpu.vector_load %arg21[%get3A_420, %get3A_421] {strides = array<i32>} : memref<80x128xf32, #tpu.memory_space<vmem>>, vector<1x16xf32>,
      %get3A_423 = vector.shape_cast %get3A_422 : vector<1x16xf32> to vector<16xf32>
      %mul3A_424 = arith.mulf %get3A_419, %get3A_423 : vector<16xf32>
      %swap3A_425 = arith.index_cast %scan3A_290 : i32 to index
      %swap3A_426 = arith.constant 64 : index
      %swap3A_427 = tpu.vector_load %arg27[%swap3A_425, %swap3A_426] {strides = array<i32>} : memref<80x128xf32, #tpu.memory_space<vmem>>, vector<1x16xf32>,
      %swap3A_428 = vector.shape_cast %swap3A_427 : vector<1x16xf32> to vector<16xf32>
      %swap3A_429 = vector.shape_cast %mul3A_424 : vector<16xf32> to vector<1x16xf32>
      tpu.vector_store %arg27[%swap3A_425, %swap3A_426], %swap3A_429 {strides = array<i32>} : memref<80x128xf32, #tpu.memory_space<vmem>>, vector<1x16xf32>,
      %get3A_430 = arith.index_cast %scan3A_290 : i32 to index
      %get3A_431 = arith.constant 80 : index
      %get3A_432 = tpu.vector_load %arg18[%get3A_430, %get3A_431] {strides = array<i32>} : memref<80x128xf32, #tpu.memory_space<vmem>>, vector<1x16xf32>,
      %get3A_433 = vector.shape_cast %get3A_432 : vector<1x16xf32> to vector<16xf32>
      %get3A_434 = arith.index_cast %scan3A_290 : i32 to index
      %get3A_435 = arith.constant 80 : index
      %get3A_436 = tpu.vector_load %arg19[%get3A_434, %get3A_435] {strides = array<i32>} : memref<80x128xf32, #tpu.memory_space<vmem>>, vector<1x16xf32>,
      %get3A_437 = vector.shape_cast %get3A_436 : vector<1x16xf32> to vector<16xf32>
      %mul3A_438 = arith.mulf %get3A_433, %get3A_437 : vector<16xf32>
      %swap3A_439 = arith.index_cast %scan3A_290 : i32 to index
      %swap3A_440 = arith.constant 80 : index
      %swap3A_441 = tpu.vector_load %arg26[%swap3A_439, %swap3A_440] {strides = array<i32>} : memref<80x128xf32, #tpu.memory_space<vmem>>, vector<1x16xf32>,
      %swap3A_442 = vector.shape_cast %swap3A_441 : vector<1x16xf32> to vector<16xf32>
      %swap3A_443 = vector.shape_cast %mul3A_438 : vector<16xf32> to vector<1x16xf32>
      tpu.vector_store %arg26[%swap3A_439, %swap3A_440], %swap3A_443 {strides = array<i32>} : memref<80x128xf32, #tpu.memory_space<vmem>>, vector<1x16xf32>,
      %get3A_444 = arith.index_cast %scan3A_290 : i32 to index
      %get3A_445 = arith.constant 80 : index
      %get3A_446 = tpu.vector_load %arg20[%get3A_444, %get3A_445] {strides = array<i32>} : memref<80x128xf32, #tpu.memory_space<vmem>>, vector<1x16xf32>,
      %get3A_447 = vector.shape_cast %get3A_446 : vector<1x16xf32> to vector<16xf32>
      %get3A_448 = arith.index_cast %scan3A_290 : i32 to index
      %get3A_449 = arith.constant 80 : index
      %get3A_450 = tpu.vector_load %arg21[%get3A_448, %get3A_449] {strides = array<i32>} : memref<80x128xf32, #tpu.memory_space<vmem>>, vector<1x16xf32>,
      %get3A_451 = vector.shape_cast %get3A_450 : vector<1x16xf32> to vector<16xf32>
      %mul3A_452 = arith.mulf %get3A_447, %get3A_451 : vector<16xf32>
      %swap3A_453 = arith.index_cast %scan3A_290 : i32 to index
      %swap3A_454 = arith.constant 80 : index
      %swap3A_455 = tpu.vector_load %arg27[%swap3A_453, %swap3A_454] {strides = array<i32>} : memref<80x128xf32, #tpu.memory_space<vmem>>, vector<1x16xf32>,
      %swap3A_456 = vector.shape_cast %swap3A_455 : vector<1x16xf32> to vector<16xf32>
      %swap3A_457 = vector.shape_cast %mul3A_452 : vector<16xf32> to vector<1x16xf32>
      tpu.vector_store %arg27[%swap3A_453, %swap3A_454], %swap3A_457 {strides = array<i32>} : memref<80x128xf32, #tpu.memory_space<vmem>>, vector<1x16xf32>,
      %get3A_458 = arith.index_cast %scan3A_290 : i32 to index
      %get3A_459 = arith.constant 96 : index
      %get3A_460 = tpu.vector_load %arg18[%get3A_458, %get3A_459] {strides = array<i32>} : memref<80x128xf32, #tpu.memory_space<vmem>>, vector<1x16xf32>,
      %get3A_461 = vector.shape_cast %get3A_460 : vector<1x16xf32> to vector<16xf32>
      %get3A_462 = arith.index_cast %scan3A_290 : i32 to index
      %get3A_463 = arith.constant 96 : index
      %get3A_464 = tpu.vector_load %arg19[%get3A_462, %get3A_463] {strides = array<i32>} : memref<80x128xf32, #tpu.memory_space<vmem>>, vector<1x16xf32>,
      %get3A_465 = vector.shape_cast %get3A_464 : vector<1x16xf32> to vector<16xf32>
      %mul3A_466 = arith.mulf %get3A_461, %get3A_465 : vector<16xf32>
      %swap3A_467 = arith.index_cast %scan3A_290 : i32 to index
      %swap3A_468 = arith.constant 96 : index
      %swap3A_469 = tpu.vector_load %arg26[%swap3A_467, %swap3A_468] {strides = array<i32>} : memref<80x128xf32, #tpu.memory_space<vmem>>, vector<1x16xf32>,
      %swap3A_470 = vector.shape_cast %swap3A_469 : vector<1x16xf32> to vector<16xf32>
      %swap3A_471 = vector.shape_cast %mul3A_466 : vector<16xf32> to vector<1x16xf32>
      tpu.vector_store %arg26[%swap3A_467, %swap3A_468], %swap3A_471 {strides = array<i32>} : memref<80x128xf32, #tpu.memory_space<vmem>>, vector<1x16xf32>,
      %get3A_472 = arith.index_cast %scan3A_290 : i32 to index
      %get3A_473 = arith.constant 96 : index
      %get3A_474 = tpu.vector_load %arg20[%get3A_472, %get3A_473] {strides = array<i32>} : memref<80x128xf32, #tpu.memory_space<vmem>>, vector<1x16xf32>,
      %get3A_475 = vector.shape_cast %get3A_474 : vector<1x16xf32> to vector<16xf32>
      %get3A_476 = arith.index_cast %scan3A_290 : i32 to index
      %get3A_477 = arith.constant 96 : index
      %get3A_478 = tpu.vector_load %arg21[%get3A_476, %get3A_477] {strides = array<i32>} : memref<80x128xf32, #tpu.memory_space<vmem>>, vector<1x16xf32>,
      %get3A_479 = vector.shape_cast %get3A_478 : vector<1x16xf32> to vector<16xf32>
      %mul3A_480 = arith.mulf %get3A_475, %get3A_479 : vector<16xf32>
      %swap3A_481 = arith.index_cast %scan3A_290 : i32 to index
      %swap3A_482 = arith.constant 96 : index
      %swap3A_483 = tpu.vector_load %arg27[%swap3A_481, %swap3A_482] {strides = array<i32>} : memref<80x128xf32, #tpu.memory_space<vmem>>, vector<1x16xf32>,
      %swap3A_484 = vector.shape_cast %swap3A_483 : vector<1x16xf32> to vector<16xf32>
      %swap3A_485 = vector.shape_cast %mul3A_480 : vector<16xf32> to vector<1x16xf32>
      tpu.vector_store %arg27[%swap3A_481, %swap3A_482], %swap3A_485 {strides = array<i32>} : memref<80x128xf32, #tpu.memory_space<vmem>>, vector<1x16xf32>,
      %get3A_486 = arith.index_cast %scan3A_290 : i32 to index
      %get3A_487 = arith.constant 112 : index
      %get3A_488 = tpu.vector_load %arg18[%get3A_486, %get3A_487] {strides = array<i32>} : memref<80x128xf32, #tpu.memory_space<vmem>>, vector<1x16xf32>,
      %get3A_489 = vector.shape_cast %get3A_488 : vector<1x16xf32> to vector<16xf32>
      %get3A_490 = arith.index_cast %scan3A_290 : i32 to index
      %get3A_491 = arith.constant 112 : index
      %get3A_492 = tpu.vector_load %arg19[%get3A_490, %get3A_491] {strides = array<i32>} : memref<80x128xf32, #tpu.memory_space<vmem>>, vector<1x16xf32>,
      %get3A_493 = vector.shape_cast %get3A_492 : vector<1x16xf32> to vector<16xf32>
      %mul3A_494 = arith.mulf %get3A_489, %get3A_493 : vector<16xf32>
      %swap3A_495 = arith.index_cast %scan3A_290 : i32 to index
      %swap3A_496 = arith.constant 112 : index
      %swap3A_497 = tpu.vector_load %arg26[%swap3A_495, %swap3A_496] {strides = array<i32>} : memref<80x128xf32, #tpu.memory_space<vmem>>, vector<1x16xf32>,
      %swap3A_498 = vector.shape_cast %swap3A_497 : vector<1x16xf32> to vector<16xf32>
      %swap3A_499 = vector.shape_cast %mul3A_494 : vector<16xf32> to vector<1x16xf32>
      tpu.vector_store %arg26[%swap3A_495, %swap3A_496], %swap3A_499 {strides = array<i32>} : memref<80x128xf32, #tpu.memory_space<vmem>>, vector<1x16xf32>,
      %get3A_500 = arith.index_cast %scan3A_290 : i32 to index
      %get3A_501 = arith.constant 112 : index
      %get3A_502 = tpu.vector_load %arg20[%get3A_500, %get3A_501] {strides = array<i32>} : memref<80x128xf32, #tpu.memory_space<vmem>>, vector<1x16xf32>,
      %get3A_503 = vector.shape_cast %get3A_502 : vector<1x16xf32> to vector<16xf32>
      %get3A_504 = arith.index_cast %scan3A_290 : i32 to index
      %get3A_505 = arith.constant 112 : index
      %get3A_506 = tpu.vector_load %arg21[%get3A_504, %get3A_505] {strides = array<i32>} : memref<80x128xf32, #tpu.memory_space<vmem>>, vector<1x16xf32>,
      %get3A_507 = vector.shape_cast %get3A_506 : vector<1x16xf32> to vector<16xf32>
      %mul3A_508 = arith.mulf %get3A_503, %get3A_507 : vector<16xf32>
      %swap3A_509 = arith.index_cast %scan3A_290 : i32 to index
      %swap3A_510 = arith.constant 112 : index
      %swap3A_511 = tpu.vector_load %arg27[%swap3A_509, %swap3A_510] {strides = array<i32>} : memref<80x128xf32, #tpu.memory_space<vmem>>, vector<1x16xf32>,
      %swap3A_512 = vector.shape_cast %swap3A_511 : vector<1x16xf32> to vector<16xf32>
      %swap3A_513 = vector.shape_cast %mul3A_508 : vector<16xf32> to vector<1x16xf32>
      tpu.vector_store %arg27[%swap3A_509, %swap3A_510], %swap3A_513 {strides = array<i32>} : memref<80x128xf32, #tpu.memory_space<vmem>>, vector<1x16xf32>,
      %scan3A_514 = arith.constant 0 : i32
      scf.yield %scan3A_514 : i32
    }
    %scan3A_120 = arith.constant 80 : i32
    %mul3A_121 = arith.constant 10000 : i32
    %mul3A_122 = arith.muli %add3A, %mul3A_121 : i32
    %add3A_123 = arith.constant 0 : i32
    %add3A_124 = arith.addi %mul3A_122, %add3A_123 : i32
    %dma_start3A_125 = arith.constant 0 : i32
    %dma_start3A_126 = tpu.memref_slice %arg8[%add3A_124, %dma_start3A_125] : memref<320000x128xf32, #tpu.memory_space<hbm>> -> memref<80x128xf32, #tpu.memory_space<hbm>>
    %dma_start3A_127 = arith.constant 0 : i32
    %dma_start3A_128 = tpu.memref_slice %arg8[%add3A_124, %dma_start3A_127] : memref<320000x128xf32, #tpu.memory_space<hbm>> -> memref<80x128xf32, #tpu.memory_space<hbm>>
    tpu.enqueue_dma source(%arg26 : memref<80x128xf32, #tpu.memory_space<vmem>>) target(%dma_start3A_128 : memref<80x128xf32, #tpu.memory_space<hbm>>) target_semaphore(%arg32 : memref<!tpu.dma_semaphore, #tpu.memory_space<semaphore_mem>>)
    %dma_start3A_129 = arith.constant 0 : i32
    %dma_start3A_130 = tpu.memref_slice %arg9[%add3A_124, %dma_start3A_129] : memref<320000x128xf32, #tpu.memory_space<hbm>> -> memref<80x128xf32, #tpu.memory_space<hbm>>
    %dma_start3A_131 = arith.constant 0 : i32
    %dma_start3A_132 = tpu.memref_slice %arg9[%add3A_124, %dma_start3A_131] : memref<320000x128xf32, #tpu.memory_space<hbm>> -> memref<80x128xf32, #tpu.memory_space<hbm>>
    tpu.enqueue_dma source(%arg27 : memref<80x128xf32, #tpu.memory_space<vmem>>) target(%dma_start3A_132 : memref<80x128xf32, #tpu.memory_space<hbm>>) target_semaphore(%arg32 : memref<!tpu.dma_semaphore, #tpu.memory_space<semaphore_mem>>)
    %dma_wait3A_133 = arith.constant 0 : i32
    %dma_wait3A_134 = tpu.memref_slice %arg4[%dma_wait3A_133] : memref<320000xi32, #tpu.memory_space<hbm>> -> memref<80xi32, #tpu.memory_space<hbm>>
    %dma_wait3A_135 = arith.constant 0 : i32
    %dma_wait3A_136 = tpu.memref_slice %arg4[%dma_wait3A_135] : memref<320000xi32, #tpu.memory_space<hbm>> -> memref<80xi32, #tpu.memory_space<hbm>>
    tpu.wait_dma2 semaphore(%arg30 : memref<!tpu.dma_semaphore, #tpu.memory_space<semaphore_mem>>) src(%dma_wait3A_136 : memref<80xi32, #tpu.memory_space<hbm>>) dst(%arg10 : memref<80xi32, #tpu.memory_space<vmem>>)
    %dma_wait3A_137 = arith.constant 0 : i32
    %dma_wait3A_138 = tpu.memref_slice %arg5[%dma_wait3A_137] : memref<320000xi32, #tpu.memory_space<hbm>> -> memref<80xi32, #tpu.memory_space<hbm>>
    %dma_wait3A_139 = arith.constant 0 : i32
    %dma_wait3A_140 = tpu.memref_slice %arg5[%dma_wait3A_139] : memref<320000xi32, #tpu.memory_space<hbm>> -> memref<80xi32, #tpu.memory_space<hbm>>
    tpu.wait_dma2 semaphore(%arg30 : memref<!tpu.dma_semaphore, #tpu.memory_space<semaphore_mem>>) src(%dma_wait3A_140 : memref<80xi32, #tpu.memory_space<hbm>>) dst(%arg11 : memref<80xi32, #tpu.memory_space<vmem>>)
    %dma_wait3A_141 = arith.constant 0 : i32
    %dma_wait3A_142 = tpu.memref_slice %arg6[%dma_wait3A_141] : memref<320000xi32, #tpu.memory_space<hbm>> -> memref<80xi32, #tpu.memory_space<hbm>>
    %dma_wait3A_143 = arith.constant 0 : i32
    %dma_wait3A_144 = tpu.memref_slice %arg6[%dma_wait3A_143] : memref<320000xi32, #tpu.memory_space<hbm>> -> memref<80xi32, #tpu.memory_space<hbm>>
    tpu.wait_dma2 semaphore(%arg30 : memref<!tpu.dma_semaphore, #tpu.memory_space<semaphore_mem>>) src(%dma_wait3A_144 : memref<80xi32, #tpu.memory_space<hbm>>) dst(%arg12 : memref<80xi32, #tpu.memory_space<vmem>>)
    %dma_wait3A_145 = arith.constant 0 : i32
    %dma_wait3A_146 = tpu.memref_slice %arg7[%dma_wait3A_145] : memref<320000xi32, #tpu.memory_space<hbm>> -> memref<80xi32, #tpu.memory_space<hbm>>
    %dma_wait3A_147 = arith.constant 0 : i32
    %dma_wait3A_148 = tpu.memref_slice %arg7[%dma_wait3A_147] : memref<320000xi32, #tpu.memory_space<hbm>> -> memref<80xi32, #tpu.memory_space<hbm>>
    tpu.wait_dma2 semaphore(%arg30 : memref<!tpu.dma_semaphore, #tpu.memory_space<semaphore_mem>>) src(%dma_wait3A_148 : memref<80xi32, #tpu.memory_space<hbm>>) dst(%arg13 : memref<80xi32, #tpu.memory_space<vmem>>)
    %dma_start3A_149 = arith.constant 0 : i32
    %dma_start3A_150 = arith.constant 0 : i32
    %dma_start3A_151 = tpu.memref_slice %arg2[%dma_start3A_149, %dma_start3A_150] : memref<10000x128xf32, #tpu.memory_space<hbm>> -> memref<10000x128xf32, #tpu.memory_space<hbm>>
    tpu.enqueue_indirect_dma source(%dma_start3A_151 : memref<10000x128xf32, #tpu.memory_space<hbm>>) target(%arg18 : memref<80x128xf32, #tpu.memory_space<vmem>>) offsets(%arg10 : memref<80xi32, #tpu.memory_space<vmem>>) semaphore(%arg28 : memref<!tpu.dma_semaphore, #tpu.memory_space<semaphore_mem>>)
    %dma_start3A_152 = arith.constant 0 : i32
    %dma_start3A_153 = arith.constant 0 : i32
    %dma_start3A_154 = tpu.memref_slice %arg2[%dma_start3A_152, %dma_start3A_153] : memref<10000x128xf32, #tpu.memory_space<hbm>> -> memref<10000x128xf32, #tpu.memory_space<hbm>>
    tpu.enqueue_indirect_dma source(%dma_start3A_154 : memref<10000x128xf32, #tpu.memory_space<hbm>>) target(%arg19 : memref<80x128xf32, #tpu.memory_space<vmem>>) offsets(%arg11 : memref<80xi32, #tpu.memory_space<vmem>>) semaphore(%arg28 : memref<!tpu.dma_semaphore, #tpu.memory_space<semaphore_mem>>)
    %dma_start3A_155 = arith.constant 0 : i32
    %dma_start3A_156 = arith.constant 0 : i32
    %dma_start3A_157 = tpu.memref_slice %arg3[%dma_start3A_155, %dma_start3A_156] : memref<10000x128xf32, #tpu.memory_space<hbm>> -> memref<10000x128xf32, #tpu.memory_space<hbm>>
    tpu.enqueue_indirect_dma source(%dma_start3A_157 : memref<10000x128xf32, #tpu.memory_space<hbm>>) target(%arg20 : memref<80x128xf32, #tpu.memory_space<vmem>>) offsets(%arg12 : memref<80xi32, #tpu.memory_space<vmem>>) semaphore(%arg28 : memref<!tpu.dma_semaphore, #tpu.memory_space<semaphore_mem>>)
    %dma_start3A_158 = arith.constant 0 : i32
    %dma_start3A_159 = arith.constant 0 : i32
    %dma_start3A_160 = tpu.memref_slice %arg3[%dma_start3A_158, %dma_start3A_159] : memref<10000x128xf32, #tpu.memory_space<hbm>> -> memref<10000x128xf32, #tpu.memory_space<hbm>>
    tpu.enqueue_indirect_dma source(%dma_start3A_160 : memref<10000x128xf32, #tpu.memory_space<hbm>>) target(%arg21 : memref<80x128xf32, #tpu.memory_space<vmem>>) offsets(%arg13 : memref<80xi32, #tpu.memory_space<vmem>>) semaphore(%arg28 : memref<!tpu.dma_semaphore, #tpu.memory_space<semaphore_mem>>)
    %scan3A_161 = arith.constant 0 : i32
    %scan3A_162 = arith.constant 0 : i32
    %scan3A_163 = arith.constant 61 : i32
    %scan3A_164 = arith.addi %scan3A_162, %scan3A_163 : i32
    %scan3A_165 = arith.constant 1 : i32
    %scan3A_166 = scf.for %scan3A_290 = %scan3A_162 to %scan3A_164 step %scan3A_165 iter_args(%scan3A_291 = %scan3A_161) -> (i32)  : i32 {
      %mul3A_292 = arith.constant 2 : i32
      %mul3A_293 = arith.muli %mul3A_292, %scan3A_290 : i32
      %add3A_294 = arith.constant 1 : i32
      %add3A_295 = arith.addi %mul3A_293, %add3A_294 : i32
      %dma_wait3A_296 = arith.constant 0 : i32
      %dma_wait3A_297 = arith.constant 0 : i32
      %dma_wait3A_298 = tpu.memref_slice %arg2[%dma_wait3A_296, %dma_wait3A_297] : memref<10000x128xf32, #tpu.memory_space<hbm>> -> memref<80x128xf32, #tpu.memory_space<hbm>>
      %dma_wait3A_299 = arith.constant 0 : i32
      %dma_wait3A_300 = arith.constant 0 : i32
      %dma_wait3A_301 = tpu.memref_slice %arg2[%dma_wait3A_299, %dma_wait3A_300] : memref<10000x128xf32, #tpu.memory_space<hbm>> -> memref<80x128xf32, #tpu.memory_space<hbm>>
      tpu.wait_dma2 semaphore(%arg29 : memref<!tpu.dma_semaphore, #tpu.memory_space<semaphore_mem>>) src(%dma_wait3A_301 : memref<80x128xf32, #tpu.memory_space<hbm>>) dst(%arg22 : memref<80x128xf32, #tpu.memory_space<vmem>>)
      %dma_wait3A_302 = arith.constant 0 : i32
      %dma_wait3A_303 = arith.constant 0 : i32
      %dma_wait3A_304 = tpu.memref_slice %arg2[%dma_wait3A_302, %dma_wait3A_303] : memref<10000x128xf32, #tpu.memory_space<hbm>> -> memref<80x128xf32, #tpu.memory_space<hbm>>
      %dma_wait3A_305 = arith.constant 0 : i32
      %dma_wait3A_306 = arith.constant 0 : i32
      %dma_wait3A_307 = tpu.memref_slice %arg2[%dma_wait3A_305, %dma_wait3A_306] : memref<10000x128xf32, #tpu.memory_space<hbm>> -> memref<80x128xf32, #tpu.memory_space<hbm>>
      tpu.wait_dma2 semaphore(%arg29 : memref<!tpu.dma_semaphore, #tpu.memory_space<semaphore_mem>>) src(%dma_wait3A_307 : memref<80x128xf32, #tpu.memory_space<hbm>>) dst(%arg23 : memref<80x128xf32, #tpu.memory_space<vmem>>)
      %dma_wait3A_308 = arith.constant 0 : i32
      %dma_wait3A_309 = arith.constant 0 : i32
      %dma_wait3A_310 = tpu.memref_slice %arg2[%dma_wait3A_308, %dma_wait3A_309] : memref<10000x128xf32, #tpu.memory_space<hbm>> -> memref<80x128xf32, #tpu.memory_space<hbm>>
      %dma_wait3A_311 = arith.constant 0 : i32
      %dma_wait3A_312 = arith.constant 0 : i32
      %dma_wait3A_313 = tpu.memref_slice %arg2[%dma_wait3A_311, %dma_wait3A_312] : memref<10000x128xf32, #tpu.memory_space<hbm>> -> memref<80x128xf32, #tpu.memory_space<hbm>>
      tpu.wait_dma2 semaphore(%arg29 : memref<!tpu.dma_semaphore, #tpu.memory_space<semaphore_mem>>) src(%dma_wait3A_313 : memref<80x128xf32, #tpu.memory_space<hbm>>) dst(%arg24 : memref<80x128xf32, #tpu.memory_space<vmem>>)
      %dma_wait3A_314 = arith.constant 0 : i32
      %dma_wait3A_315 = arith.constant 0 : i32
      %dma_wait3A_316 = tpu.memref_slice %arg2[%dma_wait3A_314, %dma_wait3A_315] : memref<10000x128xf32, #tpu.memory_space<hbm>> -> memref<80x128xf32, #tpu.memory_space<hbm>>
      %dma_wait3A_317 = arith.constant 0 : i32
      %dma_wait3A_318 = arith.constant 0 : i32
      %dma_wait3A_319 = tpu.memref_slice %arg2[%dma_wait3A_317, %dma_wait3A_318] : memref<10000x128xf32, #tpu.memory_space<hbm>> -> memref<80x128xf32, #tpu.memory_space<hbm>>
      tpu.wait_dma2 semaphore(%arg29 : memref<!tpu.dma_semaphore, #tpu.memory_space<semaphore_mem>>) src(%dma_wait3A_319 : memref<80x128xf32, #tpu.memory_space<hbm>>) dst(%arg25 : memref<80x128xf32, #tpu.memory_space<vmem>>)
      %add3A_320 = arith.constant 2 : i32
      %add3A_321 = arith.addi %add3A_295, %add3A_320 : i32
      %mul3A_322 = arith.constant 10000 : i32
      %mul3A_323 = arith.muli %add3A, %mul3A_322 : i32
      %mul3A_324 = arith.constant 80 : i32
      %mul3A_325 = arith.muli %add3A_321, %mul3A_324 : i32
      %add3A_326 = arith.addi %mul3A_323, %mul3A_325 : i32
      %dma_start3A_327 = tpu.memref_slice %arg4[%add3A_326] : memref<320000xi32, #tpu.memory_space<hbm>> -> memref<80xi32, #tpu.memory_space<hbm>>
      %dma_start3A_328 = tpu.memref_slice %arg4[%add3A_326] : memref<320000xi32, #tpu.memory_space<hbm>> -> memref<80xi32, #tpu.memory_space<hbm>>
      tpu.enqueue_dma source(%dma_start3A_328 : memref<80xi32, #tpu.memory_space<hbm>>) target(%arg14 : memref<80xi32, #tpu.memory_space<vmem>>) target_semaphore(%arg31 : memref<!tpu.dma_semaphore, #tpu.memory_space<semaphore_mem>>)
      %dma_start3A_329 = tpu.memref_slice %arg5[%add3A_326] : memref<320000xi32, #tpu.memory_space<hbm>> -> memref<80xi32, #tpu.memory_space<hbm>>
      %dma_start3A_330 = tpu.memref_slice %arg5[%add3A_326] : memref<320000xi32, #tpu.memory_space<hbm>> -> memref<80xi32, #tpu.memory_space<hbm>>
      tpu.enqueue_dma source(%dma_start3A_330 : memref<80xi32, #tpu.memory_space<hbm>>) target(%arg15 : memref<80xi32, #tpu.memory_space<vmem>>) target_semaphore(%arg31 : memref<!tpu.dma_semaphore, #tpu.memory_space<semaphore_mem>>)
      %dma_start3A_331 = tpu.memref_slice %arg6[%add3A_326] : memref<320000xi32, #tpu.memory_space<hbm>> -> memref<80xi32, #tpu.memory_space<hbm>>
      %dma_start3A_332 = tpu.memref_slice %arg6[%add3A_326] : memref<320000xi32, #tpu.memory_space<hbm>> -> memref<80xi32, #tpu.memory_space<hbm>>
      tpu.enqueue_dma source(%dma_start3A_332 : memref<80xi32, #tpu.memory_space<hbm>>) target(%arg16 : memref<80xi32, #tpu.memory_space<vmem>>) target_semaphore(%arg31 : memref<!tpu.dma_semaphore, #tpu.memory_space<semaphore_mem>>)
      %dma_start3A_333 = tpu.memref_slice %arg7[%add3A_326] : memref<320000xi32, #tpu.memory_space<hbm>> -> memref<80xi32, #tpu.memory_space<hbm>>
      %dma_start3A_334 = tpu.memref_slice %arg7[%add3A_326] : memref<320000xi32, #tpu.memory_space<hbm>> -> memref<80xi32, #tpu.memory_space<hbm>>
      tpu.enqueue_dma source(%dma_start3A_334 : memref<80xi32, #tpu.memory_space<hbm>>) target(%arg17 : memref<80xi32, #tpu.memory_space<vmem>>) target_semaphore(%arg31 : memref<!tpu.dma_semaphore, #tpu.memory_space<semaphore_mem>>)
      %dma_wait3A_335 = arith.constant 0 : i32
      %dma_wait3A_336 = arith.constant 0 : i32
      %dma_wait3A_337 = tpu.memref_slice %arg8[%dma_wait3A_335, %dma_wait3A_336] : memref<320000x128xf32, #tpu.memory_space<hbm>> -> memref<80x128xf32, #tpu.memory_space<hbm>>
      %dma_wait3A_338 = arith.constant 0 : i32
      %dma_wait3A_339 = arith.constant 0 : i32
      %dma_wait3A_340 = tpu.memref_slice %arg8[%dma_wait3A_338, %dma_wait3A_339] : memref<320000x128xf32, #tpu.memory_space<hbm>> -> memref<80x128xf32, #tpu.memory_space<hbm>>
      tpu.wait_dma2 semaphore(%arg32 : memref<!tpu.dma_semaphore, #tpu.memory_space<semaphore_mem>>) src(%dma_wait3A_340 : memref<80x128xf32, #tpu.memory_space<hbm>>) dst(%arg26 : memref<80x128xf32, #tpu.memory_space<vmem>>)
      %dma_wait3A_341 = arith.constant 0 : i32
      %dma_wait3A_342 = arith.constant 0 : i32
      %dma_wait3A_343 = tpu.memref_slice %arg9[%dma_wait3A_341, %dma_wait3A_342] : memref<320000x128xf32, #tpu.memory_space<hbm>> -> memref<80x128xf32, #tpu.memory_space<hbm>>
      %dma_wait3A_344 = arith.constant 0 : i32
      %dma_wait3A_345 = arith.constant 0 : i32
      %dma_wait3A_346 = tpu.memref_slice %arg9[%dma_wait3A_344, %dma_wait3A_345] : memref<320000x128xf32, #tpu.memory_space<hbm>> -> memref<80x128xf32, #tpu.memory_space<hbm>>
      tpu.wait_dma2 semaphore(%arg32 : memref<!tpu.dma_semaphore, #tpu.memory_space<semaphore_mem>>) src(%dma_wait3A_346 : memref<80x128xf32, #tpu.memory_space<hbm>>) dst(%arg27 : memref<80x128xf32, #tpu.memory_space<vmem>>)
      %scan3A_347 = arith.constant 0 : i32
      %scan3A_348 = arith.constant 0 : i32
      %scan3A_349 = arith.constant 80 : i32
      %scan3A_350 = arith.addi %scan3A_348, %scan3A_349 : i32
      %scan3A_351 = arith.constant 1 : i32
      %scan3A_352 = scf.for %scan3A_503 = %scan3A_348 to %scan3A_350 step %scan3A_351 iter_args(%scan3A_504 = %scan3A_347) -> (i32)  : i32 {
        %get3A = arith.index_cast %scan3A_503 : i32 to index
        %get3A_505 = arith.constant 0 : index
        %get3A_506 = tpu.vector_load %arg22[%get3A, %get3A_505] {strides = array<i32>} : memref<80x128xf32, #tpu.memory_space<vmem>>, vector<1x16xf32>,
        %get3A_507 = vector.shape_cast %get3A_506 : vector<1x16xf32> to vector<16xf32>
        %get3A_508 = arith.index_cast %scan3A_503 : i32 to index
        %get3A_509 = arith.constant 0 : index
        %get3A_510 = tpu.vector_load %arg23[%get3A_508, %get3A_509] {strides = array<i32>} : memref<80x128xf32, #tpu.memory_space<vmem>>, vector<1x16xf32>,
        %get3A_511 = vector.shape_cast %get3A_510 : vector<1x16xf32> to vector<16xf32>
        %mul3A_512 = arith.mulf %get3A_507, %get3A_511 : vector<16xf32>
        %swap3A = arith.index_cast %scan3A_503 : i32 to index
        %swap3A_513 = arith.constant 0 : index
        %swap3A_514 = tpu.vector_load %arg26[%swap3A, %swap3A_513] {strides = array<i32>} : memref<80x128xf32, #tpu.memory_space<vmem>>, vector<1x16xf32>,
        %swap3A_515 = vector.shape_cast %swap3A_514 : vector<1x16xf32> to vector<16xf32>
        %swap3A_516 = vector.shape_cast %mul3A_512 : vector<16xf32> to vector<1x16xf32>
        tpu.vector_store %arg26[%swap3A, %swap3A_513], %swap3A_516 {strides = array<i32>} : memref<80x128xf32, #tpu.memory_space<vmem>>, vector<1x16xf32>,
        %get3A_517 = arith.index_cast %scan3A_503 : i32 to index
        %get3A_518 = arith.constant 0 : index
        %get3A_519 = tpu.vector_load %arg24[%get3A_517, %get3A_518] {strides = array<i32>} : memref<80x128xf32, #tpu.memory_space<vmem>>, vector<1x16xf32>,
        %get3A_520 = vector.shape_cast %get3A_519 : vector<1x16xf32> to vector<16xf32>
        %get3A_521 = arith.index_cast %scan3A_503 : i32 to index
        %get3A_522 = arith.constant 0 : index
        %get3A_523 = tpu.vector_load %arg25[%get3A_521, %get3A_522] {strides = array<i32>} : memref<80x128xf32, #tpu.memory_space<vmem>>, vector<1x16xf32>,
        %get3A_524 = vector.shape_cast %get3A_523 : vector<1x16xf32> to vector<16xf32>
        %mul3A_525 = arith.mulf %get3A_520, %get3A_524 : vector<16xf32>
        %swap3A_526 = arith.index_cast %scan3A_503 : i32 to index
        %swap3A_527 = arith.constant 0 : index
        %swap3A_528 = tpu.vector_load %arg27[%swap3A_526, %swap3A_527] {strides = array<i32>} : memref<80x128xf32, #tpu.memory_space<vmem>>, vector<1x16xf32>,
        %swap3A_529 = vector.shape_cast %swap3A_528 : vector<1x16xf32> to vector<16xf32>
        %swap3A_530 = vector.shape_cast %mul3A_525 : vector<16xf32> to vector<1x16xf32>
        tpu.vector_store %arg27[%swap3A_526, %swap3A_527], %swap3A_530 {strides = array<i32>} : memref<80x128xf32, #tpu.memory_space<vmem>>, vector<1x16xf32>,
        %get3A_531 = arith.index_cast %scan3A_503 : i32 to index
        %get3A_532 = arith.constant 16 : index
        %get3A_533 = tpu.vector_load %arg22[%get3A_531, %get3A_532] {strides = array<i32>} : memref<80x128xf32, #tpu.memory_space<vmem>>, vector<1x16xf32>,
        %get3A_534 = vector.shape_cast %get3A_533 : vector<1x16xf32> to vector<16xf32>
        %get3A_535 = arith.index_cast %scan3A_503 : i32 to index
        %get3A_536 = arith.constant 16 : index
        %get3A_537 = tpu.vector_load %arg23[%get3A_535, %get3A_536] {strides = array<i32>} : memref<80x128xf32, #tpu.memory_space<vmem>>, vector<1x16xf32>,
        %get3A_538 = vector.shape_cast %get3A_537 : vector<1x16xf32> to vector<16xf32>
        %mul3A_539 = arith.mulf %get3A_534, %get3A_538 : vector<16xf32>
        %swap3A_540 = arith.index_cast %scan3A_503 : i32 to index
        %swap3A_541 = arith.constant 16 : index
        %swap3A_542 = tpu.vector_load %arg26[%swap3A_540, %swap3A_541] {strides = array<i32>} : memref<80x128xf32, #tpu.memory_space<vmem>>, vector<1x16xf32>,
        %swap3A_543 = vector.shape_cast %swap3A_542 : vector<1x16xf32> to vector<16xf32>
        %swap3A_544 = vector.shape_cast %mul3A_539 : vector<16xf32> to vector<1x16xf32>
        tpu.vector_store %arg26[%swap3A_540, %swap3A_541], %swap3A_544 {strides = array<i32>} : memref<80x128xf32, #tpu.memory_space<vmem>>, vector<1x16xf32>,
        %get3A_545 = arith.index_cast %scan3A_503 : i32 to index
        %get3A_546 = arith.constant 16 : index
        %get3A_547 = tpu.vector_load %arg24[%get3A_545, %get3A_546] {strides = array<i32>} : memref<80x128xf32, #tpu.memory_space<vmem>>, vector<1x16xf32>,
        %get3A_548 = vector.shape_cast %get3A_547 : vector<1x16xf32> to vector<16xf32>
        %get3A_549 = arith.index_cast %scan3A_503 : i32 to index
        %get3A_550 = arith.constant 16 : index
        %get3A_551 = tpu.vector_load %arg25[%get3A_549, %get3A_550] {strides = array<i32>} : memref<80x128xf32, #tpu.memory_space<vmem>>, vector<1x16xf32>,
        %get3A_552 = vector.shape_cast %get3A_551 : vector<1x16xf32> to vector<16xf32>
        %mul3A_553 = arith.mulf %get3A_548, %get3A_552 : vector<16xf32>
        %swap3A_554 = arith.index_cast %scan3A_503 : i32 to index
        %swap3A_555 = arith.constant 16 : index
        %swap3A_556 = tpu.vector_load %arg27[%swap3A_554, %swap3A_555] {strides = array<i32>} : memref<80x128xf32, #tpu.memory_space<vmem>>, vector<1x16xf32>,
        %swap3A_557 = vector.shape_cast %swap3A_556 : vector<1x16xf32> to vector<16xf32>
        %swap3A_558 = vector.shape_cast %mul3A_553 : vector<16xf32> to vector<1x16xf32>
        tpu.vector_store %arg27[%swap3A_554, %swap3A_555], %swap3A_558 {strides = array<i32>} : memref<80x128xf32, #tpu.memory_space<vmem>>, vector<1x16xf32>,
        %get3A_559 = arith.index_cast %scan3A_503 : i32 to index
        %get3A_560 = arith.constant 32 : index
        %get3A_561 = tpu.vector_load %arg22[%get3A_559, %get3A_560] {strides = array<i32>} : memref<80x128xf32, #tpu.memory_space<vmem>>, vector<1x16xf32>,
        %get3A_562 = vector.shape_cast %get3A_561 : vector<1x16xf32> to vector<16xf32>
        %get3A_563 = arith.index_cast %scan3A_503 : i32 to index
        %get3A_564 = arith.constant 32 : index
        %get3A_565 = tpu.vector_load %arg23[%get3A_563, %get3A_564] {strides = array<i32>} : memref<80x128xf32, #tpu.memory_space<vmem>>, vector<1x16xf32>,
        %get3A_566 = vector.shape_cast %get3A_565 : vector<1x16xf32> to vector<16xf32>
        %mul3A_567 = arith.mulf %get3A_562, %get3A_566 : vector<16xf32>
        %swap3A_568 = arith.index_cast %scan3A_503 : i32 to index
        %swap3A_569 = arith.constant 32 : index
        %swap3A_570 = tpu.vector_load %arg26[%swap3A_568, %swap3A_569] {strides = array<i32>} : memref<80x128xf32, #tpu.memory_space<vmem>>, vector<1x16xf32>,
        %swap3A_571 = vector.shape_cast %swap3A_570 : vector<1x16xf32> to vector<16xf32>
        %swap3A_572 = vector.shape_cast %mul3A_567 : vector<16xf32> to vector<1x16xf32>
        tpu.vector_store %arg26[%swap3A_568, %swap3A_569], %swap3A_572 {strides = array<i32>} : memref<80x128xf32, #tpu.memory_space<vmem>>, vector<1x16xf32>,
        %get3A_573 = arith.index_cast %scan3A_503 : i32 to index
        %get3A_574 = arith.constant 32 : index
        %get3A_575 = tpu.vector_load %arg24[%get3A_573, %get3A_574] {strides = array<i32>} : memref<80x128xf32, #tpu.memory_space<vmem>>, vector<1x16xf32>,
        %get3A_576 = vector.shape_cast %get3A_575 : vector<1x16xf32> to vector<16xf32>
        %get3A_577 = arith.index_cast %scan3A_503 : i32 to index
        %get3A_578 = arith.constant 32 : index
        %get3A_579 = tpu.vector_load %arg25[%get3A_577, %get3A_578] {strides = array<i32>} : memref<80x128xf32, #tpu.memory_space<vmem>>, vector<1x16xf32>,
        %get3A_580 = vector.shape_cast %get3A_579 : vector<1x16xf32> to vector<16xf32>
        %mul3A_581 = arith.mulf %get3A_576, %get3A_580 : vector<16xf32>
        %swap3A_582 = arith.index_cast %scan3A_503 : i32 to index
        %swap3A_583 = arith.constant 32 : index
        %swap3A_584 = tpu.vector_load %arg27[%swap3A_582, %swap3A_583] {strides = array<i32>} : memref<80x128xf32, #tpu.memory_space<vmem>>, vector<1x16xf32>,
        %swap3A_585 = vector.shape_cast %swap3A_584 : vector<1x16xf32> to vector<16xf32>
        %swap3A_586 = vector.shape_cast %mul3A_581 : vector<16xf32> to vector<1x16xf32>
        tpu.vector_store %arg27[%swap3A_582, %swap3A_583], %swap3A_586 {strides = array<i32>} : memref<80x128xf32, #tpu.memory_space<vmem>>, vector<1x16xf32>,
        %get3A_587 = arith.index_cast %scan3A_503 : i32 to index
        %get3A_588 = arith.constant 48 : index
        %get3A_589 = tpu.vector_load %arg22[%get3A_587, %get3A_588] {strides = array<i32>} : memref<80x128xf32, #tpu.memory_space<vmem>>, vector<1x16xf32>,
        %get3A_590 = vector.shape_cast %get3A_589 : vector<1x16xf32> to vector<16xf32>
        %get3A_591 = arith.index_cast %scan3A_503 : i32 to index
        %get3A_592 = arith.constant 48 : index
        %get3A_593 = tpu.vector_load %arg23[%get3A_591, %get3A_592] {strides = array<i32>} : memref<80x128xf32, #tpu.memory_space<vmem>>, vector<1x16xf32>,
        %get3A_594 = vector.shape_cast %get3A_593 : vector<1x16xf32> to vector<16xf32>
        %mul3A_595 = arith.mulf %get3A_590, %get3A_594 : vector<16xf32>
        %swap3A_596 = arith.index_cast %scan3A_503 : i32 to index
        %swap3A_597 = arith.constant 48 : index
        %swap3A_598 = tpu.vector_load %arg26[%swap3A_596, %swap3A_597] {strides = array<i32>} : memref<80x128xf32, #tpu.memory_space<vmem>>, vector<1x16xf32>,
        %swap3A_599 = vector.shape_cast %swap3A_598 : vector<1x16xf32> to vector<16xf32>
        %swap3A_600 = vector.shape_cast %mul3A_595 : vector<16xf32> to vector<1x16xf32>
        tpu.vector_store %arg26[%swap3A_596, %swap3A_597], %swap3A_600 {strides = array<i32>} : memref<80x128xf32, #tpu.memory_space<vmem>>, vector<1x16xf32>,
        %get3A_601 = arith.index_cast %scan3A_503 : i32 to index
        %get3A_602 = arith.constant 48 : index
        %get3A_603 = tpu.vector_load %arg24[%get3A_601, %get3A_602] {strides = array<i32>} : memref<80x128xf32, #tpu.memory_space<vmem>>, vector<1x16xf32>,
        %get3A_604 = vector.shape_cast %get3A_603 : vector<1x16xf32> to vector<16xf32>
        %get3A_605 = arith.index_cast %scan3A_503 : i32 to index
        %get3A_606 = arith.constant 48 : index
        %get3A_607 = tpu.vector_load %arg25[%get3A_605, %get3A_606] {strides = array<i32>} : memref<80x128xf32, #tpu.memory_space<vmem>>, vector<1x16xf32>,
        %get3A_608 = vector.shape_cast %get3A_607 : vector<1x16xf32> to vector<16xf32>
        %mul3A_609 = arith.mulf %get3A_604, %get3A_608 : vector<16xf32>
        %swap3A_610 = arith.index_cast %scan3A_503 : i32 to index
        %swap3A_611 = arith.constant 48 : index
        %swap3A_612 = tpu.vector_load %arg27[%swap3A_610, %swap3A_611] {strides = array<i32>} : memref<80x128xf32, #tpu.memory_space<vmem>>, vector<1x16xf32>,
        %swap3A_613 = vector.shape_cast %swap3A_612 : vector<1x16xf32> to vector<16xf32>
        %swap3A_614 = vector.shape_cast %mul3A_609 : vector<16xf32> to vector<1x16xf32>
        tpu.vector_store %arg27[%swap3A_610, %swap3A_611], %swap3A_614 {strides = array<i32>} : memref<80x128xf32, #tpu.memory_space<vmem>>, vector<1x16xf32>,
        %get3A_615 = arith.index_cast %scan3A_503 : i32 to index
        %get3A_616 = arith.constant 64 : index
        %get3A_617 = tpu.vector_load %arg22[%get3A_615, %get3A_616] {strides = array<i32>} : memref<80x128xf32, #tpu.memory_space<vmem>>, vector<1x16xf32>,
        %get3A_618 = vector.shape_cast %get3A_617 : vector<1x16xf32> to vector<16xf32>
        %get3A_619 = arith.index_cast %scan3A_503 : i32 to index
        %get3A_620 = arith.constant 64 : index
        %get3A_621 = tpu.vector_load %arg23[%get3A_619, %get3A_620] {strides = array<i32>} : memref<80x128xf32, #tpu.memory_space<vmem>>, vector<1x16xf32>,
        %get3A_622 = vector.shape_cast %get3A_621 : vector<1x16xf32> to vector<16xf32>
        %mul3A_623 = arith.mulf %get3A_618, %get3A_622 : vector<16xf32>
        %swap3A_624 = arith.index_cast %scan3A_503 : i32 to index
        %swap3A_625 = arith.constant 64 : index
        %swap3A_626 = tpu.vector_load %arg26[%swap3A_624, %swap3A_625] {strides = array<i32>} : memref<80x128xf32, #tpu.memory_space<vmem>>, vector<1x16xf32>,
        %swap3A_627 = vector.shape_cast %swap3A_626 : vector<1x16xf32> to vector<16xf32>
        %swap3A_628 = vector.shape_cast %mul3A_623 : vector<16xf32> to vector<1x16xf32>
        tpu.vector_store %arg26[%swap3A_624, %swap3A_625], %swap3A_628 {strides = array<i32>} : memref<80x128xf32, #tpu.memory_space<vmem>>, vector<1x16xf32>,
        %get3A_629 = arith.index_cast %scan3A_503 : i32 to index
        %get3A_630 = arith.constant 64 : index
        %get3A_631 = tpu.vector_load %arg24[%get3A_629, %get3A_630] {strides = array<i32>} : memref<80x128xf32, #tpu.memory_space<vmem>>, vector<1x16xf32>,
        %get3A_632 = vector.shape_cast %get3A_631 : vector<1x16xf32> to vector<16xf32>
        %get3A_633 = arith.index_cast %scan3A_503 : i32 to index
        %get3A_634 = arith.constant 64 : index
        %get3A_635 = tpu.vector_load %arg25[%get3A_633, %get3A_634] {strides = array<i32>} : memref<80x128xf32, #tpu.memory_space<vmem>>, vector<1x16xf32>,
        %get3A_636 = vector.shape_cast %get3A_635 : vector<1x16xf32> to vector<16xf32>
        %mul3A_637 = arith.mulf %get3A_632, %get3A_636 : vector<16xf32>
        %swap3A_638 = arith.index_cast %scan3A_503 : i32 to index
        %swap3A_639 = arith.constant 64 : index
        %swap3A_640 = tpu.vector_load %arg27[%swap3A_638, %swap3A_639] {strides = array<i32>} : memref<80x128xf32, #tpu.memory_space<vmem>>, vector<1x16xf32>,
        %swap3A_641 = vector.shape_cast %swap3A_640 : vector<1x16xf32> to vector<16xf32>
        %swap3A_642 = vector.shape_cast %mul3A_637 : vector<16xf32> to vector<1x16xf32>
        tpu.vector_store %arg27[%swap3A_638, %swap3A_639], %swap3A_642 {strides = array<i32>} : memref<80x128xf32, #tpu.memory_space<vmem>>, vector<1x16xf32>,
        %get3A_643 = arith.index_cast %scan3A_503 : i32 to index
        %get3A_644 = arith.constant 80 : index
        %get3A_645 = tpu.vector_load %arg22[%get3A_643, %get3A_644] {strides = array<i32>} : memref<80x128xf32, #tpu.memory_space<vmem>>, vector<1x16xf32>,
        %get3A_646 = vector.shape_cast %get3A_645 : vector<1x16xf32> to vector<16xf32>
        %get3A_647 = arith.index_cast %scan3A_503 : i32 to index
        %get3A_648 = arith.constant 80 : index
        %get3A_649 = tpu.vector_load %arg23[%get3A_647, %get3A_648] {strides = array<i32>} : memref<80x128xf32, #tpu.memory_space<vmem>>, vector<1x16xf32>,
        %get3A_650 = vector.shape_cast %get3A_649 : vector<1x16xf32> to vector<16xf32>
        %mul3A_651 = arith.mulf %get3A_646, %get3A_650 : vector<16xf32>
        %swap3A_652 = arith.index_cast %scan3A_503 : i32 to index
        %swap3A_653 = arith.constant 80 : index
        %swap3A_654 = tpu.vector_load %arg26[%swap3A_652, %swap3A_653] {strides = array<i32>} : memref<80x128xf32, #tpu.memory_space<vmem>>, vector<1x16xf32>,
        %swap3A_655 = vector.shape_cast %swap3A_654 : vector<1x16xf32> to vector<16xf32>
        %swap3A_656 = vector.shape_cast %mul3A_651 : vector<16xf32> to vector<1x16xf32>
        tpu.vector_store %arg26[%swap3A_652, %swap3A_653], %swap3A_656 {strides = array<i32>} : memref<80x128xf32, #tpu.memory_space<vmem>>, vector<1x16xf32>,
        %get3A_657 = arith.index_cast %scan3A_503 : i32 to index
        %get3A_658 = arith.constant 80 : index
        %get3A_659 = tpu.vector_load %arg24[%get3A_657, %get3A_658] {strides = array<i32>} : memref<80x128xf32, #tpu.memory_space<vmem>>, vector<1x16xf32>,
        %get3A_660 = vector.shape_cast %get3A_659 : vector<1x16xf32> to vector<16xf32>
        %get3A_661 = arith.index_cast %scan3A_503 : i32 to index
        %get3A_662 = arith.constant 80 : index
        %get3A_663 = tpu.vector_load %arg25[%get3A_661, %get3A_662] {strides = array<i32>} : memref<80x128xf32, #tpu.memory_space<vmem>>, vector<1x16xf32>,
        %get3A_664 = vector.shape_cast %get3A_663 : vector<1x16xf32> to vector<16xf32>
        %mul3A_665 = arith.mulf %get3A_660, %get3A_664 : vector<16xf32>
        %swap3A_666 = arith.index_cast %scan3A_503 : i32 to index
        %swap3A_667 = arith.constant 80 : index
        %swap3A_668 = tpu.vector_load %arg27[%swap3A_666, %swap3A_667] {strides = array<i32>} : memref<80x128xf32, #tpu.memory_space<vmem>>, vector<1x16xf32>,
        %swap3A_669 = vector.shape_cast %swap3A_668 : vector<1x16xf32> to vector<16xf32>
        %swap3A_670 = vector.shape_cast %mul3A_665 : vector<16xf32> to vector<1x16xf32>
        tpu.vector_store %arg27[%swap3A_666, %swap3A_667], %swap3A_670 {strides = array<i32>} : memref<80x128xf32, #tpu.memory_space<vmem>>, vector<1x16xf32>,
        %get3A_671 = arith.index_cast %scan3A_503 : i32 to index
        %get3A_672 = arith.constant 96 : index
        %get3A_673 = tpu.vector_load %arg22[%get3A_671, %get3A_672] {strides = array<i32>} : memref<80x128xf32, #tpu.memory_space<vmem>>, vector<1x16xf32>,
        %get3A_674 = vector.shape_cast %get3A_673 : vector<1x16xf32> to vector<16xf32>
        %get3A_675 = arith.index_cast %scan3A_503 : i32 to index
        %get3A_676 = arith.constant 96 : index
        %get3A_677 = tpu.vector_load %arg23[%get3A_675, %get3A_676] {strides = array<i32>} : memref<80x128xf32, #tpu.memory_space<vmem>>, vector<1x16xf32>,
        %get3A_678 = vector.shape_cast %get3A_677 : vector<1x16xf32> to vector<16xf32>
        %mul3A_679 = arith.mulf %get3A_674, %get3A_678 : vector<16xf32>
        %swap3A_680 = arith.index_cast %scan3A_503 : i32 to index
        %swap3A_681 = arith.constant 96 : index
        %swap3A_682 = tpu.vector_load %arg26[%swap3A_680, %swap3A_681] {strides = array<i32>} : memref<80x128xf32, #tpu.memory_space<vmem>>, vector<1x16xf32>,
        %swap3A_683 = vector.shape_cast %swap3A_682 : vector<1x16xf32> to vector<16xf32>
        %swap3A_684 = vector.shape_cast %mul3A_679 : vector<16xf32> to vector<1x16xf32>
        tpu.vector_store %arg26[%swap3A_680, %swap3A_681], %swap3A_684 {strides = array<i32>} : memref<80x128xf32, #tpu.memory_space<vmem>>, vector<1x16xf32>,
        %get3A_685 = arith.index_cast %scan3A_503 : i32 to index
        %get3A_686 = arith.constant 96 : index
        %get3A_687 = tpu.vector_load %arg24[%get3A_685, %get3A_686] {strides = array<i32>} : memref<80x128xf32, #tpu.memory_space<vmem>>, vector<1x16xf32>,
        %get3A_688 = vector.shape_cast %get3A_687 : vector<1x16xf32> to vector<16xf32>
        %get3A_689 = arith.index_cast %scan3A_503 : i32 to index
        %get3A_690 = arith.constant 96 : index
        %get3A_691 = tpu.vector_load %arg25[%get3A_689, %get3A_690] {strides = array<i32>} : memref<80x128xf32, #tpu.memory_space<vmem>>, vector<1x16xf32>,
        %get3A_692 = vector.shape_cast %get3A_691 : vector<1x16xf32> to vector<16xf32>
        %mul3A_693 = arith.mulf %get3A_688, %get3A_692 : vector<16xf32>
        %swap3A_694 = arith.index_cast %scan3A_503 : i32 to index
        %swap3A_695 = arith.constant 96 : index
        %swap3A_696 = tpu.vector_load %arg27[%swap3A_694, %swap3A_695] {strides = array<i32>} : memref<80x128xf32, #tpu.memory_space<vmem>>, vector<1x16xf32>,
        %swap3A_697 = vector.shape_cast %swap3A_696 : vector<1x16xf32> to vector<16xf32>
        %swap3A_698 = vector.shape_cast %mul3A_693 : vector<16xf32> to vector<1x16xf32>
        tpu.vector_store %arg27[%swap3A_694, %swap3A_695], %swap3A_698 {strides = array<i32>} : memref<80x128xf32, #tpu.memory_space<vmem>>, vector<1x16xf32>,
        %get3A_699 = arith.index_cast %scan3A_503 : i32 to index
        %get3A_700 = arith.constant 112 : index
        %get3A_701 = tpu.vector_load %arg22[%get3A_699, %get3A_700] {strides = array<i32>} : memref<80x128xf32, #tpu.memory_space<vmem>>, vector<1x16xf32>,
        %get3A_702 = vector.shape_cast %get3A_701 : vector<1x16xf32> to vector<16xf32>
        %get3A_703 = arith.index_cast %scan3A_503 : i32 to index
        %get3A_704 = arith.constant 112 : index
        %get3A_705 = tpu.vector_load %arg23[%get3A_703, %get3A_704] {strides = array<i32>} : memref<80x128xf32, #tpu.memory_space<vmem>>, vector<1x16xf32>,
        %get3A_706 = vector.shape_cast %get3A_705 : vector<1x16xf32> to vector<16xf32>
        %mul3A_707 = arith.mulf %get3A_702, %get3A_706 : vector<16xf32>
        %swap3A_708 = arith.index_cast %scan3A_503 : i32 to index
        %swap3A_709 = arith.constant 112 : index
        %swap3A_710 = tpu.vector_load %arg26[%swap3A_708, %swap3A_709] {strides = array<i32>} : memref<80x128xf32, #tpu.memory_space<vmem>>, vector<1x16xf32>,
        %swap3A_711 = vector.shape_cast %swap3A_710 : vector<1x16xf32> to vector<16xf32>
        %swap3A_712 = vector.shape_cast %mul3A_707 : vector<16xf32> to vector<1x16xf32>
        tpu.vector_store %arg26[%swap3A_708, %swap3A_709], %swap3A_712 {strides = array<i32>} : memref<80x128xf32, #tpu.memory_space<vmem>>, vector<1x16xf32>,
        %get3A_713 = arith.index_cast %scan3A_503 : i32 to index
        %get3A_714 = arith.constant 112 : index
        %get3A_715 = tpu.vector_load %arg24[%get3A_713, %get3A_714] {strides = array<i32>} : memref<80x128xf32, #tpu.memory_space<vmem>>, vector<1x16xf32>,
        %get3A_716 = vector.shape_cast %get3A_715 : vector<1x16xf32> to vector<16xf32>
        %get3A_717 = arith.index_cast %scan3A_503 : i32 to index
        %get3A_718 = arith.constant 112 : index
        %get3A_719 = tpu.vector_load %arg25[%get3A_717, %get3A_718] {strides = array<i32>} : memref<80x128xf32, #tpu.memory_space<vmem>>, vector<1x16xf32>,
        %get3A_720 = vector.shape_cast %get3A_719 : vector<1x16xf32> to vector<16xf32>
        %mul3A_721 = arith.mulf %get3A_716, %get3A_720 : vector<16xf32>
        %swap3A_722 = arith.index_cast %scan3A_503 : i32 to index
        %swap3A_723 = arith.constant 112 : index
        %swap3A_724 = tpu.vector_load %arg27[%swap3A_722, %swap3A_723] {strides = array<i32>} : memref<80x128xf32, #tpu.memory_space<vmem>>, vector<1x16xf32>,
        %swap3A_725 = vector.shape_cast %swap3A_724 : vector<1x16xf32> to vector<16xf32>
        %swap3A_726 = vector.shape_cast %mul3A_721 : vector<16xf32> to vector<1x16xf32>
        tpu.vector_store %arg27[%swap3A_722, %swap3A_723], %swap3A_726 {strides = array<i32>} : memref<80x128xf32, #tpu.memory_space<vmem>>, vector<1x16xf32>,
        %scan3A_727 = arith.constant 0 : i32
        scf.yield %scan3A_727 : i32
      }
      %scan3A_353 = arith.constant 80 : i32
      %mul3A_354 = arith.constant 10000 : i32
      %mul3A_355 = arith.muli %add3A, %mul3A_354 : i32
      %mul3A_356 = arith.constant 80 : i32
      %mul3A_357 = arith.muli %add3A_295, %mul3A_356 : i32
      %add3A_358 = arith.addi %mul3A_355, %mul3A_357 : i32
      %dma_start3A_359 = arith.constant 0 : i32
      %dma_start3A_360 = tpu.memref_slice %arg8[%add3A_358, %dma_start3A_359] : memref<320000x128xf32, #tpu.memory_space<hbm>> -> memref<80x128xf32, #tpu.memory_space<hbm>>
      %dma_start3A_361 = arith.constant 0 : i32
      %dma_start3A_362 = tpu.memref_slice %arg8[%add3A_358, %dma_start3A_361] : memref<320000x128xf32, #tpu.memory_space<hbm>> -> memref<80x128xf32, #tpu.memory_space<hbm>>
      tpu.enqueue_dma source(%arg26 : memref<80x128xf32, #tpu.memory_space<vmem>>) target(%dma_start3A_362 : memref<80x128xf32, #tpu.memory_space<hbm>>) target_semaphore(%arg32 : memref<!tpu.dma_semaphore, #tpu.memory_space<semaphore_mem>>)
      %dma_start3A_363 = arith.constant 0 : i32
      %dma_start3A_364 = tpu.memref_slice %arg9[%add3A_358, %dma_start3A_363] : memref<320000x128xf32, #tpu.memory_space<hbm>> -> memref<80x128xf32, #tpu.memory_space<hbm>>
      %dma_start3A_365 = arith.constant 0 : i32
      %dma_start3A_366 = tpu.memref_slice %arg9[%add3A_358, %dma_start3A_365] : memref<320000x128xf32, #tpu.memory_space<hbm>> -> memref<80x128xf32, #tpu.memory_space<hbm>>
      tpu.enqueue_dma source(%arg27 : memref<80x128xf32, #tpu.memory_space<vmem>>) target(%dma_start3A_366 : memref<80x128xf32, #tpu.memory_space<hbm>>) target_semaphore(%arg32 : memref<!tpu.dma_semaphore, #tpu.memory_space<semaphore_mem>>)
      %add3A_367 = arith.constant 2 : i32
      %add3A_368 = arith.addi %add3A_295, %add3A_367 : i32
      %dma_wait3A_369 = arith.constant 0 : i32
      %dma_wait3A_370 = tpu.memref_slice %arg4[%dma_wait3A_369] : memref<320000xi32, #tpu.memory_space<hbm>> -> memref<80xi32, #tpu.memory_space<hbm>>
      %dma_wait3A_371 = arith.constant 0 : i32
      %dma_wait3A_372 = tpu.memref_slice %arg4[%dma_wait3A_371] : memref<320000xi32, #tpu.memory_space<hbm>> -> memref<80xi32, #tpu.memory_space<hbm>>
      tpu.wait_dma2 semaphore(%arg31 : memref<!tpu.dma_semaphore, #tpu.memory_space<semaphore_mem>>) src(%dma_wait3A_372 : memref<80xi32, #tpu.memory_space<hbm>>) dst(%arg14 : memref<80xi32, #tpu.memory_space<vmem>>)
      %dma_wait3A_373 = arith.constant 0 : i32
      %dma_wait3A_374 = tpu.memref_slice %arg5[%dma_wait3A_373] : memref<320000xi32, #tpu.memory_space<hbm>> -> memref<80xi32, #tpu.memory_space<hbm>>
      %dma_wait3A_375 = arith.constant 0 : i32
      %dma_wait3A_376 = tpu.memref_slice %arg5[%dma_wait3A_375] : memref<320000xi32, #tpu.memory_space<hbm>> -> memref<80xi32, #tpu.memory_space<hbm>>
      tpu.wait_dma2 semaphore(%arg31 : memref<!tpu.dma_semaphore, #tpu.memory_space<semaphore_mem>>) src(%dma_wait3A_376 : memref<80xi32, #tpu.memory_space<hbm>>) dst(%arg15 : memref<80xi32, #tpu.memory_space<vmem>>)
      %dma_wait3A_377 = arith.constant 0 : i32
      %dma_wait3A_378 = tpu.memref_slice %arg6[%dma_wait3A_377] : memref<320000xi32, #tpu.memory_space<hbm>> -> memref<80xi32, #tpu.memory_space<hbm>>
      %dma_wait3A_379 = arith.constant 0 : i32
      %dma_wait3A_380 = tpu.memref_slice %arg6[%dma_wait3A_379] : memref<320000xi32, #tpu.memory_space<hbm>> -> memref<80xi32, #tpu.memory_space<hbm>>
      tpu.wait_dma2 semaphore(%arg31 : memref<!tpu.dma_semaphore, #tpu.memory_space<semaphore_mem>>) src(%dma_wait3A_380 : memref<80xi32, #tpu.memory_space<hbm>>) dst(%arg16 : memref<80xi32, #tpu.memory_space<vmem>>)
      %dma_wait3A_381 = arith.constant 0 : i32
      %dma_wait3A_382 = tpu.memref_slice %arg7[%dma_wait3A_381] : memref<320000xi32, #tpu.memory_space<hbm>> -> memref<80xi32, #tpu.memory_space<hbm>>
      %dma_wait3A_383 = arith.constant 0 : i32
      %dma_wait3A_384 = tpu.memref_slice %arg7[%dma_wait3A_383] : memref<320000xi32, #tpu.memory_space<hbm>> -> memref<80xi32, #tpu.memory_space<hbm>>
      tpu.wait_dma2 semaphore(%arg31 : memref<!tpu.dma_semaphore, #tpu.memory_space<semaphore_mem>>) src(%dma_wait3A_384 : memref<80xi32, #tpu.memory_space<hbm>>) dst(%arg17 : memref<80xi32, #tpu.memory_space<vmem>>)
      %dma_start3A_385 = arith.constant 0 : i32
      %dma_start3A_386 = arith.constant 0 : i32
      %dma_start3A_387 = tpu.memref_slice %arg2[%dma_start3A_385, %dma_start3A_386] : memref<10000x128xf32, #tpu.memory_space<hbm>> -> memref<10000x128xf32, #tpu.memory_space<hbm>>
      tpu.enqueue_indirect_dma source(%dma_start3A_387 : memref<10000x128xf32, #tpu.memory_space<hbm>>) target(%arg22 : memref<80x128xf32, #tpu.memory_space<vmem>>) offsets(%arg14 : memref<80xi32, #tpu.memory_space<vmem>>) semaphore(%arg29 : memref<!tpu.dma_semaphore, #tpu.memory_space<semaphore_mem>>)
      %dma_start3A_388 = arith.constant 0 : i32
      %dma_start3A_389 = arith.constant 0 : i32
      %dma_start3A_390 = tpu.memref_slice %arg2[%dma_start3A_388, %dma_start3A_389] : memref<10000x128xf32, #tpu.memory_space<hbm>> -> memref<10000x128xf32, #tpu.memory_space<hbm>>
      tpu.enqueue_indirect_dma source(%dma_start3A_390 : memref<10000x128xf32, #tpu.memory_space<hbm>>) target(%arg23 : memref<80x128xf32, #tpu.memory_space<vmem>>) offsets(%arg15 : memref<80xi32, #tpu.memory_space<vmem>>) semaphore(%arg29 : memref<!tpu.dma_semaphore, #tpu.memory_space<semaphore_mem>>)
      %dma_start3A_391 = arith.constant 0 : i32
      %dma_start3A_392 = arith.constant 0 : i32
      %dma_start3A_393 = tpu.memref_slice %arg3[%dma_start3A_391, %dma_start3A_392] : memref<10000x128xf32, #tpu.memory_space<hbm>> -> memref<10000x128xf32, #tpu.memory_space<hbm>>
      tpu.enqueue_indirect_dma source(%dma_start3A_393 : memref<10000x128xf32, #tpu.memory_space<hbm>>) target(%arg24 : memref<80x128xf32, #tpu.memory_space<vmem>>) offsets(%arg16 : memref<80xi32, #tpu.memory_space<vmem>>) semaphore(%arg29 : memref<!tpu.dma_semaphore, #tpu.memory_space<semaphore_mem>>)
      %dma_start3A_394 = arith.constant 0 : i32
      %dma_start3A_395 = arith.constant 0 : i32
      %dma_start3A_396 = tpu.memref_slice %arg3[%dma_start3A_394, %dma_start3A_395] : memref<10000x128xf32, #tpu.memory_space<hbm>> -> memref<10000x128xf32, #tpu.memory_space<hbm>>
      tpu.enqueue_indirect_dma source(%dma_start3A_396 : memref<10000x128xf32, #tpu.memory_space<hbm>>) target(%arg25 : memref<80x128xf32, #tpu.memory_space<vmem>>) offsets(%arg17 : memref<80xi32, #tpu.memory_space<vmem>>) semaphore(%arg29 : memref<!tpu.dma_semaphore, #tpu.memory_space<semaphore_mem>>)
      %mul3A_397 = arith.constant 2 : i32
      %mul3A_398 = arith.muli %mul3A_397, %scan3A_290 : i32
      %add3A_399 = arith.constant 2 : i32
      %add3A_400 = arith.addi %mul3A_398, %add3A_399 : i32
      %dma_wait3A_401 = arith.constant 0 : i32
      %dma_wait3A_402 = arith.constant 0 : i32
      %dma_wait3A_403 = tpu.memref_slice %arg2[%dma_wait3A_401, %dma_wait3A_402] : memref<10000x128xf32, #tpu.memory_space<hbm>> -> memref<80x128xf32, #tpu.memory_space<hbm>>
      %dma_wait3A_404 = arith.constant 0 : i32
      %dma_wait3A_405 = arith.constant 0 : i32
      %dma_wait3A_406 = tpu.memref_slice %arg2[%dma_wait3A_404, %dma_wait3A_405] : memref<10000x128xf32, #tpu.memory_space<hbm>> -> memref<80x128xf32, #tpu.memory_space<hbm>>
      tpu.wait_dma2 semaphore(%arg28 : memref<!tpu.dma_semaphore, #tpu.memory_space<semaphore_mem>>) src(%dma_wait3A_406 : memref<80x128xf32, #tpu.memory_space<hbm>>) dst(%arg18 : memref<80x128xf32, #tpu.memory_space<vmem>>)
      %dma_wait3A_407 = arith.constant 0 : i32
      %dma_wait3A_408 = arith.constant 0 : i32
      %dma_wait3A_409 = tpu.memref_slice %arg2[%dma_wait3A_407, %dma_wait3A_408] : memref<10000x128xf32, #tpu.memory_space<hbm>> -> memref<80x128xf32, #tpu.memory_space<hbm>>
      %dma_wait3A_410 = arith.constant 0 : i32
      %dma_wait3A_411 = arith.constant 0 : i32
      %dma_wait3A_412 = tpu.memref_slice %arg2[%dma_wait3A_410, %dma_wait3A_411] : memref<10000x128xf32, #tpu.memory_space<hbm>> -> memref<80x128xf32, #tpu.memory_space<hbm>>
      tpu.wait_dma2 semaphore(%arg28 : memref<!tpu.dma_semaphore, #tpu.memory_space<semaphore_mem>>) src(%dma_wait3A_412 : memref<80x128xf32, #tpu.memory_space<hbm>>) dst(%arg19 : memref<80x128xf32, #tpu.memory_space<vmem>>)
      %dma_wait3A_413 = arith.constant 0 : i32
      %dma_wait3A_414 = arith.constant 0 : i32
      %dma_wait3A_415 = tpu.memref_slice %arg2[%dma_wait3A_413, %dma_wait3A_414] : memref<10000x128xf32, #tpu.memory_space<hbm>> -> memref<80x128xf32, #tpu.memory_space<hbm>>
      %dma_wait3A_416 = arith.constant 0 : i32
      %dma_wait3A_417 = arith.constant 0 : i32
      %dma_wait3A_418 = tpu.memref_slice %arg2[%dma_wait3A_416, %dma_wait3A_417] : memref<10000x128xf32, #tpu.memory_space<hbm>> -> memref<80x128xf32, #tpu.memory_space<hbm>>
      tpu.wait_dma2 semaphore(%arg28 : memref<!tpu.dma_semaphore, #tpu.memory_space<semaphore_mem>>) src(%dma_wait3A_418 : memref<80x128xf32, #tpu.memory_space<hbm>>) dst(%arg20 : memref<80x128xf32, #tpu.memory_space<vmem>>)
      %dma_wait3A_419 = arith.constant 0 : i32
      %dma_wait3A_420 = arith.constant 0 : i32
      %dma_wait3A_421 = tpu.memref_slice %arg2[%dma_wait3A_419, %dma_wait3A_420] : memref<10000x128xf32, #tpu.memory_space<hbm>> -> memref<80x128xf32, #tpu.memory_space<hbm>>
      %dma_wait3A_422 = arith.constant 0 : i32
      %dma_wait3A_423 = arith.constant 0 : i32
      %dma_wait3A_424 = tpu.memref_slice %arg2[%dma_wait3A_422, %dma_wait3A_423] : memref<10000x128xf32, #tpu.memory_space<hbm>> -> memref<80x128xf32, #tpu.memory_space<hbm>>
      tpu.wait_dma2 semaphore(%arg28 : memref<!tpu.dma_semaphore, #tpu.memory_space<semaphore_mem>>) src(%dma_wait3A_424 : memref<80x128xf32, #tpu.memory_space<hbm>>) dst(%arg21 : memref<80x128xf32, #tpu.memory_space<vmem>>)
      %add3A_425 = arith.constant 2 : i32
      %add3A_426 = arith.addi %add3A_400, %add3A_425 : i32
      %mul3A_427 = arith.constant 10000 : i32
      %mul3A_428 = arith.muli %add3A, %mul3A_427 : i32
      %mul3A_429 = arith.constant 80 : i32
      %mul3A_430 = arith.muli %add3A_426, %mul3A_429 : i32
      %add3A_431 = arith.addi %mul3A_428, %mul3A_430 : i32
      %dma_start3A_432 = tpu.memref_slice %arg4[%add3A_431] : memref<320000xi32, #tpu.memory_space<hbm>> -> memref<80xi32, #tpu.memory_space<hbm>>
      %dma_start3A_433 = tpu.memref_slice %arg4[%add3A_431] : memref<320000xi32, #tpu.memory_space<hbm>> -> memref<80xi32, #tpu.memory_space<hbm>>
      tpu.enqueue_dma source(%dma_start3A_433 : memref<80xi32, #tpu.memory_space<hbm>>) target(%arg10 : memref<80xi32, #tpu.memory_space<vmem>>) target_semaphore(%arg30 : memref<!tpu.dma_semaphore, #tpu.memory_space<semaphore_mem>>)
      %dma_start3A_434 = tpu.memref_slice %arg5[%add3A_431] : memref<320000xi32, #tpu.memory_space<hbm>> -> memref<80xi32, #tpu.memory_space<hbm>>
      %dma_start3A_435 = tpu.memref_slice %arg5[%add3A_431] : memref<320000xi32, #tpu.memory_space<hbm>> -> memref<80xi32, #tpu.memory_space<hbm>>
      tpu.enqueue_dma source(%dma_start3A_435 : memref<80xi32, #tpu.memory_space<hbm>>) target(%arg11 : memref<80xi32, #tpu.memory_space<vmem>>) target_semaphore(%arg30 : memref<!tpu.dma_semaphore, #tpu.memory_space<semaphore_mem>>)
      %dma_start3A_436 = tpu.memref_slice %arg6[%add3A_431] : memref<320000xi32, #tpu.memory_space<hbm>> -> memref<80xi32, #tpu.memory_space<hbm>>
      %dma_start3A_437 = tpu.memref_slice %arg6[%add3A_431] : memref<320000xi32, #tpu.memory_space<hbm>> -> memref<80xi32, #tpu.memory_space<hbm>>
      tpu.enqueue_dma source(%dma_start3A_437 : memref<80xi32, #tpu.memory_space<hbm>>) target(%arg12 : memref<80xi32, #tpu.memory_space<vmem>>) target_semaphore(%arg30 : memref<!tpu.dma_semaphore, #tpu.memory_space<semaphore_mem>>)
      %dma_start3A_438 = tpu.memref_slice %arg7[%add3A_431] : memref<320000xi32, #tpu.memory_space<hbm>> -> memref<80xi32, #tpu.memory_space<hbm>>
      %dma_start3A_439 = tpu.memref_slice %arg7[%add3A_431] : memref<320000xi32, #tpu.memory_space<hbm>> -> memref<80xi32, #tpu.memory_space<hbm>>
      tpu.enqueue_dma source(%dma_start3A_439 : memref<80xi32, #tpu.memory_space<hbm>>) target(%arg13 : memref<80xi32, #tpu.memory_space<vmem>>) target_semaphore(%arg30 : memref<!tpu.dma_semaphore, #tpu.memory_space<semaphore_mem>>)
      %dma_wait3A_440 = arith.constant 0 : i32
      %dma_wait3A_441 = arith.constant 0 : i32
      %dma_wait3A_442 = tpu.memref_slice %arg8[%dma_wait3A_440, %dma_wait3A_441] : memref<320000x128xf32, #tpu.memory_space<hbm>> -> memref<80x128xf32, #tpu.memory_space<hbm>>
      %dma_wait3A_443 = arith.constant 0 : i32
      %dma_wait3A_444 = arith.constant 0 : i32
      %dma_wait3A_445 = tpu.memref_slice %arg8[%dma_wait3A_443, %dma_wait3A_444] : memref<320000x128xf32, #tpu.memory_space<hbm>> -> memref<80x128xf32, #tpu.memory_space<hbm>>
      tpu.wait_dma2 semaphore(%arg32 : memref<!tpu.dma_semaphore, #tpu.memory_space<semaphore_mem>>) src(%dma_wait3A_445 : memref<80x128xf32, #tpu.memory_space<hbm>>) dst(%arg26 : memref<80x128xf32, #tpu.memory_space<vmem>>)
      %dma_wait3A_446 = arith.constant 0 : i32
      %dma_wait3A_447 = arith.constant 0 : i32
      %dma_wait3A_448 = tpu.memref_slice %arg9[%dma_wait3A_446, %dma_wait3A_447] : memref<320000x128xf32, #tpu.memory_space<hbm>> -> memref<80x128xf32, #tpu.memory_space<hbm>>
      %dma_wait3A_449 = arith.constant 0 : i32
      %dma_wait3A_450 = arith.constant 0 : i32
      %dma_wait3A_451 = tpu.memref_slice %arg9[%dma_wait3A_449, %dma_wait3A_450] : memref<320000x128xf32, #tpu.memory_space<hbm>> -> memref<80x128xf32, #tpu.memory_space<hbm>>
      tpu.wait_dma2 semaphore(%arg32 : memref<!tpu.dma_semaphore, #tpu.memory_space<semaphore_mem>>) src(%dma_wait3A_451 : memref<80x128xf32, #tpu.memory_space<hbm>>) dst(%arg27 : memref<80x128xf32, #tpu.memory_space<vmem>>)
      %scan3A_452 = arith.constant 0 : i32
      %scan3A_453 = arith.constant 0 : i32
      %scan3A_454 = arith.constant 80 : i32
      %scan3A_455 = arith.addi %scan3A_453, %scan3A_454 : i32
      %scan3A_456 = arith.constant 1 : i32
      %scan3A_457 = scf.for %scan3A_503 = %scan3A_453 to %scan3A_455 step %scan3A_456 iter_args(%scan3A_504 = %scan3A_452) -> (i32)  : i32 {
        %get3A = arith.index_cast %scan3A_503 : i32 to index
        %get3A_505 = arith.constant 0 : index
        %get3A_506 = tpu.vector_load %arg18[%get3A, %get3A_505] {strides = array<i32>} : memref<80x128xf32, #tpu.memory_space<vmem>>, vector<1x16xf32>,
        %get3A_507 = vector.shape_cast %get3A_506 : vector<1x16xf32> to vector<16xf32>
        %get3A_508 = arith.index_cast %scan3A_503 : i32 to index
        %get3A_509 = arith.constant 0 : index
        %get3A_510 = tpu.vector_load %arg19[%get3A_508, %get3A_509] {strides = array<i32>} : memref<80x128xf32, #tpu.memory_space<vmem>>, vector<1x16xf32>,
        %get3A_511 = vector.shape_cast %get3A_510 : vector<1x16xf32> to vector<16xf32>
        %mul3A_512 = arith.mulf %get3A_507, %get3A_511 : vector<16xf32>
        %swap3A = arith.index_cast %scan3A_503 : i32 to index
        %swap3A_513 = arith.constant 0 : index
        %swap3A_514 = tpu.vector_load %arg26[%swap3A, %swap3A_513] {strides = array<i32>} : memref<80x128xf32, #tpu.memory_space<vmem>>, vector<1x16xf32>,
        %swap3A_515 = vector.shape_cast %swap3A_514 : vector<1x16xf32> to vector<16xf32>
        %swap3A_516 = vector.shape_cast %mul3A_512 : vector<16xf32> to vector<1x16xf32>
        tpu.vector_store %arg26[%swap3A, %swap3A_513], %swap3A_516 {strides = array<i32>} : memref<80x128xf32, #tpu.memory_space<vmem>>, vector<1x16xf32>,
        %get3A_517 = arith.index_cast %scan3A_503 : i32 to index
        %get3A_518 = arith.constant 0 : index
        %get3A_519 = tpu.vector_load %arg20[%get3A_517, %get3A_518] {strides = array<i32>} : memref<80x128xf32, #tpu.memory_space<vmem>>, vector<1x16xf32>,
        %get3A_520 = vector.shape_cast %get3A_519 : vector<1x16xf32> to vector<16xf32>
        %get3A_521 = arith.index_cast %scan3A_503 : i32 to index
        %get3A_522 = arith.constant 0 : index
        %get3A_523 = tpu.vector_load %arg21[%get3A_521, %get3A_522] {strides = array<i32>} : memref<80x128xf32, #tpu.memory_space<vmem>>, vector<1x16xf32>,
        %get3A_524 = vector.shape_cast %get3A_523 : vector<1x16xf32> to vector<16xf32>
        %mul3A_525 = arith.mulf %get3A_520, %get3A_524 : vector<16xf32>
        %swap3A_526 = arith.index_cast %scan3A_503 : i32 to index
        %swap3A_527 = arith.constant 0 : index
        %swap3A_528 = tpu.vector_load %arg27[%swap3A_526, %swap3A_527] {strides = array<i32>} : memref<80x128xf32, #tpu.memory_space<vmem>>, vector<1x16xf32>,
        %swap3A_529 = vector.shape_cast %swap3A_528 : vector<1x16xf32> to vector<16xf32>
        %swap3A_530 = vector.shape_cast %mul3A_525 : vector<16xf32> to vector<1x16xf32>
        tpu.vector_store %arg27[%swap3A_526, %swap3A_527], %swap3A_530 {strides = array<i32>} : memref<80x128xf32, #tpu.memory_space<vmem>>, vector<1x16xf32>,
        %get3A_531 = arith.index_cast %scan3A_503 : i32 to index
        %get3A_532 = arith.constant 16 : index
        %get3A_533 = tpu.vector_load %arg18[%get3A_531, %get3A_532] {strides = array<i32>} : memref<80x128xf32, #tpu.memory_space<vmem>>, vector<1x16xf32>,
        %get3A_534 = vector.shape_cast %get3A_533 : vector<1x16xf32> to vector<16xf32>
        %get3A_535 = arith.index_cast %scan3A_503 : i32 to index
        %get3A_536 = arith.constant 16 : index
        %get3A_537 = tpu.vector_load %arg19[%get3A_535, %get3A_536] {strides = array<i32>} : memref<80x128xf32, #tpu.memory_space<vmem>>, vector<1x16xf32>,
        %get3A_538 = vector.shape_cast %get3A_537 : vector<1x16xf32> to vector<16xf32>
        %mul3A_539 = arith.mulf %get3A_534, %get3A_538 : vector<16xf32>
        %swap3A_540 = arith.index_cast %scan3A_503 : i32 to index
        %swap3A_541 = arith.constant 16 : index
        %swap3A_542 = tpu.vector_load %arg26[%swap3A_540, %swap3A_541] {strides = array<i32>} : memref<80x128xf32, #tpu.memory_space<vmem>>, vector<1x16xf32>,
        %swap3A_543 = vector.shape_cast %swap3A_542 : vector<1x16xf32> to vector<16xf32>
        %swap3A_544 = vector.shape_cast %mul3A_539 : vector<16xf32> to vector<1x16xf32>
        tpu.vector_store %arg26[%swap3A_540, %swap3A_541], %swap3A_544 {strides = array<i32>} : memref<80x128xf32, #tpu.memory_space<vmem>>, vector<1x16xf32>,
        %get3A_545 = arith.index_cast %scan3A_503 : i32 to index
        %get3A_546 = arith.constant 16 : index
        %get3A_547 = tpu.vector_load %arg20[%get3A_545, %get3A_546] {strides = array<i32>} : memref<80x128xf32, #tpu.memory_space<vmem>>, vector<1x16xf32>,
        %get3A_548 = vector.shape_cast %get3A_547 : vector<1x16xf32> to vector<16xf32>
        %get3A_549 = arith.index_cast %scan3A_503 : i32 to index
        %get3A_550 = arith.constant 16 : index
        %get3A_551 = tpu.vector_load %arg21[%get3A_549, %get3A_550] {strides = array<i32>} : memref<80x128xf32, #tpu.memory_space<vmem>>, vector<1x16xf32>,
        %get3A_552 = vector.shape_cast %get3A_551 : vector<1x16xf32> to vector<16xf32>
        %mul3A_553 = arith.mulf %get3A_548, %get3A_552 : vector<16xf32>
        %swap3A_554 = arith.index_cast %scan3A_503 : i32 to index
        %swap3A_555 = arith.constant 16 : index
        %swap3A_556 = tpu.vector_load %arg27[%swap3A_554, %swap3A_555] {strides = array<i32>} : memref<80x128xf32, #tpu.memory_space<vmem>>, vector<1x16xf32>,
        %swap3A_557 = vector.shape_cast %swap3A_556 : vector<1x16xf32> to vector<16xf32>
        %swap3A_558 = vector.shape_cast %mul3A_553 : vector<16xf32> to vector<1x16xf32>
        tpu.vector_store %arg27[%swap3A_554, %swap3A_555], %swap3A_558 {strides = array<i32>} : memref<80x128xf32, #tpu.memory_space<vmem>>, vector<1x16xf32>,
        %get3A_559 = arith.index_cast %scan3A_503 : i32 to index
        %get3A_560 = arith.constant 32 : index
        %get3A_561 = tpu.vector_load %arg18[%get3A_559, %get3A_560] {strides = array<i32>} : memref<80x128xf32, #tpu.memory_space<vmem>>, vector<1x16xf32>,
        %get3A_562 = vector.shape_cast %get3A_561 : vector<1x16xf32> to vector<16xf32>
        %get3A_563 = arith.index_cast %scan3A_503 : i32 to index
        %get3A_564 = arith.constant 32 : index
        %get3A_565 = tpu.vector_load %arg19[%get3A_563, %get3A_564] {strides = array<i32>} : memref<80x128xf32, #tpu.memory_space<vmem>>, vector<1x16xf32>,
        %get3A_566 = vector.shape_cast %get3A_565 : vector<1x16xf32> to vector<16xf32>
        %mul3A_567 = arith.mulf %get3A_562, %get3A_566 : vector<16xf32>
        %swap3A_568 = arith.index_cast %scan3A_503 : i32 to index
        %swap3A_569 = arith.constant 32 : index
        %swap3A_570 = tpu.vector_load %arg26[%swap3A_568, %swap3A_569] {strides = array<i32>} : memref<80x128xf32, #tpu.memory_space<vmem>>, vector<1x16xf32>,
        %swap3A_571 = vector.shape_cast %swap3A_570 : vector<1x16xf32> to vector<16xf32>
        %swap3A_572 = vector.shape_cast %mul3A_567 : vector<16xf32> to vector<1x16xf32>
        tpu.vector_store %arg26[%swap3A_568, %swap3A_569], %swap3A_572 {strides = array<i32>} : memref<80x128xf32, #tpu.memory_space<vmem>>, vector<1x16xf32>,
        %get3A_573 = arith.index_cast %scan3A_503 : i32 to index
        %get3A_574 = arith.constant 32 : index
        %get3A_575 = tpu.vector_load %arg20[%get3A_573, %get3A_574] {strides = array<i32>} : memref<80x128xf32, #tpu.memory_space<vmem>>, vector<1x16xf32>,
        %get3A_576 = vector.shape_cast %get3A_575 : vector<1x16xf32> to vector<16xf32>
        %get3A_577 = arith.index_cast %scan3A_503 : i32 to index
        %get3A_578 = arith.constant 32 : index
        %get3A_579 = tpu.vector_load %arg21[%get3A_577, %get3A_578] {strides = array<i32>} : memref<80x128xf32, #tpu.memory_space<vmem>>, vector<1x16xf32>,
        %get3A_580 = vector.shape_cast %get3A_579 : vector<1x16xf32> to vector<16xf32>
        %mul3A_581 = arith.mulf %get3A_576, %get3A_580 : vector<16xf32>
        %swap3A_582 = arith.index_cast %scan3A_503 : i32 to index
        %swap3A_583 = arith.constant 32 : index
        %swap3A_584 = tpu.vector_load %arg27[%swap3A_582, %swap3A_583] {strides = array<i32>} : memref<80x128xf32, #tpu.memory_space<vmem>>, vector<1x16xf32>,
        %swap3A_585 = vector.shape_cast %swap3A_584 : vector<1x16xf32> to vector<16xf32>
        %swap3A_586 = vector.shape_cast %mul3A_581 : vector<16xf32> to vector<1x16xf32>
        tpu.vector_store %arg27[%swap3A_582, %swap3A_583], %swap3A_586 {strides = array<i32>} : memref<80x128xf32, #tpu.memory_space<vmem>>, vector<1x16xf32>,
        %get3A_587 = arith.index_cast %scan3A_503 : i32 to index
        %get3A_588 = arith.constant 48 : index
        %get3A_589 = tpu.vector_load %arg18[%get3A_587, %get3A_588] {strides = array<i32>} : memref<80x128xf32, #tpu.memory_space<vmem>>, vector<1x16xf32>,
        %get3A_590 = vector.shape_cast %get3A_589 : vector<1x16xf32> to vector<16xf32>
        %get3A_591 = arith.index_cast %scan3A_503 : i32 to index
        %get3A_592 = arith.constant 48 : index
        %get3A_593 = tpu.vector_load %arg19[%get3A_591, %get3A_592] {strides = array<i32>} : memref<80x128xf32, #tpu.memory_space<vmem>>, vector<1x16xf32>,
        %get3A_594 = vector.shape_cast %get3A_593 : vector<1x16xf32> to vector<16xf32>
        %mul3A_595 = arith.mulf %get3A_590, %get3A_594 : vector<16xf32>
        %swap3A_596 = arith.index_cast %scan3A_503 : i32 to index
        %swap3A_597 = arith.constant 48 : index
        %swap3A_598 = tpu.vector_load %arg26[%swap3A_596, %swap3A_597] {strides = array<i32>} : memref<80x128xf32, #tpu.memory_space<vmem>>, vector<1x16xf32>,
        %swap3A_599 = vector.shape_cast %swap3A_598 : vector<1x16xf32> to vector<16xf32>
        %swap3A_600 = vector.shape_cast %mul3A_595 : vector<16xf32> to vector<1x16xf32>
        tpu.vector_store %arg26[%swap3A_596, %swap3A_597], %swap3A_600 {strides = array<i32>} : memref<80x128xf32, #tpu.memory_space<vmem>>, vector<1x16xf32>,
        %get3A_601 = arith.index_cast %scan3A_503 : i32 to index
        %get3A_602 = arith.constant 48 : index
        %get3A_603 = tpu.vector_load %arg20[%get3A_601, %get3A_602] {strides = array<i32>} : memref<80x128xf32, #tpu.memory_space<vmem>>, vector<1x16xf32>,
        %get3A_604 = vector.shape_cast %get3A_603 : vector<1x16xf32> to vector<16xf32>
        %get3A_605 = arith.index_cast %scan3A_503 : i32 to index
        %get3A_606 = arith.constant 48 : index
        %get3A_607 = tpu.vector_load %arg21[%get3A_605, %get3A_606] {strides = array<i32>} : memref<80x128xf32, #tpu.memory_space<vmem>>, vector<1x16xf32>,
        %get3A_608 = vector.shape_cast %get3A_607 : vector<1x16xf32> to vector<16xf32>
        %mul3A_609 = arith.mulf %get3A_604, %get3A_608 : vector<16xf32>
        %swap3A_610 = arith.index_cast %scan3A_503 : i32 to index
        %swap3A_611 = arith.constant 48 : index
        %swap3A_612 = tpu.vector_load %arg27[%swap3A_610, %swap3A_611] {strides = array<i32>} : memref<80x128xf32, #tpu.memory_space<vmem>>, vector<1x16xf32>,
        %swap3A_613 = vector.shape_cast %swap3A_612 : vector<1x16xf32> to vector<16xf32>
        %swap3A_614 = vector.shape_cast %mul3A_609 : vector<16xf32> to vector<1x16xf32>
        tpu.vector_store %arg27[%swap3A_610, %swap3A_611], %swap3A_614 {strides = array<i32>} : memref<80x128xf32, #tpu.memory_space<vmem>>, vector<1x16xf32>,
        %get3A_615 = arith.index_cast %scan3A_503 : i32 to index
        %get3A_616 = arith.constant 64 : index
        %get3A_617 = tpu.vector_load %arg18[%get3A_615, %get3A_616] {strides = array<i32>} : memref<80x128xf32, #tpu.memory_space<vmem>>, vector<1x16xf32>,
        %get3A_618 = vector.shape_cast %get3A_617 : vector<1x16xf32> to vector<16xf32>
        %get3A_619 = arith.index_cast %scan3A_503 : i32 to index
        %get3A_620 = arith.constant 64 : index
        %get3A_621 = tpu.vector_load %arg19[%get3A_619, %get3A_620] {strides = array<i32>} : memref<80x128xf32, #tpu.memory_space<vmem>>, vector<1x16xf32>,
        %get3A_622 = vector.shape_cast %get3A_621 : vector<1x16xf32> to vector<16xf32>
        %mul3A_623 = arith.mulf %get3A_618, %get3A_622 : vector<16xf32>
        %swap3A_624 = arith.index_cast %scan3A_503 : i32 to index
        %swap3A_625 = arith.constant 64 : index
        %swap3A_626 = tpu.vector_load %arg26[%swap3A_624, %swap3A_625] {strides = array<i32>} : memref<80x128xf32, #tpu.memory_space<vmem>>, vector<1x16xf32>,
        %swap3A_627 = vector.shape_cast %swap3A_626 : vector<1x16xf32> to vector<16xf32>
        %swap3A_628 = vector.shape_cast %mul3A_623 : vector<16xf32> to vector<1x16xf32>
        tpu.vector_store %arg26[%swap3A_624, %swap3A_625], %swap3A_628 {strides = array<i32>} : memref<80x128xf32, #tpu.memory_space<vmem>>, vector<1x16xf32>,
        %get3A_629 = arith.index_cast %scan3A_503 : i32 to index
        %get3A_630 = arith.constant 64 : index
        %get3A_631 = tpu.vector_load %arg20[%get3A_629, %get3A_630] {strides = array<i32>} : memref<80x128xf32, #tpu.memory_space<vmem>>, vector<1x16xf32>,
        %get3A_632 = vector.shape_cast %get3A_631 : vector<1x16xf32> to vector<16xf32>
        %get3A_633 = arith.index_cast %scan3A_503 : i32 to index
        %get3A_634 = arith.constant 64 : index
        %get3A_635 = tpu.vector_load %arg21[%get3A_633, %get3A_634] {strides = array<i32>} : memref<80x128xf32, #tpu.memory_space<vmem>>, vector<1x16xf32>,
        %get3A_636 = vector.shape_cast %get3A_635 : vector<1x16xf32> to vector<16xf32>
        %mul3A_637 = arith.mulf %get3A_632, %get3A_636 : vector<16xf32>
        %swap3A_638 = arith.index_cast %scan3A_503 : i32 to index
        %swap3A_639 = arith.constant 64 : index
        %swap3A_640 = tpu.vector_load %arg27[%swap3A_638, %swap3A_639] {strides = array<i32>} : memref<80x128xf32, #tpu.memory_space<vmem>>, vector<1x16xf32>,
        %swap3A_641 = vector.shape_cast %swap3A_640 : vector<1x16xf32> to vector<16xf32>
        %swap3A_642 = vector.shape_cast %mul3A_637 : vector<16xf32> to vector<1x16xf32>
        tpu.vector_store %arg27[%swap3A_638, %swap3A_639], %swap3A_642 {strides = array<i32>} : memref<80x128xf32, #tpu.memory_space<vmem>>, vector<1x16xf32>,
        %get3A_643 = arith.index_cast %scan3A_503 : i32 to index
        %get3A_644 = arith.constant 80 : index
        %get3A_645 = tpu.vector_load %arg18[%get3A_643, %get3A_644] {strides = array<i32>} : memref<80x128xf32, #tpu.memory_space<vmem>>, vector<1x16xf32>,
        %get3A_646 = vector.shape_cast %get3A_645 : vector<1x16xf32> to vector<16xf32>
        %get3A_647 = arith.index_cast %scan3A_503 : i32 to index
        %get3A_648 = arith.constant 80 : index
        %get3A_649 = tpu.vector_load %arg19[%get3A_647, %get3A_648] {strides = array<i32>} : memref<80x128xf32, #tpu.memory_space<vmem>>, vector<1x16xf32>,
        %get3A_650 = vector.shape_cast %get3A_649 : vector<1x16xf32> to vector<16xf32>
        %mul3A_651 = arith.mulf %get3A_646, %get3A_650 : vector<16xf32>
        %swap3A_652 = arith.index_cast %scan3A_503 : i32 to index
        %swap3A_653 = arith.constant 80 : index
        %swap3A_654 = tpu.vector_load %arg26[%swap3A_652, %swap3A_653] {strides = array<i32>} : memref<80x128xf32, #tpu.memory_space<vmem>>, vector<1x16xf32>,
        %swap3A_655 = vector.shape_cast %swap3A_654 : vector<1x16xf32> to vector<16xf32>
        %swap3A_656 = vector.shape_cast %mul3A_651 : vector<16xf32> to vector<1x16xf32>
        tpu.vector_store %arg26[%swap3A_652, %swap3A_653], %swap3A_656 {strides = array<i32>} : memref<80x128xf32, #tpu.memory_space<vmem>>, vector<1x16xf32>,
        %get3A_657 = arith.index_cast %scan3A_503 : i32 to index
        %get3A_658 = arith.constant 80 : index
        %get3A_659 = tpu.vector_load %arg20[%get3A_657, %get3A_658] {strides = array<i32>} : memref<80x128xf32, #tpu.memory_space<vmem>>, vector<1x16xf32>,
        %get3A_660 = vector.shape_cast %get3A_659 : vector<1x16xf32> to vector<16xf32>
        %get3A_661 = arith.index_cast %scan3A_503 : i32 to index
        %get3A_662 = arith.constant 80 : index
        %get3A_663 = tpu.vector_load %arg21[%get3A_661, %get3A_662] {strides = array<i32>} : memref<80x128xf32, #tpu.memory_space<vmem>>, vector<1x16xf32>,
        %get3A_664 = vector.shape_cast %get3A_663 : vector<1x16xf32> to vector<16xf32>
        %mul3A_665 = arith.mulf %get3A_660, %get3A_664 : vector<16xf32>
        %swap3A_666 = arith.index_cast %scan3A_503 : i32 to index
        %swap3A_667 = arith.constant 80 : index
        %swap3A_668 = tpu.vector_load %arg27[%swap3A_666, %swap3A_667] {strides = array<i32>} : memref<80x128xf32, #tpu.memory_space<vmem>>, vector<1x16xf32>,
        %swap3A_669 = vector.shape_cast %swap3A_668 : vector<1x16xf32> to vector<16xf32>
        %swap3A_670 = vector.shape_cast %mul3A_665 : vector<16xf32> to vector<1x16xf32>
        tpu.vector_store %arg27[%swap3A_666, %swap3A_667], %swap3A_670 {strides = array<i32>} : memref<80x128xf32, #tpu.memory_space<vmem>>, vector<1x16xf32>,
        %get3A_671 = arith.index_cast %scan3A_503 : i32 to index
        %get3A_672 = arith.constant 96 : index
        %get3A_673 = tpu.vector_load %arg18[%get3A_671, %get3A_672] {strides = array<i32>} : memref<80x128xf32, #tpu.memory_space<vmem>>, vector<1x16xf32>,
        %get3A_674 = vector.shape_cast %get3A_673 : vector<1x16xf32> to vector<16xf32>
        %get3A_675 = arith.index_cast %scan3A_503 : i32 to index
        %get3A_676 = arith.constant 96 : index
        %get3A_677 = tpu.vector_load %arg19[%get3A_675, %get3A_676] {strides = array<i32>} : memref<80x128xf32, #tpu.memory_space<vmem>>, vector<1x16xf32>,
        %get3A_678 = vector.shape_cast %get3A_677 : vector<1x16xf32> to vector<16xf32>
        %mul3A_679 = arith.mulf %get3A_674, %get3A_678 : vector<16xf32>
        %swap3A_680 = arith.index_cast %scan3A_503 : i32 to index
        %swap3A_681 = arith.constant 96 : index
        %swap3A_682 = tpu.vector_load %arg26[%swap3A_680, %swap3A_681] {strides = array<i32>} : memref<80x128xf32, #tpu.memory_space<vmem>>, vector<1x16xf32>,
        %swap3A_683 = vector.shape_cast %swap3A_682 : vector<1x16xf32> to vector<16xf32>
        %swap3A_684 = vector.shape_cast %mul3A_679 : vector<16xf32> to vector<1x16xf32>
        tpu.vector_store %arg26[%swap3A_680, %swap3A_681], %swap3A_684 {strides = array<i32>} : memref<80x128xf32, #tpu.memory_space<vmem>>, vector<1x16xf32>,
        %get3A_685 = arith.index_cast %scan3A_503 : i32 to index
        %get3A_686 = arith.constant 96 : index
        %get3A_687 = tpu.vector_load %arg20[%get3A_685, %get3A_686] {strides = array<i32>} : memref<80x128xf32, #tpu.memory_space<vmem>>, vector<1x16xf32>,
        %get3A_688 = vector.shape_cast %get3A_687 : vector<1x16xf32> to vector<16xf32>
        %get3A_689 = arith.index_cast %scan3A_503 : i32 to index
        %get3A_690 = arith.constant 96 : index
        %get3A_691 = tpu.vector_load %arg21[%get3A_689, %get3A_690] {strides = array<i32>} : memref<80x128xf32, #tpu.memory_space<vmem>>, vector<1x16xf32>,
        %get3A_692 = vector.shape_cast %get3A_691 : vector<1x16xf32> to vector<16xf32>
        %mul3A_693 = arith.mulf %get3A_688, %get3A_692 : vector<16xf32>
        %swap3A_694 = arith.index_cast %scan3A_503 : i32 to index
        %swap3A_695 = arith.constant 96 : index
        %swap3A_696 = tpu.vector_load %arg27[%swap3A_694, %swap3A_695] {strides = array<i32>} : memref<80x128xf32, #tpu.memory_space<vmem>>, vector<1x16xf32>,
        %swap3A_697 = vector.shape_cast %swap3A_696 : vector<1x16xf32> to vector<16xf32>
        %swap3A_698 = vector.shape_cast %mul3A_693 : vector<16xf32> to vector<1x16xf32>
        tpu.vector_store %arg27[%swap3A_694, %swap3A_695], %swap3A_698 {strides = array<i32>} : memref<80x128xf32, #tpu.memory_space<vmem>>, vector<1x16xf32>,
        %get3A_699 = arith.index_cast %scan3A_503 : i32 to index
        %get3A_700 = arith.constant 112 : index
        %get3A_701 = tpu.vector_load %arg18[%get3A_699, %get3A_700] {strides = array<i32>} : memref<80x128xf32, #tpu.memory_space<vmem>>, vector<1x16xf32>,
        %get3A_702 = vector.shape_cast %get3A_701 : vector<1x16xf32> to vector<16xf32>
        %get3A_703 = arith.index_cast %scan3A_503 : i32 to index
        %get3A_704 = arith.constant 112 : index
        %get3A_705 = tpu.vector_load %arg19[%get3A_703, %get3A_704] {strides = array<i32>} : memref<80x128xf32, #tpu.memory_space<vmem>>, vector<1x16xf32>,
        %get3A_706 = vector.shape_cast %get3A_705 : vector<1x16xf32> to vector<16xf32>
        %mul3A_707 = arith.mulf %get3A_702, %get3A_706 : vector<16xf32>
        %swap3A_708 = arith.index_cast %scan3A_503 : i32 to index
        %swap3A_709 = arith.constant 112 : index
        %swap3A_710 = tpu.vector_load %arg26[%swap3A_708, %swap3A_709] {strides = array<i32>} : memref<80x128xf32, #tpu.memory_space<vmem>>, vector<1x16xf32>,
        %swap3A_711 = vector.shape_cast %swap3A_710 : vector<1x16xf32> to vector<16xf32>
        %swap3A_712 = vector.shape_cast %mul3A_707 : vector<16xf32> to vector<1x16xf32>
        tpu.vector_store %arg26[%swap3A_708, %swap3A_709], %swap3A_712 {strides = array<i32>} : memref<80x128xf32, #tpu.memory_space<vmem>>, vector<1x16xf32>,
        %get3A_713 = arith.index_cast %scan3A_503 : i32 to index
        %get3A_714 = arith.constant 112 : index
        %get3A_715 = tpu.vector_load %arg20[%get3A_713, %get3A_714] {strides = array<i32>} : memref<80x128xf32, #tpu.memory_space<vmem>>, vector<1x16xf32>,
        %get3A_716 = vector.shape_cast %get3A_715 : vector<1x16xf32> to vector<16xf32>
        %get3A_717 = arith.index_cast %scan3A_503 : i32 to index
        %get3A_718 = arith.constant 112 : index
        %get3A_719 = tpu.vector_load %arg21[%get3A_717, %get3A_718] {strides = array<i32>} : memref<80x128xf32, #tpu.memory_space<vmem>>, vector<1x16xf32>,
        %get3A_720 = vector.shape_cast %get3A_719 : vector<1x16xf32> to vector<16xf32>
        %mul3A_721 = arith.mulf %get3A_716, %get3A_720 : vector<16xf32>
        %swap3A_722 = arith.index_cast %scan3A_503 : i32 to index
        %swap3A_723 = arith.constant 112 : index
        %swap3A_724 = tpu.vector_load %arg27[%swap3A_722, %swap3A_723] {strides = array<i32>} : memref<80x128xf32, #tpu.memory_space<vmem>>, vector<1x16xf32>,
        %swap3A_725 = vector.shape_cast %swap3A_724 : vector<1x16xf32> to vector<16xf32>
        %swap3A_726 = vector.shape_cast %mul3A_721 : vector<16xf32> to vector<1x16xf32>
        tpu.vector_store %arg27[%swap3A_722, %swap3A_723], %swap3A_726 {strides = array<i32>} : memref<80x128xf32, #tpu.memory_space<vmem>>, vector<1x16xf32>,
        %scan3A_727 = arith.constant 0 : i32
        scf.yield %scan3A_727 : i32
      }
      %scan3A_458 = arith.constant 80 : i32
      %mul3A_459 = arith.constant 10000 : i32
      %mul3A_460 = arith.muli %add3A, %mul3A_459 : i32
      %mul3A_461 = arith.constant 80 : i32
      %mul3A_462 = arith.muli %add3A_400, %mul3A_461 : i32
      %add3A_463 = arith.addi %mul3A_460, %mul3A_462 : i32
      %dma_start3A_464 = arith.constant 0 : i32
      %dma_start3A_465 = tpu.memref_slice %arg8[%add3A_463, %dma_start3A_464] : memref<320000x128xf32, #tpu.memory_space<hbm>> -> memref<80x128xf32, #tpu.memory_space<hbm>>
      %dma_start3A_466 = arith.constant 0 : i32
      %dma_start3A_467 = tpu.memref_slice %arg8[%add3A_463, %dma_start3A_466] : memref<320000x128xf32, #tpu.memory_space<hbm>> -> memref<80x128xf32, #tpu.memory_space<hbm>>
      tpu.enqueue_dma source(%arg26 : memref<80x128xf32, #tpu.memory_space<vmem>>) target(%dma_start3A_467 : memref<80x128xf32, #tpu.memory_space<hbm>>) target_semaphore(%arg32 : memref<!tpu.dma_semaphore, #tpu.memory_space<semaphore_mem>>)
      %dma_start3A_468 = arith.constant 0 : i32
      %dma_start3A_469 = tpu.memref_slice %arg9[%add3A_463, %dma_start3A_468] : memref<320000x128xf32, #tpu.memory_space<hbm>> -> memref<80x128xf32, #tpu.memory_space<hbm>>
      %dma_start3A_470 = arith.constant 0 : i32
      %dma_start3A_471 = tpu.memref_slice %arg9[%add3A_463, %dma_start3A_470] : memref<320000x128xf32, #tpu.memory_space<hbm>> -> memref<80x128xf32, #tpu.memory_space<hbm>>
      tpu.enqueue_dma source(%arg27 : memref<80x128xf32, #tpu.memory_space<vmem>>) target(%dma_start3A_471 : memref<80x128xf32, #tpu.memory_space<hbm>>) target_semaphore(%arg32 : memref<!tpu.dma_semaphore, #tpu.memory_space<semaphore_mem>>)
      %add3A_472 = arith.constant 2 : i32
      %add3A_473 = arith.addi %add3A_400, %add3A_472 : i32
      %dma_wait3A_474 = arith.constant 0 : i32
      %dma_wait3A_475 = tpu.memref_slice %arg4[%dma_wait3A_474] : memref<320000xi32, #tpu.memory_space<hbm>> -> memref<80xi32, #tpu.memory_space<hbm>>
      %dma_wait3A_476 = arith.constant 0 : i32
      %dma_wait3A_477 = tpu.memref_slice %arg4[%dma_wait3A_476] : memref<320000xi32, #tpu.memory_space<hbm>> -> memref<80xi32, #tpu.memory_space<hbm>>
      tpu.wait_dma2 semaphore(%arg30 : memref<!tpu.dma_semaphore, #tpu.memory_space<semaphore_mem>>) src(%dma_wait3A_477 : memref<80xi32, #tpu.memory_space<hbm>>) dst(%arg10 : memref<80xi32, #tpu.memory_space<vmem>>)
      %dma_wait3A_478 = arith.constant 0 : i32
      %dma_wait3A_479 = tpu.memref_slice %arg5[%dma_wait3A_478] : memref<320000xi32, #tpu.memory_space<hbm>> -> memref<80xi32, #tpu.memory_space<hbm>>
      %dma_wait3A_480 = arith.constant 0 : i32
      %dma_wait3A_481 = tpu.memref_slice %arg5[%dma_wait3A_480] : memref<320000xi32, #tpu.memory_space<hbm>> -> memref<80xi32, #tpu.memory_space<hbm>>
      tpu.wait_dma2 semaphore(%arg30 : memref<!tpu.dma_semaphore, #tpu.memory_space<semaphore_mem>>) src(%dma_wait3A_481 : memref<80xi32, #tpu.memory_space<hbm>>) dst(%arg11 : memref<80xi32, #tpu.memory_space<vmem>>)
      %dma_wait3A_482 = arith.constant 0 : i32
      %dma_wait3A_483 = tpu.memref_slice %arg6[%dma_wait3A_482] : memref<320000xi32, #tpu.memory_space<hbm>> -> memref<80xi32, #tpu.memory_space<hbm>>
      %dma_wait3A_484 = arith.constant 0 : i32
      %dma_wait3A_485 = tpu.memref_slice %arg6[%dma_wait3A_484] : memref<320000xi32, #tpu.memory_space<hbm>> -> memref<80xi32, #tpu.memory_space<hbm>>
      tpu.wait_dma2 semaphore(%arg30 : memref<!tpu.dma_semaphore, #tpu.memory_space<semaphore_mem>>) src(%dma_wait3A_485 : memref<80xi32, #tpu.memory_space<hbm>>) dst(%arg12 : memref<80xi32, #tpu.memory_space<vmem>>)
      %dma_wait3A_486 = arith.constant 0 : i32
      %dma_wait3A_487 = tpu.memref_slice %arg7[%dma_wait3A_486] : memref<320000xi32, #tpu.memory_space<hbm>> -> memref<80xi32, #tpu.memory_space<hbm>>
      %dma_wait3A_488 = arith.constant 0 : i32
      %dma_wait3A_489 = tpu.memref_slice %arg7[%dma_wait3A_488] : memref<320000xi32, #tpu.memory_space<hbm>> -> memref<80xi32, #tpu.memory_space<hbm>>
      tpu.wait_dma2 semaphore(%arg30 : memref<!tpu.dma_semaphore, #tpu.memory_space<semaphore_mem>>) src(%dma_wait3A_489 : memref<80xi32, #tpu.memory_space<hbm>>) dst(%arg13 : memref<80xi32, #tpu.memory_space<vmem>>)
      %dma_start3A_490 = arith.constant 0 : i32
      %dma_start3A_491 = arith.constant 0 : i32
      %dma_start3A_492 = tpu.memref_slice %arg2[%dma_start3A_490, %dma_start3A_491] : memref<10000x128xf32, #tpu.memory_space<hbm>> -> memref<10000x128xf32, #tpu.memory_space<hbm>>
      tpu.enqueue_indirect_dma source(%dma_start3A_492 : memref<10000x128xf32, #tpu.memory_space<hbm>>) target(%arg18 : memref<80x128xf32, #tpu.memory_space<vmem>>) offsets(%arg10 : memref<80xi32, #tpu.memory_space<vmem>>) semaphore(%arg28 : memref<!tpu.dma_semaphore, #tpu.memory_space<semaphore_mem>>)
      %dma_start3A_493 = arith.constant 0 : i32
      %dma_start3A_494 = arith.constant 0 : i32
      %dma_start3A_495 = tpu.memref_slice %arg2[%dma_start3A_493, %dma_start3A_494] : memref<10000x128xf32, #tpu.memory_space<hbm>> -> memref<10000x128xf32, #tpu.memory_space<hbm>>
      tpu.enqueue_indirect_dma source(%dma_start3A_495 : memref<10000x128xf32, #tpu.memory_space<hbm>>) target(%arg19 : memref<80x128xf32, #tpu.memory_space<vmem>>) offsets(%arg11 : memref<80xi32, #tpu.memory_space<vmem>>) semaphore(%arg28 : memref<!tpu.dma_semaphore, #tpu.memory_space<semaphore_mem>>)
      %dma_start3A_496 = arith.constant 0 : i32
      %dma_start3A_497 = arith.constant 0 : i32
      %dma_start3A_498 = tpu.memref_slice %arg3[%dma_start3A_496, %dma_start3A_497] : memref<10000x128xf32, #tpu.memory_space<hbm>> -> memref<10000x128xf32, #tpu.memory_space<hbm>>
      tpu.enqueue_indirect_dma source(%dma_start3A_498 : memref<10000x128xf32, #tpu.memory_space<hbm>>) target(%arg20 : memref<80x128xf32, #tpu.memory_space<vmem>>) offsets(%arg12 : memref<80xi32, #tpu.memory_space<vmem>>) semaphore(%arg28 : memref<!tpu.dma_semaphore, #tpu.memory_space<semaphore_mem>>)
      %dma_start3A_499 = arith.constant 0 : i32
      %dma_start3A_500 = arith.constant 0 : i32
      %dma_start3A_501 = tpu.memref_slice %arg3[%dma_start3A_499, %dma_start3A_500] : memref<10000x128xf32, #tpu.memory_space<hbm>> -> memref<10000x128xf32, #tpu.memory_space<hbm>>
      tpu.enqueue_indirect_dma source(%dma_start3A_501 : memref<10000x128xf32, #tpu.memory_space<hbm>>) target(%arg21 : memref<80x128xf32, #tpu.memory_space<vmem>>) offsets(%arg13 : memref<80xi32, #tpu.memory_space<vmem>>) semaphore(%arg28 : memref<!tpu.dma_semaphore, #tpu.memory_space<semaphore_mem>>)
      %scan3A_502 = arith.constant 0 : i32
      scf.yield %scan3A_502 : i32
    }
    %scan3A_167 = arith.constant 61 : i32
    %dma_wait3A_168 = arith.constant 0 : i32
    %dma_wait3A_169 = arith.constant 0 : i32
    %dma_wait3A_170 = tpu.memref_slice %arg2[%dma_wait3A_168, %dma_wait3A_169] : memref<10000x128xf32, #tpu.memory_space<hbm>> -> memref<80x128xf32, #tpu.memory_space<hbm>>
    %dma_wait3A_171 = arith.constant 0 : i32
    %dma_wait3A_172 = arith.constant 0 : i32
    %dma_wait3A_173 = tpu.memref_slice %arg2[%dma_wait3A_171, %dma_wait3A_172] : memref<10000x128xf32, #tpu.memory_space<hbm>> -> memref<80x128xf32, #tpu.memory_space<hbm>>
    tpu.wait_dma2 semaphore(%arg29 : memref<!tpu.dma_semaphore, #tpu.memory_space<semaphore_mem>>) src(%dma_wait3A_173 : memref<80x128xf32, #tpu.memory_space<hbm>>) dst(%arg22 : memref<80x128xf32, #tpu.memory_space<vmem>>)
    %dma_wait3A_174 = arith.constant 0 : i32
    %dma_wait3A_175 = arith.constant 0 : i32
    %dma_wait3A_176 = tpu.memref_slice %arg2[%dma_wait3A_174, %dma_wait3A_175] : memref<10000x128xf32, #tpu.memory_space<hbm>> -> memref<80x128xf32, #tpu.memory_space<hbm>>
    %dma_wait3A_177 = arith.constant 0 : i32
    %dma_wait3A_178 = arith.constant 0 : i32
    %dma_wait3A_179 = tpu.memref_slice %arg2[%dma_wait3A_177, %dma_wait3A_178] : memref<10000x128xf32, #tpu.memory_space<hbm>> -> memref<80x128xf32, #tpu.memory_space<hbm>>
    tpu.wait_dma2 semaphore(%arg29 : memref<!tpu.dma_semaphore, #tpu.memory_space<semaphore_mem>>) src(%dma_wait3A_179 : memref<80x128xf32, #tpu.memory_space<hbm>>) dst(%arg23 : memref<80x128xf32, #tpu.memory_space<vmem>>)
    %dma_wait3A_180 = arith.constant 0 : i32
    %dma_wait3A_181 = arith.constant 0 : i32
    %dma_wait3A_182 = tpu.memref_slice %arg2[%dma_wait3A_180, %dma_wait3A_181] : memref<10000x128xf32, #tpu.memory_space<hbm>> -> memref<80x128xf32, #tpu.memory_space<hbm>>
    %dma_wait3A_183 = arith.constant 0 : i32
    %dma_wait3A_184 = arith.constant 0 : i32
    %dma_wait3A_185 = tpu.memref_slice %arg2[%dma_wait3A_183, %dma_wait3A_184] : memref<10000x128xf32, #tpu.memory_space<hbm>> -> memref<80x128xf32, #tpu.memory_space<hbm>>
    tpu.wait_dma2 semaphore(%arg29 : memref<!tpu.dma_semaphore, #tpu.memory_space<semaphore_mem>>) src(%dma_wait3A_185 : memref<80x128xf32, #tpu.memory_space<hbm>>) dst(%arg24 : memref<80x128xf32, #tpu.memory_space<vmem>>)
    %dma_wait3A_186 = arith.constant 0 : i32
    %dma_wait3A_187 = arith.constant 0 : i32
    %dma_wait3A_188 = tpu.memref_slice %arg2[%dma_wait3A_186, %dma_wait3A_187] : memref<10000x128xf32, #tpu.memory_space<hbm>> -> memref<80x128xf32, #tpu.memory_space<hbm>>
    %dma_wait3A_189 = arith.constant 0 : i32
    %dma_wait3A_190 = arith.constant 0 : i32
    %dma_wait3A_191 = tpu.memref_slice %arg2[%dma_wait3A_189, %dma_wait3A_190] : memref<10000x128xf32, #tpu.memory_space<hbm>> -> memref<80x128xf32, #tpu.memory_space<hbm>>
    tpu.wait_dma2 semaphore(%arg29 : memref<!tpu.dma_semaphore, #tpu.memory_space<semaphore_mem>>) src(%dma_wait3A_191 : memref<80x128xf32, #tpu.memory_space<hbm>>) dst(%arg25 : memref<80x128xf32, #tpu.memory_space<vmem>>)
    %dma_wait3A_192 = arith.constant 0 : i32
    %dma_wait3A_193 = arith.constant 0 : i32
    %dma_wait3A_194 = tpu.memref_slice %arg8[%dma_wait3A_192, %dma_wait3A_193] : memref<320000x128xf32, #tpu.memory_space<hbm>> -> memref<80x128xf32, #tpu.memory_space<hbm>>
    %dma_wait3A_195 = arith.constant 0 : i32
    %dma_wait3A_196 = arith.constant 0 : i32
    %dma_wait3A_197 = tpu.memref_slice %arg8[%dma_wait3A_195, %dma_wait3A_196] : memref<320000x128xf32, #tpu.memory_space<hbm>> -> memref<80x128xf32, #tpu.memory_space<hbm>>
    tpu.wait_dma2 semaphore(%arg32 : memref<!tpu.dma_semaphore, #tpu.memory_space<semaphore_mem>>) src(%dma_wait3A_197 : memref<80x128xf32, #tpu.memory_space<hbm>>) dst(%arg26 : memref<80x128xf32, #tpu.memory_space<vmem>>)
    %dma_wait3A_198 = arith.constant 0 : i32
    %dma_wait3A_199 = arith.constant 0 : i32
    %dma_wait3A_200 = tpu.memref_slice %arg9[%dma_wait3A_198, %dma_wait3A_199] : memref<320000x128xf32, #tpu.memory_space<hbm>> -> memref<80x128xf32, #tpu.memory_space<hbm>>
    %dma_wait3A_201 = arith.constant 0 : i32
    %dma_wait3A_202 = arith.constant 0 : i32
    %dma_wait3A_203 = tpu.memref_slice %arg9[%dma_wait3A_201, %dma_wait3A_202] : memref<320000x128xf32, #tpu.memory_space<hbm>> -> memref<80x128xf32, #tpu.memory_space<hbm>>
    tpu.wait_dma2 semaphore(%arg32 : memref<!tpu.dma_semaphore, #tpu.memory_space<semaphore_mem>>) src(%dma_wait3A_203 : memref<80x128xf32, #tpu.memory_space<hbm>>) dst(%arg27 : memref<80x128xf32, #tpu.memory_space<vmem>>)
    %scan3A_204 = arith.constant 0 : i32
    %scan3A_205 = arith.constant 0 : i32
    %scan3A_206 = arith.constant 80 : i32
    %scan3A_207 = arith.addi %scan3A_205, %scan3A_206 : i32
    %scan3A_208 = arith.constant 1 : i32
    %scan3A_209 = scf.for %scan3A_290 = %scan3A_205 to %scan3A_207 step %scan3A_208 iter_args(%scan3A_291 = %scan3A_204) -> (i32)  : i32 {
      %get3A = arith.index_cast %scan3A_290 : i32 to index
      %get3A_292 = arith.constant 0 : index
      %get3A_293 = tpu.vector_load %arg22[%get3A, %get3A_292] {strides = array<i32>} : memref<80x128xf32, #tpu.memory_space<vmem>>, vector<1x16xf32>,
      %get3A_294 = vector.shape_cast %get3A_293 : vector<1x16xf32> to vector<16xf32>
      %get3A_295 = arith.index_cast %scan3A_290 : i32 to index
      %get3A_296 = arith.constant 0 : index
      %get3A_297 = tpu.vector_load %arg23[%get3A_295, %get3A_296] {strides = array<i32>} : memref<80x128xf32, #tpu.memory_space<vmem>>, vector<1x16xf32>,
      %get3A_298 = vector.shape_cast %get3A_297 : vector<1x16xf32> to vector<16xf32>
      %mul3A_299 = arith.mulf %get3A_294, %get3A_298 : vector<16xf32>
      %swap3A = arith.index_cast %scan3A_290 : i32 to index
      %swap3A_300 = arith.constant 0 : index
      %swap3A_301 = tpu.vector_load %arg26[%swap3A, %swap3A_300] {strides = array<i32>} : memref<80x128xf32, #tpu.memory_space<vmem>>, vector<1x16xf32>,
      %swap3A_302 = vector.shape_cast %swap3A_301 : vector<1x16xf32> to vector<16xf32>
      %swap3A_303 = vector.shape_cast %mul3A_299 : vector<16xf32> to vector<1x16xf32>
      tpu.vector_store %arg26[%swap3A, %swap3A_300], %swap3A_303 {strides = array<i32>} : memref<80x128xf32, #tpu.memory_space<vmem>>, vector<1x16xf32>,
      %get3A_304 = arith.index_cast %scan3A_290 : i32 to index
      %get3A_305 = arith.constant 0 : index
      %get3A_306 = tpu.vector_load %arg24[%get3A_304, %get3A_305] {strides = array<i32>} : memref<80x128xf32, #tpu.memory_space<vmem>>, vector<1x16xf32>,
      %get3A_307 = vector.shape_cast %get3A_306 : vector<1x16xf32> to vector<16xf32>
      %get3A_308 = arith.index_cast %scan3A_290 : i32 to index
      %get3A_309 = arith.constant 0 : index
      %get3A_310 = tpu.vector_load %arg25[%get3A_308, %get3A_309] {strides = array<i32>} : memref<80x128xf32, #tpu.memory_space<vmem>>, vector<1x16xf32>,
      %get3A_311 = vector.shape_cast %get3A_310 : vector<1x16xf32> to vector<16xf32>
      %mul3A_312 = arith.mulf %get3A_307, %get3A_311 : vector<16xf32>
      %swap3A_313 = arith.index_cast %scan3A_290 : i32 to index
      %swap3A_314 = arith.constant 0 : index
      %swap3A_315 = tpu.vector_load %arg27[%swap3A_313, %swap3A_314] {strides = array<i32>} : memref<80x128xf32, #tpu.memory_space<vmem>>, vector<1x16xf32>,
      %swap3A_316 = vector.shape_cast %swap3A_315 : vector<1x16xf32> to vector<16xf32>
      %swap3A_317 = vector.shape_cast %mul3A_312 : vector<16xf32> to vector<1x16xf32>
      tpu.vector_store %arg27[%swap3A_313, %swap3A_314], %swap3A_317 {strides = array<i32>} : memref<80x128xf32, #tpu.memory_space<vmem>>, vector<1x16xf32>,
      %get3A_318 = arith.index_cast %scan3A_290 : i32 to index
      %get3A_319 = arith.constant 16 : index
      %get3A_320 = tpu.vector_load %arg22[%get3A_318, %get3A_319] {strides = array<i32>} : memref<80x128xf32, #tpu.memory_space<vmem>>, vector<1x16xf32>,
      %get3A_321 = vector.shape_cast %get3A_320 : vector<1x16xf32> to vector<16xf32>
      %get3A_322 = arith.index_cast %scan3A_290 : i32 to index
      %get3A_323 = arith.constant 16 : index
      %get3A_324 = tpu.vector_load %arg23[%get3A_322, %get3A_323] {strides = array<i32>} : memref<80x128xf32, #tpu.memory_space<vmem>>, vector<1x16xf32>,
      %get3A_325 = vector.shape_cast %get3A_324 : vector<1x16xf32> to vector<16xf32>
      %mul3A_326 = arith.mulf %get3A_321, %get3A_325 : vector<16xf32>
      %swap3A_327 = arith.index_cast %scan3A_290 : i32 to index
      %swap3A_328 = arith.constant 16 : index
      %swap3A_329 = tpu.vector_load %arg26[%swap3A_327, %swap3A_328] {strides = array<i32>} : memref<80x128xf32, #tpu.memory_space<vmem>>, vector<1x16xf32>,
      %swap3A_330 = vector.shape_cast %swap3A_329 : vector<1x16xf32> to vector<16xf32>
      %swap3A_331 = vector.shape_cast %mul3A_326 : vector<16xf32> to vector<1x16xf32>
      tpu.vector_store %arg26[%swap3A_327, %swap3A_328], %swap3A_331 {strides = array<i32>} : memref<80x128xf32, #tpu.memory_space<vmem>>, vector<1x16xf32>,
      %get3A_332 = arith.index_cast %scan3A_290 : i32 to index
      %get3A_333 = arith.constant 16 : index
      %get3A_334 = tpu.vector_load %arg24[%get3A_332, %get3A_333] {strides = array<i32>} : memref<80x128xf32, #tpu.memory_space<vmem>>, vector<1x16xf32>,
      %get3A_335 = vector.shape_cast %get3A_334 : vector<1x16xf32> to vector<16xf32>
      %get3A_336 = arith.index_cast %scan3A_290 : i32 to index
      %get3A_337 = arith.constant 16 : index
      %get3A_338 = tpu.vector_load %arg25[%get3A_336, %get3A_337] {strides = array<i32>} : memref<80x128xf32, #tpu.memory_space<vmem>>, vector<1x16xf32>,
      %get3A_339 = vector.shape_cast %get3A_338 : vector<1x16xf32> to vector<16xf32>
      %mul3A_340 = arith.mulf %get3A_335, %get3A_339 : vector<16xf32>
      %swap3A_341 = arith.index_cast %scan3A_290 : i32 to index
      %swap3A_342 = arith.constant 16 : index
      %swap3A_343 = tpu.vector_load %arg27[%swap3A_341, %swap3A_342] {strides = array<i32>} : memref<80x128xf32, #tpu.memory_space<vmem>>, vector<1x16xf32>,
      %swap3A_344 = vector.shape_cast %swap3A_343 : vector<1x16xf32> to vector<16xf32>
      %swap3A_345 = vector.shape_cast %mul3A_340 : vector<16xf32> to vector<1x16xf32>
      tpu.vector_store %arg27[%swap3A_341, %swap3A_342], %swap3A_345 {strides = array<i32>} : memref<80x128xf32, #tpu.memory_space<vmem>>, vector<1x16xf32>,
      %get3A_346 = arith.index_cast %scan3A_290 : i32 to index
      %get3A_347 = arith.constant 32 : index
      %get3A_348 = tpu.vector_load %arg22[%get3A_346, %get3A_347] {strides = array<i32>} : memref<80x128xf32, #tpu.memory_space<vmem>>, vector<1x16xf32>,
      %get3A_349 = vector.shape_cast %get3A_348 : vector<1x16xf32> to vector<16xf32>
      %get3A_350 = arith.index_cast %scan3A_290 : i32 to index
      %get3A_351 = arith.constant 32 : index
      %get3A_352 = tpu.vector_load %arg23[%get3A_350, %get3A_351] {strides = array<i32>} : memref<80x128xf32, #tpu.memory_space<vmem>>, vector<1x16xf32>,
      %get3A_353 = vector.shape_cast %get3A_352 : vector<1x16xf32> to vector<16xf32>
      %mul3A_354 = arith.mulf %get3A_349, %get3A_353 : vector<16xf32>
      %swap3A_355 = arith.index_cast %scan3A_290 : i32 to index
      %swap3A_356 = arith.constant 32 : index
      %swap3A_357 = tpu.vector_load %arg26[%swap3A_355, %swap3A_356] {strides = array<i32>} : memref<80x128xf32, #tpu.memory_space<vmem>>, vector<1x16xf32>,
      %swap3A_358 = vector.shape_cast %swap3A_357 : vector<1x16xf32> to vector<16xf32>
      %swap3A_359 = vector.shape_cast %mul3A_354 : vector<16xf32> to vector<1x16xf32>
      tpu.vector_store %arg26[%swap3A_355, %swap3A_356], %swap3A_359 {strides = array<i32>} : memref<80x128xf32, #tpu.memory_space<vmem>>, vector<1x16xf32>,
      %get3A_360 = arith.index_cast %scan3A_290 : i32 to index
      %get3A_361 = arith.constant 32 : index
      %get3A_362 = tpu.vector_load %arg24[%get3A_360, %get3A_361] {strides = array<i32>} : memref<80x128xf32, #tpu.memory_space<vmem>>, vector<1x16xf32>,
      %get3A_363 = vector.shape_cast %get3A_362 : vector<1x16xf32> to vector<16xf32>
      %get3A_364 = arith.index_cast %scan3A_290 : i32 to index
      %get3A_365 = arith.constant 32 : index
      %get3A_366 = tpu.vector_load %arg25[%get3A_364, %get3A_365] {strides = array<i32>} : memref<80x128xf32, #tpu.memory_space<vmem>>, vector<1x16xf32>,
      %get3A_367 = vector.shape_cast %get3A_366 : vector<1x16xf32> to vector<16xf32>
      %mul3A_368 = arith.mulf %get3A_363, %get3A_367 : vector<16xf32>
      %swap3A_369 = arith.index_cast %scan3A_290 : i32 to index
      %swap3A_370 = arith.constant 32 : index
      %swap3A_371 = tpu.vector_load %arg27[%swap3A_369, %swap3A_370] {strides = array<i32>} : memref<80x128xf32, #tpu.memory_space<vmem>>, vector<1x16xf32>,
      %swap3A_372 = vector.shape_cast %swap3A_371 : vector<1x16xf32> to vector<16xf32>
      %swap3A_373 = vector.shape_cast %mul3A_368 : vector<16xf32> to vector<1x16xf32>
      tpu.vector_store %arg27[%swap3A_369, %swap3A_370], %swap3A_373 {strides = array<i32>} : memref<80x128xf32, #tpu.memory_space<vmem>>, vector<1x16xf32>,
      %get3A_374 = arith.index_cast %scan3A_290 : i32 to index
      %get3A_375 = arith.constant 48 : index
      %get3A_376 = tpu.vector_load %arg22[%get3A_374, %get3A_375] {strides = array<i32>} : memref<80x128xf32, #tpu.memory_space<vmem>>, vector<1x16xf32>,
      %get3A_377 = vector.shape_cast %get3A_376 : vector<1x16xf32> to vector<16xf32>
      %get3A_378 = arith.index_cast %scan3A_290 : i32 to index
      %get3A_379 = arith.constant 48 : index
      %get3A_380 = tpu.vector_load %arg23[%get3A_378, %get3A_379] {strides = array<i32>} : memref<80x128xf32, #tpu.memory_space<vmem>>, vector<1x16xf32>,
      %get3A_381 = vector.shape_cast %get3A_380 : vector<1x16xf32> to vector<16xf32>
      %mul3A_382 = arith.mulf %get3A_377, %get3A_381 : vector<16xf32>
      %swap3A_383 = arith.index_cast %scan3A_290 : i32 to index
      %swap3A_384 = arith.constant 48 : index
      %swap3A_385 = tpu.vector_load %arg26[%swap3A_383, %swap3A_384] {strides = array<i32>} : memref<80x128xf32, #tpu.memory_space<vmem>>, vector<1x16xf32>,
      %swap3A_386 = vector.shape_cast %swap3A_385 : vector<1x16xf32> to vector<16xf32>
      %swap3A_387 = vector.shape_cast %mul3A_382 : vector<16xf32> to vector<1x16xf32>
      tpu.vector_store %arg26[%swap3A_383, %swap3A_384], %swap3A_387 {strides = array<i32>} : memref<80x128xf32, #tpu.memory_space<vmem>>, vector<1x16xf32>,
      %get3A_388 = arith.index_cast %scan3A_290 : i32 to index
      %get3A_389 = arith.constant 48 : index
      %get3A_390 = tpu.vector_load %arg24[%get3A_388, %get3A_389] {strides = array<i32>} : memref<80x128xf32, #tpu.memory_space<vmem>>, vector<1x16xf32>,
      %get3A_391 = vector.shape_cast %get3A_390 : vector<1x16xf32> to vector<16xf32>
      %get3A_392 = arith.index_cast %scan3A_290 : i32 to index
      %get3A_393 = arith.constant 48 : index
      %get3A_394 = tpu.vector_load %arg25[%get3A_392, %get3A_393] {strides = array<i32>} : memref<80x128xf32, #tpu.memory_space<vmem>>, vector<1x16xf32>,
      %get3A_395 = vector.shape_cast %get3A_394 : vector<1x16xf32> to vector<16xf32>
      %mul3A_396 = arith.mulf %get3A_391, %get3A_395 : vector<16xf32>
      %swap3A_397 = arith.index_cast %scan3A_290 : i32 to index
      %swap3A_398 = arith.constant 48 : index
      %swap3A_399 = tpu.vector_load %arg27[%swap3A_397, %swap3A_398] {strides = array<i32>} : memref<80x128xf32, #tpu.memory_space<vmem>>, vector<1x16xf32>,
      %swap3A_400 = vector.shape_cast %swap3A_399 : vector<1x16xf32> to vector<16xf32>
      %swap3A_401 = vector.shape_cast %mul3A_396 : vector<16xf32> to vector<1x16xf32>
      tpu.vector_store %arg27[%swap3A_397, %swap3A_398], %swap3A_401 {strides = array<i32>} : memref<80x128xf32, #tpu.memory_space<vmem>>, vector<1x16xf32>,
      %get3A_402 = arith.index_cast %scan3A_290 : i32 to index
      %get3A_403 = arith.constant 64 : index
      %get3A_404 = tpu.vector_load %arg22[%get3A_402, %get3A_403] {strides = array<i32>} : memref<80x128xf32, #tpu.memory_space<vmem>>, vector<1x16xf32>,
      %get3A_405 = vector.shape_cast %get3A_404 : vector<1x16xf32> to vector<16xf32>
      %get3A_406 = arith.index_cast %scan3A_290 : i32 to index
      %get3A_407 = arith.constant 64 : index
      %get3A_408 = tpu.vector_load %arg23[%get3A_406, %get3A_407] {strides = array<i32>} : memref<80x128xf32, #tpu.memory_space<vmem>>, vector<1x16xf32>,
      %get3A_409 = vector.shape_cast %get3A_408 : vector<1x16xf32> to vector<16xf32>
      %mul3A_410 = arith.mulf %get3A_405, %get3A_409 : vector<16xf32>
      %swap3A_411 = arith.index_cast %scan3A_290 : i32 to index
      %swap3A_412 = arith.constant 64 : index
      %swap3A_413 = tpu.vector_load %arg26[%swap3A_411, %swap3A_412] {strides = array<i32>} : memref<80x128xf32, #tpu.memory_space<vmem>>, vector<1x16xf32>,
      %swap3A_414 = vector.shape_cast %swap3A_413 : vector<1x16xf32> to vector<16xf32>
      %swap3A_415 = vector.shape_cast %mul3A_410 : vector<16xf32> to vector<1x16xf32>
      tpu.vector_store %arg26[%swap3A_411, %swap3A_412], %swap3A_415 {strides = array<i32>} : memref<80x128xf32, #tpu.memory_space<vmem>>, vector<1x16xf32>,
      %get3A_416 = arith.index_cast %scan3A_290 : i32 to index
      %get3A_417 = arith.constant 64 : index
      %get3A_418 = tpu.vector_load %arg24[%get3A_416, %get3A_417] {strides = array<i32>} : memref<80x128xf32, #tpu.memory_space<vmem>>, vector<1x16xf32>,
      %get3A_419 = vector.shape_cast %get3A_418 : vector<1x16xf32> to vector<16xf32>
      %get3A_420 = arith.index_cast %scan3A_290 : i32 to index
      %get3A_421 = arith.constant 64 : index
      %get3A_422 = tpu.vector_load %arg25[%get3A_420, %get3A_421] {strides = array<i32>} : memref<80x128xf32, #tpu.memory_space<vmem>>, vector<1x16xf32>,
      %get3A_423 = vector.shape_cast %get3A_422 : vector<1x16xf32> to vector<16xf32>
      %mul3A_424 = arith.mulf %get3A_419, %get3A_423 : vector<16xf32>
      %swap3A_425 = arith.index_cast %scan3A_290 : i32 to index
      %swap3A_426 = arith.constant 64 : index
      %swap3A_427 = tpu.vector_load %arg27[%swap3A_425, %swap3A_426] {strides = array<i32>} : memref<80x128xf32, #tpu.memory_space<vmem>>, vector<1x16xf32>,
      %swap3A_428 = vector.shape_cast %swap3A_427 : vector<1x16xf32> to vector<16xf32>
      %swap3A_429 = vector.shape_cast %mul3A_424 : vector<16xf32> to vector<1x16xf32>
      tpu.vector_store %arg27[%swap3A_425, %swap3A_426], %swap3A_429 {strides = array<i32>} : memref<80x128xf32, #tpu.memory_space<vmem>>, vector<1x16xf32>,
      %get3A_430 = arith.index_cast %scan3A_290 : i32 to index
      %get3A_431 = arith.constant 80 : index
      %get3A_432 = tpu.vector_load %arg22[%get3A_430, %get3A_431] {strides = array<i32>} : memref<80x128xf32, #tpu.memory_space<vmem>>, vector<1x16xf32>,
      %get3A_433 = vector.shape_cast %get3A_432 : vector<1x16xf32> to vector<16xf32>
      %get3A_434 = arith.index_cast %scan3A_290 : i32 to index
      %get3A_435 = arith.constant 80 : index
      %get3A_436 = tpu.vector_load %arg23[%get3A_434, %get3A_435] {strides = array<i32>} : memref<80x128xf32, #tpu.memory_space<vmem>>, vector<1x16xf32>,
      %get3A_437 = vector.shape_cast %get3A_436 : vector<1x16xf32> to vector<16xf32>
      %mul3A_438 = arith.mulf %get3A_433, %get3A_437 : vector<16xf32>
      %swap3A_439 = arith.index_cast %scan3A_290 : i32 to index
      %swap3A_440 = arith.constant 80 : index
      %swap3A_441 = tpu.vector_load %arg26[%swap3A_439, %swap3A_440] {strides = array<i32>} : memref<80x128xf32, #tpu.memory_space<vmem>>, vector<1x16xf32>,
      %swap3A_442 = vector.shape_cast %swap3A_441 : vector<1x16xf32> to vector<16xf32>
      %swap3A_443 = vector.shape_cast %mul3A_438 : vector<16xf32> to vector<1x16xf32>
      tpu.vector_store %arg26[%swap3A_439, %swap3A_440], %swap3A_443 {strides = array<i32>} : memref<80x128xf32, #tpu.memory_space<vmem>>, vector<1x16xf32>,
      %get3A_444 = arith.index_cast %scan3A_290 : i32 to index
      %get3A_445 = arith.constant 80 : index
      %get3A_446 = tpu.vector_load %arg24[%get3A_444, %get3A_445] {strides = array<i32>} : memref<80x128xf32, #tpu.memory_space<vmem>>, vector<1x16xf32>,
      %get3A_447 = vector.shape_cast %get3A_446 : vector<1x16xf32> to vector<16xf32>
      %get3A_448 = arith.index_cast %scan3A_290 : i32 to index
      %get3A_449 = arith.constant 80 : index
      %get3A_450 = tpu.vector_load %arg25[%get3A_448, %get3A_449] {strides = array<i32>} : memref<80x128xf32, #tpu.memory_space<vmem>>, vector<1x16xf32>,
      %get3A_451 = vector.shape_cast %get3A_450 : vector<1x16xf32> to vector<16xf32>
      %mul3A_452 = arith.mulf %get3A_447, %get3A_451 : vector<16xf32>
      %swap3A_453 = arith.index_cast %scan3A_290 : i32 to index
      %swap3A_454 = arith.constant 80 : index
      %swap3A_455 = tpu.vector_load %arg27[%swap3A_453, %swap3A_454] {strides = array<i32>} : memref<80x128xf32, #tpu.memory_space<vmem>>, vector<1x16xf32>,
      %swap3A_456 = vector.shape_cast %swap3A_455 : vector<1x16xf32> to vector<16xf32>
      %swap3A_457 = vector.shape_cast %mul3A_452 : vector<16xf32> to vector<1x16xf32>
      tpu.vector_store %arg27[%swap3A_453, %swap3A_454], %swap3A_457 {strides = array<i32>} : memref<80x128xf32, #tpu.memory_space<vmem>>, vector<1x16xf32>,
      %get3A_458 = arith.index_cast %scan3A_290 : i32 to index
      %get3A_459 = arith.constant 96 : index
      %get3A_460 = tpu.vector_load %arg22[%get3A_458, %get3A_459] {strides = array<i32>} : memref<80x128xf32, #tpu.memory_space<vmem>>, vector<1x16xf32>,
      %get3A_461 = vector.shape_cast %get3A_460 : vector<1x16xf32> to vector<16xf32>
      %get3A_462 = arith.index_cast %scan3A_290 : i32 to index
      %get3A_463 = arith.constant 96 : index
      %get3A_464 = tpu.vector_load %arg23[%get3A_462, %get3A_463] {strides = array<i32>} : memref<80x128xf32, #tpu.memory_space<vmem>>, vector<1x16xf32>,
      %get3A_465 = vector.shape_cast %get3A_464 : vector<1x16xf32> to vector<16xf32>
      %mul3A_466 = arith.mulf %get3A_461, %get3A_465 : vector<16xf32>
      %swap3A_467 = arith.index_cast %scan3A_290 : i32 to index
      %swap3A_468 = arith.constant 96 : index
      %swap3A_469 = tpu.vector_load %arg26[%swap3A_467, %swap3A_468] {strides = array<i32>} : memref<80x128xf32, #tpu.memory_space<vmem>>, vector<1x16xf32>,
      %swap3A_470 = vector.shape_cast %swap3A_469 : vector<1x16xf32> to vector<16xf32>
      %swap3A_471 = vector.shape_cast %mul3A_466 : vector<16xf32> to vector<1x16xf32>
      tpu.vector_store %arg26[%swap3A_467, %swap3A_468], %swap3A_471 {strides = array<i32>} : memref<80x128xf32, #tpu.memory_space<vmem>>, vector<1x16xf32>,
      %get3A_472 = arith.index_cast %scan3A_290 : i32 to index
      %get3A_473 = arith.constant 96 : index
      %get3A_474 = tpu.vector_load %arg24[%get3A_472, %get3A_473] {strides = array<i32>} : memref<80x128xf32, #tpu.memory_space<vmem>>, vector<1x16xf32>,
      %get3A_475 = vector.shape_cast %get3A_474 : vector<1x16xf32> to vector<16xf32>
      %get3A_476 = arith.index_cast %scan3A_290 : i32 to index
      %get3A_477 = arith.constant 96 : index
      %get3A_478 = tpu.vector_load %arg25[%get3A_476, %get3A_477] {strides = array<i32>} : memref<80x128xf32, #tpu.memory_space<vmem>>, vector<1x16xf32>,
      %get3A_479 = vector.shape_cast %get3A_478 : vector<1x16xf32> to vector<16xf32>
      %mul3A_480 = arith.mulf %get3A_475, %get3A_479 : vector<16xf32>
      %swap3A_481 = arith.index_cast %scan3A_290 : i32 to index
      %swap3A_482 = arith.constant 96 : index
      %swap3A_483 = tpu.vector_load %arg27[%swap3A_481, %swap3A_482] {strides = array<i32>} : memref<80x128xf32, #tpu.memory_space<vmem>>, vector<1x16xf32>,
      %swap3A_484 = vector.shape_cast %swap3A_483 : vector<1x16xf32> to vector<16xf32>
      %swap3A_485 = vector.shape_cast %mul3A_480 : vector<16xf32> to vector<1x16xf32>
      tpu.vector_store %arg27[%swap3A_481, %swap3A_482], %swap3A_485 {strides = array<i32>} : memref<80x128xf32, #tpu.memory_space<vmem>>, vector<1x16xf32>,
      %get3A_486 = arith.index_cast %scan3A_290 : i32 to index
      %get3A_487 = arith.constant 112 : index
      %get3A_488 = tpu.vector_load %arg22[%get3A_486, %get3A_487] {strides = array<i32>} : memref<80x128xf32, #tpu.memory_space<vmem>>, vector<1x16xf32>,
      %get3A_489 = vector.shape_cast %get3A_488 : vector<1x16xf32> to vector<16xf32>
      %get3A_490 = arith.index_cast %scan3A_290 : i32 to index
      %get3A_491 = arith.constant 112 : index
      %get3A_492 = tpu.vector_load %arg23[%get3A_490, %get3A_491] {strides = array<i32>} : memref<80x128xf32, #tpu.memory_space<vmem>>, vector<1x16xf32>,
      %get3A_493 = vector.shape_cast %get3A_492 : vector<1x16xf32> to vector<16xf32>
      %mul3A_494 = arith.mulf %get3A_489, %get3A_493 : vector<16xf32>
      %swap3A_495 = arith.index_cast %scan3A_290 : i32 to index
      %swap3A_496 = arith.constant 112 : index
      %swap3A_497 = tpu.vector_load %arg26[%swap3A_495, %swap3A_496] {strides = array<i32>} : memref<80x128xf32, #tpu.memory_space<vmem>>, vector<1x16xf32>,
      %swap3A_498 = vector.shape_cast %swap3A_497 : vector<1x16xf32> to vector<16xf32>
      %swap3A_499 = vector.shape_cast %mul3A_494 : vector<16xf32> to vector<1x16xf32>
      tpu.vector_store %arg26[%swap3A_495, %swap3A_496], %swap3A_499 {strides = array<i32>} : memref<80x128xf32, #tpu.memory_space<vmem>>, vector<1x16xf32>,
      %get3A_500 = arith.index_cast %scan3A_290 : i32 to index
      %get3A_501 = arith.constant 112 : index
      %get3A_502 = tpu.vector_load %arg24[%get3A_500, %get3A_501] {strides = array<i32>} : memref<80x128xf32, #tpu.memory_space<vmem>>, vector<1x16xf32>,
      %get3A_503 = vector.shape_cast %get3A_502 : vector<1x16xf32> to vector<16xf32>
      %get3A_504 = arith.index_cast %scan3A_290 : i32 to index
      %get3A_505 = arith.constant 112 : index
      %get3A_506 = tpu.vector_load %arg25[%get3A_504, %get3A_505] {strides = array<i32>} : memref<80x128xf32, #tpu.memory_space<vmem>>, vector<1x16xf32>,
      %get3A_507 = vector.shape_cast %get3A_506 : vector<1x16xf32> to vector<16xf32>
      %mul3A_508 = arith.mulf %get3A_503, %get3A_507 : vector<16xf32>
      %swap3A_509 = arith.index_cast %scan3A_290 : i32 to index
      %swap3A_510 = arith.constant 112 : index
      %swap3A_511 = tpu.vector_load %arg27[%swap3A_509, %swap3A_510] {strides = array<i32>} : memref<80x128xf32, #tpu.memory_space<vmem>>, vector<1x16xf32>,
      %swap3A_512 = vector.shape_cast %swap3A_511 : vector<1x16xf32> to vector<16xf32>
      %swap3A_513 = vector.shape_cast %mul3A_508 : vector<16xf32> to vector<1x16xf32>
      tpu.vector_store %arg27[%swap3A_509, %swap3A_510], %swap3A_513 {strides = array<i32>} : memref<80x128xf32, #tpu.memory_space<vmem>>, vector<1x16xf32>,
      %scan3A_514 = arith.constant 0 : i32
      scf.yield %scan3A_514 : i32
    }
    %scan3A_210 = arith.constant 80 : i32
    %mul3A_211 = arith.constant 10000 : i32
    %mul3A_212 = arith.muli %add3A, %mul3A_211 : i32
    %add3A_213 = arith.constant 9840 : i32
    %add3A_214 = arith.addi %mul3A_212, %add3A_213 : i32
    %dma_start3A_215 = arith.constant 0 : i32
    %dma_start3A_216 = tpu.memref_slice %arg8[%add3A_214, %dma_start3A_215] : memref<320000x128xf32, #tpu.memory_space<hbm>> -> memref<80x128xf32, #tpu.memory_space<hbm>>
    %dma_start3A_217 = arith.constant 0 : i32
    %dma_start3A_218 = tpu.memref_slice %arg8[%add3A_214, %dma_start3A_217] : memref<320000x128xf32, #tpu.memory_space<hbm>> -> memref<80x128xf32, #tpu.memory_space<hbm>>
    tpu.enqueue_dma source(%arg26 : memref<80x128xf32, #tpu.memory_space<vmem>>) target(%dma_start3A_218 : memref<80x128xf32, #tpu.memory_space<hbm>>) target_semaphore(%arg32 : memref<!tpu.dma_semaphore, #tpu.memory_space<semaphore_mem>>)
    %dma_start3A_219 = arith.constant 0 : i32
    %dma_start3A_220 = tpu.memref_slice %arg9[%add3A_214, %dma_start3A_219] : memref<320000x128xf32, #tpu.memory_space<hbm>> -> memref<80x128xf32, #tpu.memory_space<hbm>>
    %dma_start3A_221 = arith.constant 0 : i32
    %dma_start3A_222 = tpu.memref_slice %arg9[%add3A_214, %dma_start3A_221] : memref<320000x128xf32, #tpu.memory_space<hbm>> -> memref<80x128xf32, #tpu.memory_space<hbm>>
    tpu.enqueue_dma source(%arg27 : memref<80x128xf32, #tpu.memory_space<vmem>>) target(%dma_start3A_222 : memref<80x128xf32, #tpu.memory_space<hbm>>) target_semaphore(%arg32 : memref<!tpu.dma_semaphore, #tpu.memory_space<semaphore_mem>>)
    %dma_wait3A_223 = arith.constant 0 : i32
    %dma_wait3A_224 = arith.constant 0 : i32
    %dma_wait3A_225 = tpu.memref_slice %arg2[%dma_wait3A_223, %dma_wait3A_224] : memref<10000x128xf32, #tpu.memory_space<hbm>> -> memref<80x128xf32, #tpu.memory_space<hbm>>
    %dma_wait3A_226 = arith.constant 0 : i32
    %dma_wait3A_227 = arith.constant 0 : i32
    %dma_wait3A_228 = tpu.memref_slice %arg2[%dma_wait3A_226, %dma_wait3A_227] : memref<10000x128xf32, #tpu.memory_space<hbm>> -> memref<80x128xf32, #tpu.memory_space<hbm>>
    tpu.wait_dma2 semaphore(%arg28 : memref<!tpu.dma_semaphore, #tpu.memory_space<semaphore_mem>>) src(%dma_wait3A_228 : memref<80x128xf32, #tpu.memory_space<hbm>>) dst(%arg18 : memref<80x128xf32, #tpu.memory_space<vmem>>)
    %dma_wait3A_229 = arith.constant 0 : i32
    %dma_wait3A_230 = arith.constant 0 : i32
    %dma_wait3A_231 = tpu.memref_slice %arg2[%dma_wait3A_229, %dma_wait3A_230] : memref<10000x128xf32, #tpu.memory_space<hbm>> -> memref<80x128xf32, #tpu.memory_space<hbm>>
    %dma_wait3A_232 = arith.constant 0 : i32
    %dma_wait3A_233 = arith.constant 0 : i32
    %dma_wait3A_234 = tpu.memref_slice %arg2[%dma_wait3A_232, %dma_wait3A_233] : memref<10000x128xf32, #tpu.memory_space<hbm>> -> memref<80x128xf32, #tpu.memory_space<hbm>>
    tpu.wait_dma2 semaphore(%arg28 : memref<!tpu.dma_semaphore, #tpu.memory_space<semaphore_mem>>) src(%dma_wait3A_234 : memref<80x128xf32, #tpu.memory_space<hbm>>) dst(%arg19 : memref<80x128xf32, #tpu.memory_space<vmem>>)
    %dma_wait3A_235 = arith.constant 0 : i32
    %dma_wait3A_236 = arith.constant 0 : i32
    %dma_wait3A_237 = tpu.memref_slice %arg2[%dma_wait3A_235, %dma_wait3A_236] : memref<10000x128xf32, #tpu.memory_space<hbm>> -> memref<80x128xf32, #tpu.memory_space<hbm>>
    %dma_wait3A_238 = arith.constant 0 : i32
    %dma_wait3A_239 = arith.constant 0 : i32
    %dma_wait3A_240 = tpu.memref_slice %arg2[%dma_wait3A_238, %dma_wait3A_239] : memref<10000x128xf32, #tpu.memory_space<hbm>> -> memref<80x128xf32, #tpu.memory_space<hbm>>
    tpu.wait_dma2 semaphore(%arg28 : memref<!tpu.dma_semaphore, #tpu.memory_space<semaphore_mem>>) src(%dma_wait3A_240 : memref<80x128xf32, #tpu.memory_space<hbm>>) dst(%arg20 : memref<80x128xf32, #tpu.memory_space<vmem>>)
    %dma_wait3A_241 = arith.constant 0 : i32
    %dma_wait3A_242 = arith.constant 0 : i32
    %dma_wait3A_243 = tpu.memref_slice %arg2[%dma_wait3A_241, %dma_wait3A_242] : memref<10000x128xf32, #tpu.memory_space<hbm>> -> memref<80x128xf32, #tpu.memory_space<hbm>>
    %dma_wait3A_244 = arith.constant 0 : i32
    %dma_wait3A_245 = arith.constant 0 : i32
    %dma_wait3A_246 = tpu.memref_slice %arg2[%dma_wait3A_244, %dma_wait3A_245] : memref<10000x128xf32, #tpu.memory_space<hbm>> -> memref<80x128xf32, #tpu.memory_space<hbm>>
    tpu.wait_dma2 semaphore(%arg28 : memref<!tpu.dma_semaphore, #tpu.memory_space<semaphore_mem>>) src(%dma_wait3A_246 : memref<80x128xf32, #tpu.memory_space<hbm>>) dst(%arg21 : memref<80x128xf32, #tpu.memory_space<vmem>>)
    %dma_wait3A_247 = arith.constant 0 : i32
    %dma_wait3A_248 = arith.constant 0 : i32
    %dma_wait3A_249 = tpu.memref_slice %arg8[%dma_wait3A_247, %dma_wait3A_248] : memref<320000x128xf32, #tpu.memory_space<hbm>> -> memref<80x128xf32, #tpu.memory_space<hbm>>
    %dma_wait3A_250 = arith.constant 0 : i32
    %dma_wait3A_251 = arith.constant 0 : i32
    %dma_wait3A_252 = tpu.memref_slice %arg8[%dma_wait3A_250, %dma_wait3A_251] : memref<320000x128xf32, #tpu.memory_space<hbm>> -> memref<80x128xf32, #tpu.memory_space<hbm>>
    tpu.wait_dma2 semaphore(%arg32 : memref<!tpu.dma_semaphore, #tpu.memory_space<semaphore_mem>>) src(%dma_wait3A_252 : memref<80x128xf32, #tpu.memory_space<hbm>>) dst(%arg26 : memref<80x128xf32, #tpu.memory_space<vmem>>)
    %dma_wait3A_253 = arith.constant 0 : i32
    %dma_wait3A_254 = arith.constant 0 : i32
    %dma_wait3A_255 = tpu.memref_slice %arg9[%dma_wait3A_253, %dma_wait3A_254] : memref<320000x128xf32, #tpu.memory_space<hbm>> -> memref<80x128xf32, #tpu.memory_space<hbm>>
    %dma_wait3A_256 = arith.constant 0 : i32
    %dma_wait3A_257 = arith.constant 0 : i32
    %dma_wait3A_258 = tpu.memref_slice %arg9[%dma_wait3A_256, %dma_wait3A_257] : memref<320000x128xf32, #tpu.memory_space<hbm>> -> memref<80x128xf32, #tpu.memory_space<hbm>>
    tpu.wait_dma2 semaphore(%arg32 : memref<!tpu.dma_semaphore, #tpu.memory_space<semaphore_mem>>) src(%dma_wait3A_258 : memref<80x128xf32, #tpu.memory_space<hbm>>) dst(%arg27 : memref<80x128xf32, #tpu.memory_space<vmem>>)
    %scan3A_259 = arith.constant 0 : i32
    %scan3A_260 = arith.constant 0 : i32
    %scan3A_261 = arith.constant 80 : i32
    %scan3A_262 = arith.addi %scan3A_260, %scan3A_261 : i32
    %scan3A_263 = arith.constant 1 : i32
    %scan3A_264 = scf.for %scan3A_290 = %scan3A_260 to %scan3A_262 step %scan3A_263 iter_args(%scan3A_291 = %scan3A_259) -> (i32)  : i32 {
      %get3A = arith.index_cast %scan3A_290 : i32 to index
      %get3A_292 = arith.constant 0 : index
      %get3A_293 = tpu.vector_load %arg18[%get3A, %get3A_292] {strides = array<i32>} : memref<80x128xf32, #tpu.memory_space<vmem>>, vector<1x16xf32>,
      %get3A_294 = vector.shape_cast %get3A_293 : vector<1x16xf32> to vector<16xf32>
      %get3A_295 = arith.index_cast %scan3A_290 : i32 to index
      %get3A_296 = arith.constant 0 : index
      %get3A_297 = tpu.vector_load %arg19[%get3A_295, %get3A_296] {strides = array<i32>} : memref<80x128xf32, #tpu.memory_space<vmem>>, vector<1x16xf32>,
      %get3A_298 = vector.shape_cast %get3A_297 : vector<1x16xf32> to vector<16xf32>
      %mul3A_299 = arith.mulf %get3A_294, %get3A_298 : vector<16xf32>
      %swap3A = arith.index_cast %scan3A_290 : i32 to index
      %swap3A_300 = arith.constant 0 : index
      %swap3A_301 = tpu.vector_load %arg26[%swap3A, %swap3A_300] {strides = array<i32>} : memref<80x128xf32, #tpu.memory_space<vmem>>, vector<1x16xf32>,
      %swap3A_302 = vector.shape_cast %swap3A_301 : vector<1x16xf32> to vector<16xf32>
      %swap3A_303 = vector.shape_cast %mul3A_299 : vector<16xf32> to vector<1x16xf32>
      tpu.vector_store %arg26[%swap3A, %swap3A_300], %swap3A_303 {strides = array<i32>} : memref<80x128xf32, #tpu.memory_space<vmem>>, vector<1x16xf32>,
      %get3A_304 = arith.index_cast %scan3A_290 : i32 to index
      %get3A_305 = arith.constant 0 : index
      %get3A_306 = tpu.vector_load %arg20[%get3A_304, %get3A_305] {strides = array<i32>} : memref<80x128xf32, #tpu.memory_space<vmem>>, vector<1x16xf32>,
      %get3A_307 = vector.shape_cast %get3A_306 : vector<1x16xf32> to vector<16xf32>
      %get3A_308 = arith.index_cast %scan3A_290 : i32 to index
      %get3A_309 = arith.constant 0 : index
      %get3A_310 = tpu.vector_load %arg21[%get3A_308, %get3A_309] {strides = array<i32>} : memref<80x128xf32, #tpu.memory_space<vmem>>, vector<1x16xf32>,
      %get3A_311 = vector.shape_cast %get3A_310 : vector<1x16xf32> to vector<16xf32>
      %mul3A_312 = arith.mulf %get3A_307, %get3A_311 : vector<16xf32>
      %swap3A_313 = arith.index_cast %scan3A_290 : i32 to index
      %swap3A_314 = arith.constant 0 : index
      %swap3A_315 = tpu.vector_load %arg27[%swap3A_313, %swap3A_314] {strides = array<i32>} : memref<80x128xf32, #tpu.memory_space<vmem>>, vector<1x16xf32>,
      %swap3A_316 = vector.shape_cast %swap3A_315 : vector<1x16xf32> to vector<16xf32>
      %swap3A_317 = vector.shape_cast %mul3A_312 : vector<16xf32> to vector<1x16xf32>
      tpu.vector_store %arg27[%swap3A_313, %swap3A_314], %swap3A_317 {strides = array<i32>} : memref<80x128xf32, #tpu.memory_space<vmem>>, vector<1x16xf32>,
      %get3A_318 = arith.index_cast %scan3A_290 : i32 to index
      %get3A_319 = arith.constant 16 : index
      %get3A_320 = tpu.vector_load %arg18[%get3A_318, %get3A_319] {strides = array<i32>} : memref<80x128xf32, #tpu.memory_space<vmem>>, vector<1x16xf32>,
      %get3A_321 = vector.shape_cast %get3A_320 : vector<1x16xf32> to vector<16xf32>
      %get3A_322 = arith.index_cast %scan3A_290 : i32 to index
      %get3A_323 = arith.constant 16 : index
      %get3A_324 = tpu.vector_load %arg19[%get3A_322, %get3A_323] {strides = array<i32>} : memref<80x128xf32, #tpu.memory_space<vmem>>, vector<1x16xf32>,
      %get3A_325 = vector.shape_cast %get3A_324 : vector<1x16xf32> to vector<16xf32>
      %mul3A_326 = arith.mulf %get3A_321, %get3A_325 : vector<16xf32>
      %swap3A_327 = arith.index_cast %scan3A_290 : i32 to index
      %swap3A_328 = arith.constant 16 : index
      %swap3A_329 = tpu.vector_load %arg26[%swap3A_327, %swap3A_328] {strides = array<i32>} : memref<80x128xf32, #tpu.memory_space<vmem>>, vector<1x16xf32>,
      %swap3A_330 = vector.shape_cast %swap3A_329 : vector<1x16xf32> to vector<16xf32>
      %swap3A_331 = vector.shape_cast %mul3A_326 : vector<16xf32> to vector<1x16xf32>
      tpu.vector_store %arg26[%swap3A_327, %swap3A_328], %swap3A_331 {strides = array<i32>} : memref<80x128xf32, #tpu.memory_space<vmem>>, vector<1x16xf32>,
      %get3A_332 = arith.index_cast %scan3A_290 : i32 to index
      %get3A_333 = arith.constant 16 : index
      %get3A_334 = tpu.vector_load %arg20[%get3A_332, %get3A_333] {strides = array<i32>} : memref<80x128xf32, #tpu.memory_space<vmem>>, vector<1x16xf32>,
      %get3A_335 = vector.shape_cast %get3A_334 : vector<1x16xf32> to vector<16xf32>
      %get3A_336 = arith.index_cast %scan3A_290 : i32 to index
      %get3A_337 = arith.constant 16 : index
      %get3A_338 = tpu.vector_load %arg21[%get3A_336, %get3A_337] {strides = array<i32>} : memref<80x128xf32, #tpu.memory_space<vmem>>, vector<1x16xf32>,
      %get3A_339 = vector.shape_cast %get3A_338 : vector<1x16xf32> to vector<16xf32>
      %mul3A_340 = arith.mulf %get3A_335, %get3A_339 : vector<16xf32>
      %swap3A_341 = arith.index_cast %scan3A_290 : i32 to index
      %swap3A_342 = arith.constant 16 : index
      %swap3A_343 = tpu.vector_load %arg27[%swap3A_341, %swap3A_342] {strides = array<i32>} : memref<80x128xf32, #tpu.memory_space<vmem>>, vector<1x16xf32>,
      %swap3A_344 = vector.shape_cast %swap3A_343 : vector<1x16xf32> to vector<16xf32>
      %swap3A_345 = vector.shape_cast %mul3A_340 : vector<16xf32> to vector<1x16xf32>
      tpu.vector_store %arg27[%swap3A_341, %swap3A_342], %swap3A_345 {strides = array<i32>} : memref<80x128xf32, #tpu.memory_space<vmem>>, vector<1x16xf32>,
      %get3A_346 = arith.index_cast %scan3A_290 : i32 to index
      %get3A_347 = arith.constant 32 : index
      %get3A_348 = tpu.vector_load %arg18[%get3A_346, %get3A_347] {strides = array<i32>} : memref<80x128xf32, #tpu.memory_space<vmem>>, vector<1x16xf32>,
      %get3A_349 = vector.shape_cast %get3A_348 : vector<1x16xf32> to vector<16xf32>
      %get3A_350 = arith.index_cast %scan3A_290 : i32 to index
      %get3A_351 = arith.constant 32 : index
      %get3A_352 = tpu.vector_load %arg19[%get3A_350, %get3A_351] {strides = array<i32>} : memref<80x128xf32, #tpu.memory_space<vmem>>, vector<1x16xf32>,
      %get3A_353 = vector.shape_cast %get3A_352 : vector<1x16xf32> to vector<16xf32>
      %mul3A_354 = arith.mulf %get3A_349, %get3A_353 : vector<16xf32>
      %swap3A_355 = arith.index_cast %scan3A_290 : i32 to index
      %swap3A_356 = arith.constant 32 : index
      %swap3A_357 = tpu.vector_load %arg26[%swap3A_355, %swap3A_356] {strides = array<i32>} : memref<80x128xf32, #tpu.memory_space<vmem>>, vector<1x16xf32>,
      %swap3A_358 = vector.shape_cast %swap3A_357 : vector<1x16xf32> to vector<16xf32>
      %swap3A_359 = vector.shape_cast %mul3A_354 : vector<16xf32> to vector<1x16xf32>
      tpu.vector_store %arg26[%swap3A_355, %swap3A_356], %swap3A_359 {strides = array<i32>} : memref<80x128xf32, #tpu.memory_space<vmem>>, vector<1x16xf32>,
      %get3A_360 = arith.index_cast %scan3A_290 : i32 to index
      %get3A_361 = arith.constant 32 : index
      %get3A_362 = tpu.vector_load %arg20[%get3A_360, %get3A_361] {strides = array<i32>} : memref<80x128xf32, #tpu.memory_space<vmem>>, vector<1x16xf32>,
      %get3A_363 = vector.shape_cast %get3A_362 : vector<1x16xf32> to vector<16xf32>
      %get3A_364 = arith.index_cast %scan3A_290 : i32 to index
      %get3A_365 = arith.constant 32 : index
      %get3A_366 = tpu.vector_load %arg21[%get3A_364, %get3A_365] {strides = array<i32>} : memref<80x128xf32, #tpu.memory_space<vmem>>, vector<1x16xf32>,
      %get3A_367 = vector.shape_cast %get3A_366 : vector<1x16xf32> to vector<16xf32>
      %mul3A_368 = arith.mulf %get3A_363, %get3A_367 : vector<16xf32>
      %swap3A_369 = arith.index_cast %scan3A_290 : i32 to index
      %swap3A_370 = arith.constant 32 : index
      %swap3A_371 = tpu.vector_load %arg27[%swap3A_369, %swap3A_370] {strides = array<i32>} : memref<80x128xf32, #tpu.memory_space<vmem>>, vector<1x16xf32>,
      %swap3A_372 = vector.shape_cast %swap3A_371 : vector<1x16xf32> to vector<16xf32>
      %swap3A_373 = vector.shape_cast %mul3A_368 : vector<16xf32> to vector<1x16xf32>
      tpu.vector_store %arg27[%swap3A_369, %swap3A_370], %swap3A_373 {strides = array<i32>} : memref<80x128xf32, #tpu.memory_space<vmem>>, vector<1x16xf32>,
      %get3A_374 = arith.index_cast %scan3A_290 : i32 to index
      %get3A_375 = arith.constant 48 : index
      %get3A_376 = tpu.vector_load %arg18[%get3A_374, %get3A_375] {strides = array<i32>} : memref<80x128xf32, #tpu.memory_space<vmem>>, vector<1x16xf32>,
      %get3A_377 = vector.shape_cast %get3A_376 : vector<1x16xf32> to vector<16xf32>
      %get3A_378 = arith.index_cast %scan3A_290 : i32 to index
      %get3A_379 = arith.constant 48 : index
      %get3A_380 = tpu.vector_load %arg19[%get3A_378, %get3A_379] {strides = array<i32>} : memref<80x128xf32, #tpu.memory_space<vmem>>, vector<1x16xf32>,
      %get3A_381 = vector.shape_cast %get3A_380 : vector<1x16xf32> to vector<16xf32>
      %mul3A_382 = arith.mulf %get3A_377, %get3A_381 : vector<16xf32>
      %swap3A_383 = arith.index_cast %scan3A_290 : i32 to index
      %swap3A_384 = arith.constant 48 : index
      %swap3A_385 = tpu.vector_load %arg26[%swap3A_383, %swap3A_384] {strides = array<i32>} : memref<80x128xf32, #tpu.memory_space<vmem>>, vector<1x16xf32>,
      %swap3A_386 = vector.shape_cast %swap3A_385 : vector<1x16xf32> to vector<16xf32>
      %swap3A_387 = vector.shape_cast %mul3A_382 : vector<16xf32> to vector<1x16xf32>
      tpu.vector_store %arg26[%swap3A_383, %swap3A_384], %swap3A_387 {strides = array<i32>} : memref<80x128xf32, #tpu.memory_space<vmem>>, vector<1x16xf32>,
      %get3A_388 = arith.index_cast %scan3A_290 : i32 to index
      %get3A_389 = arith.constant 48 : index
      %get3A_390 = tpu.vector_load %arg20[%get3A_388, %get3A_389] {strides = array<i32>} : memref<80x128xf32, #tpu.memory_space<vmem>>, vector<1x16xf32>,
      %get3A_391 = vector.shape_cast %get3A_390 : vector<1x16xf32> to vector<16xf32>
      %get3A_392 = arith.index_cast %scan3A_290 : i32 to index
      %get3A_393 = arith.constant 48 : index
      %get3A_394 = tpu.vector_load %arg21[%get3A_392, %get3A_393] {strides = array<i32>} : memref<80x128xf32, #tpu.memory_space<vmem>>, vector<1x16xf32>,
      %get3A_395 = vector.shape_cast %get3A_394 : vector<1x16xf32> to vector<16xf32>
      %mul3A_396 = arith.mulf %get3A_391, %get3A_395 : vector<16xf32>
      %swap3A_397 = arith.index_cast %scan3A_290 : i32 to index
      %swap3A_398 = arith.constant 48 : index
      %swap3A_399 = tpu.vector_load %arg27[%swap3A_397, %swap3A_398] {strides = array<i32>} : memref<80x128xf32, #tpu.memory_space<vmem>>, vector<1x16xf32>,
      %swap3A_400 = vector.shape_cast %swap3A_399 : vector<1x16xf32> to vector<16xf32>
      %swap3A_401 = vector.shape_cast %mul3A_396 : vector<16xf32> to vector<1x16xf32>
      tpu.vector_store %arg27[%swap3A_397, %swap3A_398], %swap3A_401 {strides = array<i32>} : memref<80x128xf32, #tpu.memory_space<vmem>>, vector<1x16xf32>,
      %get3A_402 = arith.index_cast %scan3A_290 : i32 to index
      %get3A_403 = arith.constant 64 : index
      %get3A_404 = tpu.vector_load %arg18[%get3A_402, %get3A_403] {strides = array<i32>} : memref<80x128xf32, #tpu.memory_space<vmem>>, vector<1x16xf32>,
      %get3A_405 = vector.shape_cast %get3A_404 : vector<1x16xf32> to vector<16xf32>
      %get3A_406 = arith.index_cast %scan3A_290 : i32 to index
      %get3A_407 = arith.constant 64 : index
      %get3A_408 = tpu.vector_load %arg19[%get3A_406, %get3A_407] {strides = array<i32>} : memref<80x128xf32, #tpu.memory_space<vmem>>, vector<1x16xf32>,
      %get3A_409 = vector.shape_cast %get3A_408 : vector<1x16xf32> to vector<16xf32>
      %mul3A_410 = arith.mulf %get3A_405, %get3A_409 : vector<16xf32>
      %swap3A_411 = arith.index_cast %scan3A_290 : i32 to index
      %swap3A_412 = arith.constant 64 : index
      %swap3A_413 = tpu.vector_load %arg26[%swap3A_411, %swap3A_412] {strides = array<i32>} : memref<80x128xf32, #tpu.memory_space<vmem>>, vector<1x16xf32>,
      %swap3A_414 = vector.shape_cast %swap3A_413 : vector<1x16xf32> to vector<16xf32>
      %swap3A_415 = vector.shape_cast %mul3A_410 : vector<16xf32> to vector<1x16xf32>
      tpu.vector_store %arg26[%swap3A_411, %swap3A_412], %swap3A_415 {strides = array<i32>} : memref<80x128xf32, #tpu.memory_space<vmem>>, vector<1x16xf32>,
      %get3A_416 = arith.index_cast %scan3A_290 : i32 to index
      %get3A_417 = arith.constant 64 : index
      %get3A_418 = tpu.vector_load %arg20[%get3A_416, %get3A_417] {strides = array<i32>} : memref<80x128xf32, #tpu.memory_space<vmem>>, vector<1x16xf32>,
      %get3A_419 = vector.shape_cast %get3A_418 : vector<1x16xf32> to vector<16xf32>
      %get3A_420 = arith.index_cast %scan3A_290 : i32 to index
      %get3A_421 = arith.constant 64 : index
      %get3A_422 = tpu.vector_load %arg21[%get3A_420, %get3A_421] {strides = array<i32>} : memref<80x128xf32, #tpu.memory_space<vmem>>, vector<1x16xf32>,
      %get3A_423 = vector.shape_cast %get3A_422 : vector<1x16xf32> to vector<16xf32>
      %mul3A_424 = arith.mulf %get3A_419, %get3A_423 : vector<16xf32>
      %swap3A_425 = arith.index_cast %scan3A_290 : i32 to index
      %swap3A_426 = arith.constant 64 : index
      %swap3A_427 = tpu.vector_load %arg27[%swap3A_425, %swap3A_426] {strides = array<i32>} : memref<80x128xf32, #tpu.memory_space<vmem>>, vector<1x16xf32>,
      %swap3A_428 = vector.shape_cast %swap3A_427 : vector<1x16xf32> to vector<16xf32>
      %swap3A_429 = vector.shape_cast %mul3A_424 : vector<16xf32> to vector<1x16xf32>
      tpu.vector_store %arg27[%swap3A_425, %swap3A_426], %swap3A_429 {strides = array<i32>} : memref<80x128xf32, #tpu.memory_space<vmem>>, vector<1x16xf32>,
      %get3A_430 = arith.index_cast %scan3A_290 : i32 to index
      %get3A_431 = arith.constant 80 : index
      %get3A_432 = tpu.vector_load %arg18[%get3A_430, %get3A_431] {strides = array<i32>} : memref<80x128xf32, #tpu.memory_space<vmem>>, vector<1x16xf32>,
      %get3A_433 = vector.shape_cast %get3A_432 : vector<1x16xf32> to vector<16xf32>
      %get3A_434 = arith.index_cast %scan3A_290 : i32 to index
      %get3A_435 = arith.constant 80 : index
      %get3A_436 = tpu.vector_load %arg19[%get3A_434, %get3A_435] {strides = array<i32>} : memref<80x128xf32, #tpu.memory_space<vmem>>, vector<1x16xf32>,
      %get3A_437 = vector.shape_cast %get3A_436 : vector<1x16xf32> to vector<16xf32>
      %mul3A_438 = arith.mulf %get3A_433, %get3A_437 : vector<16xf32>
      %swap3A_439 = arith.index_cast %scan3A_290 : i32 to index
      %swap3A_440 = arith.constant 80 : index
      %swap3A_441 = tpu.vector_load %arg26[%swap3A_439, %swap3A_440] {strides = array<i32>} : memref<80x128xf32, #tpu.memory_space<vmem>>, vector<1x16xf32>,
      %swap3A_442 = vector.shape_cast %swap3A_441 : vector<1x16xf32> to vector<16xf32>
      %swap3A_443 = vector.shape_cast %mul3A_438 : vector<16xf32> to vector<1x16xf32>
      tpu.vector_store %arg26[%swap3A_439, %swap3A_440], %swap3A_443 {strides = array<i32>} : memref<80x128xf32, #tpu.memory_space<vmem>>, vector<1x16xf32>,
      %get3A_444 = arith.index_cast %scan3A_290 : i32 to index
      %get3A_445 = arith.constant 80 : index
      %get3A_446 = tpu.vector_load %arg20[%get3A_444, %get3A_445] {strides = array<i32>} : memref<80x128xf32, #tpu.memory_space<vmem>>, vector<1x16xf32>,
      %get3A_447 = vector.shape_cast %get3A_446 : vector<1x16xf32> to vector<16xf32>
      %get3A_448 = arith.index_cast %scan3A_290 : i32 to index
      %get3A_449 = arith.constant 80 : index
      %get3A_450 = tpu.vector_load %arg21[%get3A_448, %get3A_449] {strides = array<i32>} : memref<80x128xf32, #tpu.memory_space<vmem>>, vector<1x16xf32>,
      %get3A_451 = vector.shape_cast %get3A_450 : vector<1x16xf32> to vector<16xf32>
      %mul3A_452 = arith.mulf %get3A_447, %get3A_451 : vector<16xf32>
      %swap3A_453 = arith.index_cast %scan3A_290 : i32 to index
      %swap3A_454 = arith.constant 80 : index
      %swap3A_455 = tpu.vector_load %arg27[%swap3A_453, %swap3A_454] {strides = array<i32>} : memref<80x128xf32, #tpu.memory_space<vmem>>, vector<1x16xf32>,
      %swap3A_456 = vector.shape_cast %swap3A_455 : vector<1x16xf32> to vector<16xf32>
      %swap3A_457 = vector.shape_cast %mul3A_452 : vector<16xf32> to vector<1x16xf32>
      tpu.vector_store %arg27[%swap3A_453, %swap3A_454], %swap3A_457 {strides = array<i32>} : memref<80x128xf32, #tpu.memory_space<vmem>>, vector<1x16xf32>,
      %get3A_458 = arith.index_cast %scan3A_290 : i32 to index
      %get3A_459 = arith.constant 96 : index
      %get3A_460 = tpu.vector_load %arg18[%get3A_458, %get3A_459] {strides = array<i32>} : memref<80x128xf32, #tpu.memory_space<vmem>>, vector<1x16xf32>,
      %get3A_461 = vector.shape_cast %get3A_460 : vector<1x16xf32> to vector<16xf32>
      %get3A_462 = arith.index_cast %scan3A_290 : i32 to index
      %get3A_463 = arith.constant 96 : index
      %get3A_464 = tpu.vector_load %arg19[%get3A_462, %get3A_463] {strides = array<i32>} : memref<80x128xf32, #tpu.memory_space<vmem>>, vector<1x16xf32>,
      %get3A_465 = vector.shape_cast %get3A_464 : vector<1x16xf32> to vector<16xf32>
      %mul3A_466 = arith.mulf %get3A_461, %get3A_465 : vector<16xf32>
      %swap3A_467 = arith.index_cast %scan3A_290 : i32 to index
      %swap3A_468 = arith.constant 96 : index
      %swap3A_469 = tpu.vector_load %arg26[%swap3A_467, %swap3A_468] {strides = array<i32>} : memref<80x128xf32, #tpu.memory_space<vmem>>, vector<1x16xf32>,
      %swap3A_470 = vector.shape_cast %swap3A_469 : vector<1x16xf32> to vector<16xf32>
      %swap3A_471 = vector.shape_cast %mul3A_466 : vector<16xf32> to vector<1x16xf32>
      tpu.vector_store %arg26[%swap3A_467, %swap3A_468], %swap3A_471 {strides = array<i32>} : memref<80x128xf32, #tpu.memory_space<vmem>>, vector<1x16xf32>,
      %get3A_472 = arith.index_cast %scan3A_290 : i32 to index
      %get3A_473 = arith.constant 96 : index
      %get3A_474 = tpu.vector_load %arg20[%get3A_472, %get3A_473] {strides = array<i32>} : memref<80x128xf32, #tpu.memory_space<vmem>>, vector<1x16xf32>,
      %get3A_475 = vector.shape_cast %get3A_474 : vector<1x16xf32> to vector<16xf32>
      %get3A_476 = arith.index_cast %scan3A_290 : i32 to index
      %get3A_477 = arith.constant 96 : index
      %get3A_478 = tpu.vector_load %arg21[%get3A_476, %get3A_477] {strides = array<i32>} : memref<80x128xf32, #tpu.memory_space<vmem>>, vector<1x16xf32>,
      %get3A_479 = vector.shape_cast %get3A_478 : vector<1x16xf32> to vector<16xf32>
      %mul3A_480 = arith.mulf %get3A_475, %get3A_479 : vector<16xf32>
      %swap3A_481 = arith.index_cast %scan3A_290 : i32 to index
      %swap3A_482 = arith.constant 96 : index
      %swap3A_483 = tpu.vector_load %arg27[%swap3A_481, %swap3A_482] {strides = array<i32>} : memref<80x128xf32, #tpu.memory_space<vmem>>, vector<1x16xf32>,
      %swap3A_484 = vector.shape_cast %swap3A_483 : vector<1x16xf32> to vector<16xf32>
      %swap3A_485 = vector.shape_cast %mul3A_480 : vector<16xf32> to vector<1x16xf32>
      tpu.vector_store %arg27[%swap3A_481, %swap3A_482], %swap3A_485 {strides = array<i32>} : memref<80x128xf32, #tpu.memory_space<vmem>>, vector<1x16xf32>,
      %get3A_486 = arith.index_cast %scan3A_290 : i32 to index
      %get3A_487 = arith.constant 112 : index
      %get3A_488 = tpu.vector_load %arg18[%get3A_486, %get3A_487] {strides = array<i32>} : memref<80x128xf32, #tpu.memory_space<vmem>>, vector<1x16xf32>,
      %get3A_489 = vector.shape_cast %get3A_488 : vector<1x16xf32> to vector<16xf32>
      %get3A_490 = arith.index_cast %scan3A_290 : i32 to index
      %get3A_491 = arith.constant 112 : index
      %get3A_492 = tpu.vector_load %arg19[%get3A_490, %get3A_491] {strides = array<i32>} : memref<80x128xf32, #tpu.memory_space<vmem>>, vector<1x16xf32>,
      %get3A_493 = vector.shape_cast %get3A_492 : vector<1x16xf32> to vector<16xf32>
      %mul3A_494 = arith.mulf %get3A_489, %get3A_493 : vector<16xf32>
      %swap3A_495 = arith.index_cast %scan3A_290 : i32 to index
      %swap3A_496 = arith.constant 112 : index
      %swap3A_497 = tpu.vector_load %arg26[%swap3A_495, %swap3A_496] {strides = array<i32>} : memref<80x128xf32, #tpu.memory_space<vmem>>, vector<1x16xf32>,
      %swap3A_498 = vector.shape_cast %swap3A_497 : vector<1x16xf32> to vector<16xf32>
      %swap3A_499 = vector.shape_cast %mul3A_494 : vector<16xf32> to vector<1x16xf32>
      tpu.vector_store %arg26[%swap3A_495, %swap3A_496], %swap3A_499 {strides = array<i32>} : memref<80x128xf32, #tpu.memory_space<vmem>>, vector<1x16xf32>,
      %get3A_500 = arith.index_cast %scan3A_290 : i32 to index
      %get3A_501 = arith.constant 112 : index
      %get3A_502 = tpu.vector_load %arg20[%get3A_500, %get3A_501] {strides = array<i32>} : memref<80x128xf32, #tpu.memory_space<vmem>>, vector<1x16xf32>,
      %get3A_503 = vector.shape_cast %get3A_502 : vector<1x16xf32> to vector<16xf32>
      %get3A_504 = arith.index_cast %scan3A_290 : i32 to index
      %get3A_505 = arith.constant 112 : index
      %get3A_506 = tpu.vector_load %arg21[%get3A_504, %get3A_505] {strides = array<i32>} : memref<80x128xf32, #tpu.memory_space<vmem>>, vector<1x16xf32>,
      %get3A_507 = vector.shape_cast %get3A_506 : vector<1x16xf32> to vector<16xf32>
      %mul3A_508 = arith.mulf %get3A_503, %get3A_507 : vector<16xf32>
      %swap3A_509 = arith.index_cast %scan3A_290 : i32 to index
      %swap3A_510 = arith.constant 112 : index
      %swap3A_511 = tpu.vector_load %arg27[%swap3A_509, %swap3A_510] {strides = array<i32>} : memref<80x128xf32, #tpu.memory_space<vmem>>, vector<1x16xf32>,
      %swap3A_512 = vector.shape_cast %swap3A_511 : vector<1x16xf32> to vector<16xf32>
      %swap3A_513 = vector.shape_cast %mul3A_508 : vector<16xf32> to vector<1x16xf32>
      tpu.vector_store %arg27[%swap3A_509, %swap3A_510], %swap3A_513 {strides = array<i32>} : memref<80x128xf32, #tpu.memory_space<vmem>>, vector<1x16xf32>,
      %scan3A_514 = arith.constant 0 : i32
      scf.yield %scan3A_514 : i32
    }
    %scan3A_265 = arith.constant 80 : i32
    %mul3A_266 = arith.constant 10000 : i32
    %mul3A_267 = arith.muli %add3A, %mul3A_266 : i32
    %add3A_268 = arith.constant 9920 : i32
    %add3A_269 = arith.addi %mul3A_267, %add3A_268 : i32
    %dma_start3A_270 = arith.constant 0 : i32
    %dma_start3A_271 = tpu.memref_slice %arg8[%add3A_269, %dma_start3A_270] : memref<320000x128xf32, #tpu.memory_space<hbm>> -> memref<80x128xf32, #tpu.memory_space<hbm>>
    %dma_start3A_272 = arith.constant 0 : i32
    %dma_start3A_273 = tpu.memref_slice %arg8[%add3A_269, %dma_start3A_272] : memref<320000x128xf32, #tpu.memory_space<hbm>> -> memref<80x128xf32, #tpu.memory_space<hbm>>
    tpu.enqueue_dma source(%arg26 : memref<80x128xf32, #tpu.memory_space<vmem>>) target(%dma_start3A_273 : memref<80x128xf32, #tpu.memory_space<hbm>>) target_semaphore(%arg32 : memref<!tpu.dma_semaphore, #tpu.memory_space<semaphore_mem>>)
    %dma_start3A_274 = arith.constant 0 : i32
    %dma_start3A_275 = tpu.memref_slice %arg9[%add3A_269, %dma_start3A_274] : memref<320000x128xf32, #tpu.memory_space<hbm>> -> memref<80x128xf32, #tpu.memory_space<hbm>>
    %dma_start3A_276 = arith.constant 0 : i32
    %dma_start3A_277 = tpu.memref_slice %arg9[%add3A_269, %dma_start3A_276] : memref<320000x128xf32, #tpu.memory_space<hbm>> -> memref<80x128xf32, #tpu.memory_space<hbm>>
    tpu.enqueue_dma source(%arg27 : memref<80x128xf32, #tpu.memory_space<vmem>>) target(%dma_start3A_277 : memref<80x128xf32, #tpu.memory_space<hbm>>) target_semaphore(%arg32 : memref<!tpu.dma_semaphore, #tpu.memory_space<semaphore_mem>>)
    %dma_wait3A_278 = arith.constant 0 : i32
    %dma_wait3A_279 = arith.constant 0 : i32
    %dma_wait3A_280 = tpu.memref_slice %arg8[%dma_wait3A_278, %dma_wait3A_279] : memref<320000x128xf32, #tpu.memory_space<hbm>> -> memref<80x128xf32, #tpu.memory_space<hbm>>
    %dma_wait3A_281 = arith.constant 0 : i32
    %dma_wait3A_282 = arith.constant 0 : i32
    %dma_wait3A_283 = tpu.memref_slice %arg8[%dma_wait3A_281, %dma_wait3A_282] : memref<320000x128xf32, #tpu.memory_space<hbm>> -> memref<80x128xf32, #tpu.memory_space<hbm>>
    tpu.wait_dma2 semaphore(%arg32 : memref<!tpu.dma_semaphore, #tpu.memory_space<semaphore_mem>>) src(%dma_wait3A_283 : memref<80x128xf32, #tpu.memory_space<hbm>>) dst(%arg26 : memref<80x128xf32, #tpu.memory_space<vmem>>)
    %dma_wait3A_284 = arith.constant 0 : i32
    %dma_wait3A_285 = arith.constant 0 : i32
    %dma_wait3A_286 = tpu.memref_slice %arg9[%dma_wait3A_284, %dma_wait3A_285] : memref<320000x128xf32, #tpu.memory_space<hbm>> -> memref<80x128xf32, #tpu.memory_space<hbm>>
    %dma_wait3A_287 = arith.constant 0 : i32
    %dma_wait3A_288 = arith.constant 0 : i32
    %dma_wait3A_289 = tpu.memref_slice %arg9[%dma_wait3A_287, %dma_wait3A_288] : memref<320000x128xf32, #tpu.memory_space<hbm>> -> memref<80x128xf32, #tpu.memory_space<hbm>>
    tpu.wait_dma2 semaphore(%arg32 : memref<!tpu.dma_semaphore, #tpu.memory_space<semaphore_mem>>) src(%dma_wait3A_289 : memref<80x128xf32, #tpu.memory_space<hbm>>) dst(%arg27 : memref<80x128xf32, #tpu.memory_space<vmem>>)
    return
  }
}

#map = affine_map<(d0, d1) -> (0, 0)>
#map1 = affine_map<(d0, d1) -> (0)>
module attributes {stable_mosaic.version = 14 : i64} {
  func.func @_scatter_msg_body(%arg0: i32, %arg1: i32, %arg2: memref<320000x128xf32, #tpu.memory_space<hbm>>, %arg3: memref<320000xi32, #tpu.memory_space<hbm>>, %arg4: memref<20480x128xf32, #tpu.memory_space<hbm>>, %arg5: memref<80x128xf32, #tpu.memory_space<vmem>>, %arg6: memref<80x128xf32, #tpu.memory_space<vmem>>, %arg7: memref<80xi32, #tpu.memory_space<vmem>>, %arg8: memref<80xi32, #tpu.memory_space<vmem>>, %arg9: memref<128x128xf32, #tpu.memory_space<vmem>>, %arg10: memref<!tpu.dma_semaphore, #tpu.memory_space<semaphore_mem>>, %arg11: memref<!tpu.dma_semaphore, #tpu.memory_space<semaphore_mem>>, %arg12: memref<!tpu.dma_semaphore, #tpu.memory_space<semaphore_mem>>, %arg13: memref<!tpu.dma_semaphore, #tpu.memory_space<semaphore_mem>>, %arg14: memref<10240x128xf32, #tpu.memory_space<vmem_shared>>) attributes {dimension_semantics = [#tpu.dimension_semantics<core_parallel>, #tpu.dimension_semantics<subcore_parallel>], iteration_bounds = array<i64: 2, 16>, scalar_prefetch = 0 : i64, scratch_operands = 10 : i64, tpu.core_type = #tpu.core_type<sc_vector_subcore>, window_params = [{transform_indices = #map}, {transform_indices = #map1}, {transform_indices = #map}]} {
    %scan3A = arith.constant 0 : i32
    %scan3A_0 = arith.constant 0 : i32
    %scan3A_1 = arith.constant 128 : i32
    %scan3A_2 = arith.addi %scan3A_0, %scan3A_1 : i32
    %scan3A_3 = arith.constant 1 : i32
    %scan3A_4 = scf.for %scan3A_149 = %scan3A_0 to %scan3A_2 step %scan3A_3 iter_args(%scan3A_150 = %scan3A) -> (i32)  : i32 {
      %broadcast_in_dim3A = arith.constant 0.000000e+00 : f32
      %broadcast_in_dim3A_151 = vector.broadcast %broadcast_in_dim3A : f32 to vector<16xf32>
      %swap3A = arith.index_cast %scan3A_149 : i32 to index
      %swap3A_152 = arith.constant 0 : index
      %swap3A_153 = tpu.vector_load %arg9[%swap3A, %swap3A_152] {strides = array<i32>} : memref<128x128xf32, #tpu.memory_space<vmem>>, vector<1x16xf32>,
      %swap3A_154 = vector.shape_cast %swap3A_153 : vector<1x16xf32> to vector<16xf32>
      %swap3A_155 = vector.shape_cast %broadcast_in_dim3A_151 : vector<16xf32> to vector<1x16xf32>
      tpu.vector_store %arg9[%swap3A, %swap3A_152], %swap3A_155 {strides = array<i32>} : memref<128x128xf32, #tpu.memory_space<vmem>>, vector<1x16xf32>,
      %broadcast_in_dim3A_156 = arith.constant 0.000000e+00 : f32
      %broadcast_in_dim3A_157 = vector.broadcast %broadcast_in_dim3A_156 : f32 to vector<16xf32>
      %swap3A_158 = arith.index_cast %scan3A_149 : i32 to index
      %swap3A_159 = arith.constant 16 : index
      %swap3A_160 = tpu.vector_load %arg9[%swap3A_158, %swap3A_159] {strides = array<i32>} : memref<128x128xf32, #tpu.memory_space<vmem>>, vector<1x16xf32>,
      %swap3A_161 = vector.shape_cast %swap3A_160 : vector<1x16xf32> to vector<16xf32>
      %swap3A_162 = vector.shape_cast %broadcast_in_dim3A_157 : vector<16xf32> to vector<1x16xf32>
      tpu.vector_store %arg9[%swap3A_158, %swap3A_159], %swap3A_162 {strides = array<i32>} : memref<128x128xf32, #tpu.memory_space<vmem>>, vector<1x16xf32>,
      %broadcast_in_dim3A_163 = arith.constant 0.000000e+00 : f32
      %broadcast_in_dim3A_164 = vector.broadcast %broadcast_in_dim3A_163 : f32 to vector<16xf32>
      %swap3A_165 = arith.index_cast %scan3A_149 : i32 to index
      %swap3A_166 = arith.constant 32 : index
      %swap3A_167 = tpu.vector_load %arg9[%swap3A_165, %swap3A_166] {strides = array<i32>} : memref<128x128xf32, #tpu.memory_space<vmem>>, vector<1x16xf32>,
      %swap3A_168 = vector.shape_cast %swap3A_167 : vector<1x16xf32> to vector<16xf32>
      %swap3A_169 = vector.shape_cast %broadcast_in_dim3A_164 : vector<16xf32> to vector<1x16xf32>
      tpu.vector_store %arg9[%swap3A_165, %swap3A_166], %swap3A_169 {strides = array<i32>} : memref<128x128xf32, #tpu.memory_space<vmem>>, vector<1x16xf32>,
      %broadcast_in_dim3A_170 = arith.constant 0.000000e+00 : f32
      %broadcast_in_dim3A_171 = vector.broadcast %broadcast_in_dim3A_170 : f32 to vector<16xf32>
      %swap3A_172 = arith.index_cast %scan3A_149 : i32 to index
      %swap3A_173 = arith.constant 48 : index
      %swap3A_174 = tpu.vector_load %arg9[%swap3A_172, %swap3A_173] {strides = array<i32>} : memref<128x128xf32, #tpu.memory_space<vmem>>, vector<1x16xf32>,
      %swap3A_175 = vector.shape_cast %swap3A_174 : vector<1x16xf32> to vector<16xf32>
      %swap3A_176 = vector.shape_cast %broadcast_in_dim3A_171 : vector<16xf32> to vector<1x16xf32>
      tpu.vector_store %arg9[%swap3A_172, %swap3A_173], %swap3A_176 {strides = array<i32>} : memref<128x128xf32, #tpu.memory_space<vmem>>, vector<1x16xf32>,
      %broadcast_in_dim3A_177 = arith.constant 0.000000e+00 : f32
      %broadcast_in_dim3A_178 = vector.broadcast %broadcast_in_dim3A_177 : f32 to vector<16xf32>
      %swap3A_179 = arith.index_cast %scan3A_149 : i32 to index
      %swap3A_180 = arith.constant 64 : index
      %swap3A_181 = tpu.vector_load %arg9[%swap3A_179, %swap3A_180] {strides = array<i32>} : memref<128x128xf32, #tpu.memory_space<vmem>>, vector<1x16xf32>,
      %swap3A_182 = vector.shape_cast %swap3A_181 : vector<1x16xf32> to vector<16xf32>
      %swap3A_183 = vector.shape_cast %broadcast_in_dim3A_178 : vector<16xf32> to vector<1x16xf32>
      tpu.vector_store %arg9[%swap3A_179, %swap3A_180], %swap3A_183 {strides = array<i32>} : memref<128x128xf32, #tpu.memory_space<vmem>>, vector<1x16xf32>,
      %broadcast_in_dim3A_184 = arith.constant 0.000000e+00 : f32
      %broadcast_in_dim3A_185 = vector.broadcast %broadcast_in_dim3A_184 : f32 to vector<16xf32>
      %swap3A_186 = arith.index_cast %scan3A_149 : i32 to index
      %swap3A_187 = arith.constant 80 : index
      %swap3A_188 = tpu.vector_load %arg9[%swap3A_186, %swap3A_187] {strides = array<i32>} : memref<128x128xf32, #tpu.memory_space<vmem>>, vector<1x16xf32>,
      %swap3A_189 = vector.shape_cast %swap3A_188 : vector<1x16xf32> to vector<16xf32>
      %swap3A_190 = vector.shape_cast %broadcast_in_dim3A_185 : vector<16xf32> to vector<1x16xf32>
      tpu.vector_store %arg9[%swap3A_186, %swap3A_187], %swap3A_190 {strides = array<i32>} : memref<128x128xf32, #tpu.memory_space<vmem>>, vector<1x16xf32>,
      %broadcast_in_dim3A_191 = arith.constant 0.000000e+00 : f32
      %broadcast_in_dim3A_192 = vector.broadcast %broadcast_in_dim3A_191 : f32 to vector<16xf32>
      %swap3A_193 = arith.index_cast %scan3A_149 : i32 to index
      %swap3A_194 = arith.constant 96 : index
      %swap3A_195 = tpu.vector_load %arg9[%swap3A_193, %swap3A_194] {strides = array<i32>} : memref<128x128xf32, #tpu.memory_space<vmem>>, vector<1x16xf32>,
      %swap3A_196 = vector.shape_cast %swap3A_195 : vector<1x16xf32> to vector<16xf32>
      %swap3A_197 = vector.shape_cast %broadcast_in_dim3A_192 : vector<16xf32> to vector<1x16xf32>
      tpu.vector_store %arg9[%swap3A_193, %swap3A_194], %swap3A_197 {strides = array<i32>} : memref<128x128xf32, #tpu.memory_space<vmem>>, vector<1x16xf32>,
      %broadcast_in_dim3A_198 = arith.constant 0.000000e+00 : f32
      %broadcast_in_dim3A_199 = vector.broadcast %broadcast_in_dim3A_198 : f32 to vector<16xf32>
      %swap3A_200 = arith.index_cast %scan3A_149 : i32 to index
      %swap3A_201 = arith.constant 112 : index
      %swap3A_202 = tpu.vector_load %arg9[%swap3A_200, %swap3A_201] {strides = array<i32>} : memref<128x128xf32, #tpu.memory_space<vmem>>, vector<1x16xf32>,
      %swap3A_203 = vector.shape_cast %swap3A_202 : vector<1x16xf32> to vector<16xf32>
      %swap3A_204 = vector.shape_cast %broadcast_in_dim3A_199 : vector<16xf32> to vector<1x16xf32>
      tpu.vector_store %arg9[%swap3A_200, %swap3A_201], %swap3A_204 {strides = array<i32>} : memref<128x128xf32, #tpu.memory_space<vmem>>, vector<1x16xf32>,
      %scan3A_205 = arith.constant 0 : i32
      scf.yield %scan3A_205 : i32
    }
    %scan3A_5 = arith.constant 128 : i32
    %mul3A = arith.constant 640 : i32
    %mul3A_6 = arith.muli %arg1, %mul3A : i32
    %add3A = arith.constant 0 : i32
    %add3A_7 = arith.addi %mul3A_6, %add3A : i32
    "tpu.region"() ({
      %run_scoped3A = tpu.sem_alloc : memref<!tpu.dma_semaphore, #tpu.memory_space<semaphore_mem>>
      %dma_start3A_149 = arith.constant 0 : i32
      %dma_start3A_150 = tpu.memref_slice %arg14[%add3A_7, %dma_start3A_149] : memref<10240x128xf32, #tpu.memory_space<vmem_shared>> -> memref<128x128xf32, #tpu.memory_space<vmem_shared>>
      %dma_start3A_151 = arith.constant 0 : i32
      %dma_start3A_152 = tpu.memref_slice %arg14[%add3A_7, %dma_start3A_151] : memref<10240x128xf32, #tpu.memory_space<vmem_shared>> -> memref<128x128xf32, #tpu.memory_space<vmem_shared>>
      tpu.enqueue_dma source(%arg9 : memref<128x128xf32, #tpu.memory_space<vmem>>) target(%dma_start3A_152 : memref<128x128xf32, #tpu.memory_space<vmem_shared>>) target_semaphore(%run_scoped3A : memref<!tpu.dma_semaphore, #tpu.memory_space<semaphore_mem>>)
      %dma_wait3A_153 = arith.constant 0 : i32
      %dma_wait3A_154 = tpu.memref_slice %arg14[%add3A_7, %dma_wait3A_153] : memref<10240x128xf32, #tpu.memory_space<vmem_shared>> -> memref<128x128xf32, #tpu.memory_space<vmem_shared>>
      %dma_wait3A_155 = arith.constant 0 : i32
      %dma_wait3A_156 = tpu.memref_slice %arg14[%add3A_7, %dma_wait3A_155] : memref<10240x128xf32, #tpu.memory_space<vmem_shared>> -> memref<128x128xf32, #tpu.memory_space<vmem_shared>>
      tpu.wait_dma2 semaphore(%run_scoped3A : memref<!tpu.dma_semaphore, #tpu.memory_space<semaphore_mem>>) src(%arg9 : memref<128x128xf32, #tpu.memory_space<vmem>>) dst(%dma_wait3A_156 : memref<128x128xf32, #tpu.memory_space<vmem_shared>>)
      tpu.yield
    }) : () -> ()
    %add3A_8 = arith.constant 128 : i32
    %add3A_9 = arith.addi %mul3A_6, %add3A_8 : i32
    "tpu.region"() ({
      %run_scoped3A = tpu.sem_alloc : memref<!tpu.dma_semaphore, #tpu.memory_space<semaphore_mem>>
      %dma_start3A_149 = arith.constant 0 : i32
      %dma_start3A_150 = tpu.memref_slice %arg14[%add3A_9, %dma_start3A_149] : memref<10240x128xf32, #tpu.memory_space<vmem_shared>> -> memref<128x128xf32, #tpu.memory_space<vmem_shared>>
      %dma_start3A_151 = arith.constant 0 : i32
      %dma_start3A_152 = tpu.memref_slice %arg14[%add3A_9, %dma_start3A_151] : memref<10240x128xf32, #tpu.memory_space<vmem_shared>> -> memref<128x128xf32, #tpu.memory_space<vmem_shared>>
      tpu.enqueue_dma source(%arg9 : memref<128x128xf32, #tpu.memory_space<vmem>>) target(%dma_start3A_152 : memref<128x128xf32, #tpu.memory_space<vmem_shared>>) target_semaphore(%run_scoped3A : memref<!tpu.dma_semaphore, #tpu.memory_space<semaphore_mem>>)
      %dma_wait3A_153 = arith.constant 0 : i32
      %dma_wait3A_154 = tpu.memref_slice %arg14[%add3A_9, %dma_wait3A_153] : memref<10240x128xf32, #tpu.memory_space<vmem_shared>> -> memref<128x128xf32, #tpu.memory_space<vmem_shared>>
      %dma_wait3A_155 = arith.constant 0 : i32
      %dma_wait3A_156 = tpu.memref_slice %arg14[%add3A_9, %dma_wait3A_155] : memref<10240x128xf32, #tpu.memory_space<vmem_shared>> -> memref<128x128xf32, #tpu.memory_space<vmem_shared>>
      tpu.wait_dma2 semaphore(%run_scoped3A : memref<!tpu.dma_semaphore, #tpu.memory_space<semaphore_mem>>) src(%arg9 : memref<128x128xf32, #tpu.memory_space<vmem>>) dst(%dma_wait3A_156 : memref<128x128xf32, #tpu.memory_space<vmem_shared>>)
      tpu.yield
    }) : () -> ()
    %add3A_10 = arith.constant 256 : i32
    %add3A_11 = arith.addi %mul3A_6, %add3A_10 : i32
    "tpu.region"() ({
      %run_scoped3A = tpu.sem_alloc : memref<!tpu.dma_semaphore, #tpu.memory_space<semaphore_mem>>
      %dma_start3A_149 = arith.constant 0 : i32
      %dma_start3A_150 = tpu.memref_slice %arg14[%add3A_11, %dma_start3A_149] : memref<10240x128xf32, #tpu.memory_space<vmem_shared>> -> memref<128x128xf32, #tpu.memory_space<vmem_shared>>
      %dma_start3A_151 = arith.constant 0 : i32
      %dma_start3A_152 = tpu.memref_slice %arg14[%add3A_11, %dma_start3A_151] : memref<10240x128xf32, #tpu.memory_space<vmem_shared>> -> memref<128x128xf32, #tpu.memory_space<vmem_shared>>
      tpu.enqueue_dma source(%arg9 : memref<128x128xf32, #tpu.memory_space<vmem>>) target(%dma_start3A_152 : memref<128x128xf32, #tpu.memory_space<vmem_shared>>) target_semaphore(%run_scoped3A : memref<!tpu.dma_semaphore, #tpu.memory_space<semaphore_mem>>)
      %dma_wait3A_153 = arith.constant 0 : i32
      %dma_wait3A_154 = tpu.memref_slice %arg14[%add3A_11, %dma_wait3A_153] : memref<10240x128xf32, #tpu.memory_space<vmem_shared>> -> memref<128x128xf32, #tpu.memory_space<vmem_shared>>
      %dma_wait3A_155 = arith.constant 0 : i32
      %dma_wait3A_156 = tpu.memref_slice %arg14[%add3A_11, %dma_wait3A_155] : memref<10240x128xf32, #tpu.memory_space<vmem_shared>> -> memref<128x128xf32, #tpu.memory_space<vmem_shared>>
      tpu.wait_dma2 semaphore(%run_scoped3A : memref<!tpu.dma_semaphore, #tpu.memory_space<semaphore_mem>>) src(%arg9 : memref<128x128xf32, #tpu.memory_space<vmem>>) dst(%dma_wait3A_156 : memref<128x128xf32, #tpu.memory_space<vmem_shared>>)
      tpu.yield
    }) : () -> ()
    %add3A_12 = arith.constant 384 : i32
    %add3A_13 = arith.addi %mul3A_6, %add3A_12 : i32
    "tpu.region"() ({
      %run_scoped3A = tpu.sem_alloc : memref<!tpu.dma_semaphore, #tpu.memory_space<semaphore_mem>>
      %dma_start3A_149 = arith.constant 0 : i32
      %dma_start3A_150 = tpu.memref_slice %arg14[%add3A_13, %dma_start3A_149] : memref<10240x128xf32, #tpu.memory_space<vmem_shared>> -> memref<128x128xf32, #tpu.memory_space<vmem_shared>>
      %dma_start3A_151 = arith.constant 0 : i32
      %dma_start3A_152 = tpu.memref_slice %arg14[%add3A_13, %dma_start3A_151] : memref<10240x128xf32, #tpu.memory_space<vmem_shared>> -> memref<128x128xf32, #tpu.memory_space<vmem_shared>>
      tpu.enqueue_dma source(%arg9 : memref<128x128xf32, #tpu.memory_space<vmem>>) target(%dma_start3A_152 : memref<128x128xf32, #tpu.memory_space<vmem_shared>>) target_semaphore(%run_scoped3A : memref<!tpu.dma_semaphore, #tpu.memory_space<semaphore_mem>>)
      %dma_wait3A_153 = arith.constant 0 : i32
      %dma_wait3A_154 = tpu.memref_slice %arg14[%add3A_13, %dma_wait3A_153] : memref<10240x128xf32, #tpu.memory_space<vmem_shared>> -> memref<128x128xf32, #tpu.memory_space<vmem_shared>>
      %dma_wait3A_155 = arith.constant 0 : i32
      %dma_wait3A_156 = tpu.memref_slice %arg14[%add3A_13, %dma_wait3A_155] : memref<10240x128xf32, #tpu.memory_space<vmem_shared>> -> memref<128x128xf32, #tpu.memory_space<vmem_shared>>
      tpu.wait_dma2 semaphore(%run_scoped3A : memref<!tpu.dma_semaphore, #tpu.memory_space<semaphore_mem>>) src(%arg9 : memref<128x128xf32, #tpu.memory_space<vmem>>) dst(%dma_wait3A_156 : memref<128x128xf32, #tpu.memory_space<vmem_shared>>)
      tpu.yield
    }) : () -> ()
    %add3A_14 = arith.constant 512 : i32
    %add3A_15 = arith.addi %mul3A_6, %add3A_14 : i32
    "tpu.region"() ({
      %run_scoped3A = tpu.sem_alloc : memref<!tpu.dma_semaphore, #tpu.memory_space<semaphore_mem>>
      %dma_start3A_149 = arith.constant 0 : i32
      %dma_start3A_150 = tpu.memref_slice %arg14[%add3A_15, %dma_start3A_149] : memref<10240x128xf32, #tpu.memory_space<vmem_shared>> -> memref<128x128xf32, #tpu.memory_space<vmem_shared>>
      %dma_start3A_151 = arith.constant 0 : i32
      %dma_start3A_152 = tpu.memref_slice %arg14[%add3A_15, %dma_start3A_151] : memref<10240x128xf32, #tpu.memory_space<vmem_shared>> -> memref<128x128xf32, #tpu.memory_space<vmem_shared>>
      tpu.enqueue_dma source(%arg9 : memref<128x128xf32, #tpu.memory_space<vmem>>) target(%dma_start3A_152 : memref<128x128xf32, #tpu.memory_space<vmem_shared>>) target_semaphore(%run_scoped3A : memref<!tpu.dma_semaphore, #tpu.memory_space<semaphore_mem>>)
      %dma_wait3A_153 = arith.constant 0 : i32
      %dma_wait3A_154 = tpu.memref_slice %arg14[%add3A_15, %dma_wait3A_153] : memref<10240x128xf32, #tpu.memory_space<vmem_shared>> -> memref<128x128xf32, #tpu.memory_space<vmem_shared>>
      %dma_wait3A_155 = arith.constant 0 : i32
      %dma_wait3A_156 = tpu.memref_slice %arg14[%add3A_15, %dma_wait3A_155] : memref<10240x128xf32, #tpu.memory_space<vmem_shared>> -> memref<128x128xf32, #tpu.memory_space<vmem_shared>>
      tpu.wait_dma2 semaphore(%run_scoped3A : memref<!tpu.dma_semaphore, #tpu.memory_space<semaphore_mem>>) src(%arg9 : memref<128x128xf32, #tpu.memory_space<vmem>>) dst(%dma_wait3A_156 : memref<128x128xf32, #tpu.memory_space<vmem_shared>>)
      tpu.yield
    }) : () -> ()
    %barrier3A = arith.constant 0 : index
    tpu.barrier barrier_id(%barrier3A)
    %mul3A_16 = arith.constant 160000 : i32
    %mul3A_17 = arith.muli %arg0, %mul3A_16 : i32
    %mul3A_18 = arith.constant 10000 : i32
    %mul3A_19 = arith.muli %arg1, %mul3A_18 : i32
    %add3A_20 = arith.addi %mul3A_17, %mul3A_19 : i32
    %add3A_21 = arith.constant 0 : i32
    %add3A_22 = arith.addi %add3A_20, %add3A_21 : i32
    %dma_start3A = tpu.memref_slice %arg3[%add3A_22] : memref<320000xi32, #tpu.memory_space<hbm>> -> memref<80xi32, #tpu.memory_space<hbm>>
    %dma_start3A_23 = tpu.memref_slice %arg3[%add3A_22] : memref<320000xi32, #tpu.memory_space<hbm>> -> memref<80xi32, #tpu.memory_space<hbm>>
    tpu.enqueue_dma source(%dma_start3A_23 : memref<80xi32, #tpu.memory_space<hbm>>) target(%arg7 : memref<80xi32, #tpu.memory_space<vmem>>) target_semaphore(%arg10 : memref<!tpu.dma_semaphore, #tpu.memory_space<semaphore_mem>>)
    %add3A_24 = arith.constant 0 : i32
    %add3A_25 = arith.addi %add3A_20, %add3A_24 : i32
    %dma_start3A_26 = arith.constant 0 : i32
    %dma_start3A_27 = tpu.memref_slice %arg2[%add3A_25, %dma_start3A_26] : memref<320000x128xf32, #tpu.memory_space<hbm>> -> memref<80x128xf32, #tpu.memory_space<hbm>>
    %dma_start3A_28 = arith.constant 0 : i32
    %dma_start3A_29 = tpu.memref_slice %arg2[%add3A_25, %dma_start3A_28] : memref<320000x128xf32, #tpu.memory_space<hbm>> -> memref<80x128xf32, #tpu.memory_space<hbm>>
    tpu.enqueue_dma source(%dma_start3A_29 : memref<80x128xf32, #tpu.memory_space<hbm>>) target(%arg5 : memref<80x128xf32, #tpu.memory_space<vmem>>) target_semaphore(%arg10 : memref<!tpu.dma_semaphore, #tpu.memory_space<semaphore_mem>>)
    %dma_wait3A = arith.constant 0 : i32
    %dma_wait3A_30 = tpu.memref_slice %arg3[%dma_wait3A] : memref<320000xi32, #tpu.memory_space<hbm>> -> memref<80xi32, #tpu.memory_space<hbm>>
    %dma_wait3A_31 = arith.constant 0 : i32
    %dma_wait3A_32 = tpu.memref_slice %arg3[%dma_wait3A_31] : memref<320000xi32, #tpu.memory_space<hbm>> -> memref<80xi32, #tpu.memory_space<hbm>>
    tpu.wait_dma2 semaphore(%arg10 : memref<!tpu.dma_semaphore, #tpu.memory_space<semaphore_mem>>) src(%dma_wait3A_32 : memref<80xi32, #tpu.memory_space<hbm>>) dst(%arg7 : memref<80xi32, #tpu.memory_space<vmem>>)
    %dma_wait3A_33 = arith.constant 0 : i32
    %dma_wait3A_34 = arith.constant 0 : i32
    %dma_wait3A_35 = tpu.memref_slice %arg2[%dma_wait3A_33, %dma_wait3A_34] : memref<320000x128xf32, #tpu.memory_space<hbm>> -> memref<80x128xf32, #tpu.memory_space<hbm>>
    %dma_wait3A_36 = arith.constant 0 : i32
    %dma_wait3A_37 = arith.constant 0 : i32
    %dma_wait3A_38 = tpu.memref_slice %arg2[%dma_wait3A_36, %dma_wait3A_37] : memref<320000x128xf32, #tpu.memory_space<hbm>> -> memref<80x128xf32, #tpu.memory_space<hbm>>
    tpu.wait_dma2 semaphore(%arg10 : memref<!tpu.dma_semaphore, #tpu.memory_space<semaphore_mem>>) src(%dma_wait3A_38 : memref<80x128xf32, #tpu.memory_space<hbm>>) dst(%arg5 : memref<80x128xf32, #tpu.memory_space<vmem>>)
    %dma_start3A_39 = arith.constant 0 : i32
    %dma_start3A_40 = arith.constant 0 : i32
    %dma_start3A_41 = tpu.memref_slice %arg14[%dma_start3A_39, %dma_start3A_40] : memref<10240x128xf32, #tpu.memory_space<vmem_shared>> -> memref<10240x128xf32, #tpu.memory_space<vmem_shared>>
    tpu.enqueue_indirect_dma source(%arg5 : memref<80x128xf32, #tpu.memory_space<vmem>>) target(%dma_start3A_41 : memref<10240x128xf32, #tpu.memory_space<vmem_shared>>) offsets(%arg7 : memref<80xi32, #tpu.memory_space<vmem>>) semaphore(%arg12 : memref<!tpu.dma_semaphore, #tpu.memory_space<semaphore_mem>>) {add = true}
    %add3A_42 = arith.constant 80 : i32
    %add3A_43 = arith.addi %add3A_20, %add3A_42 : i32
    %dma_start3A_44 = tpu.memref_slice %arg3[%add3A_43] : memref<320000xi32, #tpu.memory_space<hbm>> -> memref<80xi32, #tpu.memory_space<hbm>>
    %dma_start3A_45 = tpu.memref_slice %arg3[%add3A_43] : memref<320000xi32, #tpu.memory_space<hbm>> -> memref<80xi32, #tpu.memory_space<hbm>>
    tpu.enqueue_dma source(%dma_start3A_45 : memref<80xi32, #tpu.memory_space<hbm>>) target(%arg8 : memref<80xi32, #tpu.memory_space<vmem>>) target_semaphore(%arg11 : memref<!tpu.dma_semaphore, #tpu.memory_space<semaphore_mem>>)
    %add3A_46 = arith.constant 80 : i32
    %add3A_47 = arith.addi %add3A_20, %add3A_46 : i32
    %dma_start3A_48 = arith.constant 0 : i32
    %dma_start3A_49 = tpu.memref_slice %arg2[%add3A_47, %dma_start3A_48] : memref<320000x128xf32, #tpu.memory_space<hbm>> -> memref<80x128xf32, #tpu.memory_space<hbm>>
    %dma_start3A_50 = arith.constant 0 : i32
    %dma_start3A_51 = tpu.memref_slice %arg2[%add3A_47, %dma_start3A_50] : memref<320000x128xf32, #tpu.memory_space<hbm>> -> memref<80x128xf32, #tpu.memory_space<hbm>>
    tpu.enqueue_dma source(%dma_start3A_51 : memref<80x128xf32, #tpu.memory_space<hbm>>) target(%arg6 : memref<80x128xf32, #tpu.memory_space<vmem>>) target_semaphore(%arg11 : memref<!tpu.dma_semaphore, #tpu.memory_space<semaphore_mem>>)
    %scan3A_52 = arith.constant 0 : i32
    %scan3A_53 = arith.constant 0 : i32
    %scan3A_54 = arith.constant 61 : i32
    %scan3A_55 = arith.addi %scan3A_53, %scan3A_54 : i32
    %scan3A_56 = arith.constant 1 : i32
    %scan3A_57 = scf.for %scan3A_149 = %scan3A_53 to %scan3A_55 step %scan3A_56 iter_args(%scan3A_150 = %scan3A_52) -> (i32)  : i32 {
      %mul3A_151 = arith.constant 2 : i32
      %mul3A_152 = arith.muli %mul3A_151, %scan3A_149 : i32
      %add3A_153 = arith.constant 1 : i32
      %add3A_154 = arith.addi %mul3A_152, %add3A_153 : i32
      %dma_wait3A_155 = arith.constant 0 : i32
      %dma_wait3A_156 = tpu.memref_slice %arg3[%dma_wait3A_155] : memref<320000xi32, #tpu.memory_space<hbm>> -> memref<80xi32, #tpu.memory_space<hbm>>
      %dma_wait3A_157 = arith.constant 0 : i32
      %dma_wait3A_158 = tpu.memref_slice %arg3[%dma_wait3A_157] : memref<320000xi32, #tpu.memory_space<hbm>> -> memref<80xi32, #tpu.memory_space<hbm>>
      tpu.wait_dma2 semaphore(%arg11 : memref<!tpu.dma_semaphore, #tpu.memory_space<semaphore_mem>>) src(%dma_wait3A_158 : memref<80xi32, #tpu.memory_space<hbm>>) dst(%arg8 : memref<80xi32, #tpu.memory_space<vmem>>)
      %dma_wait3A_159 = arith.constant 0 : i32
      %dma_wait3A_160 = arith.constant 0 : i32
      %dma_wait3A_161 = tpu.memref_slice %arg2[%dma_wait3A_159, %dma_wait3A_160] : memref<320000x128xf32, #tpu.memory_space<hbm>> -> memref<80x128xf32, #tpu.memory_space<hbm>>
      %dma_wait3A_162 = arith.constant 0 : i32
      %dma_wait3A_163 = arith.constant 0 : i32
      %dma_wait3A_164 = tpu.memref_slice %arg2[%dma_wait3A_162, %dma_wait3A_163] : memref<320000x128xf32, #tpu.memory_space<hbm>> -> memref<80x128xf32, #tpu.memory_space<hbm>>
      tpu.wait_dma2 semaphore(%arg11 : memref<!tpu.dma_semaphore, #tpu.memory_space<semaphore_mem>>) src(%dma_wait3A_164 : memref<80x128xf32, #tpu.memory_space<hbm>>) dst(%arg6 : memref<80x128xf32, #tpu.memory_space<vmem>>)
      %dma_start3A_165 = arith.constant 0 : i32
      %dma_start3A_166 = arith.constant 0 : i32
      %dma_start3A_167 = tpu.memref_slice %arg14[%dma_start3A_165, %dma_start3A_166] : memref<10240x128xf32, #tpu.memory_space<vmem_shared>> -> memref<10240x128xf32, #tpu.memory_space<vmem_shared>>
      tpu.enqueue_indirect_dma source(%arg6 : memref<80x128xf32, #tpu.memory_space<vmem>>) target(%dma_start3A_167 : memref<10240x128xf32, #tpu.memory_space<vmem_shared>>) offsets(%arg8 : memref<80xi32, #tpu.memory_space<vmem>>) semaphore(%arg13 : memref<!tpu.dma_semaphore, #tpu.memory_space<semaphore_mem>>) {add = true}
      %dma_wait3A_168 = arith.constant 0 : i32
      %dma_wait3A_169 = arith.constant 0 : i32
      %dma_wait3A_170 = tpu.memref_slice %arg2[%dma_wait3A_168, %dma_wait3A_169] : memref<320000x128xf32, #tpu.memory_space<hbm>> -> memref<80x128xf32, #tpu.memory_space<hbm>>
      %dma_wait3A_171 = arith.constant 0 : i32
      %dma_wait3A_172 = arith.constant 0 : i32
      %dma_wait3A_173 = tpu.memref_slice %arg2[%dma_wait3A_171, %dma_wait3A_172] : memref<320000x128xf32, #tpu.memory_space<hbm>> -> memref<80x128xf32, #tpu.memory_space<hbm>>
      tpu.wait_dma2 semaphore(%arg12 : memref<!tpu.dma_semaphore, #tpu.memory_space<semaphore_mem>>) src(%dma_wait3A_173 : memref<80x128xf32, #tpu.memory_space<hbm>>) dst(%arg5 : memref<80x128xf32, #tpu.memory_space<vmem>>)
      %add3A_174 = arith.constant 1 : i32
      %add3A_175 = arith.addi %add3A_154, %add3A_174 : i32
      %mul3A_176 = arith.constant 80 : i32
      %mul3A_177 = arith.muli %add3A_175, %mul3A_176 : i32
      %add3A_178 = arith.addi %add3A_20, %mul3A_177 : i32
      %dma_start3A_179 = tpu.memref_slice %arg3[%add3A_178] : memref<320000xi32, #tpu.memory_space<hbm>> -> memref<80xi32, #tpu.memory_space<hbm>>
      %dma_start3A_180 = tpu.memref_slice %arg3[%add3A_178] : memref<320000xi32, #tpu.memory_space<hbm>> -> memref<80xi32, #tpu.memory_space<hbm>>
      tpu.enqueue_dma source(%dma_start3A_180 : memref<80xi32, #tpu.memory_space<hbm>>) target(%arg7 : memref<80xi32, #tpu.memory_space<vmem>>) target_semaphore(%arg10 : memref<!tpu.dma_semaphore, #tpu.memory_space<semaphore_mem>>)
      %mul3A_181 = arith.constant 80 : i32
      %mul3A_182 = arith.muli %add3A_175, %mul3A_181 : i32
      %add3A_183 = arith.addi %add3A_20, %mul3A_182 : i32
      %dma_start3A_184 = arith.constant 0 : i32
      %dma_start3A_185 = tpu.memref_slice %arg2[%add3A_183, %dma_start3A_184] : memref<320000x128xf32, #tpu.memory_space<hbm>> -> memref<80x128xf32, #tpu.memory_space<hbm>>
      %dma_start3A_186 = arith.constant 0 : i32
      %dma_start3A_187 = tpu.memref_slice %arg2[%add3A_183, %dma_start3A_186] : memref<320000x128xf32, #tpu.memory_space<hbm>> -> memref<80x128xf32, #tpu.memory_space<hbm>>
      tpu.enqueue_dma source(%dma_start3A_187 : memref<80x128xf32, #tpu.memory_space<hbm>>) target(%arg5 : memref<80x128xf32, #tpu.memory_space<vmem>>) target_semaphore(%arg10 : memref<!tpu.dma_semaphore, #tpu.memory_space<semaphore_mem>>)
      %mul3A_188 = arith.constant 2 : i32
      %mul3A_189 = arith.muli %mul3A_188, %scan3A_149 : i32
      %add3A_190 = arith.constant 2 : i32
      %add3A_191 = arith.addi %mul3A_189, %add3A_190 : i32
      %dma_wait3A_192 = arith.constant 0 : i32
      %dma_wait3A_193 = tpu.memref_slice %arg3[%dma_wait3A_192] : memref<320000xi32, #tpu.memory_space<hbm>> -> memref<80xi32, #tpu.memory_space<hbm>>
      %dma_wait3A_194 = arith.constant 0 : i32
      %dma_wait3A_195 = tpu.memref_slice %arg3[%dma_wait3A_194] : memref<320000xi32, #tpu.memory_space<hbm>> -> memref<80xi32, #tpu.memory_space<hbm>>
      tpu.wait_dma2 semaphore(%arg10 : memref<!tpu.dma_semaphore, #tpu.memory_space<semaphore_mem>>) src(%dma_wait3A_195 : memref<80xi32, #tpu.memory_space<hbm>>) dst(%arg7 : memref<80xi32, #tpu.memory_space<vmem>>)
      %dma_wait3A_196 = arith.constant 0 : i32
      %dma_wait3A_197 = arith.constant 0 : i32
      %dma_wait3A_198 = tpu.memref_slice %arg2[%dma_wait3A_196, %dma_wait3A_197] : memref<320000x128xf32, #tpu.memory_space<hbm>> -> memref<80x128xf32, #tpu.memory_space<hbm>>
      %dma_wait3A_199 = arith.constant 0 : i32
      %dma_wait3A_200 = arith.constant 0 : i32
      %dma_wait3A_201 = tpu.memref_slice %arg2[%dma_wait3A_199, %dma_wait3A_200] : memref<320000x128xf32, #tpu.memory_space<hbm>> -> memref<80x128xf32, #tpu.memory_space<hbm>>
      tpu.wait_dma2 semaphore(%arg10 : memref<!tpu.dma_semaphore, #tpu.memory_space<semaphore_mem>>) src(%dma_wait3A_201 : memref<80x128xf32, #tpu.memory_space<hbm>>) dst(%arg5 : memref<80x128xf32, #tpu.memory_space<vmem>>)
      %dma_start3A_202 = arith.constant 0 : i32
      %dma_start3A_203 = arith.constant 0 : i32
      %dma_start3A_204 = tpu.memref_slice %arg14[%dma_start3A_202, %dma_start3A_203] : memref<10240x128xf32, #tpu.memory_space<vmem_shared>> -> memref<10240x128xf32, #tpu.memory_space<vmem_shared>>
      tpu.enqueue_indirect_dma source(%arg5 : memref<80x128xf32, #tpu.memory_space<vmem>>) target(%dma_start3A_204 : memref<10240x128xf32, #tpu.memory_space<vmem_shared>>) offsets(%arg7 : memref<80xi32, #tpu.memory_space<vmem>>) semaphore(%arg12 : memref<!tpu.dma_semaphore, #tpu.memory_space<semaphore_mem>>) {add = true}
      %dma_wait3A_205 = arith.constant 0 : i32
      %dma_wait3A_206 = arith.constant 0 : i32
      %dma_wait3A_207 = tpu.memref_slice %arg2[%dma_wait3A_205, %dma_wait3A_206] : memref<320000x128xf32, #tpu.memory_space<hbm>> -> memref<80x128xf32, #tpu.memory_space<hbm>>
      %dma_wait3A_208 = arith.constant 0 : i32
      %dma_wait3A_209 = arith.constant 0 : i32
      %dma_wait3A_210 = tpu.memref_slice %arg2[%dma_wait3A_208, %dma_wait3A_209] : memref<320000x128xf32, #tpu.memory_space<hbm>> -> memref<80x128xf32, #tpu.memory_space<hbm>>
      tpu.wait_dma2 semaphore(%arg13 : memref<!tpu.dma_semaphore, #tpu.memory_space<semaphore_mem>>) src(%dma_wait3A_210 : memref<80x128xf32, #tpu.memory_space<hbm>>) dst(%arg6 : memref<80x128xf32, #tpu.memory_space<vmem>>)
      %add3A_211 = arith.constant 1 : i32
      %add3A_212 = arith.addi %add3A_191, %add3A_211 : i32
      %mul3A_213 = arith.constant 80 : i32
      %mul3A_214 = arith.muli %add3A_212, %mul3A_213 : i32
      %add3A_215 = arith.addi %add3A_20, %mul3A_214 : i32
      %dma_start3A_216 = tpu.memref_slice %arg3[%add3A_215] : memref<320000xi32, #tpu.memory_space<hbm>> -> memref<80xi32, #tpu.memory_space<hbm>>
      %dma_start3A_217 = tpu.memref_slice %arg3[%add3A_215] : memref<320000xi32, #tpu.memory_space<hbm>> -> memref<80xi32, #tpu.memory_space<hbm>>
      tpu.enqueue_dma source(%dma_start3A_217 : memref<80xi32, #tpu.memory_space<hbm>>) target(%arg8 : memref<80xi32, #tpu.memory_space<vmem>>) target_semaphore(%arg11 : memref<!tpu.dma_semaphore, #tpu.memory_space<semaphore_mem>>)
      %mul3A_218 = arith.constant 80 : i32
      %mul3A_219 = arith.muli %add3A_212, %mul3A_218 : i32
      %add3A_220 = arith.addi %add3A_20, %mul3A_219 : i32
      %dma_start3A_221 = arith.constant 0 : i32
      %dma_start3A_222 = tpu.memref_slice %arg2[%add3A_220, %dma_start3A_221] : memref<320000x128xf32, #tpu.memory_space<hbm>> -> memref<80x128xf32, #tpu.memory_space<hbm>>
      %dma_start3A_223 = arith.constant 0 : i32
      %dma_start3A_224 = tpu.memref_slice %arg2[%add3A_220, %dma_start3A_223] : memref<320000x128xf32, #tpu.memory_space<hbm>> -> memref<80x128xf32, #tpu.memory_space<hbm>>
      tpu.enqueue_dma source(%dma_start3A_224 : memref<80x128xf32, #tpu.memory_space<hbm>>) target(%arg6 : memref<80x128xf32, #tpu.memory_space<vmem>>) target_semaphore(%arg11 : memref<!tpu.dma_semaphore, #tpu.memory_space<semaphore_mem>>)
      %scan3A_225 = arith.constant 0 : i32
      scf.yield %scan3A_225 : i32
    }
    %scan3A_58 = arith.constant 61 : i32
    %dma_wait3A_59 = arith.constant 0 : i32
    %dma_wait3A_60 = tpu.memref_slice %arg3[%dma_wait3A_59] : memref<320000xi32, #tpu.memory_space<hbm>> -> memref<80xi32, #tpu.memory_space<hbm>>
    %dma_wait3A_61 = arith.constant 0 : i32
    %dma_wait3A_62 = tpu.memref_slice %arg3[%dma_wait3A_61] : memref<320000xi32, #tpu.memory_space<hbm>> -> memref<80xi32, #tpu.memory_space<hbm>>
    tpu.wait_dma2 semaphore(%arg11 : memref<!tpu.dma_semaphore, #tpu.memory_space<semaphore_mem>>) src(%dma_wait3A_62 : memref<80xi32, #tpu.memory_space<hbm>>) dst(%arg8 : memref<80xi32, #tpu.memory_space<vmem>>)
    %dma_wait3A_63 = arith.constant 0 : i32
    %dma_wait3A_64 = arith.constant 0 : i32
    %dma_wait3A_65 = tpu.memref_slice %arg2[%dma_wait3A_63, %dma_wait3A_64] : memref<320000x128xf32, #tpu.memory_space<hbm>> -> memref<80x128xf32, #tpu.memory_space<hbm>>
    %dma_wait3A_66 = arith.constant 0 : i32
    %dma_wait3A_67 = arith.constant 0 : i32
    %dma_wait3A_68 = tpu.memref_slice %arg2[%dma_wait3A_66, %dma_wait3A_67] : memref<320000x128xf32, #tpu.memory_space<hbm>> -> memref<80x128xf32, #tpu.memory_space<hbm>>
    tpu.wait_dma2 semaphore(%arg11 : memref<!tpu.dma_semaphore, #tpu.memory_space<semaphore_mem>>) src(%dma_wait3A_68 : memref<80x128xf32, #tpu.memory_space<hbm>>) dst(%arg6 : memref<80x128xf32, #tpu.memory_space<vmem>>)
    %dma_start3A_69 = arith.constant 0 : i32
    %dma_start3A_70 = arith.constant 0 : i32
    %dma_start3A_71 = tpu.memref_slice %arg14[%dma_start3A_69, %dma_start3A_70] : memref<10240x128xf32, #tpu.memory_space<vmem_shared>> -> memref<10240x128xf32, #tpu.memory_space<vmem_shared>>
    tpu.enqueue_indirect_dma source(%arg6 : memref<80x128xf32, #tpu.memory_space<vmem>>) target(%dma_start3A_71 : memref<10240x128xf32, #tpu.memory_space<vmem_shared>>) offsets(%arg8 : memref<80xi32, #tpu.memory_space<vmem>>) semaphore(%arg13 : memref<!tpu.dma_semaphore, #tpu.memory_space<semaphore_mem>>) {add = true}
    %dma_wait3A_72 = arith.constant 0 : i32
    %dma_wait3A_73 = arith.constant 0 : i32
    %dma_wait3A_74 = tpu.memref_slice %arg2[%dma_wait3A_72, %dma_wait3A_73] : memref<320000x128xf32, #tpu.memory_space<hbm>> -> memref<80x128xf32, #tpu.memory_space<hbm>>
    %dma_wait3A_75 = arith.constant 0 : i32
    %dma_wait3A_76 = arith.constant 0 : i32
    %dma_wait3A_77 = tpu.memref_slice %arg2[%dma_wait3A_75, %dma_wait3A_76] : memref<320000x128xf32, #tpu.memory_space<hbm>> -> memref<80x128xf32, #tpu.memory_space<hbm>>
    tpu.wait_dma2 semaphore(%arg12 : memref<!tpu.dma_semaphore, #tpu.memory_space<semaphore_mem>>) src(%dma_wait3A_77 : memref<80x128xf32, #tpu.memory_space<hbm>>) dst(%arg5 : memref<80x128xf32, #tpu.memory_space<vmem>>)
    %add3A_78 = arith.constant 9920 : i32
    %add3A_79 = arith.addi %add3A_20, %add3A_78 : i32
    %dma_start3A_80 = tpu.memref_slice %arg3[%add3A_79] : memref<320000xi32, #tpu.memory_space<hbm>> -> memref<80xi32, #tpu.memory_space<hbm>>
    %dma_start3A_81 = tpu.memref_slice %arg3[%add3A_79] : memref<320000xi32, #tpu.memory_space<hbm>> -> memref<80xi32, #tpu.memory_space<hbm>>
    tpu.enqueue_dma source(%dma_start3A_81 : memref<80xi32, #tpu.memory_space<hbm>>) target(%arg7 : memref<80xi32, #tpu.memory_space<vmem>>) target_semaphore(%arg10 : memref<!tpu.dma_semaphore, #tpu.memory_space<semaphore_mem>>)
    %add3A_82 = arith.constant 9920 : i32
    %add3A_83 = arith.addi %add3A_20, %add3A_82 : i32
    %dma_start3A_84 = arith.constant 0 : i32
    %dma_start3A_85 = tpu.memref_slice %arg2[%add3A_83, %dma_start3A_84] : memref<320000x128xf32, #tpu.memory_space<hbm>> -> memref<80x128xf32, #tpu.memory_space<hbm>>
    %dma_start3A_86 = arith.constant 0 : i32
    %dma_start3A_87 = tpu.memref_slice %arg2[%add3A_83, %dma_start3A_86] : memref<320000x128xf32, #tpu.memory_space<hbm>> -> memref<80x128xf32, #tpu.memory_space<hbm>>
    tpu.enqueue_dma source(%dma_start3A_87 : memref<80x128xf32, #tpu.memory_space<hbm>>) target(%arg5 : memref<80x128xf32, #tpu.memory_space<vmem>>) target_semaphore(%arg10 : memref<!tpu.dma_semaphore, #tpu.memory_space<semaphore_mem>>)
    %dma_wait3A_88 = arith.constant 0 : i32
    %dma_wait3A_89 = tpu.memref_slice %arg3[%dma_wait3A_88] : memref<320000xi32, #tpu.memory_space<hbm>> -> memref<80xi32, #tpu.memory_space<hbm>>
    %dma_wait3A_90 = arith.constant 0 : i32
    %dma_wait3A_91 = tpu.memref_slice %arg3[%dma_wait3A_90] : memref<320000xi32, #tpu.memory_space<hbm>> -> memref<80xi32, #tpu.memory_space<hbm>>
    tpu.wait_dma2 semaphore(%arg10 : memref<!tpu.dma_semaphore, #tpu.memory_space<semaphore_mem>>) src(%dma_wait3A_91 : memref<80xi32, #tpu.memory_space<hbm>>) dst(%arg7 : memref<80xi32, #tpu.memory_space<vmem>>)
    %dma_wait3A_92 = arith.constant 0 : i32
    %dma_wait3A_93 = arith.constant 0 : i32
    %dma_wait3A_94 = tpu.memref_slice %arg2[%dma_wait3A_92, %dma_wait3A_93] : memref<320000x128xf32, #tpu.memory_space<hbm>> -> memref<80x128xf32, #tpu.memory_space<hbm>>
    %dma_wait3A_95 = arith.constant 0 : i32
    %dma_wait3A_96 = arith.constant 0 : i32
    %dma_wait3A_97 = tpu.memref_slice %arg2[%dma_wait3A_95, %dma_wait3A_96] : memref<320000x128xf32, #tpu.memory_space<hbm>> -> memref<80x128xf32, #tpu.memory_space<hbm>>
    tpu.wait_dma2 semaphore(%arg10 : memref<!tpu.dma_semaphore, #tpu.memory_space<semaphore_mem>>) src(%dma_wait3A_97 : memref<80x128xf32, #tpu.memory_space<hbm>>) dst(%arg5 : memref<80x128xf32, #tpu.memory_space<vmem>>)
    %dma_start3A_98 = arith.constant 0 : i32
    %dma_start3A_99 = arith.constant 0 : i32
    %dma_start3A_100 = tpu.memref_slice %arg14[%dma_start3A_98, %dma_start3A_99] : memref<10240x128xf32, #tpu.memory_space<vmem_shared>> -> memref<10240x128xf32, #tpu.memory_space<vmem_shared>>
    tpu.enqueue_indirect_dma source(%arg5 : memref<80x128xf32, #tpu.memory_space<vmem>>) target(%dma_start3A_100 : memref<10240x128xf32, #tpu.memory_space<vmem_shared>>) offsets(%arg7 : memref<80xi32, #tpu.memory_space<vmem>>) semaphore(%arg12 : memref<!tpu.dma_semaphore, #tpu.memory_space<semaphore_mem>>) {add = true}
    %dma_wait3A_101 = arith.constant 0 : i32
    %dma_wait3A_102 = arith.constant 0 : i32
    %dma_wait3A_103 = tpu.memref_slice %arg2[%dma_wait3A_101, %dma_wait3A_102] : memref<320000x128xf32, #tpu.memory_space<hbm>> -> memref<80x128xf32, #tpu.memory_space<hbm>>
    %dma_wait3A_104 = arith.constant 0 : i32
    %dma_wait3A_105 = arith.constant 0 : i32
    %dma_wait3A_106 = tpu.memref_slice %arg2[%dma_wait3A_104, %dma_wait3A_105] : memref<320000x128xf32, #tpu.memory_space<hbm>> -> memref<80x128xf32, #tpu.memory_space<hbm>>
    tpu.wait_dma2 semaphore(%arg13 : memref<!tpu.dma_semaphore, #tpu.memory_space<semaphore_mem>>) src(%dma_wait3A_106 : memref<80x128xf32, #tpu.memory_space<hbm>>) dst(%arg6 : memref<80x128xf32, #tpu.memory_space<vmem>>)
    %dma_wait3A_107 = arith.constant 0 : i32
    %dma_wait3A_108 = arith.constant 0 : i32
    %dma_wait3A_109 = tpu.memref_slice %arg2[%dma_wait3A_107, %dma_wait3A_108] : memref<320000x128xf32, #tpu.memory_space<hbm>> -> memref<80x128xf32, #tpu.memory_space<hbm>>
    %dma_wait3A_110 = arith.constant 0 : i32
    %dma_wait3A_111 = arith.constant 0 : i32
    %dma_wait3A_112 = tpu.memref_slice %arg2[%dma_wait3A_110, %dma_wait3A_111] : memref<320000x128xf32, #tpu.memory_space<hbm>> -> memref<80x128xf32, #tpu.memory_space<hbm>>
    tpu.wait_dma2 semaphore(%arg12 : memref<!tpu.dma_semaphore, #tpu.memory_space<semaphore_mem>>) src(%dma_wait3A_112 : memref<80x128xf32, #tpu.memory_space<hbm>>) dst(%arg5 : memref<80x128xf32, #tpu.memory_space<vmem>>)
    %barrier3A_113 = arith.constant 0 : index
    tpu.barrier barrier_id(%barrier3A_113)
    %add3A_114 = arith.constant 0 : i32
    %add3A_115 = arith.addi %mul3A_6, %add3A_114 : i32
    "tpu.region"() ({
      %run_scoped3A = tpu.sem_alloc : memref<!tpu.dma_semaphore, #tpu.memory_space<semaphore_mem>>
      %dma_start3A_149 = arith.constant 0 : i32
      %dma_start3A_150 = tpu.memref_slice %arg14[%add3A_115, %dma_start3A_149] : memref<10240x128xf32, #tpu.memory_space<vmem_shared>> -> memref<128x128xf32, #tpu.memory_space<vmem_shared>>
      %dma_start3A_151 = arith.constant 0 : i32
      %dma_start3A_152 = tpu.memref_slice %arg14[%add3A_115, %dma_start3A_151] : memref<10240x128xf32, #tpu.memory_space<vmem_shared>> -> memref<128x128xf32, #tpu.memory_space<vmem_shared>>
      tpu.enqueue_dma source(%dma_start3A_152 : memref<128x128xf32, #tpu.memory_space<vmem_shared>>) target(%arg9 : memref<128x128xf32, #tpu.memory_space<vmem>>) target_semaphore(%run_scoped3A : memref<!tpu.dma_semaphore, #tpu.memory_space<semaphore_mem>>)
      %dma_wait3A_153 = arith.constant 0 : i32
      %dma_wait3A_154 = tpu.memref_slice %arg14[%add3A_115, %dma_wait3A_153] : memref<10240x128xf32, #tpu.memory_space<vmem_shared>> -> memref<128x128xf32, #tpu.memory_space<vmem_shared>>
      %dma_wait3A_155 = arith.constant 0 : i32
      %dma_wait3A_156 = tpu.memref_slice %arg14[%add3A_115, %dma_wait3A_155] : memref<10240x128xf32, #tpu.memory_space<vmem_shared>> -> memref<128x128xf32, #tpu.memory_space<vmem_shared>>
      tpu.wait_dma2 semaphore(%run_scoped3A : memref<!tpu.dma_semaphore, #tpu.memory_space<semaphore_mem>>) src(%dma_wait3A_156 : memref<128x128xf32, #tpu.memory_space<vmem_shared>>) dst(%arg9 : memref<128x128xf32, #tpu.memory_space<vmem>>)
      tpu.yield
    }) : () -> ()
    %mul3A_116 = arith.constant 10240 : i32
    %mul3A_117 = arith.muli %arg0, %mul3A_116 : i32
    %add3A_118 = arith.addi %mul3A_117, %mul3A_6 : i32
    %add3A_119 = arith.constant 0 : i32
    %add3A_120 = arith.addi %add3A_118, %add3A_119 : i32
    "tpu.region"() ({
      %run_scoped3A = tpu.sem_alloc : memref<!tpu.dma_semaphore, #tpu.memory_space<semaphore_mem>>
      %dma_start3A_149 = arith.constant 0 : i32
      %dma_start3A_150 = tpu.memref_slice %arg4[%add3A_120, %dma_start3A_149] : memref<20480x128xf32, #tpu.memory_space<hbm>> -> memref<128x128xf32, #tpu.memory_space<hbm>>
      %dma_start3A_151 = arith.constant 0 : i32
      %dma_start3A_152 = tpu.memref_slice %arg4[%add3A_120, %dma_start3A_151] : memref<20480x128xf32, #tpu.memory_space<hbm>> -> memref<128x128xf32, #tpu.memory_space<hbm>>
      tpu.enqueue_dma source(%arg9 : memref<128x128xf32, #tpu.memory_space<vmem>>) target(%dma_start3A_152 : memref<128x128xf32, #tpu.memory_space<hbm>>) target_semaphore(%run_scoped3A : memref<!tpu.dma_semaphore, #tpu.memory_space<semaphore_mem>>)
      %dma_wait3A_153 = arith.constant 0 : i32
      %dma_wait3A_154 = tpu.memref_slice %arg4[%add3A_120, %dma_wait3A_153] : memref<20480x128xf32, #tpu.memory_space<hbm>> -> memref<128x128xf32, #tpu.memory_space<hbm>>
      %dma_wait3A_155 = arith.constant 0 : i32
      %dma_wait3A_156 = tpu.memref_slice %arg4[%add3A_120, %dma_wait3A_155] : memref<20480x128xf32, #tpu.memory_space<hbm>> -> memref<128x128xf32, #tpu.memory_space<hbm>>
      tpu.wait_dma2 semaphore(%run_scoped3A : memref<!tpu.dma_semaphore, #tpu.memory_space<semaphore_mem>>) src(%arg9 : memref<128x128xf32, #tpu.memory_space<vmem>>) dst(%dma_wait3A_156 : memref<128x128xf32, #tpu.memory_space<hbm>>)
      tpu.yield
    }) : () -> ()
    %add3A_121 = arith.constant 128 : i32
    %add3A_122 = arith.addi %mul3A_6, %add3A_121 : i32
    "tpu.region"() ({
      %run_scoped3A = tpu.sem_alloc : memref<!tpu.dma_semaphore, #tpu.memory_space<semaphore_mem>>
      %dma_start3A_149 = arith.constant 0 : i32
      %dma_start3A_150 = tpu.memref_slice %arg14[%add3A_122, %dma_start3A_149] : memref<10240x128xf32, #tpu.memory_space<vmem_shared>> -> memref<128x128xf32, #tpu.memory_space<vmem_shared>>
      %dma_start3A_151 = arith.constant 0 : i32
      %dma_start3A_152 = tpu.memref_slice %arg14[%add3A_122, %dma_start3A_151] : memref<10240x128xf32, #tpu.memory_space<vmem_shared>> -> memref<128x128xf32, #tpu.memory_space<vmem_shared>>
      tpu.enqueue_dma source(%dma_start3A_152 : memref<128x128xf32, #tpu.memory_space<vmem_shared>>) target(%arg9 : memref<128x128xf32, #tpu.memory_space<vmem>>) target_semaphore(%run_scoped3A : memref<!tpu.dma_semaphore, #tpu.memory_space<semaphore_mem>>)
      %dma_wait3A_153 = arith.constant 0 : i32
      %dma_wait3A_154 = tpu.memref_slice %arg14[%add3A_122, %dma_wait3A_153] : memref<10240x128xf32, #tpu.memory_space<vmem_shared>> -> memref<128x128xf32, #tpu.memory_space<vmem_shared>>
      %dma_wait3A_155 = arith.constant 0 : i32
      %dma_wait3A_156 = tpu.memref_slice %arg14[%add3A_122, %dma_wait3A_155] : memref<10240x128xf32, #tpu.memory_space<vmem_shared>> -> memref<128x128xf32, #tpu.memory_space<vmem_shared>>
      tpu.wait_dma2 semaphore(%run_scoped3A : memref<!tpu.dma_semaphore, #tpu.memory_space<semaphore_mem>>) src(%dma_wait3A_156 : memref<128x128xf32, #tpu.memory_space<vmem_shared>>) dst(%arg9 : memref<128x128xf32, #tpu.memory_space<vmem>>)
      tpu.yield
    }) : () -> ()
    %mul3A_123 = arith.constant 10240 : i32
    %mul3A_124 = arith.muli %arg0, %mul3A_123 : i32
    %add3A_125 = arith.addi %mul3A_124, %mul3A_6 : i32
    %add3A_126 = arith.constant 128 : i32
    %add3A_127 = arith.addi %add3A_125, %add3A_126 : i32
    "tpu.region"() ({
      %run_scoped3A = tpu.sem_alloc : memref<!tpu.dma_semaphore, #tpu.memory_space<semaphore_mem>>
      %dma_start3A_149 = arith.constant 0 : i32
      %dma_start3A_150 = tpu.memref_slice %arg4[%add3A_127, %dma_start3A_149] : memref<20480x128xf32, #tpu.memory_space<hbm>> -> memref<128x128xf32, #tpu.memory_space<hbm>>
      %dma_start3A_151 = arith.constant 0 : i32
      %dma_start3A_152 = tpu.memref_slice %arg4[%add3A_127, %dma_start3A_151] : memref<20480x128xf32, #tpu.memory_space<hbm>> -> memref<128x128xf32, #tpu.memory_space<hbm>>
      tpu.enqueue_dma source(%arg9 : memref<128x128xf32, #tpu.memory_space<vmem>>) target(%dma_start3A_152 : memref<128x128xf32, #tpu.memory_space<hbm>>) target_semaphore(%run_scoped3A : memref<!tpu.dma_semaphore, #tpu.memory_space<semaphore_mem>>)
      %dma_wait3A_153 = arith.constant 0 : i32
      %dma_wait3A_154 = tpu.memref_slice %arg4[%add3A_127, %dma_wait3A_153] : memref<20480x128xf32, #tpu.memory_space<hbm>> -> memref<128x128xf32, #tpu.memory_space<hbm>>
      %dma_wait3A_155 = arith.constant 0 : i32
      %dma_wait3A_156 = tpu.memref_slice %arg4[%add3A_127, %dma_wait3A_155] : memref<20480x128xf32, #tpu.memory_space<hbm>> -> memref<128x128xf32, #tpu.memory_space<hbm>>
      tpu.wait_dma2 semaphore(%run_scoped3A : memref<!tpu.dma_semaphore, #tpu.memory_space<semaphore_mem>>) src(%arg9 : memref<128x128xf32, #tpu.memory_space<vmem>>) dst(%dma_wait3A_156 : memref<128x128xf32, #tpu.memory_space<hbm>>)
      tpu.yield
    }) : () -> ()
    %add3A_128 = arith.constant 256 : i32
    %add3A_129 = arith.addi %mul3A_6, %add3A_128 : i32
    "tpu.region"() ({
      %run_scoped3A = tpu.sem_alloc : memref<!tpu.dma_semaphore, #tpu.memory_space<semaphore_mem>>
      %dma_start3A_149 = arith.constant 0 : i32
      %dma_start3A_150 = tpu.memref_slice %arg14[%add3A_129, %dma_start3A_149] : memref<10240x128xf32, #tpu.memory_space<vmem_shared>> -> memref<128x128xf32, #tpu.memory_space<vmem_shared>>
      %dma_start3A_151 = arith.constant 0 : i32
      %dma_start3A_152 = tpu.memref_slice %arg14[%add3A_129, %dma_start3A_151] : memref<10240x128xf32, #tpu.memory_space<vmem_shared>> -> memref<128x128xf32, #tpu.memory_space<vmem_shared>>
      tpu.enqueue_dma source(%dma_start3A_152 : memref<128x128xf32, #tpu.memory_space<vmem_shared>>) target(%arg9 : memref<128x128xf32, #tpu.memory_space<vmem>>) target_semaphore(%run_scoped3A : memref<!tpu.dma_semaphore, #tpu.memory_space<semaphore_mem>>)
      %dma_wait3A_153 = arith.constant 0 : i32
      %dma_wait3A_154 = tpu.memref_slice %arg14[%add3A_129, %dma_wait3A_153] : memref<10240x128xf32, #tpu.memory_space<vmem_shared>> -> memref<128x128xf32, #tpu.memory_space<vmem_shared>>
      %dma_wait3A_155 = arith.constant 0 : i32
      %dma_wait3A_156 = tpu.memref_slice %arg14[%add3A_129, %dma_wait3A_155] : memref<10240x128xf32, #tpu.memory_space<vmem_shared>> -> memref<128x128xf32, #tpu.memory_space<vmem_shared>>
      tpu.wait_dma2 semaphore(%run_scoped3A : memref<!tpu.dma_semaphore, #tpu.memory_space<semaphore_mem>>) src(%dma_wait3A_156 : memref<128x128xf32, #tpu.memory_space<vmem_shared>>) dst(%arg9 : memref<128x128xf32, #tpu.memory_space<vmem>>)
      tpu.yield
    }) : () -> ()
    %mul3A_130 = arith.constant 10240 : i32
    %mul3A_131 = arith.muli %arg0, %mul3A_130 : i32
    %add3A_132 = arith.addi %mul3A_131, %mul3A_6 : i32
    %add3A_133 = arith.constant 256 : i32
    %add3A_134 = arith.addi %add3A_132, %add3A_133 : i32
    "tpu.region"() ({
      %run_scoped3A = tpu.sem_alloc : memref<!tpu.dma_semaphore, #tpu.memory_space<semaphore_mem>>
      %dma_start3A_149 = arith.constant 0 : i32
      %dma_start3A_150 = tpu.memref_slice %arg4[%add3A_134, %dma_start3A_149] : memref<20480x128xf32, #tpu.memory_space<hbm>> -> memref<128x128xf32, #tpu.memory_space<hbm>>
      %dma_start3A_151 = arith.constant 0 : i32
      %dma_start3A_152 = tpu.memref_slice %arg4[%add3A_134, %dma_start3A_151] : memref<20480x128xf32, #tpu.memory_space<hbm>> -> memref<128x128xf32, #tpu.memory_space<hbm>>
      tpu.enqueue_dma source(%arg9 : memref<128x128xf32, #tpu.memory_space<vmem>>) target(%dma_start3A_152 : memref<128x128xf32, #tpu.memory_space<hbm>>) target_semaphore(%run_scoped3A : memref<!tpu.dma_semaphore, #tpu.memory_space<semaphore_mem>>)
      %dma_wait3A_153 = arith.constant 0 : i32
      %dma_wait3A_154 = tpu.memref_slice %arg4[%add3A_134, %dma_wait3A_153] : memref<20480x128xf32, #tpu.memory_space<hbm>> -> memref<128x128xf32, #tpu.memory_space<hbm>>
      %dma_wait3A_155 = arith.constant 0 : i32
      %dma_wait3A_156 = tpu.memref_slice %arg4[%add3A_134, %dma_wait3A_155] : memref<20480x128xf32, #tpu.memory_space<hbm>> -> memref<128x128xf32, #tpu.memory_space<hbm>>
      tpu.wait_dma2 semaphore(%run_scoped3A : memref<!tpu.dma_semaphore, #tpu.memory_space<semaphore_mem>>) src(%arg9 : memref<128x128xf32, #tpu.memory_space<vmem>>) dst(%dma_wait3A_156 : memref<128x128xf32, #tpu.memory_space<hbm>>)
      tpu.yield
    }) : () -> ()
    %add3A_135 = arith.constant 384 : i32
    %add3A_136 = arith.addi %mul3A_6, %add3A_135 : i32
    "tpu.region"() ({
      %run_scoped3A = tpu.sem_alloc : memref<!tpu.dma_semaphore, #tpu.memory_space<semaphore_mem>>
      %dma_start3A_149 = arith.constant 0 : i32
      %dma_start3A_150 = tpu.memref_slice %arg14[%add3A_136, %dma_start3A_149] : memref<10240x128xf32, #tpu.memory_space<vmem_shared>> -> memref<128x128xf32, #tpu.memory_space<vmem_shared>>
      %dma_start3A_151 = arith.constant 0 : i32
      %dma_start3A_152 = tpu.memref_slice %arg14[%add3A_136, %dma_start3A_151] : memref<10240x128xf32, #tpu.memory_space<vmem_shared>> -> memref<128x128xf32, #tpu.memory_space<vmem_shared>>
      tpu.enqueue_dma source(%dma_start3A_152 : memref<128x128xf32, #tpu.memory_space<vmem_shared>>) target(%arg9 : memref<128x128xf32, #tpu.memory_space<vmem>>) target_semaphore(%run_scoped3A : memref<!tpu.dma_semaphore, #tpu.memory_space<semaphore_mem>>)
      %dma_wait3A_153 = arith.constant 0 : i32
      %dma_wait3A_154 = tpu.memref_slice %arg14[%add3A_136, %dma_wait3A_153] : memref<10240x128xf32, #tpu.memory_space<vmem_shared>> -> memref<128x128xf32, #tpu.memory_space<vmem_shared>>
      %dma_wait3A_155 = arith.constant 0 : i32
      %dma_wait3A_156 = tpu.memref_slice %arg14[%add3A_136, %dma_wait3A_155] : memref<10240x128xf32, #tpu.memory_space<vmem_shared>> -> memref<128x128xf32, #tpu.memory_space<vmem_shared>>
      tpu.wait_dma2 semaphore(%run_scoped3A : memref<!tpu.dma_semaphore, #tpu.memory_space<semaphore_mem>>) src(%dma_wait3A_156 : memref<128x128xf32, #tpu.memory_space<vmem_shared>>) dst(%arg9 : memref<128x128xf32, #tpu.memory_space<vmem>>)
      tpu.yield
    }) : () -> ()
    %mul3A_137 = arith.constant 10240 : i32
    %mul3A_138 = arith.muli %arg0, %mul3A_137 : i32
    %add3A_139 = arith.addi %mul3A_138, %mul3A_6 : i32
    %add3A_140 = arith.constant 384 : i32
    %add3A_141 = arith.addi %add3A_139, %add3A_140 : i32
    "tpu.region"() ({
      %run_scoped3A = tpu.sem_alloc : memref<!tpu.dma_semaphore, #tpu.memory_space<semaphore_mem>>
      %dma_start3A_149 = arith.constant 0 : i32
      %dma_start3A_150 = tpu.memref_slice %arg4[%add3A_141, %dma_start3A_149] : memref<20480x128xf32, #tpu.memory_space<hbm>> -> memref<128x128xf32, #tpu.memory_space<hbm>>
      %dma_start3A_151 = arith.constant 0 : i32
      %dma_start3A_152 = tpu.memref_slice %arg4[%add3A_141, %dma_start3A_151] : memref<20480x128xf32, #tpu.memory_space<hbm>> -> memref<128x128xf32, #tpu.memory_space<hbm>>
      tpu.enqueue_dma source(%arg9 : memref<128x128xf32, #tpu.memory_space<vmem>>) target(%dma_start3A_152 : memref<128x128xf32, #tpu.memory_space<hbm>>) target_semaphore(%run_scoped3A : memref<!tpu.dma_semaphore, #tpu.memory_space<semaphore_mem>>)
      %dma_wait3A_153 = arith.constant 0 : i32
      %dma_wait3A_154 = tpu.memref_slice %arg4[%add3A_141, %dma_wait3A_153] : memref<20480x128xf32, #tpu.memory_space<hbm>> -> memref<128x128xf32, #tpu.memory_space<hbm>>
      %dma_wait3A_155 = arith.constant 0 : i32
      %dma_wait3A_156 = tpu.memref_slice %arg4[%add3A_141, %dma_wait3A_155] : memref<20480x128xf32, #tpu.memory_space<hbm>> -> memref<128x128xf32, #tpu.memory_space<hbm>>
      tpu.wait_dma2 semaphore(%run_scoped3A : memref<!tpu.dma_semaphore, #tpu.memory_space<semaphore_mem>>) src(%arg9 : memref<128x128xf32, #tpu.memory_space<vmem>>) dst(%dma_wait3A_156 : memref<128x128xf32, #tpu.memory_space<hbm>>)
      tpu.yield
    }) : () -> ()
    %add3A_142 = arith.constant 512 : i32
    %add3A_143 = arith.addi %mul3A_6, %add3A_142 : i32
    "tpu.region"() ({
      %run_scoped3A = tpu.sem_alloc : memref<!tpu.dma_semaphore, #tpu.memory_space<semaphore_mem>>
      %dma_start3A_149 = arith.constant 0 : i32
      %dma_start3A_150 = tpu.memref_slice %arg14[%add3A_143, %dma_start3A_149] : memref<10240x128xf32, #tpu.memory_space<vmem_shared>> -> memref<128x128xf32, #tpu.memory_space<vmem_shared>>
      %dma_start3A_151 = arith.constant 0 : i32
      %dma_start3A_152 = tpu.memref_slice %arg14[%add3A_143, %dma_start3A_151] : memref<10240x128xf32, #tpu.memory_space<vmem_shared>> -> memref<128x128xf32, #tpu.memory_space<vmem_shared>>
      tpu.enqueue_dma source(%dma_start3A_152 : memref<128x128xf32, #tpu.memory_space<vmem_shared>>) target(%arg9 : memref<128x128xf32, #tpu.memory_space<vmem>>) target_semaphore(%run_scoped3A : memref<!tpu.dma_semaphore, #tpu.memory_space<semaphore_mem>>)
      %dma_wait3A_153 = arith.constant 0 : i32
      %dma_wait3A_154 = tpu.memref_slice %arg14[%add3A_143, %dma_wait3A_153] : memref<10240x128xf32, #tpu.memory_space<vmem_shared>> -> memref<128x128xf32, #tpu.memory_space<vmem_shared>>
      %dma_wait3A_155 = arith.constant 0 : i32
      %dma_wait3A_156 = tpu.memref_slice %arg14[%add3A_143, %dma_wait3A_155] : memref<10240x128xf32, #tpu.memory_space<vmem_shared>> -> memref<128x128xf32, #tpu.memory_space<vmem_shared>>
      tpu.wait_dma2 semaphore(%run_scoped3A : memref<!tpu.dma_semaphore, #tpu.memory_space<semaphore_mem>>) src(%dma_wait3A_156 : memref<128x128xf32, #tpu.memory_space<vmem_shared>>) dst(%arg9 : memref<128x128xf32, #tpu.memory_space<vmem>>)
      tpu.yield
    }) : () -> ()
    %mul3A_144 = arith.constant 10240 : i32
    %mul3A_145 = arith.muli %arg0, %mul3A_144 : i32
    %add3A_146 = arith.addi %mul3A_145, %mul3A_6 : i32
    %add3A_147 = arith.constant 512 : i32
    %add3A_148 = arith.addi %add3A_146, %add3A_147 : i32
    "tpu.region"() ({
      %run_scoped3A = tpu.sem_alloc : memref<!tpu.dma_semaphore, #tpu.memory_space<semaphore_mem>>
      %dma_start3A_149 = arith.constant 0 : i32
      %dma_start3A_150 = tpu.memref_slice %arg4[%add3A_148, %dma_start3A_149] : memref<20480x128xf32, #tpu.memory_space<hbm>> -> memref<128x128xf32, #tpu.memory_space<hbm>>
      %dma_start3A_151 = arith.constant 0 : i32
      %dma_start3A_152 = tpu.memref_slice %arg4[%add3A_148, %dma_start3A_151] : memref<20480x128xf32, #tpu.memory_space<hbm>> -> memref<128x128xf32, #tpu.memory_space<hbm>>
      tpu.enqueue_dma source(%arg9 : memref<128x128xf32, #tpu.memory_space<vmem>>) target(%dma_start3A_152 : memref<128x128xf32, #tpu.memory_space<hbm>>) target_semaphore(%run_scoped3A : memref<!tpu.dma_semaphore, #tpu.memory_space<semaphore_mem>>)
      %dma_wait3A_153 = arith.constant 0 : i32
      %dma_wait3A_154 = tpu.memref_slice %arg4[%add3A_148, %dma_wait3A_153] : memref<20480x128xf32, #tpu.memory_space<hbm>> -> memref<128x128xf32, #tpu.memory_space<hbm>>
      %dma_wait3A_155 = arith.constant 0 : i32
      %dma_wait3A_156 = tpu.memref_slice %arg4[%add3A_148, %dma_wait3A_155] : memref<20480x128xf32, #tpu.memory_space<hbm>> -> memref<128x128xf32, #tpu.memory_space<hbm>>
      tpu.wait_dma2 semaphore(%run_scoped3A : memref<!tpu.dma_semaphore, #tpu.memory_space<semaphore_mem>>) src(%arg9 : memref<128x128xf32, #tpu.memory_space<vmem>>) dst(%dma_wait3A_156 : memref<128x128xf32, #tpu.memory_space<hbm>>)
      tpu.yield
    }) : () -> ()
    return
  }
}

module attributes {stable_mosaic.version = 14 : i64} {
  func.func @_mlp_body(%arg0: i32, %arg1: memref<4000x128xf32, #tpu.memory_space<vmem>>, %arg2: memref<4000x128xf32, #tpu.memory_space<vmem>>, %arg3: memref<1x4000x1xi32, #tpu.memory_space<vmem>>, %arg4: memref<256x128xf32, #tpu.memory_space<vmem>>, %arg5: memref<1x256xf32, #tpu.memory_space<vmem>>, %arg6: memref<1x256xf32, #tpu.memory_space<vmem>>, %arg7: memref<1x1xf32, #tpu.memory_space<vmem>>, %arg8: memref<256x128xf32, #tpu.memory_space<vmem>>, %arg9: memref<1x256xf32, #tpu.memory_space<vmem>>, %arg10: memref<128x256xf32, #tpu.memory_space<vmem>>, %arg11: memref<1x128xf32, #tpu.memory_space<vmem>>, %arg12: memref<4000x128xf32, #tpu.memory_space<vmem>>, %arg13: memref<1x4000x1xi32, #tpu.memory_space<vmem>>, %arg14: memref<1x1xf32, #tpu.memory_space<vmem>>, %arg15: memref<1x1xf32, #tpu.memory_space<vmem>>) attributes {dimension_semantics = [#tpu.dimension_semantics<arbitrary>], iteration_bounds = array<i64: 80>, scalar_prefetch = 0 : i64, scratch_operands = 0 : i64, tpu.core_type = #tpu.core_type<tc>, window_params = [{transform_indices = @transform_0, window_bounds = array<i64: 4000, 128>}, {transform_indices = @transform_1, window_bounds = array<i64: 4000, 128>}, {transform_indices = @transform_2, window_bounds = array<i64: 1, 4000, 1>}, {pipeline_mode = #tpu.pipeline_mode<synchronous>, transform_indices = @transform_3, window_bounds = array<i64: 256, 128>}, {pipeline_mode = #tpu.pipeline_mode<synchronous>, transform_indices = @transform_4, window_bounds = array<i64: 1, 256>}, {pipeline_mode = #tpu.pipeline_mode<synchronous>, transform_indices = @transform_5, window_bounds = array<i64: 1, 256>}, {pipeline_mode = #tpu.pipeline_mode<synchronous>, transform_indices = @transform_6, window_bounds = array<i64: 1, 1>}, {pipeline_mode = #tpu.pipeline_mode<synchronous>, transform_indices = @transform_7, window_bounds = array<i64: 256, 128>}, {pipeline_mode = #tpu.pipeline_mode<synchronous>, transform_indices = @transform_8, window_bounds = array<i64: 1, 256>}, {pipeline_mode = #tpu.pipeline_mode<synchronous>, transform_indices = @transform_9, window_bounds = array<i64: 128, 256>}, {pipeline_mode = #tpu.pipeline_mode<synchronous>, transform_indices = @transform_10, window_bounds = array<i64: 1, 128>}, {transform_indices = @transform_11, window_bounds = array<i64: 4000, 128>}, {transform_indices = @transform_12, window_bounds = array<i64: 1, 4000, 1>}, {pipeline_mode = #tpu.pipeline_mode<synchronous>, transform_indices = @transform_13, window_bounds = array<i64: 1, 1>}, {pipeline_mode = #tpu.pipeline_mode<synchronous>, transform_indices = @transform_14, window_bounds = array<i64: 1, 1>}]} {
    %get3A = arith.constant 0 : index
    %get3A_0 = arith.constant 0 : index
    %get3A_1 = vector.load %arg2[%get3A, %get3A_0] : memref<4000x128xf32, #tpu.memory_space<vmem>>, vector<4000x128xf32>
    %get3A_2 = arith.constant 0 : index
    %get3A_3 = arith.constant 0 : index
    %get3A_4 = vector.load %arg4[%get3A_2, %get3A_3] : memref<256x128xf32, #tpu.memory_space<vmem>>, vector<256x128xf32>
    %dot_general3A = arith.constant dense<0.000000e+00> : vector<4000x256xf32>
    %dot_general3A_5 = tpu.matmul %get3A_1, %get3A_4, %dot_general3A {dimension_numbers = #tpu.dot_dimension_numbers<[1], [1], [0], [0], [0, 0, 1, 0], [], []>, transpose_lhs_hint = false} : vector<4000x128xf32>, vector<256x128xf32>, vector<4000x256xf32> -> vector<4000x256xf32>
    %get3A_6 = arith.constant 0 : index
    %get3A_7 = arith.constant 0 : index
    %get3A_8 = vector.load %arg5[%get3A_6, %get3A_7] : memref<1x256xf32, #tpu.memory_space<vmem>>, vector<1x256xf32>
    %add3A = vector.broadcast %get3A_8 : vector<1x256xf32> to vector<4000x256xf32>
    %add3A_9 = arith.addf %dot_general3A_5, %add3A : vector<4000x256xf32>
    %max3A = arith.constant 0.000000e+00 : f32
    %max3A_10 = vector.broadcast %max3A : f32 to vector<4000x256xf32>
    %max3A_11 = arith.maximumf %add3A_9, %max3A_10 : vector<4000x256xf32>
    %get3A_12 = arith.constant 0 : index
    %get3A_13 = arith.constant 0 : index
    %get3A_14 = vector.load %arg6[%get3A_12, %get3A_13] : memref<1x256xf32, #tpu.memory_space<vmem>>, vector<1x256xf32>
    %mul3A = vector.broadcast %get3A_14 : vector<1x256xf32> to vector<4000x256xf32>
    %mul3A_15 = arith.mulf %max3A_11, %mul3A : vector<4000x256xf32>
    %reduce_sum3A = arith.constant dense<0.000000e+00> : vector<4000xf32>
    %reduce_sum3A_16 = vector.multi_reduction <add>, %mul3A_15, %reduce_sum3A [1] : vector<4000x256xf32> to vector<4000xf32>
    %broadcast_in_dim3A = vector.shape_cast %reduce_sum3A_16 : vector<4000xf32> to vector<4000x1xf32>
    %get3A_17 = arith.constant 0 : index
    %get3A_18 = arith.constant 0 : index
    %get3A_19 = vector.load %arg7[%get3A_17, %get3A_18] : memref<1x1xf32, #tpu.memory_space<vmem>>, vector<1x1xf32>
    %add3A_20 = vector.broadcast %get3A_19 : vector<1x1xf32> to vector<4000x1xf32>
    %add3A_21 = arith.addf %broadcast_in_dim3A, %add3A_20 : vector<4000x1xf32>
    %logistic3A = arith.negf %add3A_21 : vector<4000x1xf32>
    %logistic3A_22 = math.exp %logistic3A : vector<4000x1xf32>
    %logistic3A_23 = arith.constant 1.000000e+00 : f32
    %logistic3A_24 = vector.broadcast %logistic3A_23 : f32 to vector<4000x1xf32>
    %logistic3A_25 = arith.addf %logistic3A_24, %logistic3A_22 : vector<4000x1xf32>
    %logistic3A_26 = arith.divf %logistic3A_24, %logistic3A_25 : vector<4000x1xf32>
    %mul3A_27 = arith.constant 1.200000e+00 : f32
    %mul3A_28 = vector.broadcast %mul3A_27 : f32 to vector<4000x1xf32>
    %mul3A_29 = arith.mulf %logistic3A_26, %mul3A_28 : vector<4000x1xf32>
    %add3A_30 = arith.constant -1.000000e-01 : f32
    %add3A_31 = vector.broadcast %add3A_30 : f32 to vector<4000x1xf32>
    %add3A_32 = arith.addf %mul3A_29, %add3A_31 : vector<4000x1xf32>
    %jit3A = arith.constant 0.000000e+00 : f32
    %jit3A_33 = arith.constant 1.000000e+00 : f32
    %max3A_34 = vector.broadcast %jit3A : f32 to vector<4000x1xf32>
    %max3A_35 = arith.maximumf %max3A_34, %add3A_32 : vector<4000x1xf32>
    %min3A = vector.broadcast %jit3A_33 : f32 to vector<4000x1xf32>
    %min3A_36 = arith.minimumf %min3A, %max3A_35 : vector<4000x1xf32>
    %gt3A = arith.constant 0.000000e+00 : f32
    %gt3A_37 = vector.broadcast %gt3A : f32 to vector<4000x1xf32>
    %gt3A_38 = arith.cmpf ogt, %min3A_36, %gt3A_37 : vector<4000x1xf32>
    %convert_element_type3A = arith.extui %gt3A_38 : vector<4000x1xi1> to vector<4000x1xi32>
    %convert_element_type3A_39 = arith.sitofp %convert_element_type3A : vector<4000x1xi32> to vector<4000x1xf32>
    %sub3A = arith.constant -2.28322482 : f32
    %sub3A_40 = vector.broadcast %sub3A : f32 to vector<4000x1xf32>
    %sub3A_41 = arith.subf %add3A_21, %sub3A_40 : vector<4000x1xf32>
    %logistic3A_42 = arith.negf %sub3A_41 : vector<4000x1xf32>
    %logistic3A_43 = math.exp %logistic3A_42 : vector<4000x1xf32>
    %logistic3A_44 = arith.constant 1.000000e+00 : f32
    %logistic3A_45 = vector.broadcast %logistic3A_44 : f32 to vector<4000x1xf32>
    %logistic3A_46 = arith.addf %logistic3A_45, %logistic3A_43 : vector<4000x1xf32>
    %logistic3A_47 = arith.divf %logistic3A_45, %logistic3A_46 : vector<4000x1xf32>
    %reduce_sum3A_48 = vector.shape_cast %logistic3A_47 : vector<4000x1xf32> to vector<1x4000x1xf32>
    %reduce_sum3A_49 = arith.constant dense<0.000000e+00> : vector<1xf32>
    %reduce_sum3A_50 = vector.multi_reduction <add>, %reduce_sum3A_48, %reduce_sum3A_49 [1, 2] : vector<1x4000x1xf32> to vector<1xf32>
    %reduce_sum3A_51 = vector.shape_cast %reduce_sum3A_50 : vector<1xf32> to vector<1x1x1xf32>
    %reduce_sum3A_52 = vector.extract %reduce_sum3A_51[0, 0, 0] : f32 from vector<1x1x1xf32>
    %reduce_sum3A_53 = vector.shape_cast %convert_element_type3A_39 : vector<4000x1xf32> to vector<1x4000x1xf32>
    %reduce_sum3A_54 = arith.constant dense<0.000000e+00> : vector<1xf32>
    %reduce_sum3A_55 = vector.multi_reduction <add>, %reduce_sum3A_53, %reduce_sum3A_54 [1, 2] : vector<1x4000x1xf32> to vector<1xf32>
    %reduce_sum3A_56 = vector.shape_cast %reduce_sum3A_55 : vector<1xf32> to vector<1x1x1xf32>
    %reduce_sum3A_57 = vector.extract %reduce_sum3A_56[0, 0, 0] : f32 from vector<1x1x1xf32>
    %get3A_58 = arith.constant 0 : index
    %get3A_59 = arith.constant 0 : index
    %get3A_60 = vector.load %arg1[%get3A_58, %get3A_59] : memref<4000x128xf32, #tpu.memory_space<vmem>>, vector<4000x128xf32>
    %get3A_61 = arith.constant 0 : index
    %get3A_62 = arith.constant 0 : index
    %get3A_63 = vector.load %arg8[%get3A_61, %get3A_62] : memref<256x128xf32, #tpu.memory_space<vmem>>, vector<256x128xf32>
    %dot_general3A_64 = arith.constant dense<0.000000e+00> : vector<4000x256xf32>
    %dot_general3A_65 = tpu.matmul %get3A_60, %get3A_63, %dot_general3A_64 {dimension_numbers = #tpu.dot_dimension_numbers<[1], [1], [0], [0], [0, 0, 1, 0], [], []>, transpose_lhs_hint = false} : vector<4000x128xf32>, vector<256x128xf32>, vector<4000x256xf32> -> vector<4000x256xf32>
    %get3A_66 = arith.constant 0 : index
    %get3A_67 = arith.constant 0 : index
    %get3A_68 = vector.load %arg9[%get3A_66, %get3A_67] : memref<1x256xf32, #tpu.memory_space<vmem>>, vector<1x256xf32>
    %add3A_69 = vector.broadcast %get3A_68 : vector<1x256xf32> to vector<4000x256xf32>
    %add3A_70 = arith.addf %dot_general3A_65, %add3A_69 : vector<4000x256xf32>
    %max3A_71 = arith.constant 0.000000e+00 : f32
    %max3A_72 = vector.broadcast %max3A_71 : f32 to vector<4000x256xf32>
    %max3A_73 = arith.maximumf %add3A_70, %max3A_72 : vector<4000x256xf32>
    %get3A_74 = arith.constant 0 : index
    %get3A_75 = arith.constant 0 : index
    %get3A_76 = vector.load %arg10[%get3A_74, %get3A_75] : memref<128x256xf32, #tpu.memory_space<vmem>>, vector<128x256xf32>
    %dot_general3A_77 = arith.constant dense<0.000000e+00> : vector<4000x128xf32>
    %dot_general3A_78 = tpu.matmul %max3A_73, %get3A_76, %dot_general3A_77 {dimension_numbers = #tpu.dot_dimension_numbers<[1], [1], [0], [0], [0, 0, 1, 0], [], []>, transpose_lhs_hint = false} : vector<4000x256xf32>, vector<128x256xf32>, vector<4000x128xf32> -> vector<4000x128xf32>
    %get3A_79 = arith.constant 0 : index
    %get3A_80 = arith.constant 0 : index
    %get3A_81 = vector.load %arg11[%get3A_79, %get3A_80] : memref<1x128xf32, #tpu.memory_space<vmem>>, vector<1x128xf32>
    %add3A_82 = vector.broadcast %get3A_81 : vector<1x128xf32> to vector<4000x128xf32>
    %add3A_83 = arith.addf %dot_general3A_78, %add3A_82 : vector<4000x128xf32>
    %mul3A_84 = vector.broadcast %min3A_36 : vector<4000x1xf32> to vector<4000x128xf32>
    %mul3A_85 = arith.mulf %add3A_83, %mul3A_84 : vector<4000x128xf32>
    %swap3A = arith.constant 0 : index
    %swap3A_86 = arith.constant 0 : index
    %swap3A_87 = vector.load %arg12[%swap3A, %swap3A_86] : memref<4000x128xf32, #tpu.memory_space<vmem>>, vector<4000x128xf32>
    tpu.vector_store %arg12[%swap3A, %swap3A_86], %mul3A_85 {strides = array<i32>} : memref<4000x128xf32, #tpu.memory_space<vmem>>, vector<4000x128xf32>,
    %get3A_88 = arith.constant 0 : index
    %get3A_89 = arith.constant 0 : index
    %get3A_90 = arith.constant 0 : index
    %get3A_91 = vector.load %arg3[%get3A_88, %get3A_89, %get3A_90] : memref<1x4000x1xi32, #tpu.memory_space<vmem>>, vector<1x4000x1xi32>
    %get3A_92 = vector.shape_cast %get3A_91 : vector<1x4000x1xi32> to vector<4000x1xi32>
    %gt3A_93 = arith.constant 0.000000e+00 : f32
    %gt3A_94 = vector.broadcast %gt3A_93 : f32 to vector<4000x1xf32>
    %gt3A_95 = arith.cmpf ogt, %min3A_36, %gt3A_94 : vector<4000x1xf32>
    %jit3A_96 = arith.constant 10000 : i32
    %broadcast_in_dim3A_97 = vector.broadcast %jit3A_96 : i32 to vector<4000x1xi32>
    %select_n3A = arith.select %gt3A_95, %get3A_92, %broadcast_in_dim3A_97 : vector<4000x1xi1>, vector<4000x1xi32>
    %swap3A_98 = arith.constant 0 : index
    %swap3A_99 = arith.constant 0 : index
    %swap3A_100 = arith.constant 0 : index
    %swap3A_101 = vector.load %arg13[%swap3A_98, %swap3A_99, %swap3A_100] : memref<1x4000x1xi32, #tpu.memory_space<vmem>>, vector<1x4000x1xi32>
    %swap3A_102 = vector.shape_cast %swap3A_101 : vector<1x4000x1xi32> to vector<4000x1xi32>
    %swap3A_103 = vector.shape_cast %select_n3A : vector<4000x1xi32> to vector<1x4000x1xi32>
    tpu.vector_store %arg13[%swap3A_98, %swap3A_99, %swap3A_100], %swap3A_103 {strides = array<i32>} : memref<1x4000x1xi32, #tpu.memory_space<vmem>>, vector<1x4000x1xi32>,
    %eq3A = arith.constant 0 : i32
    %eq3A_104 = arith.cmpi eq, %arg0, %eq3A : i32
    %convert_element_type3A_105 = arith.extui %eq3A_104 : i1 to i32
    %cond3A = arith.constant 0 : i32
    %cond3A_106 = arith.cmpi ne, %convert_element_type3A_105, %cond3A : i32
    scf.if %cond3A_106 {
      %broadcast_in_dim3A_122 = arith.constant 0.000000e+00 : f32
      %broadcast_in_dim3A_123 = vector.broadcast %broadcast_in_dim3A_122 : f32 to vector<1x1xf32>
      %swap3A_124 = arith.constant 0 : index
      %swap3A_125 = arith.constant 0 : index
      %swap3A_126 = vector.load %arg14[%swap3A_124, %swap3A_125] : memref<1x1xf32, #tpu.memory_space<vmem>>, vector<1x1xf32>
      tpu.vector_store %arg14[%swap3A_124, %swap3A_125], %broadcast_in_dim3A_123 {strides = array<i32>} : memref<1x1xf32, #tpu.memory_space<vmem>>, vector<1x1xf32>,
      %broadcast_in_dim3A_127 = arith.constant 0.000000e+00 : f32
      %broadcast_in_dim3A_128 = vector.broadcast %broadcast_in_dim3A_127 : f32 to vector<1x1xf32>
      %swap3A_129 = arith.constant 0 : index
      %swap3A_130 = arith.constant 0 : index
      %swap3A_131 = vector.load %arg15[%swap3A_129, %swap3A_130] : memref<1x1xf32, #tpu.memory_space<vmem>>, vector<1x1xf32>
      tpu.vector_store %arg15[%swap3A_129, %swap3A_130], %broadcast_in_dim3A_128 {strides = array<i32>} : memref<1x1xf32, #tpu.memory_space<vmem>>, vector<1x1xf32>,
    } else {
    }
    %get3A_107 = arith.constant 0 : index
    %get3A_108 = arith.constant 0 : index
    %get3A_109 = vector.load %arg14[%get3A_107, %get3A_108] : memref<1x1xf32, #tpu.memory_space<vmem>>, vector<1x1xf32>
    %reshape3A = vector.broadcast %reduce_sum3A_52 : f32 to vector<1x1xf32>
    %add3A_110 = arith.addf %get3A_109, %reshape3A : vector<1x1xf32>
    %swap3A_111 = arith.constant 0 : index
    %swap3A_112 = arith.constant 0 : index
    %swap3A_113 = vector.load %arg14[%swap3A_111, %swap3A_112] : memref<1x1xf32, #tpu.memory_space<vmem>>, vector<1x1xf32>
    tpu.vector_store %arg14[%swap3A_111, %swap3A_112], %add3A_110 {strides = array<i32>} : memref<1x1xf32, #tpu.memory_space<vmem>>, vector<1x1xf32>,
    %get3A_114 = arith.constant 0 : index
    %get3A_115 = arith.constant 0 : index
    %get3A_116 = vector.load %arg15[%get3A_114, %get3A_115] : memref<1x1xf32, #tpu.memory_space<vmem>>, vector<1x1xf32>
    %reshape3A_117 = vector.broadcast %reduce_sum3A_57 : f32 to vector<1x1xf32>
    %add3A_118 = arith.addf %get3A_116, %reshape3A_117 : vector<1x1xf32>
    %swap3A_119 = arith.constant 0 : index
    %swap3A_120 = arith.constant 0 : index
    %swap3A_121 = vector.load %arg15[%swap3A_119, %swap3A_120] : memref<1x1xf32, #tpu.memory_space<vmem>>, vector<1x1xf32>
    tpu.vector_store %arg15[%swap3A_119, %swap3A_120], %add3A_118 {strides = array<i32>} : memref<1x1xf32, #tpu.memory_space<vmem>>, vector<1x1xf32>,
    return
  }
  func.func @transform_0(%arg0: i32) -> (i32, i32) {
    %c0_i32 = arith.constant 0 : i32
    %c0_i32_0 = arith.constant 0 : i32
    return %arg0, %c0_i32 : i32, i32
  }
  func.func @transform_1(%arg0: i32) -> (i32, i32) {
    %c0_i32 = arith.constant 0 : i32
    %c0_i32_0 = arith.constant 0 : i32
    return %arg0, %c0_i32 : i32, i32
  }
  func.func @transform_2(%arg0: i32) -> (i32, i32, i32) {
    %c0_i32 = arith.constant 0 : i32
    %c0_i32_0 = arith.constant 0 : i32
    %c0_i32_1 = arith.constant 0 : i32
    return %arg0, %c0_i32, %c0_i32_0 : i32, i32, i32
  }
  func.func @transform_3(%arg0: i32) -> (i32, i32) {
    %c0_i32 = arith.constant 0 : i32
    %c0_i32_0 = arith.constant 0 : i32
    %c0_i32_1 = arith.constant 0 : i32
    return %c0_i32, %c0_i32_0 : i32, i32
  }
  func.func @transform_4(%arg0: i32) -> (i32, i32) {
    %c0_i32 = arith.constant 0 : i32
    %c0_i32_0 = arith.constant 0 : i32
    %c0_i32_1 = arith.constant 0 : i32
    return %c0_i32, %c0_i32_0 : i32, i32
  }
  func.func @transform_5(%arg0: i32) -> (i32, i32) {
    %c0_i32 = arith.constant 0 : i32
    %c0_i32_0 = arith.constant 0 : i32
    %c0_i32_1 = arith.constant 0 : i32
    return %c0_i32, %c0_i32_0 : i32, i32
  }
  func.func @transform_6(%arg0: i32) -> (i32, i32) {
    %c0_i32 = arith.constant 0 : i32
    %c0_i32_0 = arith.constant 0 : i32
    %c0_i32_1 = arith.constant 0 : i32
    return %c0_i32, %c0_i32_0 : i32, i32
  }
  func.func @transform_7(%arg0: i32) -> (i32, i32) {
    %c0_i32 = arith.constant 0 : i32
    %c0_i32_0 = arith.constant 0 : i32
    %c0_i32_1 = arith.constant 0 : i32
    return %c0_i32, %c0_i32_0 : i32, i32
  }
  func.func @transform_8(%arg0: i32) -> (i32, i32) {
    %c0_i32 = arith.constant 0 : i32
    %c0_i32_0 = arith.constant 0 : i32
    %c0_i32_1 = arith.constant 0 : i32
    return %c0_i32, %c0_i32_0 : i32, i32
  }
  func.func @transform_9(%arg0: i32) -> (i32, i32) {
    %c0_i32 = arith.constant 0 : i32
    %c0_i32_0 = arith.constant 0 : i32
    %c0_i32_1 = arith.constant 0 : i32
    return %c0_i32, %c0_i32_0 : i32, i32
  }
  func.func @transform_10(%arg0: i32) -> (i32, i32) {
    %c0_i32 = arith.constant 0 : i32
    %c0_i32_0 = arith.constant 0 : i32
    %c0_i32_1 = arith.constant 0 : i32
    return %c0_i32, %c0_i32_0 : i32, i32
  }
  func.func @transform_11(%arg0: i32) -> (i32, i32) {
    %c0_i32 = arith.constant 0 : i32
    %c0_i32_0 = arith.constant 0 : i32
    return %arg0, %c0_i32 : i32, i32
  }
  func.func @transform_12(%arg0: i32) -> (i32, i32, i32) {
    %c0_i32 = arith.constant 0 : i32
    %c0_i32_0 = arith.constant 0 : i32
    %c0_i32_1 = arith.constant 0 : i32
    return %arg0, %c0_i32, %c0_i32_0 : i32, i32, i32
  }
  func.func @transform_13(%arg0: i32) -> (i32, i32) {
    %c0_i32 = arith.constant 0 : i32
    %c0_i32_0 = arith.constant 0 : i32
    %c0_i32_1 = arith.constant 0 : i32
    return %c0_i32, %c0_i32_0 : i32, i32
  }
  func.func @transform_14(%arg0: i32) -> (i32, i32) {
    %c0_i32 = arith.constant 0 : i32
    %c0_i32_0 = arith.constant 0 : i32
    %c0_i32_1 = arith.constant 0 : i32
    return %c0_i32, %c0_i32_0 : i32, i32
  }
}

module attributes {stable_mosaic.version = 14 : i64} {
  func.func @_fin_body(%arg0: i32, %arg1: memref<2x640x128xf32, #tpu.memory_space<vmem>>, %arg2: memref<2x640x128xf32, #tpu.memory_space<vmem>>, %arg3: memref<1x1x640xi32, #tpu.memory_space<vmem>>, %arg4: memref<2x128xf32, #tpu.memory_space<vmem>>, %arg5: memref<1x2xf32, #tpu.memory_space<vmem>>, %arg6: memref<128x2xf32, #tpu.memory_space<vmem>>, %arg7: memref<1x1xf32, #tpu.memory_space<vmem>>, %arg8: memref<128x128xf32, #tpu.memory_space<vmem>>, %arg9: memref<128x1xf32, #tpu.memory_space<vmem>>) attributes {dimension_semantics = [#tpu.dimension_semantics<arbitrary>], iteration_bounds = array<i64: 16>, scalar_prefetch = 0 : i64, scratch_operands = 2 : i64, tpu.core_type = #tpu.core_type<tc>, window_params = [{transform_indices = @transform_0, window_bounds = array<i64: 2, 640, 128>}, {transform_indices = @transform_1, window_bounds = array<i64: 2, 640, 128>}, {transform_indices = @transform_2, window_bounds = array<i64: 1, 1, 640>}, {pipeline_mode = #tpu.pipeline_mode<synchronous>, transform_indices = @transform_3, window_bounds = array<i64: 2, 128>}, {pipeline_mode = #tpu.pipeline_mode<synchronous>, transform_indices = @transform_4, window_bounds = array<i64: 1, 2>}, {pipeline_mode = #tpu.pipeline_mode<synchronous>, transform_indices = @transform_5, window_bounds = array<i64: 128, 2>}, {pipeline_mode = #tpu.pipeline_mode<synchronous>, transform_indices = @transform_6, window_bounds = array<i64: 1, 1>}]} {
    %eq3A = arith.constant 0 : i32
    %eq3A_0 = arith.cmpi eq, %arg0, %eq3A : i32
    %convert_element_type3A = arith.extui %eq3A_0 : i1 to i32
    %cond3A = arith.constant 0 : i32
    %cond3A_1 = arith.cmpi ne, %convert_element_type3A, %cond3A : i32
    scf.if %cond3A_1 {
      %broadcast_in_dim3A_61 = arith.constant 0.000000e+00 : f32
      %broadcast_in_dim3A_62 = vector.broadcast %broadcast_in_dim3A_61 : f32 to vector<128x128xf32>
      %swap3A_63 = arith.constant 0 : index
      %swap3A_64 = arith.constant 0 : index
      %swap3A_65 = vector.load %arg8[%swap3A_63, %swap3A_64] : memref<128x128xf32, #tpu.memory_space<vmem>>, vector<128x128xf32>
      tpu.vector_store %arg8[%swap3A_63, %swap3A_64], %broadcast_in_dim3A_62 {strides = array<i32>} : memref<128x128xf32, #tpu.memory_space<vmem>>, vector<128x128xf32>,
      %broadcast_in_dim3A_66 = arith.constant 0.000000e+00 : f32
      %broadcast_in_dim3A_67 = vector.broadcast %broadcast_in_dim3A_66 : f32 to vector<128x1xf32>
      %swap3A_68 = arith.constant 0 : index
      %swap3A_69 = arith.constant 0 : index
      %swap3A_70 = vector.load %arg9[%swap3A_68, %swap3A_69] : memref<128x1xf32, #tpu.memory_space<vmem>>, vector<128x1xf32>
      tpu.vector_store %arg9[%swap3A_68, %swap3A_69], %broadcast_in_dim3A_67 {strides = array<i32>} : memref<128x1xf32, #tpu.memory_space<vmem>>, vector<128x1xf32>,
      %broadcast_in_dim3A_71 = arith.constant 0.000000e+00 : f32
      %broadcast_in_dim3A_72 = vector.broadcast %broadcast_in_dim3A_71 : f32 to vector<1x1xf32>
      %swap3A_73 = arith.constant 0 : index
      %swap3A_74 = arith.constant 0 : index
      %swap3A_75 = vector.load %arg7[%swap3A_73, %swap3A_74] : memref<1x1xf32, #tpu.memory_space<vmem>>, vector<1x1xf32>
      tpu.vector_store %arg7[%swap3A_73, %swap3A_74], %broadcast_in_dim3A_72 {strides = array<i32>} : memref<1x1xf32, #tpu.memory_space<vmem>>, vector<1x1xf32>,
    } else {
    }
    %get3A = arith.constant 0 : index
    %get3A_2 = arith.constant 0 : index
    %get3A_3 = arith.constant 0 : index
    %get3A_4 = vector.load %arg1[%get3A, %get3A_2, %get3A_3] : memref<2x640x128xf32, #tpu.memory_space<vmem>>, vector<2x640x128xf32>
    %slice3A = vector.extract_strided_slice %get3A_4 {offsets = [0, 0, 0], sizes = [1, 640, 128], strides = [1, 1, 1]} : vector<2x640x128xf32> to vector<1x640x128xf32>
    %squeeze3A = vector.shape_cast %slice3A : vector<1x640x128xf32> to vector<640x128xf32>
    %slice3A_5 = vector.extract_strided_slice %get3A_4 {offsets = [1, 0, 0], sizes = [1, 640, 128], strides = [1, 1, 1]} : vector<2x640x128xf32> to vector<1x640x128xf32>
    %squeeze3A_6 = vector.shape_cast %slice3A_5 : vector<1x640x128xf32> to vector<640x128xf32>
    %add3A = arith.addf %squeeze3A, %squeeze3A_6 : vector<640x128xf32>
    %get3A_7 = arith.constant 0 : index
    %get3A_8 = arith.constant 0 : index
    %get3A_9 = arith.constant 0 : index
    %get3A_10 = vector.load %arg2[%get3A_7, %get3A_8, %get3A_9] : memref<2x640x128xf32, #tpu.memory_space<vmem>>, vector<2x640x128xf32>
    %slice3A_11 = vector.extract_strided_slice %get3A_10 {offsets = [0, 0, 0], sizes = [1, 640, 1], strides = [1, 1, 1]} : vector<2x640x128xf32> to vector<1x640x1xf32>
    %squeeze3A_12 = vector.shape_cast %slice3A_11 : vector<1x640x1xf32> to vector<640x1xf32>
    %slice3A_13 = vector.extract_strided_slice %get3A_10 {offsets = [1, 0, 0], sizes = [1, 640, 1], strides = [1, 1, 1]} : vector<2x640x128xf32> to vector<1x640x1xf32>
    %squeeze3A_14 = vector.shape_cast %slice3A_13 : vector<1x640x1xf32> to vector<640x1xf32>
    %add3A_15 = arith.addf %squeeze3A_12, %squeeze3A_14 : vector<640x1xf32>
    %max3A = arith.constant 1.000000e+00 : f32
    %max3A_16 = vector.broadcast %max3A : f32 to vector<640x1xf32>
    %max3A_17 = arith.maximumf %add3A_15, %max3A_16 : vector<640x1xf32>
    %div3A = vector.broadcast %max3A_17 : vector<640x1xf32> to vector<640x128xf32>
    %div3A_18 = arith.divf %add3A, %div3A : vector<640x128xf32>
    %get3A_19 = arith.constant 0 : index
    %get3A_20 = arith.constant 0 : index
    %get3A_21 = vector.load %arg7[%get3A_19, %get3A_20] : memref<1x1xf32, #tpu.memory_space<vmem>>, vector<1x1xf32>
    %mul3A = arith.mulf %div3A_18, %div3A_18 : vector<640x128xf32>
    %reduce_sum3A = vector.shape_cast %mul3A : vector<640x128xf32> to vector<1x640x128xf32>
    %reduce_sum3A_22 = arith.constant dense<0.000000e+00> : vector<1xf32>
    %reduce_sum3A_23 = vector.multi_reduction <add>, %reduce_sum3A, %reduce_sum3A_22 [1, 2] : vector<1x640x128xf32> to vector<1xf32>
    %reduce_sum3A_24 = vector.shape_cast %reduce_sum3A_23 : vector<1xf32> to vector<1x1x1xf32>
    %reduce_sum3A_25 = vector.extract %reduce_sum3A_24[0, 0, 0] : f32 from vector<1x1x1xf32>
    %reshape3A = vector.broadcast %reduce_sum3A_25 : f32 to vector<1x1xf32>
    %add3A_26 = arith.addf %get3A_21, %reshape3A : vector<1x1xf32>
    %swap3A = arith.constant 0 : index
    %swap3A_27 = arith.constant 0 : index
    %swap3A_28 = vector.load %arg7[%swap3A, %swap3A_27] : memref<1x1xf32, #tpu.memory_space<vmem>>, vector<1x1xf32>
    tpu.vector_store %arg7[%swap3A, %swap3A_27], %add3A_26 {strides = array<i32>} : memref<1x1xf32, #tpu.memory_space<vmem>>, vector<1x1xf32>,
    %get3A_29 = arith.constant 0 : index
    %get3A_30 = arith.constant 0 : index
    %get3A_31 = arith.constant 0 : index
    %get3A_32 = vector.load %arg3[%get3A_29, %get3A_30, %get3A_31] : memref<1x1x640xi32, #tpu.memory_space<vmem>>, vector<1x1x640xi32>
    %get3A_33 = vector.shape_cast %get3A_32 : vector<1x1x640xi32> to vector<640xi32>
    %broadcast_in_dim3A = vector.shape_cast %get3A_33 : vector<640xi32> to vector<1x640xi32>
    %iota3A = tpu.iota {dimensions = array<i32: 0>} : vector<128x640xi32>
    %eq3A_34 = vector.broadcast %broadcast_in_dim3A : vector<1x640xi32> to vector<128x640xi32>
    %eq3A_35 = arith.cmpi eq, %eq3A_34, %iota3A : vector<128x640xi32>
    %convert_element_type3A_36 = arith.extui %eq3A_35 : vector<128x640xi1> to vector<128x640xi32>
    %convert_element_type3A_37 = arith.sitofp %convert_element_type3A_36 : vector<128x640xi32> to vector<128x640xf32>
    %get3A_38 = arith.constant 0 : index
    %get3A_39 = arith.constant 0 : index
    %get3A_40 = vector.load %arg8[%get3A_38, %get3A_39] : memref<128x128xf32, #tpu.memory_space<vmem>>, vector<128x128xf32>
    %dot_general3A = arith.constant dense<0.000000e+00> : vector<128x128xf32>
    %dot_general3A_41 = tpu.matmul %convert_element_type3A_37, %div3A_18, %dot_general3A {dimension_numbers = #tpu.dot_dimension_numbers<[1], [0], [0], [1], [0, 0, 1, 1], [], []>, transpose_lhs_hint = false} : vector<128x640xf32>, vector<640x128xf32>, vector<128x128xf32> -> vector<128x128xf32>
    %add3A_42 = arith.addf %get3A_40, %dot_general3A_41 : vector<128x128xf32>
    %swap3A_43 = arith.constant 0 : index
    %swap3A_44 = arith.constant 0 : index
    %swap3A_45 = vector.load %arg8[%swap3A_43, %swap3A_44] : memref<128x128xf32, #tpu.memory_space<vmem>>, vector<128x128xf32>
    tpu.vector_store %arg8[%swap3A_43, %swap3A_44], %add3A_42 {strides = array<i32>} : memref<128x128xf32, #tpu.memory_space<vmem>>, vector<128x128xf32>,
    %get3A_46 = arith.constant 0 : index
    %get3A_47 = arith.constant 0 : index
    %get3A_48 = vector.load %arg9[%get3A_46, %get3A_47] : memref<128x1xf32, #tpu.memory_space<vmem>>, vector<128x1xf32>
    %reduce_sum3A_49 = arith.constant dense<0.000000e+00> : vector<128xf32>
    %reduce_sum3A_50 = vector.multi_reduction <add>, %convert_element_type3A_37, %reduce_sum3A_49 [1] : vector<128x640xf32> to vector<128xf32>
    %broadcast_in_dim3A_51 = vector.shape_cast %reduce_sum3A_50 : vector<128xf32> to vector<128x1xf32>
    %add3A_52 = arith.addf %get3A_48, %broadcast_in_dim3A_51 : vector<128x1xf32>
    %swap3A_53 = arith.constant 0 : index
    %swap3A_54 = arith.constant 0 : index
    %swap3A_55 = vector.load %arg9[%swap3A_53, %swap3A_54] : memref<128x1xf32, #tpu.memory_space<vmem>>, vector<128x1xf32>
    tpu.vector_store %arg9[%swap3A_53, %swap3A_54], %add3A_52 {strides = array<i32>} : memref<128x1xf32, #tpu.memory_space<vmem>>, vector<128x1xf32>,
    %eq3A_56 = arith.constant 15 : i32
    %eq3A_57 = arith.cmpi eq, %arg0, %eq3A_56 : i32
    %convert_element_type3A_58 = arith.extui %eq3A_57 : i1 to i32
    %cond3A_59 = arith.constant 0 : i32
    %cond3A_60 = arith.cmpi ne, %convert_element_type3A_58, %cond3A_59 : i32
    scf.if %cond3A_60 {
      %get3A_61 = arith.constant 0 : index
      %get3A_62 = arith.constant 0 : index
      %get3A_63 = vector.load %arg8[%get3A_61, %get3A_62] : memref<128x128xf32, #tpu.memory_space<vmem>>, vector<128x128xf32>
      %get3A_64 = arith.constant 0 : index
      %get3A_65 = arith.constant 0 : index
      %get3A_66 = vector.load %arg9[%get3A_64, %get3A_65] : memref<128x1xf32, #tpu.memory_space<vmem>>, vector<128x1xf32>
      %max3A_67 = arith.constant 1.000000e+00 : f32
      %max3A_68 = vector.broadcast %max3A_67 : f32 to vector<128x1xf32>
      %max3A_69 = arith.maximumf %get3A_66, %max3A_68 : vector<128x1xf32>
      %div3A_70 = vector.broadcast %max3A_69 : vector<128x1xf32> to vector<128x128xf32>
      %div3A_71 = arith.divf %get3A_63, %div3A_70 : vector<128x128xf32>
      %get3A_72 = arith.constant 0 : index
      %get3A_73 = arith.constant 0 : index
      %get3A_74 = vector.load %arg4[%get3A_72, %get3A_73] : memref<2x128xf32, #tpu.memory_space<vmem>>, vector<2x128xf32>
      %dot_general3A_75 = arith.constant dense<0.000000e+00> : vector<128x2xf32>
      %dot_general3A_76 = tpu.matmul %div3A_71, %get3A_74, %dot_general3A_75 {dimension_numbers = #tpu.dot_dimension_numbers<[1], [1], [0], [0], [0, 0, 1, 0], [], []>, transpose_lhs_hint = false} : vector<128x128xf32>, vector<2x128xf32>, vector<128x2xf32> -> vector<128x2xf32>
      %get3A_77 = arith.constant 0 : index
      %get3A_78 = arith.constant 0 : index
      %get3A_79 = vector.load %arg5[%get3A_77, %get3A_78] : memref<1x2xf32, #tpu.memory_space<vmem>>, vector<1x2xf32>
      %add3A_80 = vector.broadcast %get3A_79 : vector<1x2xf32> to vector<128x2xf32>
      %add3A_81 = arith.addf %dot_general3A_76, %add3A_80 : vector<128x2xf32>
      %swap3A_82 = arith.constant 0 : index
      %swap3A_83 = arith.constant 0 : index
      %swap3A_84 = vector.load %arg6[%swap3A_82, %swap3A_83] : memref<128x2xf32, #tpu.memory_space<vmem>>, vector<128x2xf32>
      tpu.vector_store %arg6[%swap3A_82, %swap3A_83], %add3A_81 {strides = array<i32>} : memref<128x2xf32, #tpu.memory_space<vmem>>, vector<128x2xf32>,
    } else {
    }
    return
  }
  func.func @transform_0(%arg0: i32) -> (i32, i32, i32) {
    %c0_i32 = arith.constant 0 : i32
    %c0_i32_0 = arith.constant 0 : i32
    %c0_i32_1 = arith.constant 0 : i32
    return %c0_i32, %arg0, %c0_i32_0 : i32, i32, i32
  }
  func.func @transform_1(%arg0: i32) -> (i32, i32, i32) {
    %c0_i32 = arith.constant 0 : i32
    %c0_i32_0 = arith.constant 0 : i32
    %c0_i32_1 = arith.constant 0 : i32
    return %c0_i32, %arg0, %c0_i32_0 : i32, i32, i32
  }
  func.func @transform_2(%arg0: i32) -> (i32, i32, i32) {
    %c0_i32 = arith.constant 0 : i32
    %c0_i32_0 = arith.constant 0 : i32
    %c0_i32_1 = arith.constant 0 : i32
    return %arg0, %c0_i32, %c0_i32_0 : i32, i32, i32
  }
  func.func @transform_3(%arg0: i32) -> (i32, i32) {
    %c0_i32 = arith.constant 0 : i32
    %c0_i32_0 = arith.constant 0 : i32
    %c0_i32_1 = arith.constant 0 : i32
    return %c0_i32, %c0_i32_0 : i32, i32
  }
  func.func @transform_4(%arg0: i32) -> (i32, i32) {
    %c0_i32 = arith.constant 0 : i32
    %c0_i32_0 = arith.constant 0 : i32
    %c0_i32_1 = arith.constant 0 : i32
    return %c0_i32, %c0_i32_0 : i32, i32
  }
  func.func @transform_5(%arg0: i32) -> (i32, i32) {
    %c0_i32 = arith.constant 0 : i32
    %c0_i32_0 = arith.constant 0 : i32
    %c0_i32_1 = arith.constant 0 : i32
    return %c0_i32, %c0_i32_0 : i32, i32
  }
  func.func @transform_6(%arg0: i32) -> (i32, i32) {
    %c0_i32 = arith.constant 0 : i32
    %c0_i32_0 = arith.constant 0 : i32
    %c0_i32_1 = arith.constant 0 : i32
    return %c0_i32, %c0_i32_0 : i32, i32
  }
}

</mosaic_0001>

<sc_bundles>
// kernel: kernel.11.cloned.1.call-start
scs
__scs_entry_jumppad:
0x0: {  	(pc) =	sbr.rel $0x88, $3  }
0x1: {  	(tag) =	ssettag $0x0;
	lr =	simm.s32 $0x1  }
0x2: {  	[smem:$0x3F91] =	sst lr;
	_ =	strace $0xD0000000  }
0x3: {  	_ = 	snop  }
0x4: {  	_ = 	snop  }
0x5: {  	_ = 	snop  }
0x6: {  	_ = 	snop  }
0x7: {  	_ = 	snop  }
__scs_overlays_trampoline_lowered:
0x8: {  	[smem:$0x3FA0] =	sst s0  }
0x9: {  	[smem:$0x3FA1] =	sst s1  }
0xa: {  	[smem:$0x3FA2] =	sst s2  }
0xb: {  	[smem:$0x3FA3] =	sst s3  }
0xc: {  	[smem:$0x3FA4] =	sst s4  }
0xd: {  	[smem:$0x3FA5] =	sst s5  }
0xe: {  	[smem:$0x3FA6] =	sst s6  }
0xf: {  	[smem:$0x3FA7] =	sst s7  }
0x10: {  	[smem:$0x3FA8] =	sst s8  }
0x11: {  	[smem:$0x3FA9] =	sst s9;
	s0 =	simm.s32 @!p0 $0x0  }
0x12: {  	s1 =	sld [smem:$0x3F8F];
	s0 =	simm.s32 @p0 $0x1  }
0x13: {  	[smem:$0x3FAA] =	sst s0;
	s0 =	simm.s32 @!p1 $0x0  }
0x14: {  	s2 =	sld [smem:$0x3F8E];
	s0 =	simm.s32 @p1 $0x1  }
0x15: {  	[smem:$0x3FAB] =	sst s0;
	s0 =	simm.s32 @!p2 $0x0  }
0x16: {  	s3 =	sld [smem:$0x3FDB];
	s0 =	simm.s32 @p2 $0x1  }
0x17: {  	s4 =	simm.s32 $0x1BF5;
	[smem:$0x3FAD] =	sst s0  }
0x18: {  	s0 =	sld [smem:$0x3F90];
	_ =	swait.ge [sflag:s4], $0x0  }
0x19: {  	s7 =	sld [smem:$0x3F91]  }
0x1a: {  	s8 =	sadd.s32 $0xFFFFE003, lr  }
0x1b: {  	s9 =	sadd.s32 $0xFFFFFEF7, lr;
	s5 =	simm.s32 $0xFFFFFFFF;
	p2 =	slt.u32 s8, $0xFFFFF086  }
0x1c: {  	p1 =	slt.u32 s9, $0xF7A;
	s5 =	simm.s32 @!p2 $0x0  }
0x1d: {  	s5 =	simm.s32 @p1 $0x1;
	p0 =	seq.s32 s7, s2  }
0x1e: {  	s7 =	smul.u32 @!p0 $0xF7A, s2;
	p2 =	seq.s32 @!p0 s5, $0x0  }
0x1f: {  	s9 =	smul.u32 $0xF7A, s1;
	s8 =	simm.s32 @!p0 $0x1BF5;
	p2 =	por !p2, p0  }
0x20: {  	[sflag:s8] =	ssyncset.s32 @!p0 $0xFFFFF086;
	s6 =	sadd.s32 @!p0 s3, s7;
	s7 =	simm.s32 @!p0 $0x108  }
0x21: {  	s3 =	sadd.s32 s3, s9;
	s6 =	sadd.s32 @!p0 $0x88, s6;
	s7 =	simm.s32 @p2 $0x1082  }
0x22: {  	[simem:s7], [sflag:s8] =	dma.local @!p0 [hbm:s6], $0xF7A  }
0x23: {  	s9 =	sor.u32 $0xD0000000, s2;
	s6 =	simm.s32 $0x108;
	_ =	swait.ge @!p0 [sflag:s8], $0x0  }
0x24: {  	s3 =	sadd.s32 $0x88, s3;
	s6 =	simm.s32 @!p1 $0x1082;
	[sflag:s4] =	ssyncset.s32 $0xFFFFF086  }
0x25: {  	[simem:s6], [sflag:s4] =	dma.local [hbm:s3], $0xF7A  }
0x26: {  	[smem:$0x3F91] =	sst s1;
	(tag) =	ssettag s2;
	_ =	strace s9  }
0x27: {  	s1 =	sld [smem:$0x3FA1]  }
0x28: {  	s2 =	sld [smem:$0x3FA2]  }
0x29: {  	s4 =	sld [smem:$0x3FA4]  }
0x2a: {  	p0 =	seq.s32 s5, $0x0;
	s5 =	sld [smem:$0x3FA5]  }
0x2b: {  	s6 =	sld [smem:$0x3FA6]  }
0x2c: {  	s7 =	sld [smem:$0x3FA7]  }
0x2d: {  	s3 =	simm.s32 $0x108;
	s8 =	sld [smem:$0x3FA8]  }
0x2e: {  	s3 =	simm.s32 @!p0 $0x1082;
	s9 =	sld [smem:$0x3FA9]  }
0x2f: {  	lr =	sadd.s32 s0, s3;
	s0 =	sld [smem:$0x3FA0]  }
0x30: {  	s3 =	sld [smem:$0x3FA3]  }
0x31: {  	[smem:$0x3FAC] =	sst s10  }
0x32: {  	s10 =	sld [smem:$0x3FAA];
	_ =	sdelay $0x3  }
0x33: {  	p0 =	seq.s32 s10, $0x1;
	s10 =	sld [smem:$0x3FAC];
	_ =	sdelay $0x3  }
0x34: {  	[smem:$0x3FAC] =	sst s10  }
0x35: {  	s10 =	sld [smem:$0x3FAB];
	_ =	sdelay $0x3  }
0x36: {  	p1 =	seq.s32 s10, $0x1;
	s10 =	sld [smem:$0x3FAC];
	_ =	sdelay $0x3  }
0x37: {  	[smem:$0x3FAC] =	sst s10  }
0x38: {  	s10 =	sld [smem:$0x3FAD]  }
0x39: {  	_ = 	snop;
	(pc) =	sbr.ind lr, $3  }
0x3a: {  	_ = 	snop  }
0x3b: {  	_ = 	snop  }
0x3c: {  	p2 =	seq.s32 s10, $0x1;
	s10 =	sld [smem:$0x3FAC]  }
0x3d: {  	_ =	shalt  }
0x3e: {  	_ =	shalt  }
0x3f: {  	_ =	shalt  }
0x40: {  	_ =	shalt  }
0x41: {  	_ =	shalt  }
0x42: {  	_ =	shalt  }
0x43: {  	_ =	shalt  }
0x44: {  	_ =	shalt  }
0x45: {  	_ =	shalt  }
0x46: {  	_ =	shalt  }
0x47: {  	_ =	shalt  }
0x48: {  	_ =	shalt  }
0x49: {  	_ =	shalt  }
0x4a: {  	_ =	shalt  }
0x4b: {  	_ =	shalt  }
0x4c: {  	_ =	shalt  }
0x4d: {  	_ =	shalt  }
0x4e: {  	_ =	shalt  }
0x4f: {  	_ =	shalt  }
0x50: {  	_ =	shalt  }
0x51: {  	_ =	shalt  }
0x52: {  	_ =	shalt  }
0x53: {  	_ =	shalt  }
0x54: {  	_ =	shalt  }
0x55: {  	_ =	shalt  }
0x56: {  	_ =	shalt  }
0x57: {  	_ =	shalt  }
0x58: {  	_ =	shalt  }
0x59: {  	_ =	shalt  }
0x5a: {  	_ =	shalt  }
0x5b: {  	_ =	shalt  }
0x5c: {  	_ =	shalt  }
0x5d: {  	_ =	shalt  }
0x5e: {  	_ =	shalt  }
0x5f: {  	_ =	shalt  }
0x60: {  	_ =	shalt  }
0x61: {  	_ =	shalt  }
0x62: {  	_ =	shalt  }
0x63: {  	_ =	shalt  }
0x64: {  	_ =	shalt  }
0x65: {  	_ =	shalt  }
0x66: {  	_ =	shalt  }
0x67: {  	_ =	shalt  }
0x68: {  	_ =	shalt  }
0x69: {  	_ =	shalt  }
0x6a: {  	_ =	shalt  }
0x6b: {  	_ =	shalt  }
0x6c: {  	_ =	shalt  }
0x6d: {  	_ =	shalt  }
0x6e: {  	_ =	shalt  }
0x6f: {  	_ =	shalt  }
0x70: {  	_ =	shalt  }
0x71: {  	_ =	shalt  }
0x72: {  	_ =	shalt  }
0x73: {  	_ =	shalt  }
0x74: {  	_ =	shalt  }
0x75: {  	_ =	shalt  }
0x76: {  	_ =	shalt  }
0x77: {  	_ =	shalt  }
0x78: {  	_ =	shalt  }
0x79: {  	_ =	shalt  }
0x7a: {  	_ =	shalt  }
0x7b: {  	_ =	shalt  }
0x7c: {  	_ =	shalt  }
0x7d: {  	_ =	shalt  }
0x7e: {  	_ =	shalt  }
0x7f: {  	_ =	shalt  }
0x80: {  	_ =	shalt  }
0x81: {  	_ =	shalt  }
0x82: {  	_ =	shalt  }
0x83: {  	_ =	shalt  }
0x84: {  	_ =	shalt  }
0x85: {  	_ =	shalt  }
0x86: {  	_ =	shalt  }
0x87: {  	_ =	shalt  }
.Lfunc_end0:
.L_simem_size_0:
called_computation.1_lowered:
.L_overlay_start_0:
0x88: {  	s2 =	sld [smem:$0x3FD9]  }
0x89: {  	s3 =	sld [smem:$0x3FFE];
	_ =	sdelay $0x1  }
0x8a: {  	s1 =	srdreg.scid  }
0x8b: {  	s0 =	sand.u32 $0x1, s1  }
0x8c: {  	s17 =	sshll.u32 s0, $0xA;
	s2 =	sadd.s32 s3, s2  }
0x8d: {  	s2 =	sadd.s32 s2, s17  }
0x8e: {  	[smem:$0x3FB8] =	sst s2  }
0x8f: {  	_ = 	snop  }
0x90: {  	s2 =	sld [smem:$0x3FC4];
	(tm) =	ssettm $0x1  }
0x91: {  	s18 =	sld [smem:$0x3FFB];
	_ =	sdelay $0x3  }
0x92: {  	_ =	strace s18  }
0x93: {  	s3 =	sld [smem:$0x3FFC];
	_ =	sdelay $0x3  }
0x94: {  	_ =	strace s3  }
0x95: {  	s3 =	sld [smem:$0x3FFD];
	_ =	sdelay $0x3  }
0x96: {  	_ =	strace s3  }
0x97: {  	_ =	strace $0x8FFFFFFF  }
0x98: {  	s19 =	sld [smem:$0x3FDB];
	_ =	sdelay $0x1  }
0x99: {  	s4 =	simm.s32 $_scs_section_size  }
0x9a: {  	s5 =	simm.s32 $_size__tile_overlayer_lowered;
	s6 =	simm.s32 $_tile_overlayer_lowered  }
0x9b: {  	s22 =	simm.s32 $0x1BFF;
	s21 =	sshll.u32 s6, $0x1;
	s3 =	sadd.s32 s4, s19  }
0x9c: {  	s7 =	simm.s32 $0x0;
	s20 =	sshll.u32 s5, $0x1;
	s5 =	sadd.s32 s21, s3  }
0x9d: {  	[timem:s7], [sflag:s22] =	dma.local [hbm:s5], s20  }
0x9e: {  	_ =	swait.ge [sflag:s22], s20  }
0x9f: {  	s4 =	ssub.s32 $0x0, s20;
	[sflag:s22] =	ssyncset.done $0x0  }
0xa0: {  	[sflag:s22] =	ssyncadd.s32 s4;
	_ =	sdelay $0x1  }
0xa1: {  	s23 =	simm.s32 $0x1B8B  }
0xa2: {  	_ =	swait.ge [sflag:s23], $0x1  }
0xa3: {  	[sflag:s23] =	ssyncset.done $0x0  }
0xa4: {  	s25 =	simm.s32 $0x1B8E;
	s24 =	sld [smem:$0x3FFE];
	[sflag:s23] =	ssyncadd.s32 $0xFFFFFFFF  }
0xa5: {  	s26 =	simm.s32 $execute0_lowered;
	[smem:$0x3FD2] =	sst s25  }
0xa6: {  	s5 =	sshll.u32 s26, $0x1;
	_ =	strace $0x80000049;
	[dreg:$0x1] =	wrdreg $0xFFFFFFFF  }
0xa7: {  	s28 =	simm.s32 $_size_execute0_lowered;
	s3 =	sadd.s32 s3, s5;
	[dreg:$0x0] =	wrdreg $0x0  }
0xa8: {  	s5 =	sshll.u32 s28, $0x1;
	[dreg:$0x2] =	wrdreg s3  }
0xa9: {  	[dreg:$0x3] =	wrdreg s5  }
0xaa: {  	[dreg:$0x4] =	wrdreg $0xC0  }
0xab: {  	_ =	task [dreg:s7], $0x5FFFF  }
0xac: {  	[dreg:$0x1] =	wrdreg $0xFFFFFFFF  }
0xad: {  	[dreg:$0x0] =	wrdreg $0x60  }
0xae: {  	[dreg:$0x2] =	wrdreg s24  }
0xaf: {  	[dreg:$0x3] =	wrdreg s2  }
0xb0: {  	[dreg:$0x4] =	wrdreg $0x9  }
0xb1: {  	_ =	task.clear_ibuf [dreg:s7], $0x5FFFF;
	_ =	strace $0x90000049  }
0xb2: {  	s29 =	simm.s32 $0x9;
	_ =	strace $0x8000004B  }
0xb3: {  	_ =	swait.ge [sflag:s29], $0x1  }
0xb4: {  	[sflag:s29] =	ssyncadd.s32 $0xFFFFFFFF  }
0xb5: {  	_ =	strace $0x9000004B  }
0xb6: {  	_ =	sfence  }
0xb7: {  	s30 =	sld [smem:$0x0];
	_ =	sdelay $0x2  }
0xb8: {  	s31 =	sshll.u32 s1, $0xD;
	s1 =	sshrl.u32 s1, $0x2  }
0xb9: {  	s3 =	sand.u32 $0x4000, s31;
	s1 =	sadd.s32 s1, s30  }
0xba: {  	s0 =	sor.u32 s3, s0;
	s1 =	sshll.u32 s1, $0x11  }
0xbb: {  	s0 =	sor.u32 s1, s0  }
0xbc: {  	s0 =	sadd.s32 $0x8F2B, s0  }
0xbd: {  	[sflag:s0] =	ssyncadd.remote.s32 $0x1  }
0xbe: {  	_ =	sfence.sel $0xFFFF  }
0xbf: {  	[dreg:$0x0] =	wrdreg $0xFFFFFFFF;
	(pc) =	sbr.abs _section_cstart, $3  }
0xc0: {  	[dreg:$0x1] =	wrdreg $0xFFFFFFFF  }
0xc1: {  	_ =	task.clear_ibuf [dreg:s7], $0x2FFFF;
	_ =	strace $0x9FFFFFFF  }
0xc2: {  	(tm) =	ssettm $0x7FFFFFFF  }
0xc3: {  	_ =	shalt  }
tec
execute0_lowered:
.L_overlay_start_1:
0x0: {  	(tag) =	ssettag $0x1  }
0x1: {  	s0 =	rddreg [dreg:$0x0]  }
0x2: {  	s2 =	simm.s32 $0x0;
	s3 =	srdreg.scid;
	s8 =	stileid.u32  }
0x3: {  	[smem:$0x7FF] =	sst s2;
	s3 =	sand.u32 $0x1, s3;
	s4 =	sadd.s32 $0x1E00, s0  }
0x4: {  	s5 =	sadd.s32 $0x29000, s0;
	s6 =	sadd.s32 $0x32E00, s0;
	s9 =	sadd.s32 $0x50800, s0  }
0x5: {  	s10 =	sadd.s32 $0x532800, s0;
	s7 =	sshll.u32 s3, $0x4;
	s3 =	ssub.s32 $0x2, s3  }
0x6: {  	s11 =	sor.u32 s8, s7;
	s7 =	sadd.s32 $0x46A00, s0;
	s13 =	sshrl.u32 s3, $0x1  }
0x7: {  	s8 =	sadd.s32 $0x3CC00, s0;
	s12 =	smul.u32 $0x2710, s11;
	s0 =	ssub.s32 s3, s13  }
0x8: {  	s1 =	rddreg [dreg:$0x1];
	_ =	strace $0x8000004A;
	s0 =	smax.u32 s0, $0x1  }
0x9: {  	s20 =	sshrl.u32 s12, $0x3;
	s23 =	sadd.s32 $0x50, s12;
	[dreg:$0x18] =	wrdreg s0  }
0xa: {  	s30 =	simm.s32 $0x4;
	s21 =	sadd.s32 s5, s20;
	[dreg:$0x5] =	wrdreg s23  }
0xb: {  	s31 =	simm.s32 $0x1;
	s22 =	sadd.s32 s6, s20;
	[dreg:$0x3] =	wrdreg s21  }
0xc: {  	s15 =	smul.u32 $0x27100, s11;
	s14 =	sadd.s32 s7, s20;
	[dreg:$0x4] =	wrdreg s22  }
0xd: {  	s16 =	smul.u32 $0x138800, s11;
	s3 =	sadd.s32 s8, s20;
	[dreg:$0x6] =	wrdreg s14  }
0xe: {  	s24 =	sshrl.u32 s23, $0x3;
	s23 =	sadd.s32 $0xF0, s12;
	[dreg:$0x7] =	wrdreg s3  }
0xf: {  	s26 =	sadd.s32 $0xA0, s12;
	s13 =	sadd.s32 s5, s24;
	[dreg:$0x12] =	wrdreg s23  }
0x10: {  	s0 =	simm.s32 $0x14400;
	s25 =	sadd.s32 s6, s24;
	[dreg:$0x8] =	wrdreg s13  }
0x11: {  	s29 =	smov.u32 s26;
	s28 =	sadd.s32 s7, s24;
	[dreg:$0x9] =	wrdreg s25  }
0x12: {  	s3 =	sadd.s32 s8, s24;
	s21 =	sadd.s32 s9, s15;
	[dreg:$0xa] =	wrdreg s28  }
0x13: {  	s22 =	sadd.s32 s10, s15;
	s24 =	sadd.s32 $0x140, s12;
	[dreg:$0xb] =	wrdreg s3  }
0x14: {  	s12 =	simm.s32 $0x80;
	s14 =	simm.s32 $0x100;
	[dreg:$0x10] =	wrdreg s21  }
0x15: {  	s15 =	simm.s32 $0x180;
	s13 =	sshrl.u32 s26, $0x3;
	[dreg:$0x11] =	wrdreg s22  }
0x16: {  	s23 =	simm.s32 $0x200;
	[dreg:$0x13] =	wrdreg s24;
	s17 =	sadd.s32 s5, s13  }
0x17: {  	s3 =	sshrl.u32 s16, $0x3;
	s18 =	sadd.s32 s6, s13;
	[dreg:$0xc] =	wrdreg s17  }
0x18: {  	s16 =	simm.s32 $0x3;
	s19 =	sadd.s32 s7, s13;
	[dreg:$0xd] =	wrdreg s18  }
0x19: {  	s20 =	sadd.s32 s8, s13;
	s25 =	sadd.s32 $0x26700, s3;
	[dreg:$0xe] =	wrdreg s19  }
0x1a: {  	s24 =	simm.s32 $0x280;
	[dreg:$0xf] =	wrdreg s20;
	s26 =	sadd.s32 s9, s25  }
0x1b: {  	s3 =	sadd.s32 $0x26C00, s3;
	s11 =	sadd.s32 s10, s25;
	[dreg:$0x14] =	wrdreg s26  }
0x1c: {  	s28 =	sadd.s32 s9, s3;
	s3 =	sadd.s32 s10, s3;
	[dreg:$0x15] =	wrdreg s11  }
0x1d: {  	s17 =	simm.s32 $0x50;
	s25 =	simm.s32 $0x300;
	[dreg:$0x16] =	wrdreg s28  }
0x1e: {  	s19 =	simm.s32 $0x5;
	s18 =	simm.s32 $0x0;
	[dreg:$0x17] =	wrdreg s3  }
0x1f: {  	s26 =	simm.s32 $0x380;
	s3 =	simm.s32 $0x16C00;
	s11 =	simm.s32 $0x2  }
.LBB2_1:
0x20: {  	[dreg:$0x19] =	wrdreg s18  }
0x21: {  	s13 =	rddreg [dreg:$0x3]  }
0x22: {  	[tilespmem:s2], [sflag:$0x3] =	stream.linear.gather [hbm4b:s13+s2], $0x50, $0x38;
	[tilespmem:$0x19400] =	vst v63  }
0x23: {  	s20 =	rddreg [dreg:$0x4]  }
0x24: {  	[tilespmem:s12], [sflag:$0x3] =	stream.linear.gather [hbm4b:s20+s2], $0x50, $0x38;
	[tilespmem:$0x19400] =	vst v63  }
0x25: {  	s21 =	rddreg [dreg:$0x6]  }
0x26: {  	[tilespmem:s14], [sflag:$0x3] =	stream.linear.gather [hbm4b:s21+s2], $0x50, $0x38;
	[tilespmem:$0x19400] =	vst v63  }
0x27: {  	s22 =	rddreg [dreg:$0x7]  }
0x28: {  	[tilespmem:s15], [sflag:$0x3] =	stream.linear.gather [hbm4b:s22+s2], $0x50, $0x38;
	[tilespmem:$0x19400] =	vst v63  }
0x29: {  	_ =	swait.ge [sflag:s16], $0x50  }
0x2a: {  	[sflag:s16] =	ssyncset.done $0x0  }
0x2b: {  	[sflag:s16] =	ssyncadd.s32 $0xFFFFFFB0  }
0x2c: {  	_ =	swait.ge [sflag:s16], $0x50  }
0x2d: {  	[sflag:s16] =	ssyncset.done $0x0  }
0x2e: {  	[sflag:s16] =	ssyncadd.s32 $0xFFFFFFB0  }
0x2f: {  	_ =	swait.ge [sflag:s16], $0x50  }
0x30: {  	[sflag:s16] =	ssyncset.done $0x0  }
0x31: {  	[sflag:s16] =	ssyncadd.s32 $0xFFFFFFB0  }
0x32: {  	_ =	swait.ge [sflag:s16], $0x50  }
0x33: {  	[sflag:s16] =	ssyncset.done $0x0  }
0x34: {  	s28 =	simm.s32 $0x400;
	[sflag:s16] =	ssyncadd.s32 $0xFFFFFFB0  }
0x35: {  	[tilespmem:s28], [sflag:$0x1] =	stream.indirect.gather [hbm4b:s4+s17], $0x80, s2, s17, $0xb8;
	[tilespmem:$0x19400] =	vst v63  }
0x36: {  	s18 =	simm.s32 $0x2C00  }
0x37: {  	[tilespmem:s18], [sflag:$0x1] =	stream.indirect.gather [hbm4b:s4+s17], $0x80, s12, s17, $0xb8;
	[tilespmem:$0x19400] =	vst v63  }
0x38: {  	s20 =	simm.s32 $0x5400  }
0x39: {  	[tilespmem:s20], [sflag:$0x1] =	stream.indirect.gather [hbm4b:s1+s17], $0x80, s14, s17, $0xb8;
	[tilespmem:$0x19400] =	vst v63  }
0x3a: {  	s21 =	simm.s32 $0x7C00  }
0x3b: {  	[tilespmem:s21], [sflag:$0x1] =	stream.indirect.gather [hbm4b:s1+s17], $0x80, s15, s17, $0xb8;
	[tilespmem:$0x19400] =	vst v63  }
0x3c: {  	s22 =	rddreg [dreg:$0x8]  }
0x3d: {  	[tilespmem:s23], [sflag:$0x4] =	stream.linear.gather [hbm4b:s22+s2], $0x50, $0x38;
	[tilespmem:$0x19400] =	vst v63  }
0x3e: {  	s28 =	rddreg [dreg:$0x9]  }
0x3f: {  	[tilespmem:s24], [sflag:$0x4] =	stream.linear.gather [hbm4b:s28+s2], $0x50, $0x38;
	[tilespmem:$0x19400] =	vst v63  }
0x40: {  	s18 =	rddreg [dreg:$0xa]  }
0x41: {  	[tilespmem:s25], [sflag:$0x4] =	stream.linear.gather [hbm4b:s18+s2], $0x50, $0x38;
	[tilespmem:$0x19400] =	vst v63  }
0x42: {  	s20 =	rddreg [dreg:$0xb]  }
0x43: {  	[tilespmem:s26], [sflag:$0x4] =	stream.linear.gather [hbm4b:s20+s2], $0x50, $0x38;
	[tilespmem:$0x19400] =	vst v63  }
0x44: {  	_ =	swait.ge [sflag:s30], $0x50  }
0x45: {  	[sflag:s30] =	ssyncset.done $0x0  }
0x46: {  	[sflag:s30] =	ssyncadd.s32 $0xFFFFFFB0  }
0x47: {  	_ =	swait.ge [sflag:s30], $0x50  }
0x48: {  	[sflag:s30] =	ssyncset.done $0x0  }
0x49: {  	[sflag:s30] =	ssyncadd.s32 $0xFFFFFFB0  }
0x4a: {  	_ =	swait.ge [sflag:s30], $0x50  }
0x4b: {  	[sflag:s30] =	ssyncset.done $0x0  }
0x4c: {  	[sflag:s30] =	ssyncadd.s32 $0xFFFFFFB0  }
0x4d: {  	_ =	swait.ge [sflag:s30], $0x50  }
0x4e: {  	[sflag:s30] =	ssyncset.done $0x0  }
0x4f: {  	s21 =	simm.s32 $0xA400;
	[sflag:s30] =	ssyncadd.s32 $0xFFFFFFB0  }
0x50: {  	[tilespmem:s21], [sflag:$0x2] =	stream.indirect.gather [hbm4b:s4+s17], $0x80, s23, s17, $0xb8;
	[tilespmem:$0x19400] =	vst v63  }
0x51: {  	s22 =	simm.s32 $0xCC00  }
0x52: {  	[tilespmem:s22], [sflag:$0x2] =	stream.indirect.gather [hbm4b:s4+s17], $0x80, s24, s17, $0xb8;
	[tilespmem:$0x19400] =	vst v63  }
0x53: {  	s28 =	simm.s32 $0xF400  }
0x54: {  	[tilespmem:s28], [sflag:$0x2] =	stream.indirect.gather [hbm4b:s1+s17], $0x80, s25, s17, $0xb8;
	[tilespmem:$0x19400] =	vst v63  }
0x55: {  	s18 =	simm.s32 $0x11C00  }
0x56: {  	[tilespmem:s18], [sflag:$0x2] =	stream.indirect.gather [hbm4b:s1+s17], $0x80, s26, s17, $0xb8;
	[tilespmem:$0x19400] =	vst v63  }
0x57: {  	_ =	swait.ge [sflag:s31], $0x2800  }
0x58: {  	[sflag:s31] =	ssyncset.done $0x0  }
0x59: {  	[sflag:s31] =	ssyncadd.s32 $0xFFFFD800  }
0x5a: {  	_ =	swait.ge [sflag:s31], $0x2800  }
0x5b: {  	[sflag:s31] =	ssyncset.done $0x0  }
0x5c: {  	[sflag:s31] =	ssyncadd.s32 $0xFFFFD800  }
0x5d: {  	_ =	swait.ge [sflag:s31], $0x2800  }
0x5e: {  	[sflag:s31] =	ssyncset.done $0x0  }
0x5f: {  	[sflag:s31] =	ssyncadd.s32 $0xFFFFD800  }
0x60: {  	_ =	swait.ge [sflag:s31], $0x2800  }
0x61: {  	[sflag:s31] =	ssyncset.done $0x0  }
0x62: {  	s20 =	rddreg [dreg:$0xc];
	[sflag:s31] =	ssyncadd.s32 $0xFFFFD800  }
0x63: {  	[tilespmem:s2], [sflag:$0x3] =	stream.linear.gather [hbm4b:s20+s2], $0x50, $0x38;
	[tilespmem:$0x19400] =	vst v63  }
0x64: {  	s21 =	rddreg [dreg:$0xd]  }
0x65: {  	[tilespmem:s12], [sflag:$0x3] =	stream.linear.gather [hbm4b:s21+s2], $0x50, $0x38;
	[tilespmem:$0x19400] =	vst v63  }
0x66: {  	s22 =	rddreg [dreg:$0xe]  }
0x67: {  	[tilespmem:s14], [sflag:$0x3] =	stream.linear.gather [hbm4b:s22+s2], $0x50, $0x38;
	[tilespmem:$0x19400] =	vst v63  }
0x68: {  	s28 =	rddreg [dreg:$0xf];
	s20 =	simm.s32 $0x0  }
0x69: {  	[tilespmem:s15], [sflag:$0x3] =	stream.linear.gather [hbm4b:s28+s2], $0x50, $0x38;
	[tilespmem:$0x19400] =	vst v63  }
0x6a: {  	v0 =	vld [tilespmem:s20+$0x5470]  }
0x6b: {  	v1 =	vld [tilespmem:s20+$0x7C70]  }
0x6c: {  	v2 =	vld [tilespmem:s20+$0x400]  }
0x6d: {  	v3 =	vld [tilespmem:s20+$0x2C00]  }
0x6e: {  	v4 =	vld [tilespmem:s20+$0x5400]  }
0x6f: {  	v5 =	vld [tilespmem:s20+$0x7C00]  }
0x70: {  	v6 =	vld [tilespmem:s20+$0x410]  }
0x71: {  	v7 =	vld [tilespmem:s20+$0x5410]  }
0x72: {  	v0 =	vmul.f32 v1, v0;
	v1 =	vld [tilespmem:s20+$0x2C10]  }
0x73: {  	v2 =	vmul.f32 v3, v2;
	v3 =	vld [tilespmem:s20+$0x420]  }
0x74: {  	[tilespmem:s20+$0x16C70] =	vst v0;
	v0 =	vld [tilespmem:s20+$0x7C10]  }
0x75: {  	[tilespmem:s20+$0x14400] =	vst v2;
	v2 =	vmul.f32 v5, v4;
	v4 =	vld [tilespmem:s20+$0x2C20]  }
0x76: {  	v5 =	vld [tilespmem:s20+$0x7C20]  }
0x77: {  	[tilespmem:s20+$0x16C00] =	vst v2;
	v2 =	vld [tilespmem:s20+$0x5420];
	v1 =	vmul.f32 v1, v6  }
0x78: {  	v6 =	vld [tilespmem:s20+$0x2C30]  }
0x79: {  	[tilespmem:s20+$0x14410] =	vst v1;
	v0 =	vmul.f32 v0, v7;
	v1 =	vld [tilespmem:s20+$0x430]  }
0x7a: {  	v7 =	vld [tilespmem:s20+$0x7C50]  }
0x7b: {  	[tilespmem:s20+$0x16C10] =	vst v0;
	v0 =	vmul.f32 v4, v3;
	v3 =	vld [tilespmem:s20+$0x5430]  }
0x7c: {  	v4 =	vld [tilespmem:s20+$0x7C30]  }
0x7d: {  	[tilespmem:s20+$0x14420] =	vst v0;
	v0 =	vmul.f32 v5, v2;
	v2 =	vld [tilespmem:s20+$0x440]  }
0x7e: {  	v5 =	vld [tilespmem:s20+$0x2C40]  }
0x7f: {  	[tilespmem:s20+$0x16C20] =	vst v0;
	v0 =	vmul.f32 v6, v1;
	v1 =	vld [tilespmem:s20+$0x5440]  }
0x80: {  	v6 =	vld [tilespmem:s20+$0x7C40]  }
0x81: {  	[tilespmem:s20+$0x14430] =	vst v0;
	v0 =	vmul.f32 v4, v3;
	v3 =	vld [tilespmem:s20+$0x450]  }
0x82: {  	v4 =	vld [tilespmem:s20+$0x2C50]  }
0x83: {  	[tilespmem:s20+$0x16C30] =	vst v0;
	v0 =	vmul.f32 v5, v2;
	v5 =	vld [tilespmem:s20+$0x5450]  }
0x84: {  	v8 =	vld [tilespmem:s20+$0x2C60]  }
0x85: {  	[tilespmem:s20+$0x14440] =	vst v0;
	v0 =	vmul.f32 v6, v1;
	v6 =	vld [tilespmem:s20+$0x460]  }
0x86: {  	v2 =	vld [tilespmem:s20+$0x5460]  }
0x87: {  	[tilespmem:s20+$0x16C40] =	vst v0;
	v0 =	vmul.f32 v4, v3;
	v3 =	vld [tilespmem:s20+$0x7C60]  }
0x88: {  	v4 =	vld [tilespmem:s20+$0x2C70];
	v5 =	vmul.f32 v7, v5  }
0x89: {  	s18 =	simm.s32 $0x80;
	[tilespmem:s20+$0x14450] =	vst v0;
	v0 =	vld [tilespmem:s20+$0x470]  }
0x8a: {  	s13 =	simm.s32 $0x400;
	v1 =	vld [tilespmem:s18+$0x5470];
	[tilespmem:s20+$0x16C50] =	vst v5;
	v5 =	vmul.f32 v8, v6  }
.LBB2_2:
0x8b: {  	p0 =	sne.s32 s13, $0x9E00;
	v6 =	vld [tilespmem:s18+$0x7C70]  }
0x8c: {  	v7 =	vld [tilespmem:s18+$0x400];
	[tilespmem:s20+$0x14460] =	vst v5;
	v2 =	vmul.f32 v3, v2  }
0x8d: {  	v3 =	vld [tilespmem:s18+$0x2C00]  }
0x8e: {  	v5 =	vld [tilespmem:s18+$0x5400];
	[tilespmem:s20+$0x16C60] =	vst v2;
	v0 =	vmul.f32 v4, v0  }
0x8f: {  	v2 =	vld [tilespmem:s18+$0x7C00]  }
0x90: {  	v4 =	vld [tilespmem:s18+$0x410];
	v1 =	vmul.f32 v6, v1;
	[tilespmem:s20+$0x14470] =	vst v0;
	s20 =	smov.u32 s18  }
0x91: {  	v0 =	vld [tilespmem:s20+$0x2C10]  }
0x92: {  	v3 =	vmul.f32 v3, v7;
	v6 =	vld [tilespmem:s20+$0x5410];
	[tilespmem:s20+$0x16C70] =	vst v1  }
0x93: {  	v1 =	vld [tilespmem:s20+$0x7C10]  }
0x94: {  	[tilespmem:s20+$0x14400] =	vst v3;
	v2 =	vmul.f32 v2, v5;
	v3 =	vld [tilespmem:s20+$0x420]  }
0x95: {  	v5 =	vld [tilespmem:s20+$0x2C20]  }
0x96: {  	[tilespmem:s20+$0x16C00] =	vst v2;
	v0 =	vmul.f32 v0, v4;
	v2 =	vld [tilespmem:s20+$0x5420]  }
0x97: {  	v4 =	vld [tilespmem:s20+$0x7C20]  }
0x98: {  	[tilespmem:s20+$0x14410] =	vst v0;
	v0 =	vmul.f32 v1, v6;
	v1 =	vld [tilespmem:s20+$0x430]  }
0x99: {  	v6 =	vld [tilespmem:s20+$0x2C30]  }
0x9a: {  	[tilespmem:s20+$0x16C10] =	vst v0;
	v0 =	vmul.f32 v5, v3;
	v3 =	vld [tilespmem:s20+$0x5430]  }
0x9b: {  	v5 =	vld [tilespmem:s20+$0x7C30]  }
0x9c: {  	[tilespmem:s20+$0x14420] =	vst v0;
	v0 =	vmul.f32 v4, v2;
	v2 =	vld [tilespmem:s20+$0x440]  }
0x9d: {  	v4 =	vld [tilespmem:s20+$0x2C40]  }
0x9e: {  	[tilespmem:s20+$0x16C20] =	vst v0;
	v0 =	vmul.f32 v6, v1;
	v1 =	vld [tilespmem:s20+$0x5440]  }
0x9f: {  	v6 =	vld [tilespmem:s20+$0x7C40]  }
0xa0: {  	[tilespmem:s20+$0x14430] =	vst v0;
	v0 =	vmul.f32 v5, v3;
	v3 =	vld [tilespmem:s20+$0x450]  }
0xa1: {  	v5 =	vld [tilespmem:s20+$0x2C50]  }
0xa2: {  	[tilespmem:s20+$0x16C30] =	vst v0;
	v0 =	vmul.f32 v4, v2;
	v4 =	vld [tilespmem:s20+$0x5450]  }
0xa3: {  	v7 =	vld [tilespmem:s20+$0x7C50]  }
0xa4: {  	[tilespmem:s20+$0x14440] =	vst v0;
	v0 =	vmul.f32 v6, v1;
	v6 =	vld [tilespmem:s20+$0x460]  }
0xa5: {  	v8 =	vld [tilespmem:s20+$0x2C60]  }
.Ltmp0:
0xa6: {  	[tilespmem:s20+$0x16C40] =	vst v0;
	v0 =	vmul.f32 v5, v3;
	v2 =	vld [tilespmem:s20+$0x5460];
	(pc) =	sbr.rel @p0 .LBB2_2-.Ltmp0, $4  }
0xa7: {  	v3 =	vld [tilespmem:s20+$0x7C60]  }
0xa8: {  	[tilespmem:s20+$0x14450] =	vst v0;
	v5 =	vmul.f32 v7, v4;
	v0 =	vld [tilespmem:s20+$0x470]  }
0xa9: {  	s18 =	sshra.s32 s13, $0x2;
	v4 =	vld [tilespmem:s20+$0x2C70]  }
0xaa: {  	s13 =	sadd.s32 $0x200, s13;
	v1 =	vld [tilespmem:s18+$0x5470];
	[tilespmem:s20+$0x16C50] =	vst v5;
	v5 =	vmul.f32 v8, v6  }
0xab: {  	v6 =	vld [tilespmem:s18+$0x7C70]  }
0xac: {  	v7 =	vld [tilespmem:s18+$0x400];
	[tilespmem:s20+$0x14460] =	vst v5;
	v2 =	vmul.f32 v3, v2  }
0xad: {  	v28 =	vld [tilespmem:s18+$0x2C00]  }
0xae: {  	v5 =	vld [tilespmem:s18+$0x5400];
	[tilespmem:s20+$0x16C60] =	vst v2;
	v0 =	vmul.f32 v4, v0  }
0xaf: {  	v2 =	vld [tilespmem:s18+$0x7C00]  }
0xb0: {  	v29 =	vld [tilespmem:s18+$0x410];
	[tilespmem:s20+$0x14470] =	vst v0  }
0xb1: {  	v31 =	vld [tilespmem:s18+$0x2C10]  }
0xb2: {  	v32 =	vld [tilespmem:s18+$0x5410]  }
0xb3: {  	v33 =	vld [tilespmem:s18+$0x7C10]  }
0xb4: {  	v34 =	vld [tilespmem:s18+$0x420]  }
0xb5: {  	v35 =	vld [tilespmem:s18+$0x2C20]  }
0xb6: {  	v36 =	vld [tilespmem:s18+$0x5420]  }
0xb7: {  	v37 =	vld [tilespmem:s18+$0x7C20]  }
0xb8: {  	v38 =	vld [tilespmem:s18+$0x430]  }
0xb9: {  	v39 =	vld [tilespmem:s18+$0x2C30]  }
0xba: {  	v41 =	vld [tilespmem:s18+$0x5430]  }
0xbb: {  	v42 =	vld [tilespmem:s18+$0x7C30]  }
0xbc: {  	v44 =	vld [tilespmem:s18+$0x440]  }
0xbd: {  	v45 =	vld [tilespmem:s18+$0x2C40]  }
0xbe: {  	v47 =	vld [tilespmem:s18+$0x5440]  }
0xbf: {  	v30 =	vmul.f32 v6, v1;
	v48 =	vld [tilespmem:s18+$0x7C40]  }
0xc0: {  	v50 =	vld [tilespmem:s18+$0x450];
	v3 =	vmul.f32 v28, v7  }
0xc1: {  	v51 =	vld [tilespmem:s18+$0x2C50];
	[tilespmem:s18+$0x16C70] =	vst v30;
	v2 =	vmul.f32 v2, v5  }
0xc2: {  	v53 =	vld [tilespmem:s18+$0x5450];
	[tilespmem:s18+$0x14400] =	vst v3;
	v1 =	vmul.f32 v31, v29  }
0xc3: {  	v54 =	vld [tilespmem:s18+$0x7C50];
	[tilespmem:s18+$0x16C00] =	vst v2;
	v0 =	vmul.f32 v33, v32  }
0xc4: {  	v56 =	vld [tilespmem:s18+$0x460];
	v40 =	vmul.f32 v35, v34;
	[tilespmem:s18+$0x14410] =	vst v1  }
0xc5: {  	v57 =	vld [tilespmem:s18+$0x2C60];
	v43 =	vmul.f32 v37, v36;
	[tilespmem:s18+$0x16C10] =	vst v0  }
0xc6: {  	v59 =	vld [tilespmem:s18+$0x5460];
	v46 =	vmul.f32 v39, v38;
	[tilespmem:s18+$0x14420] =	vst v40  }
0xc7: {  	v60 =	vld [tilespmem:s18+$0x7C60];
	v49 =	vmul.f32 v42, v41;
	[tilespmem:s18+$0x16C20] =	vst v43  }
0xc8: {  	v61 =	vld [tilespmem:s18+$0x470];
	v52 =	vmul.f32 v45, v44;
	[tilespmem:s18+$0x14430] =	vst v46  }
0xc9: {  	v62 =	vld [tilespmem:s18+$0x2C70];
	v55 =	vmul.f32 v48, v47;
	[tilespmem:s18+$0x16C30] =	vst v49  }
0xca: {  	v58 =	vmul.f32 v51, v50;
	[tilespmem:s18+$0x14440] =	vst v52  }
0xcb: {  	v2 =	vmul.f32 v54, v53;
	[tilespmem:s18+$0x16C40] =	vst v55  }
0xcc: {  	v63 =	vmul.f32 v60, v59;
	[tilespmem:s18+$0x14450] =	vst v58  }
0xcd: {  	v1 =	vmul.f32 v57, v56;
	[tilespmem:s18+$0x16C50] =	vst v2  }
0xce: {  	v0 =	vmul.f32 v62, v61;
	[tilespmem:s18+$0x16C60] =	vst v63  }
0xcf: {  	[tilespmem:s18+$0x14460] =	vst v1  }
0xd0: {  	s13 =	rddreg [dreg:$0x10];
	s20 =	simm.s32 $0x0;
	[tilespmem:s18+$0x14470] =	vst v0  }
0xd1: {  	[hbm4b:s13+s20] =	stream.linear.scatter [tilespmem:s0], [sflag:$0x5], $0x2800, $0x38;
	[tilespmem:$0x19400] =	vst v63  }
0xd2: {  	s28 =	rddreg [dreg:$0x11]  }
0xd3: {  	[hbm4b:s28+s20] =	stream.linear.scatter [tilespmem:s3], [sflag:$0x5], $0x2800, $0x38;
	[tilespmem:$0x19400] =	vst v63  }
0xd4: {  	_ =	swait.ge [sflag:s16], $0x50  }
0xd5: {  	[sflag:s16] =	ssyncset.done $0x0  }
0xd6: {  	[sflag:s16] =	ssyncadd.s32 $0xFFFFFFB0  }
0xd7: {  	_ =	swait.ge [sflag:s16], $0x50  }
0xd8: {  	[sflag:s16] =	ssyncset.done $0x0  }
0xd9: {  	[sflag:s16] =	ssyncadd.s32 $0xFFFFFFB0  }
0xda: {  	_ =	swait.ge [sflag:s16], $0x50  }
0xdb: {  	[sflag:s16] =	ssyncset.done $0x0  }
0xdc: {  	[sflag:s16] =	ssyncadd.s32 $0xFFFFFFB0  }
0xdd: {  	_ =	swait.ge [sflag:s16], $0x50  }
0xde: {  	[sflag:s16] =	ssyncset.done $0x0  }
0xdf: {  	s18 =	simm.s32 $0x400;
	[sflag:s16] =	ssyncadd.s32 $0xFFFFFFB0  }
0xe0: {  	[tilespmem:s18], [sflag:$0x1] =	stream.indirect.gather [hbm4b:s4+s17], $0x80, s20, s17, $0xb8;
	[tilespmem:$0x19400] =	vst v63  }
0xe1: {  	s21 =	simm.s32 $0x2C00  }
0xe2: {  	[tilespmem:s21], [sflag:$0x1] =	stream.indirect.gather [hbm4b:s4+s17], $0x80, s12, s17, $0xb8;
	[tilespmem:$0x19400] =	vst v63  }
0xe3: {  	s22 =	simm.s32 $0x5400  }
0xe4: {  	[tilespmem:s22], [sflag:$0x1] =	stream.indirect.gather [hbm4b:s1+s17], $0x80, s14, s17, $0xb8;
	[tilespmem:$0x19400] =	vst v63  }
0xe5: {  	s28 =	simm.s32 $0x7C00;
	s21 =	simm.s32 $0x0  }
0xe6: {  	[tilespmem:s28], [sflag:$0x1] =	stream.indirect.gather [hbm4b:s1+s17], $0x80, s15, s17, $0xb8;
	[tilespmem:$0x19400] =	vst v63  }
.LBB2_4:
0xe7: {  	_ =	swait.ge [sflag:s11], $0x2800  }
0xe8: {  	[sflag:s11] =	ssyncset.done $0x0  }
0xe9: {  	[sflag:s11] =	ssyncadd.s32 $0xFFFFD800  }
0xea: {  	_ =	swait.ge [sflag:s11], $0x2800  }
0xeb: {  	[sflag:s11] =	ssyncset.done $0x0  }
0xec: {  	[sflag:s11] =	ssyncadd.s32 $0xFFFFD800  }
0xed: {  	_ =	swait.ge [sflag:s11], $0x2800  }
0xee: {  	[sflag:s11] =	ssyncset.done $0x0  }
0xef: {  	[sflag:s11] =	ssyncadd.s32 $0xFFFFD800  }
0xf0: {  	s22 =	smul.u32 $0xA0, s21;
	_ =	swait.ge [sflag:s11], $0x2800  }
0xf1: {  	s13 =	rddreg [dreg:$0x12]  }
0xf2: {  	s13 =	sadd.s32 s22, s13  }
0xf3: {  	[sflag:s11] =	ssyncset.done $0x0;
	s13 =	sshrl.u32 s13, $0x3  }
0xf4: {  	[sflag:s11] =	ssyncadd.s32 $0xFFFFD800;
	s18 =	sadd.s32 s5, s13  }
0xf5: {  	[tilespmem:s23], [sflag:$0x4] =	stream.linear.gather [hbm4b:s18+s20], $0x50, $0x38;
	[tilespmem:$0x19400] =	vst v63  }
0xf6: {  	s18 =	sadd.s32 s6, s13  }
0xf7: {  	[tilespmem:s24], [sflag:$0x4] =	stream.linear.gather [hbm4b:s18+s20], $0x50, $0x38;
	[tilespmem:$0x19400] =	vst v63  }
0xf8: {  	s18 =	sadd.s32 s7, s13  }
0xf9: {  	[tilespmem:s25], [sflag:$0x4] =	stream.linear.gather [hbm4b:s18+s20], $0x50, $0x38;
	[tilespmem:$0x19400] =	vst v63  }
0xfa: {  	s13 =	sadd.s32 s8, s13  }
0xfb: {  	[tilespmem:s26], [sflag:$0x4] =	stream.linear.gather [hbm4b:s13+s20], $0x50, $0x38;
	[tilespmem:$0x19400] =	vst v63  }
0xfc: {  	_ =	swait.ge [sflag:s19], $0x2800  }
0xfd: {  	[sflag:s19] =	ssyncset.done $0x0  }
0xfe: {  	[sflag:s19] =	ssyncadd.s32 $0xFFFFD800  }
0xff: {  	_ =	swait.ge [sflag:s19], $0x2800  }
0x100: {  	[sflag:s19] =	ssyncset.done $0x0  }
0x101: {  	s13 =	simm.s32 $0x0;
	[sflag:s19] =	ssyncadd.s32 $0xFFFFD800  }
0x102: {  	v0 =	vld [tilespmem:s13+$0xF470]  }
0x103: {  	v1 =	vld [tilespmem:s13+$0x11C70]  }
0x104: {  	v2 =	vld [tilespmem:s13+$0xA400]  }
0x105: {  	v3 =	vld [tilespmem:s13+$0xCC00]  }
0x106: {  	v4 =	vld [tilespmem:s13+$0xF400]  }
0x107: {  	v5 =	vld [tilespmem:s13+$0x11C00]  }
0x108: {  	v6 =	vld [tilespmem:s13+$0xA410]  }
0x109: {  	v7 =	vld [tilespmem:s13+$0xF410]  }
0x10a: {  	v0 =	vmul.f32 v1, v0;
	v1 =	vld [tilespmem:s13+$0xCC10]  }
0x10b: {  	v2 =	vmul.f32 v3, v2;
	v3 =	vld [tilespmem:s13+$0xA420]  }
0x10c: {  	[tilespmem:s13+$0x16C70] =	vst v0;
	v0 =	vld [tilespmem:s13+$0x11C10]  }
0x10d: {  	[tilespmem:s13+$0x14400] =	vst v2;
	v2 =	vmul.f32 v5, v4;
	v4 =	vld [tilespmem:s13+$0xCC20]  }
0x10e: {  	v5 =	vld [tilespmem:s13+$0x11C20]  }
0x10f: {  	[tilespmem:s13+$0x16C00] =	vst v2;
	v2 =	vld [tilespmem:s13+$0xF420];
	v1 =	vmul.f32 v1, v6  }
0x110: {  	v6 =	vld [tilespmem:s13+$0xCC30]  }
0x111: {  	[tilespmem:s13+$0x14410] =	vst v1;
	v0 =	vmul.f32 v0, v7;
	v1 =	vld [tilespmem:s13+$0xA430]  }
0x112: {  	v7 =	vld [tilespmem:s13+$0x11C50]  }
0x113: {  	[tilespmem:s13+$0x16C10] =	vst v0;
	v0 =	vmul.f32 v4, v3;
	v3 =	vld [tilespmem:s13+$0xF430]  }
0x114: {  	v4 =	vld [tilespmem:s13+$0x11C30]  }
0x115: {  	[tilespmem:s13+$0x14420] =	vst v0;
	v0 =	vmul.f32 v5, v2;
	v2 =	vld [tilespmem:s13+$0xA440]  }
0x116: {  	v5 =	vld [tilespmem:s13+$0xCC40]  }
0x117: {  	[tilespmem:s13+$0x16C20] =	vst v0;
	v0 =	vmul.f32 v6, v1;
	v1 =	vld [tilespmem:s13+$0xF440]  }
0x118: {  	v6 =	vld [tilespmem:s13+$0x11C40]  }
0x119: {  	[tilespmem:s13+$0x14430] =	vst v0;
	v0 =	vmul.f32 v4, v3;
	v3 =	vld [tilespmem:s13+$0xA450]  }
0x11a: {  	v4 =	vld [tilespmem:s13+$0xCC50]  }
0x11b: {  	[tilespmem:s13+$0x16C30] =	vst v0;
	v0 =	vmul.f32 v5, v2;
	v5 =	vld [tilespmem:s13+$0xF450]  }
0x11c: {  	v8 =	vld [tilespmem:s13+$0xCC60]  }
0x11d: {  	[tilespmem:s13+$0x14440] =	vst v0;
	v0 =	vmul.f32 v6, v1;
	v6 =	vld [tilespmem:s13+$0xA460]  }
0x11e: {  	v2 =	vld [tilespmem:s13+$0xF460]  }
0x11f: {  	[tilespmem:s13+$0x16C40] =	vst v0;
	v0 =	vmul.f32 v4, v3;
	v3 =	vld [tilespmem:s13+$0x11C60]  }
0x120: {  	v4 =	vld [tilespmem:s13+$0xCC70];
	v5 =	vmul.f32 v7, v5  }
0x121: {  	s28 =	simm.s32 $0x80;
	[tilespmem:s13+$0x14450] =	vst v0;
	v0 =	vld [tilespmem:s13+$0xA470]  }
0x122: {  	s18 =	simm.s32 $0x400;
	v1 =	vld [tilespmem:s28+$0xF470];
	[tilespmem:s13+$0x16C50] =	vst v5;
	v5 =	vmul.f32 v8, v6  }
.LBB2_5:
0x123: {  	p0 =	sne.s32 s18, $0x9E00;
	v6 =	vld [tilespmem:s28+$0x11C70]  }
0x124: {  	v7 =	vld [tilespmem:s28+$0xA400];
	[tilespmem:s13+$0x14460] =	vst v5;
	v2 =	vmul.f32 v3, v2  }
0x125: {  	v3 =	vld [tilespmem:s28+$0xCC00]  }
0x126: {  	v5 =	vld [tilespmem:s28+$0xF400];
	[tilespmem:s13+$0x16C60] =	vst v2;
	v0 =	vmul.f32 v4, v0  }
0x127: {  	v2 =	vld [tilespmem:s28+$0x11C00]  }
0x128: {  	v4 =	vld [tilespmem:s28+$0xA410];
	v1 =	vmul.f32 v6, v1;
	[tilespmem:s13+$0x14470] =	vst v0;
	s13 =	smov.u32 s28  }
0x129: {  	v0 =	vld [tilespmem:s13+$0xCC10]  }
0x12a: {  	v3 =	vmul.f32 v3, v7;
	v6 =	vld [tilespmem:s13+$0xF410];
	[tilespmem:s13+$0x16C70] =	vst v1  }
0x12b: {  	v1 =	vld [tilespmem:s13+$0x11C10]  }
0x12c: {  	[tilespmem:s13+$0x14400] =	vst v3;
	v2 =	vmul.f32 v2, v5;
	v3 =	vld [tilespmem:s13+$0xA420]  }
0x12d: {  	v5 =	vld [tilespmem:s13+$0xCC20]  }
0x12e: {  	[tilespmem:s13+$0x16C00] =	vst v2;
	v0 =	vmul.f32 v0, v4;
	v2 =	vld [tilespmem:s13+$0xF420]  }
0x12f: {  	v4 =	vld [tilespmem:s13+$0x11C20]  }
0x130: {  	[tilespmem:s13+$0x14410] =	vst v0;
	v0 =	vmul.f32 v1, v6;
	v1 =	vld [tilespmem:s13+$0xA430]  }
0x131: {  	v6 =	vld [tilespmem:s13+$0xCC30]  }
0x132: {  	[tilespmem:s13+$0x16C10] =	vst v0;
	v0 =	vmul.f32 v5, v3;
	v3 =	vld [tilespmem:s13+$0xF430]  }
0x133: {  	v5 =	vld [tilespmem:s13+$0x11C30]  }
0x134: {  	[tilespmem:s13+$0x14420] =	vst v0;
	v0 =	vmul.f32 v4, v2;
	v2 =	vld [tilespmem:s13+$0xA440]  }
0x135: {  	v4 =	vld [tilespmem:s13+$0xCC40]  }
0x136: {  	[tilespmem:s13+$0x16C20] =	vst v0;
	v0 =	vmul.f32 v6, v1;
	v1 =	vld [tilespmem:s13+$0xF440]  }
0x137: {  	v6 =	vld [tilespmem:s13+$0x11C40]  }
0x138: {  	[tilespmem:s13+$0x14430] =	vst v0;
	v0 =	vmul.f32 v5, v3;
	v3 =	vld [tilespmem:s13+$0xA450]  }
0x139: {  	v5 =	vld [tilespmem:s13+$0xCC50]  }
0x13a: {  	[tilespmem:s13+$0x16C30] =	vst v0;
	v0 =	vmul.f32 v4, v2;
	v4 =	vld [tilespmem:s13+$0xF450]  }
0x13b: {  	v7 =	vld [tilespmem:s13+$0x11C50]  }
0x13c: {  	[tilespmem:s13+$0x14440] =	vst v0;
	v0 =	vmul.f32 v6, v1;
	v6 =	vld [tilespmem:s13+$0xA460]  }
0x13d: {  	v8 =	vld [tilespmem:s13+$0xCC60]  }
.Ltmp1:
0x13e: {  	[tilespmem:s13+$0x16C40] =	vst v0;
	v0 =	vmul.f32 v5, v3;
	v2 =	vld [tilespmem:s13+$0xF460];
	(pc) =	sbr.rel @p0 .LBB2_5-.Ltmp1, $4  }
0x13f: {  	v3 =	vld [tilespmem:s13+$0x11C60]  }
0x140: {  	[tilespmem:s13+$0x14450] =	vst v0;
	v5 =	vmul.f32 v7, v4;
	v0 =	vld [tilespmem:s13+$0xA470]  }
0x141: {  	s28 =	sshra.s32 s18, $0x2;
	v4 =	vld [tilespmem:s13+$0xCC70]  }
0x142: {  	s18 =	sadd.s32 $0x200, s18;
	v1 =	vld [tilespmem:s28+$0xF470];
	[tilespmem:s13+$0x16C50] =	vst v5;
	v5 =	vmul.f32 v8, v6  }
0x143: {  	v6 =	vld [tilespmem:s28+$0x11C70]  }
0x144: {  	v7 =	vld [tilespmem:s28+$0xA400];
	[tilespmem:s13+$0x14460] =	vst v5;
	v2 =	vmul.f32 v3, v2  }
0x145: {  	v3 =	vld [tilespmem:s28+$0xCC00]  }
0x146: {  	v5 =	vld [tilespmem:s28+$0xF400];
	[tilespmem:s13+$0x16C60] =	vst v2;
	v0 =	vmul.f32 v4, v0  }
0x147: {  	v2 =	vld [tilespmem:s28+$0x11C00]  }
0x148: {  	v4 =	vld [tilespmem:s28+$0xA410];
	[tilespmem:s13+$0x14470] =	vst v0  }
0x149: {  	v0 =	vmul.f32 v6, v1;
	v1 =	vld [tilespmem:s28+$0xCC10]  }
0x14a: {  	v6 =	vld [tilespmem:s28+$0xF410]  }
0x14b: {  	v3 =	vmul.f32 v3, v7;
	[tilespmem:s28+$0x16C70] =	vst v0;
	v0 =	vld [tilespmem:s28+$0x11C10]  }
0x14c: {  	v7 =	vld [tilespmem:s28+$0xCC70]  }
0x14d: {  	[tilespmem:s28+$0x14400] =	vst v3;
	v2 =	vmul.f32 v2, v5;
	v3 =	vld [tilespmem:s28+$0xA420]  }
0x14e: {  	v5 =	vld [tilespmem:s28+$0xCC20]  }
0x14f: {  	[tilespmem:s28+$0x16C00] =	vst v2;
	v2 =	vld [tilespmem:s28+$0xF420]  }
0x150: {  	v1 =	vmul.f32 v1, v4;
	v4 =	vld [tilespmem:s28+$0x11C20]  }
0x151: {  	v0 =	vmul.f32 v0, v6;
	v6 =	vld [tilespmem:s28+$0xCC30]  }
0x152: {  	[tilespmem:s28+$0x14410] =	vst v1;
	v1 =	vld [tilespmem:s28+$0xA430]  }
0x153: {  	[tilespmem:s28+$0x16C10] =	vst v0;
	v0 =	vmul.f32 v5, v3;
	v3 =	vld [tilespmem:s28+$0xF430]  }
0x154: {  	v5 =	vld [tilespmem:s28+$0x11C30]  }
0x155: {  	[tilespmem:s28+$0x14420] =	vst v0;
	v0 =	vmul.f32 v4, v2;
	v2 =	vld [tilespmem:s28+$0xA440]  }
0x156: {  	v4 =	vld [tilespmem:s28+$0xCC40]  }
0x157: {  	[tilespmem:s28+$0x16C20] =	vst v0;
	v0 =	vmul.f32 v6, v1;
	v1 =	vld [tilespmem:s28+$0xF440]  }
0x158: {  	v6 =	vld [tilespmem:s28+$0x11C40]  }
0x159: {  	[tilespmem:s28+$0x14430] =	vst v0;
	v0 =	vmul.f32 v5, v3;
	v3 =	vld [tilespmem:s28+$0xA450]  }
0x15a: {  	v5 =	vld [tilespmem:s28+$0xCC50]  }
0x15b: {  	[tilespmem:s28+$0x16C30] =	vst v0;
	v0 =	vmul.f32 v4, v2;
	v2 =	vld [tilespmem:s28+$0xF450]  }
0x15c: {  	v4 =	vld [tilespmem:s28+$0x11C50]  }
0x15d: {  	[tilespmem:s28+$0x14440] =	vst v0;
	v0 =	vmul.f32 v6, v1;
	v1 =	vld [tilespmem:s28+$0xA460]  }
0x15e: {  	v6 =	vld [tilespmem:s28+$0xCC60]  }
0x15f: {  	[tilespmem:s28+$0x16C40] =	vst v0;
	v0 =	vmul.f32 v5, v3;
	v3 =	vld [tilespmem:s28+$0xF460]  }
0x160: {  	v5 =	vld [tilespmem:s28+$0x11C60]  }
0x161: {  	[tilespmem:s28+$0x14450] =	vst v0;
	v0 =	vld [tilespmem:s28+$0xA470];
	_ =	sdelay $0x1  }
0x162: {  	v2 =	vmul.f32 v4, v2  }
0x163: {  	v1 =	vmul.f32 v6, v1  }
0x164: {  	s18 =	rddreg [dreg:$0x5];
	[tilespmem:s28+$0x16C50] =	vst v2;
	v2 =	vmul.f32 v5, v3  }
0x165: {  	s13 =	sadd.s32 s22, s18;
	[tilespmem:s28+$0x14460] =	vst v1;
	v0 =	vmul.f32 v7, v0  }
0x166: {  	s13 =	sshll.u32 s13, $0x4;
	[tilespmem:s28+$0x16C60] =	vst v2  }
0x167: {  	s18 =	sadd.s32 s9, s13;
	[tilespmem:s28+$0x14470] =	vst v0;
	s28 =	simm.s32 $0x0  }
0x168: {  	[hbm4b:s18+s28] =	stream.linear.scatter [tilespmem:s0], [sflag:$0x5], $0x2800, $0x38;
	[tilespmem:$0x19400] =	vst v63  }
0x169: {  	s13 =	sadd.s32 s10, s13  }
0x16a: {  	[hbm4b:s13+s28] =	stream.linear.scatter [tilespmem:s3], [sflag:$0x5], $0x2800, $0x38;
	[tilespmem:$0x19400] =	vst v63  }
0x16b: {  	_ =	swait.ge [sflag:s30], $0x50  }
0x16c: {  	[sflag:s30] =	ssyncset.done $0x0  }
0x16d: {  	[sflag:s30] =	ssyncadd.s32 $0xFFFFFFB0  }
0x16e: {  	_ =	swait.ge [sflag:s30], $0x50  }
0x16f: {  	[sflag:s30] =	ssyncset.done $0x0  }
0x170: {  	[sflag:s30] =	ssyncadd.s32 $0xFFFFFFB0  }
0x171: {  	_ =	swait.ge [sflag:s30], $0x50  }
0x172: {  	[sflag:s30] =	ssyncset.done $0x0  }
0x173: {  	[sflag:s30] =	ssyncadd.s32 $0xFFFFFFB0  }
0x174: {  	_ =	swait.ge [sflag:s30], $0x50  }
0x175: {  	[sflag:s30] =	ssyncset.done $0x0  }
0x176: {  	s18 =	simm.s32 $0xA400;
	[sflag:s30] =	ssyncadd.s32 $0xFFFFFFB0  }
0x177: {  	[tilespmem:s18], [sflag:$0x2] =	stream.indirect.gather [hbm4b:s4+s17], $0x80, s23, s17, $0xb8;
	[tilespmem:$0x19400] =	vst v63  }
0x178: {  	s18 =	simm.s32 $0xCC00  }
0x179: {  	[tilespmem:s18], [sflag:$0x2] =	stream.indirect.gather [hbm4b:s4+s17], $0x80, s24, s17, $0xb8;
	[tilespmem:$0x19400] =	vst v63  }
0x17a: {  	s18 =	simm.s32 $0xF400  }
0x17b: {  	[tilespmem:s18], [sflag:$0x2] =	stream.indirect.gather [hbm4b:s1+s17], $0x80, s25, s17, $0xb8;
	[tilespmem:$0x19400] =	vst v63  }
0x17c: {  	s18 =	simm.s32 $0x11C00  }
0x17d: {  	[tilespmem:s18], [sflag:$0x2] =	stream.indirect.gather [hbm4b:s1+s17], $0x80, s26, s17, $0xb8;
	[tilespmem:$0x19400] =	vst v63  }
0x17e: {  	_ =	swait.ge [sflag:s31], $0x2800  }
0x17f: {  	[sflag:s31] =	ssyncset.done $0x0  }
0x180: {  	[sflag:s31] =	ssyncadd.s32 $0xFFFFD800  }
0x181: {  	_ =	swait.ge [sflag:s31], $0x2800  }
0x182: {  	[sflag:s31] =	ssyncset.done $0x0  }
0x183: {  	[sflag:s31] =	ssyncadd.s32 $0xFFFFD800  }
0x184: {  	_ =	swait.ge [sflag:s31], $0x2800  }
0x185: {  	[sflag:s31] =	ssyncset.done $0x0  }
0x186: {  	[sflag:s31] =	ssyncadd.s32 $0xFFFFD800  }
0x187: {  	_ =	swait.ge [sflag:s31], $0x2800  }
0x188: {  	s18 =	rddreg [dreg:$0x13]  }
0x189: {  	s13 =	sadd.s32 s22, s18  }
0x18a: {  	[sflag:s31] =	ssyncset.done $0x0;
	s13 =	sshrl.u32 s13, $0x3  }
0x18b: {  	[sflag:s31] =	ssyncadd.s32 $0xFFFFD800;
	s18 =	sadd.s32 s5, s13  }
0x18c: {  	[tilespmem:s28], [sflag:$0x3] =	stream.linear.gather [hbm4b:s18+s28], $0x50, $0x38;
	[tilespmem:$0x19400] =	vst v63  }
0x18d: {  	s18 =	sadd.s32 s6, s13  }
0x18e: {  	[tilespmem:s12], [sflag:$0x3] =	stream.linear.gather [hbm4b:s18+s28], $0x50, $0x38;
	[tilespmem:$0x19400] =	vst v63  }
0x18f: {  	s18 =	sadd.s32 s7, s13  }
0x190: {  	[tilespmem:s14], [sflag:$0x3] =	stream.linear.gather [hbm4b:s18+s28], $0x50, $0x38;
	[tilespmem:$0x19400] =	vst v63  }
0x191: {  	s13 =	sadd.s32 s8, s13  }
0x192: {  	[tilespmem:s15], [sflag:$0x3] =	stream.linear.gather [hbm4b:s13+s28], $0x50, $0x38;
	[tilespmem:$0x19400] =	vst v63  }
0x193: {  	_ =	swait.ge [sflag:s19], $0x2800  }
0x194: {  	[sflag:s19] =	ssyncset.done $0x0  }
0x195: {  	[sflag:s19] =	ssyncadd.s32 $0xFFFFD800  }
0x196: {  	_ =	swait.ge [sflag:s19], $0x2800  }
0x197: {  	[sflag:s19] =	ssyncset.done $0x0  }
0x198: {  	s13 =	simm.s32 $0x0;
	[sflag:s19] =	ssyncadd.s32 $0xFFFFD800  }
0x199: {  	v0 =	vld [tilespmem:s13+$0x5470]  }
0x19a: {  	v1 =	vld [tilespmem:s13+$0x7C70]  }
0x19b: {  	v2 =	vld [tilespmem:s13+$0x400]  }
0x19c: {  	v3 =	vld [tilespmem:s13+$0x2C00]  }
0x19d: {  	v4 =	vld [tilespmem:s13+$0x5400]  }
0x19e: {  	v5 =	vld [tilespmem:s13+$0x7C00]  }
0x19f: {  	v6 =	vld [tilespmem:s13+$0x410]  }
0x1a0: {  	v7 =	vld [tilespmem:s13+$0x5410]  }
0x1a1: {  	v0 =	vmul.f32 v1, v0;
	v1 =	vld [tilespmem:s13+$0x2C10]  }
0x1a2: {  	v2 =	vmul.f32 v3, v2;
	v3 =	vld [tilespmem:s13+$0x420]  }
0x1a3: {  	[tilespmem:s13+$0x16C70] =	vst v0;
	v0 =	vld [tilespmem:s13+$0x7C10]  }
0x1a4: {  	[tilespmem:s13+$0x14400] =	vst v2;
	v2 =	vmul.f32 v5, v4;
	v4 =	vld [tilespmem:s13+$0x2C20]  }
0x1a5: {  	v5 =	vld [tilespmem:s13+$0x7C20]  }
0x1a6: {  	[tilespmem:s13+$0x16C00] =	vst v2;
	v2 =	vld [tilespmem:s13+$0x5420];
	v1 =	vmul.f32 v1, v6  }
0x1a7: {  	v6 =	vld [tilespmem:s13+$0x2C30]  }
0x1a8: {  	[tilespmem:s13+$0x14410] =	vst v1;
	v0 =	vmul.f32 v0, v7;
	v1 =	vld [tilespmem:s13+$0x430]  }
0x1a9: {  	v7 =	vld [tilespmem:s13+$0x7C50]  }
0x1aa: {  	[tilespmem:s13+$0x16C10] =	vst v0;
	v0 =	vmul.f32 v4, v3;
	v3 =	vld [tilespmem:s13+$0x5430]  }
0x1ab: {  	v4 =	vld [tilespmem:s13+$0x7C30]  }
0x1ac: {  	[tilespmem:s13+$0x14420] =	vst v0;
	v0 =	vmul.f32 v5, v2;
	v2 =	vld [tilespmem:s13+$0x440]  }
0x1ad: {  	v5 =	vld [tilespmem:s13+$0x2C40]  }
0x1ae: {  	[tilespmem:s13+$0x16C20] =	vst v0;
	v0 =	vmul.f32 v6, v1;
	v1 =	vld [tilespmem:s13+$0x5440]  }
0x1af: {  	v6 =	vld [tilespmem:s13+$0x7C40]  }
0x1b0: {  	[tilespmem:s13+$0x14430] =	vst v0;
	v0 =	vmul.f32 v4, v3;
	v3 =	vld [tilespmem:s13+$0x450]  }
0x1b1: {  	v4 =	vld [tilespmem:s13+$0x2C50]  }
0x1b2: {  	[tilespmem:s13+$0x16C30] =	vst v0;
	v0 =	vmul.f32 v5, v2;
	v5 =	vld [tilespmem:s13+$0x5450]  }
0x1b3: {  	v8 =	vld [tilespmem:s13+$0x2C60]  }
0x1b4: {  	[tilespmem:s13+$0x14440] =	vst v0;
	v0 =	vmul.f32 v6, v1;
	v6 =	vld [tilespmem:s13+$0x460]  }
0x1b5: {  	v2 =	vld [tilespmem:s13+$0x5460]  }
0x1b6: {  	[tilespmem:s13+$0x16C40] =	vst v0;
	v0 =	vmul.f32 v4, v3;
	v3 =	vld [tilespmem:s13+$0x7C60]  }
0x1b7: {  	v4 =	vld [tilespmem:s13+$0x2C70];
	v5 =	vmul.f32 v7, v5  }
0x1b8: {  	s28 =	simm.s32 $0x80;
	[tilespmem:s13+$0x14450] =	vst v0;
	v0 =	vld [tilespmem:s13+$0x470]  }
0x1b9: {  	s18 =	simm.s32 $0x400;
	v1 =	vld [tilespmem:s28+$0x5470];
	[tilespmem:s13+$0x16C50] =	vst v5;
	v5 =	vmul.f32 v8, v6  }
.LBB2_7:
0x1ba: {  	p0 =	sne.s32 s18, $0x9E00;
	v6 =	vld [tilespmem:s28+$0x7C70]  }
0x1bb: {  	v7 =	vld [tilespmem:s28+$0x400];
	[tilespmem:s13+$0x14460] =	vst v5;
	v2 =	vmul.f32 v3, v2  }
0x1bc: {  	v3 =	vld [tilespmem:s28+$0x2C00]  }
0x1bd: {  	v5 =	vld [tilespmem:s28+$0x5400];
	[tilespmem:s13+$0x16C60] =	vst v2;
	v0 =	vmul.f32 v4, v0  }
0x1be: {  	v2 =	vld [tilespmem:s28+$0x7C00]  }
0x1bf: {  	v4 =	vld [tilespmem:s28+$0x410];
	v1 =	vmul.f32 v6, v1;
	[tilespmem:s13+$0x14470] =	vst v0;
	s13 =	smov.u32 s28  }
0x1c0: {  	v0 =	vld [tilespmem:s13+$0x2C10]  }
0x1c1: {  	v3 =	vmul.f32 v3, v7;
	v6 =	vld [tilespmem:s13+$0x5410];
	[tilespmem:s13+$0x16C70] =	vst v1  }
0x1c2: {  	v1 =	vld [tilespmem:s13+$0x7C10]  }
0x1c3: {  	[tilespmem:s13+$0x14400] =	vst v3;
	v2 =	vmul.f32 v2, v5;
	v3 =	vld [tilespmem:s13+$0x420]  }
0x1c4: {  	v5 =	vld [tilespmem:s13+$0x2C20]  }
0x1c5: {  	[tilespmem:s13+$0x16C00] =	vst v2;
	v0 =	vmul.f32 v0, v4;
	v2 =	vld [tilespmem:s13+$0x5420]  }
0x1c6: {  	v4 =	vld [tilespmem:s13+$0x7C20]  }
0x1c7: {  	[tilespmem:s13+$0x14410] =	vst v0;
	v0 =	vmul.f32 v1, v6;
	v1 =	vld [tilespmem:s13+$0x430]  }
0x1c8: {  	v6 =	vld [tilespmem:s13+$0x2C30]  }
0x1c9: {  	[tilespmem:s13+$0x16C10] =	vst v0;
	v0 =	vmul.f32 v5, v3;
	v3 =	vld [tilespmem:s13+$0x5430]  }
0x1ca: {  	v5 =	vld [tilespmem:s13+$0x7C30]  }
0x1cb: {  	[tilespmem:s13+$0x14420] =	vst v0;
	v0 =	vmul.f32 v4, v2;
	v2 =	vld [tilespmem:s13+$0x440]  }
0x1cc: {  	v4 =	vld [tilespmem:s13+$0x2C40]  }
0x1cd: {  	[tilespmem:s13+$0x16C20] =	vst v0;
	v0 =	vmul.f32 v6, v1;
	v1 =	vld [tilespmem:s13+$0x5440]  }
0x1ce: {  	v6 =	vld [tilespmem:s13+$0x7C40]  }
0x1cf: {  	[tilespmem:s13+$0x14430] =	vst v0;
	v0 =	vmul.f32 v5, v3;
	v3 =	vld [tilespmem:s13+$0x450]  }
0x1d0: {  	v5 =	vld [tilespmem:s13+$0x2C50]  }
0x1d1: {  	[tilespmem:s13+$0x16C30] =	vst v0;
	v0 =	vmul.f32 v4, v2;
	v4 =	vld [tilespmem:s13+$0x5450]  }
0x1d2: {  	v7 =	vld [tilespmem:s13+$0x7C50]  }
0x1d3: {  	[tilespmem:s13+$0x14440] =	vst v0;
	v0 =	vmul.f32 v6, v1;
	v6 =	vld [tilespmem:s13+$0x460]  }
0x1d4: {  	v8 =	vld [tilespmem:s13+$0x2C60]  }
.Ltmp2:
0x1d5: {  	[tilespmem:s13+$0x16C40] =	vst v0;
	v0 =	vmul.f32 v5, v3;
	v2 =	vld [tilespmem:s13+$0x5460];
	(pc) =	sbr.rel @p0 .LBB2_7-.Ltmp2, $4  }
0x1d6: {  	v3 =	vld [tilespmem:s13+$0x7C60]  }
0x1d7: {  	[tilespmem:s13+$0x14450] =	vst v0;
	v5 =	vmul.f32 v7, v4;
	v0 =	vld [tilespmem:s13+$0x470]  }
0x1d8: {  	s28 =	sshra.s32 s18, $0x2;
	v4 =	vld [tilespmem:s13+$0x2C70]  }
0x1d9: {  	s18 =	sadd.s32 $0x200, s18;
	v1 =	vld [tilespmem:s28+$0x5470];
	[tilespmem:s13+$0x16C50] =	vst v5;
	v5 =	vmul.f32 v8, v6  }
0x1da: {  	v6 =	vld [tilespmem:s28+$0x7C70]  }
0x1db: {  	v7 =	vld [tilespmem:s28+$0x400];
	[tilespmem:s13+$0x14460] =	vst v5;
	v2 =	vmul.f32 v3, v2  }
0x1dc: {  	v28 =	vld [tilespmem:s28+$0x2C00]  }
0x1dd: {  	v5 =	vld [tilespmem:s28+$0x5400];
	[tilespmem:s13+$0x16C60] =	vst v2;
	v0 =	vmul.f32 v4, v0  }
0x1de: {  	v2 =	vld [tilespmem:s28+$0x7C00]  }
0x1df: {  	v29 =	vld [tilespmem:s28+$0x410];
	[tilespmem:s13+$0x14470] =	vst v0  }
0x1e0: {  	v31 =	vld [tilespmem:s28+$0x2C10]  }
0x1e1: {  	v32 =	vld [tilespmem:s28+$0x5410]  }
0x1e2: {  	v33 =	vld [tilespmem:s28+$0x7C10]  }
0x1e3: {  	v34 =	vld [tilespmem:s28+$0x420]  }
0x1e4: {  	v35 =	vld [tilespmem:s28+$0x2C20]  }
0x1e5: {  	v36 =	vld [tilespmem:s28+$0x5420]  }
0x1e6: {  	v37 =	vld [tilespmem:s28+$0x7C20]  }
0x1e7: {  	v38 =	vld [tilespmem:s28+$0x430]  }
0x1e8: {  	v39 =	vld [tilespmem:s28+$0x2C30]  }
0x1e9: {  	v41 =	vld [tilespmem:s28+$0x5430]  }
0x1ea: {  	v42 =	vld [tilespmem:s28+$0x7C30]  }
0x1eb: {  	v44 =	vld [tilespmem:s28+$0x440]  }
0x1ec: {  	v45 =	vld [tilespmem:s28+$0x2C40]  }
0x1ed: {  	v47 =	vld [tilespmem:s28+$0x5440]  }
0x1ee: {  	v30 =	vmul.f32 v6, v1;
	v48 =	vld [tilespmem:s28+$0x7C40]  }
0x1ef: {  	v50 =	vld [tilespmem:s28+$0x450];
	v3 =	vmul.f32 v28, v7  }
0x1f0: {  	v51 =	vld [tilespmem:s28+$0x2C50];
	[tilespmem:s28+$0x16C70] =	vst v30;
	v2 =	vmul.f32 v2, v5  }
0x1f1: {  	v53 =	vld [tilespmem:s28+$0x5450];
	[tilespmem:s28+$0x14400] =	vst v3;
	v1 =	vmul.f32 v31, v29  }
0x1f2: {  	v54 =	vld [tilespmem:s28+$0x7C50];
	[tilespmem:s28+$0x16C00] =	vst v2;
	v0 =	vmul.f32 v33, v32  }
0x1f3: {  	v56 =	vld [tilespmem:s28+$0x460];
	v40 =	vmul.f32 v35, v34;
	[tilespmem:s28+$0x14410] =	vst v1  }
0x1f4: {  	v57 =	vld [tilespmem:s28+$0x2C60];
	v43 =	vmul.f32 v37, v36;
	[tilespmem:s28+$0x16C10] =	vst v0  }
0x1f5: {  	v59 =	vld [tilespmem:s28+$0x5460];
	v46 =	vmul.f32 v39, v38;
	[tilespmem:s28+$0x14420] =	vst v40  }
0x1f6: {  	v60 =	vld [tilespmem:s28+$0x7C60];
	v49 =	vmul.f32 v42, v41;
	[tilespmem:s28+$0x16C20] =	vst v43  }
0x1f7: {  	v61 =	vld [tilespmem:s28+$0x470];
	v52 =	vmul.f32 v45, v44;
	[tilespmem:s28+$0x14430] =	vst v46  }
0x1f8: {  	v62 =	vld [tilespmem:s28+$0x2C70];
	v55 =	vmul.f32 v48, v47;
	[tilespmem:s28+$0x16C30] =	vst v49  }
0x1f9: {  	v58 =	vmul.f32 v51, v50;
	[tilespmem:s28+$0x14440] =	vst v52  }
0x1fa: {  	v2 =	vmul.f32 v54, v53;
	[tilespmem:s28+$0x16C40] =	vst v55  }
0x1fb: {  	v63 =	vmul.f32 v60, v59;
	[tilespmem:s28+$0x14450] =	vst v58  }
0x1fc: {  	v1 =	vmul.f32 v57, v56;
	[tilespmem:s28+$0x16C50] =	vst v2  }
0x1fd: {  	s22 =	sadd.s32 s22, s29;
	v0 =	vmul.f32 v62, v61;
	[tilespmem:s28+$0x16C60] =	vst v63  }
0x1fe: {  	s13 =	sshll.u32 s22, $0x4;
	[tilespmem:s28+$0x14460] =	vst v1  }
0x1ff: {  	s18 =	sadd.s32 s9, s13;
	[tilespmem:s28+$0x14470] =	vst v0  }
0x200: {  	[hbm4b:s18+s2] =	stream.linear.scatter [tilespmem:s0], [sflag:$0x5], $0x2800, $0x38;
	[tilespmem:$0x19400] =	vst v63  }
0x201: {  	s13 =	sadd.s32 s10, s13  }
0x202: {  	[hbm4b:s13+s2] =	stream.linear.scatter [tilespmem:s3], [sflag:$0x5], $0x2800, $0x38;
	[tilespmem:$0x19400] =	vst v63  }
0x203: {  	_ =	swait.ge [sflag:s16], $0x50  }
0x204: {  	[sflag:s16] =	ssyncset.done $0x0  }
0x205: {  	[sflag:s16] =	ssyncadd.s32 $0xFFFFFFB0  }
0x206: {  	_ =	swait.ge [sflag:s16], $0x50  }
0x207: {  	[sflag:s16] =	ssyncset.done $0x0  }
0x208: {  	[sflag:s16] =	ssyncadd.s32 $0xFFFFFFB0  }
0x209: {  	_ =	swait.ge [sflag:s16], $0x50  }
0x20a: {  	[sflag:s16] =	ssyncset.done $0x0  }
0x20b: {  	[sflag:s16] =	ssyncadd.s32 $0xFFFFFFB0  }
0x20c: {  	_ =	swait.ge [sflag:s16], $0x50  }
0x20d: {  	[sflag:s16] =	ssyncset.done $0x0  }
0x20e: {  	s21 =	sadd.s32 $0x1, s21;
	s28 =	simm.s32 $0x400;
	[sflag:s16] =	ssyncadd.s32 $0xFFFFFFB0  }
0x20f: {  	[tilespmem:s28], [sflag:$0x1] =	stream.indirect.gather [hbm4b:s4+s17], $0x80, s2, s17, $0xb8;
	[tilespmem:$0x19400] =	vst v63  }
0x210: {  	p0 =	sne.s32 s21, $0x3D;
	s18 =	simm.s32 $0x2C00  }
0x211: {  	[tilespmem:s18], [sflag:$0x1] =	stream.indirect.gather [hbm4b:s4+s17], $0x80, s12, s17, $0xb8;
	[tilespmem:$0x19400] =	vst v63  }
.Ltmp3:
0x212: {  	_ = 	snop;
	(pc) =	sbr.rel @p0 .LBB2_4-.Ltmp3, $4  }
0x213: {  	s22 =	simm.s32 $0x5400  }
0x214: {  	[tilespmem:s22], [sflag:$0x1] =	stream.indirect.gather [hbm4b:s1+s17], $0x80, s14, s17, $0xb8;
	[tilespmem:$0x19400] =	vst v63  }
0x215: {  	s28 =	simm.s32 $0x7C00  }
0x216: {  	[tilespmem:s28], [sflag:$0x1] =	stream.indirect.gather [hbm4b:s1+s17], $0x80, s15, s17, $0xb8;
	[tilespmem:$0x19400] =	vst v63  }
0x217: {  	_ =	swait.ge [sflag:s11], $0x2800  }
0x218: {  	[sflag:s11] =	ssyncset.done $0x0  }
0x219: {  	[sflag:s11] =	ssyncadd.s32 $0xFFFFD800  }
0x21a: {  	_ =	swait.ge [sflag:s11], $0x2800  }
0x21b: {  	[sflag:s11] =	ssyncset.done $0x0  }
0x21c: {  	[sflag:s11] =	ssyncadd.s32 $0xFFFFD800  }
0x21d: {  	_ =	swait.ge [sflag:s11], $0x2800  }
0x21e: {  	[sflag:s11] =	ssyncset.done $0x0  }
0x21f: {  	[sflag:s11] =	ssyncadd.s32 $0xFFFFD800  }
0x220: {  	_ =	swait.ge [sflag:s11], $0x2800  }
0x221: {  	[sflag:s11] =	ssyncset.done $0x0  }
0x222: {  	[sflag:s11] =	ssyncadd.s32 $0xFFFFD800  }
0x223: {  	_ =	swait.ge [sflag:s19], $0x2800  }
0x224: {  	[sflag:s19] =	ssyncset.done $0x0  }
0x225: {  	[sflag:s19] =	ssyncadd.s32 $0xFFFFD800  }
0x226: {  	_ =	swait.ge [sflag:s19], $0x2800  }
0x227: {  	[sflag:s19] =	ssyncset.done $0x0  }
0x228: {  	s13 =	simm.s32 $0x0;
	[sflag:s19] =	ssyncadd.s32 $0xFFFFD800  }
0x229: {  	v0 =	vld [tilespmem:s13+$0xF470]  }
0x22a: {  	v1 =	vld [tilespmem:s13+$0x11C70]  }
0x22b: {  	v2 =	vld [tilespmem:s13+$0xA400]  }
0x22c: {  	v3 =	vld [tilespmem:s13+$0xCC00]  }
0x22d: {  	v4 =	vld [tilespmem:s13+$0xF400]  }
0x22e: {  	v5 =	vld [tilespmem:s13+$0x11C00]  }
0x22f: {  	v6 =	vld [tilespmem:s13+$0xA410]  }
0x230: {  	v7 =	vld [tilespmem:s13+$0xF410]  }
0x231: {  	v0 =	vmul.f32 v1, v0;
	v1 =	vld [tilespmem:s13+$0xCC10]  }
0x232: {  	v2 =	vmul.f32 v3, v2;
	v3 =	vld [tilespmem:s13+$0xA420]  }
0x233: {  	[tilespmem:s13+$0x16C70] =	vst v0;
	v0 =	vld [tilespmem:s13+$0x11C10]  }
0x234: {  	[tilespmem:s13+$0x14400] =	vst v2;
	v2 =	vmul.f32 v5, v4;
	v4 =	vld [tilespmem:s13+$0xCC20]  }
0x235: {  	v5 =	vld [tilespmem:s13+$0x11C20]  }
0x236: {  	[tilespmem:s13+$0x16C00] =	vst v2;
	v2 =	vld [tilespmem:s13+$0xF420];
	v1 =	vmul.f32 v1, v6  }
0x237: {  	v6 =	vld [tilespmem:s13+$0xCC30]  }
0x238: {  	[tilespmem:s13+$0x14410] =	vst v1;
	v0 =	vmul.f32 v0, v7;
	v1 =	vld [tilespmem:s13+$0xA430]  }
0x239: {  	v7 =	vld [tilespmem:s13+$0x11C50]  }
0x23a: {  	[tilespmem:s13+$0x16C10] =	vst v0;
	v0 =	vmul.f32 v4, v3;
	v3 =	vld [tilespmem:s13+$0xF430]  }
0x23b: {  	v4 =	vld [tilespmem:s13+$0x11C30]  }
0x23c: {  	[tilespmem:s13+$0x14420] =	vst v0;
	v0 =	vmul.f32 v5, v2;
	v2 =	vld [tilespmem:s13+$0xA440]  }
0x23d: {  	v5 =	vld [tilespmem:s13+$0xCC40]  }
0x23e: {  	[tilespmem:s13+$0x16C20] =	vst v0;
	v0 =	vmul.f32 v6, v1;
	v1 =	vld [tilespmem:s13+$0xF440]  }
0x23f: {  	v6 =	vld [tilespmem:s13+$0x11C40]  }
0x240: {  	[tilespmem:s13+$0x14430] =	vst v0;
	v0 =	vmul.f32 v4, v3;
	v3 =	vld [tilespmem:s13+$0xA450]  }
0x241: {  	v4 =	vld [tilespmem:s13+$0xCC50]  }
0x242: {  	[tilespmem:s13+$0x16C30] =	vst v0;
	v0 =	vmul.f32 v5, v2;
	v5 =	vld [tilespmem:s13+$0xF450]  }
0x243: {  	v8 =	vld [tilespmem:s13+$0xCC60]  }
0x244: {  	[tilespmem:s13+$0x14440] =	vst v0;
	v0 =	vmul.f32 v6, v1;
	v6 =	vld [tilespmem:s13+$0xA460]  }
0x245: {  	v2 =	vld [tilespmem:s13+$0xF460]  }
0x246: {  	[tilespmem:s13+$0x16C40] =	vst v0;
	v0 =	vmul.f32 v4, v3;
	v3 =	vld [tilespmem:s13+$0x11C60]  }
0x247: {  	v4 =	vld [tilespmem:s13+$0xCC70];
	v5 =	vmul.f32 v7, v5  }
0x248: {  	s20 =	simm.s32 $0x80;
	[tilespmem:s13+$0x14450] =	vst v0;
	v0 =	vld [tilespmem:s13+$0xA470]  }
0x249: {  	s18 =	simm.s32 $0x400;
	v1 =	vld [tilespmem:s20+$0xF470];
	[tilespmem:s13+$0x16C50] =	vst v5;
	v5 =	vmul.f32 v8, v6  }
.LBB2_10:
0x24a: {  	p0 =	sne.s32 s18, $0x9E00;
	v6 =	vld [tilespmem:s20+$0x11C70]  }
0x24b: {  	v7 =	vld [tilespmem:s20+$0xA400];
	[tilespmem:s13+$0x14460] =	vst v5;
	v2 =	vmul.f32 v3, v2  }
0x24c: {  	v3 =	vld [tilespmem:s20+$0xCC00]  }
0x24d: {  	v5 =	vld [tilespmem:s20+$0xF400];
	[tilespmem:s13+$0x16C60] =	vst v2;
	v0 =	vmul.f32 v4, v0  }
0x24e: {  	v2 =	vld [tilespmem:s20+$0x11C00]  }
0x24f: {  	v4 =	vld [tilespmem:s20+$0xA410];
	v1 =	vmul.f32 v6, v1;
	[tilespmem:s13+$0x14470] =	vst v0;
	s13 =	smov.u32 s20  }
0x250: {  	v0 =	vld [tilespmem:s13+$0xCC10]  }
0x251: {  	v3 =	vmul.f32 v3, v7;
	v6 =	vld [tilespmem:s13+$0xF410];
	[tilespmem:s13+$0x16C70] =	vst v1  }
0x252: {  	v1 =	vld [tilespmem:s13+$0x11C10]  }
0x253: {  	[tilespmem:s13+$0x14400] =	vst v3;
	v2 =	vmul.f32 v2, v5;
	v3 =	vld [tilespmem:s13+$0xA420]  }
0x254: {  	v5 =	vld [tilespmem:s13+$0xCC20]  }
0x255: {  	[tilespmem:s13+$0x16C00] =	vst v2;
	v0 =	vmul.f32 v0, v4;
	v2 =	vld [tilespmem:s13+$0xF420]  }
0x256: {  	v4 =	vld [tilespmem:s13+$0x11C20]  }
0x257: {  	[tilespmem:s13+$0x14410] =	vst v0;
	v0 =	vmul.f32 v1, v6;
	v1 =	vld [tilespmem:s13+$0xA430]  }
0x258: {  	v6 =	vld [tilespmem:s13+$0xCC30]  }
0x259: {  	[tilespmem:s13+$0x16C10] =	vst v0;
	v0 =	vmul.f32 v5, v3;
	v3 =	vld [tilespmem:s13+$0xF430]  }
0x25a: {  	v5 =	vld [tilespmem:s13+$0x11C30]  }
0x25b: {  	[tilespmem:s13+$0x14420] =	vst v0;
	v0 =	vmul.f32 v4, v2;
	v2 =	vld [tilespmem:s13+$0xA440]  }
0x25c: {  	v4 =	vld [tilespmem:s13+$0xCC40]  }
0x25d: {  	[tilespmem:s13+$0x16C20] =	vst v0;
	v0 =	vmul.f32 v6, v1;
	v1 =	vld [tilespmem:s13+$0xF440]  }
0x25e: {  	v6 =	vld [tilespmem:s13+$0x11C40]  }
0x25f: {  	[tilespmem:s13+$0x14430] =	vst v0;
	v0 =	vmul.f32 v5, v3;
	v3 =	vld [tilespmem:s13+$0xA450]  }
0x260: {  	v5 =	vld [tilespmem:s13+$0xCC50]  }
0x261: {  	[tilespmem:s13+$0x16C30] =	vst v0;
	v0 =	vmul.f32 v4, v2;
	v4 =	vld [tilespmem:s13+$0xF450]  }
0x262: {  	v7 =	vld [tilespmem:s13+$0x11C50]  }
0x263: {  	[tilespmem:s13+$0x14440] =	vst v0;
	v0 =	vmul.f32 v6, v1;
	v6 =	vld [tilespmem:s13+$0xA460]  }
0x264: {  	v8 =	vld [tilespmem:s13+$0xCC60]  }
.Ltmp4:
0x265: {  	[tilespmem:s13+$0x16C40] =	vst v0;
	v0 =	vmul.f32 v5, v3;
	v2 =	vld [tilespmem:s13+$0xF460];
	(pc) =	sbr.rel @p0 .LBB2_10-.Ltmp4, $4  }
0x266: {  	v3 =	vld [tilespmem:s13+$0x11C60]  }
0x267: {  	[tilespmem:s13+$0x14450] =	vst v0;
	v5 =	vmul.f32 v7, v4;
	v0 =	vld [tilespmem:s13+$0xA470]  }
0x268: {  	s20 =	sshra.s32 s18, $0x2;
	v4 =	vld [tilespmem:s13+$0xCC70]  }
0x269: {  	s18 =	sadd.s32 $0x200, s18;
	v1 =	vld [tilespmem:s20+$0xF470];
	[tilespmem:s13+$0x16C50] =	vst v5;
	v5 =	vmul.f32 v8, v6  }
0x26a: {  	v6 =	vld [tilespmem:s20+$0x11C70]  }
0x26b: {  	v7 =	vld [tilespmem:s20+$0xA400];
	[tilespmem:s13+$0x14460] =	vst v5;
	v2 =	vmul.f32 v3, v2  }
0x26c: {  	v3 =	vld [tilespmem:s20+$0xCC00]  }
0x26d: {  	v5 =	vld [tilespmem:s20+$0xF400];
	[tilespmem:s13+$0x16C60] =	vst v2;
	v0 =	vmul.f32 v4, v0  }
0x26e: {  	v2 =	vld [tilespmem:s20+$0x11C00]  }
0x26f: {  	v4 =	vld [tilespmem:s20+$0xA410];
	[tilespmem:s13+$0x14470] =	vst v0  }
0x270: {  	v0 =	vmul.f32 v6, v1;
	v1 =	vld [tilespmem:s20+$0xCC10]  }
0x271: {  	v6 =	vld [tilespmem:s20+$0xF410]  }
0x272: {  	v3 =	vmul.f32 v3, v7;
	[tilespmem:s20+$0x16C70] =	vst v0;
	v0 =	vld [tilespmem:s20+$0x11C10]  }
0x273: {  	v7 =	vld [tilespmem:s20+$0xCC70]  }
0x274: {  	[tilespmem:s20+$0x14400] =	vst v3;
	v2 =	vmul.f32 v2, v5;
	v3 =	vld [tilespmem:s20+$0xA420]  }
0x275: {  	v5 =	vld [tilespmem:s20+$0xCC20]  }
0x276: {  	[tilespmem:s20+$0x16C00] =	vst v2;
	v2 =	vld [tilespmem:s20+$0xF420]  }
0x277: {  	v1 =	vmul.f32 v1, v4;
	v4 =	vld [tilespmem:s20+$0x11C20]  }
0x278: {  	v0 =	vmul.f32 v0, v6;
	v6 =	vld [tilespmem:s20+$0xCC30]  }
0x279: {  	[tilespmem:s20+$0x14410] =	vst v1;
	v1 =	vld [tilespmem:s20+$0xA430]  }
0x27a: {  	[tilespmem:s20+$0x16C10] =	vst v0;
	v0 =	vmul.f32 v5, v3;
	v3 =	vld [tilespmem:s20+$0xF430]  }
0x27b: {  	v5 =	vld [tilespmem:s20+$0x11C30]  }
0x27c: {  	[tilespmem:s20+$0x14420] =	vst v0;
	v0 =	vmul.f32 v4, v2;
	v2 =	vld [tilespmem:s20+$0xA440]  }
0x27d: {  	v4 =	vld [tilespmem:s20+$0xCC40]  }
0x27e: {  	[tilespmem:s20+$0x16C20] =	vst v0;
	v0 =	vmul.f32 v6, v1;
	v1 =	vld [tilespmem:s20+$0xF440]  }
0x27f: {  	v6 =	vld [tilespmem:s20+$0x11C40]  }
0x280: {  	[tilespmem:s20+$0x14430] =	vst v0;
	v0 =	vmul.f32 v5, v3;
	v3 =	vld [tilespmem:s20+$0xA450]  }
0x281: {  	v5 =	vld [tilespmem:s20+$0xCC50]  }
0x282: {  	[tilespmem:s20+$0x16C30] =	vst v0;
	v0 =	vmul.f32 v4, v2;
	v2 =	vld [tilespmem:s20+$0xF450]  }
0x283: {  	v4 =	vld [tilespmem:s20+$0x11C50]  }
0x284: {  	[tilespmem:s20+$0x14440] =	vst v0;
	v0 =	vmul.f32 v6, v1;
	v1 =	vld [tilespmem:s20+$0xA460]  }
0x285: {  	v6 =	vld [tilespmem:s20+$0xCC60]  }
0x286: {  	[tilespmem:s20+$0x16C40] =	vst v0;
	v0 =	vmul.f32 v5, v3;
	v3 =	vld [tilespmem:s20+$0xF460]  }
0x287: {  	v5 =	vld [tilespmem:s20+$0x11C60]  }
0x288: {  	[tilespmem:s20+$0x14450] =	vst v0;
	v0 =	vld [tilespmem:s20+$0xA470];
	_ =	sdelay $0x1  }
0x289: {  	v2 =	vmul.f32 v4, v2  }
0x28a: {  	v1 =	vmul.f32 v6, v1  }
0x28b: {  	[tilespmem:s20+$0x16C50] =	vst v2;
	v2 =	vmul.f32 v5, v3  }
0x28c: {  	[tilespmem:s20+$0x14460] =	vst v1;
	v0 =	vmul.f32 v7, v0  }
0x28d: {  	[tilespmem:s20+$0x16C60] =	vst v2  }
0x28e: {  	s22 =	simm.s32 $0x0;
	s18 =	rddreg [dreg:$0x14];
	[tilespmem:s20+$0x14470] =	vst v0  }
0x28f: {  	[hbm4b:s18+s22] =	stream.linear.scatter [tilespmem:s0], [sflag:$0x5], $0x2800, $0x38;
	[tilespmem:$0x19400] =	vst v63  }
0x290: {  	s28 =	rddreg [dreg:$0x15]  }
0x291: {  	[hbm4b:s28+s22] =	stream.linear.scatter [tilespmem:s3], [sflag:$0x5], $0x2800, $0x38;
	[tilespmem:$0x19400] =	vst v63  }
0x292: {  	_ =	swait.ge [sflag:s31], $0x2800  }
0x293: {  	[sflag:s31] =	ssyncset.done $0x0  }
0x294: {  	[sflag:s31] =	ssyncadd.s32 $0xFFFFD800  }
0x295: {  	_ =	swait.ge [sflag:s31], $0x2800  }
0x296: {  	[sflag:s31] =	ssyncset.done $0x0  }
0x297: {  	[sflag:s31] =	ssyncadd.s32 $0xFFFFD800  }
0x298: {  	_ =	swait.ge [sflag:s31], $0x2800  }
0x299: {  	[sflag:s31] =	ssyncset.done $0x0  }
0x29a: {  	[sflag:s31] =	ssyncadd.s32 $0xFFFFD800  }
0x29b: {  	_ =	swait.ge [sflag:s31], $0x2800  }
0x29c: {  	[sflag:s31] =	ssyncset.done $0x0  }
0x29d: {  	[sflag:s31] =	ssyncadd.s32 $0xFFFFD800  }
0x29e: {  	_ =	swait.ge [sflag:s19], $0x2800  }
0x29f: {  	[sflag:s19] =	ssyncset.done $0x0  }
0x2a0: {  	[sflag:s19] =	ssyncadd.s32 $0xFFFFD800  }
0x2a1: {  	_ =	swait.ge [sflag:s19], $0x2800  }
0x2a2: {  	[sflag:s19] =	ssyncset.done $0x0  }
0x2a3: {  	s13 =	simm.s32 $0x0;
	[sflag:s19] =	ssyncadd.s32 $0xFFFFD800  }
0x2a4: {  	v0 =	vld [tilespmem:s13+$0x5470]  }
0x2a5: {  	v1 =	vld [tilespmem:s13+$0x7C70]  }
0x2a6: {  	v2 =	vld [tilespmem:s13+$0x400]  }
0x2a7: {  	v3 =	vld [tilespmem:s13+$0x2C00]  }
0x2a8: {  	v4 =	vld [tilespmem:s13+$0x5400]  }
0x2a9: {  	v5 =	vld [tilespmem:s13+$0x7C00]  }
0x2aa: {  	v6 =	vld [tilespmem:s13+$0x410]  }
0x2ab: {  	v7 =	vld [tilespmem:s13+$0x5410]  }
0x2ac: {  	v0 =	vmul.f32 v1, v0;
	v1 =	vld [tilespmem:s13+$0x2C10]  }
0x2ad: {  	v2 =	vmul.f32 v3, v2;
	v3 =	vld [tilespmem:s13+$0x420]  }
0x2ae: {  	[tilespmem:s13+$0x16C70] =	vst v0;
	v0 =	vld [tilespmem:s13+$0x7C10]  }
0x2af: {  	[tilespmem:s13+$0x14400] =	vst v2;
	v2 =	vmul.f32 v5, v4;
	v4 =	vld [tilespmem:s13+$0x2C20]  }
0x2b0: {  	v5 =	vld [tilespmem:s13+$0x7C20]  }
0x2b1: {  	[tilespmem:s13+$0x16C00] =	vst v2;
	v2 =	vld [tilespmem:s13+$0x5420];
	v1 =	vmul.f32 v1, v6  }
0x2b2: {  	v6 =	vld [tilespmem:s13+$0x2C30]  }
0x2b3: {  	[tilespmem:s13+$0x14410] =	vst v1;
	v0 =	vmul.f32 v0, v7;
	v1 =	vld [tilespmem:s13+$0x430]  }
0x2b4: {  	v7 =	vld [tilespmem:s13+$0x7C50]  }
0x2b5: {  	[tilespmem:s13+$0x16C10] =	vst v0;
	v0 =	vmul.f32 v4, v3;
	v3 =	vld [tilespmem:s13+$0x5430]  }
0x2b6: {  	v4 =	vld [tilespmem:s13+$0x7C30]  }
0x2b7: {  	[tilespmem:s13+$0x14420] =	vst v0;
	v0 =	vmul.f32 v5, v2;
	v2 =	vld [tilespmem:s13+$0x440]  }
0x2b8: {  	v5 =	vld [tilespmem:s13+$0x2C40]  }
0x2b9: {  	[tilespmem:s13+$0x16C20] =	vst v0;
	v0 =	vmul.f32 v6, v1;
	v1 =	vld [tilespmem:s13+$0x5440]  }
0x2ba: {  	v6 =	vld [tilespmem:s13+$0x7C40]  }
0x2bb: {  	[tilespmem:s13+$0x14430] =	vst v0;
	v0 =	vmul.f32 v4, v3;
	v3 =	vld [tilespmem:s13+$0x450]  }
0x2bc: {  	v4 =	vld [tilespmem:s13+$0x2C50]  }
0x2bd: {  	[tilespmem:s13+$0x16C30] =	vst v0;
	v0 =	vmul.f32 v5, v2;
	v5 =	vld [tilespmem:s13+$0x5450]  }
0x2be: {  	v8 =	vld [tilespmem:s13+$0x2C60]  }
0x2bf: {  	[tilespmem:s13+$0x14440] =	vst v0;
	v0 =	vmul.f32 v6, v1;
	v6 =	vld [tilespmem:s13+$0x460]  }
0x2c0: {  	v2 =	vld [tilespmem:s13+$0x5460]  }
0x2c1: {  	[tilespmem:s13+$0x16C40] =	vst v0;
	v0 =	vmul.f32 v4, v3;
	v3 =	vld [tilespmem:s13+$0x7C60]  }
0x2c2: {  	v4 =	vld [tilespmem:s13+$0x2C70];
	v5 =	vmul.f32 v7, v5  }
0x2c3: {  	s20 =	simm.s32 $0x80;
	[tilespmem:s13+$0x14450] =	vst v0;
	v0 =	vld [tilespmem:s13+$0x470]  }
0x2c4: {  	s18 =	simm.s32 $0x400;
	v1 =	vld [tilespmem:s20+$0x5470];
	[tilespmem:s13+$0x16C50] =	vst v5;
	v5 =	vmul.f32 v8, v6  }
.LBB2_12:
0x2c5: {  	p0 =	sne.s32 s18, $0x9E00;
	v6 =	vld [tilespmem:s20+$0x7C70]  }
0x2c6: {  	v7 =	vld [tilespmem:s20+$0x400];
	[tilespmem:s13+$0x14460] =	vst v5;
	v2 =	vmul.f32 v3, v2  }
0x2c7: {  	v3 =	vld [tilespmem:s20+$0x2C00]  }
0x2c8: {  	v5 =	vld [tilespmem:s20+$0x5400];
	[tilespmem:s13+$0x16C60] =	vst v2;
	v0 =	vmul.f32 v4, v0  }
0x2c9: {  	v2 =	vld [tilespmem:s20+$0x7C00]  }
0x2ca: {  	v4 =	vld [tilespmem:s20+$0x410];
	v1 =	vmul.f32 v6, v1;
	[tilespmem:s13+$0x14470] =	vst v0;
	s13 =	smov.u32 s20  }
0x2cb: {  	v0 =	vld [tilespmem:s13+$0x2C10]  }
0x2cc: {  	v3 =	vmul.f32 v3, v7;
	v6 =	vld [tilespmem:s13+$0x5410];
	[tilespmem:s13+$0x16C70] =	vst v1  }
0x2cd: {  	v1 =	vld [tilespmem:s13+$0x7C10]  }
0x2ce: {  	[tilespmem:s13+$0x14400] =	vst v3;
	v2 =	vmul.f32 v2, v5;
	v3 =	vld [tilespmem:s13+$0x420]  }
0x2cf: {  	v5 =	vld [tilespmem:s13+$0x2C20]  }
0x2d0: {  	[tilespmem:s13+$0x16C00] =	vst v2;
	v0 =	vmul.f32 v0, v4;
	v2 =	vld [tilespmem:s13+$0x5420]  }
0x2d1: {  	v4 =	vld [tilespmem:s13+$0x7C20]  }
0x2d2: {  	[tilespmem:s13+$0x14410] =	vst v0;
	v0 =	vmul.f32 v1, v6;
	v1 =	vld [tilespmem:s13+$0x430]  }
0x2d3: {  	v6 =	vld [tilespmem:s13+$0x2C30]  }
0x2d4: {  	[tilespmem:s13+$0x16C10] =	vst v0;
	v0 =	vmul.f32 v5, v3;
	v3 =	vld [tilespmem:s13+$0x5430]  }
0x2d5: {  	v5 =	vld [tilespmem:s13+$0x7C30]  }
0x2d6: {  	[tilespmem:s13+$0x14420] =	vst v0;
	v0 =	vmul.f32 v4, v2;
	v2 =	vld [tilespmem:s13+$0x440]  }
0x2d7: {  	v4 =	vld [tilespmem:s13+$0x2C40]  }
0x2d8: {  	[tilespmem:s13+$0x16C20] =	vst v0;
	v0 =	vmul.f32 v6, v1;
	v1 =	vld [tilespmem:s13+$0x5440]  }
0x2d9: {  	v6 =	vld [tilespmem:s13+$0x7C40]  }
0x2da: {  	[tilespmem:s13+$0x14430] =	vst v0;
	v0 =	vmul.f32 v5, v3;
	v3 =	vld [tilespmem:s13+$0x450]  }
0x2db: {  	v5 =	vld [tilespmem:s13+$0x2C50]  }
0x2dc: {  	[tilespmem:s13+$0x16C30] =	vst v0;
	v0 =	vmul.f32 v4, v2;
	v4 =	vld [tilespmem:s13+$0x5450]  }
0x2dd: {  	v7 =	vld [tilespmem:s13+$0x7C50]  }
0x2de: {  	[tilespmem:s13+$0x14440] =	vst v0;
	v0 =	vmul.f32 v6, v1;
	v6 =	vld [tilespmem:s13+$0x460]  }
0x2df: {  	v8 =	vld [tilespmem:s13+$0x2C60]  }
.Ltmp5:
0x2e0: {  	[tilespmem:s13+$0x16C40] =	vst v0;
	v0 =	vmul.f32 v5, v3;
	v2 =	vld [tilespmem:s13+$0x5460];
	(pc) =	sbr.rel @p0 .LBB2_12-.Ltmp5, $4  }
0x2e1: {  	v3 =	vld [tilespmem:s13+$0x7C60]  }
0x2e2: {  	[tilespmem:s13+$0x14450] =	vst v0;
	v5 =	vmul.f32 v7, v4;
	v0 =	vld [tilespmem:s13+$0x470]  }
0x2e3: {  	s20 =	sshra.s32 s18, $0x2;
	v4 =	vld [tilespmem:s13+$0x2C70]  }
0x2e4: {  	s18 =	sadd.s32 $0x200, s18;
	v1 =	vld [tilespmem:s20+$0x5470];
	[tilespmem:s13+$0x16C50] =	vst v5;
	v5 =	vmul.f32 v8, v6  }
0x2e5: {  	v6 =	vld [tilespmem:s20+$0x7C70]  }
0x2e6: {  	v7 =	vld [tilespmem:s20+$0x400];
	[tilespmem:s13+$0x14460] =	vst v5;
	v2 =	vmul.f32 v3, v2  }
0x2e7: {  	v28 =	vld [tilespmem:s20+$0x2C00]  }
0x2e8: {  	v5 =	vld [tilespmem:s20+$0x5400];
	[tilespmem:s13+$0x16C60] =	vst v2;
	v0 =	vmul.f32 v4, v0  }
0x2e9: {  	v2 =	vld [tilespmem:s20+$0x7C00]  }
0x2ea: {  	v29 =	vld [tilespmem:s20+$0x410];
	[tilespmem:s13+$0x14470] =	vst v0  }
0x2eb: {  	v31 =	vld [tilespmem:s20+$0x2C10]  }
0x2ec: {  	v32 =	vld [tilespmem:s20+$0x5410]  }
0x2ed: {  	v33 =	vld [tilespmem:s20+$0x7C10]  }
0x2ee: {  	v34 =	vld [tilespmem:s20+$0x420]  }
0x2ef: {  	v35 =	vld [tilespmem:s20+$0x2C20]  }
0x2f0: {  	v36 =	vld [tilespmem:s20+$0x5420]  }
0x2f1: {  	v37 =	vld [tilespmem:s20+$0x7C20]  }
0x2f2: {  	v38 =	vld [tilespmem:s20+$0x430]  }
0x2f3: {  	v39 =	vld [tilespmem:s20+$0x2C30]  }
0x2f4: {  	v41 =	vld [tilespmem:s20+$0x5430]  }
0x2f5: {  	v42 =	vld [tilespmem:s20+$0x7C30]  }
0x2f6: {  	v44 =	vld [tilespmem:s20+$0x440]  }
0x2f7: {  	v45 =	vld [tilespmem:s20+$0x2C40]  }
0x2f8: {  	v47 =	vld [tilespmem:s20+$0x5440]  }
0x2f9: {  	v30 =	vmul.f32 v6, v1;
	v48 =	vld [tilespmem:s20+$0x7C40]  }
0x2fa: {  	v50 =	vld [tilespmem:s20+$0x450];
	v3 =	vmul.f32 v28, v7  }
0x2fb: {  	v51 =	vld [tilespmem:s20+$0x2C50];
	[tilespmem:s20+$0x16C70] =	vst v30;
	v2 =	vmul.f32 v2, v5  }
0x2fc: {  	v53 =	vld [tilespmem:s20+$0x5450];
	[tilespmem:s20+$0x14400] =	vst v3;
	v1 =	vmul.f32 v31, v29  }
0x2fd: {  	v54 =	vld [tilespmem:s20+$0x7C50];
	[tilespmem:s20+$0x16C00] =	vst v2;
	v0 =	vmul.f32 v33, v32  }
0x2fe: {  	v56 =	vld [tilespmem:s20+$0x460];
	v40 =	vmul.f32 v35, v34;
	[tilespmem:s20+$0x14410] =	vst v1  }
0x2ff: {  	v57 =	vld [tilespmem:s20+$0x2C60];
	v43 =	vmul.f32 v37, v36;
	[tilespmem:s20+$0x16C10] =	vst v0  }
0x300: {  	v59 =	vld [tilespmem:s20+$0x5460];
	v46 =	vmul.f32 v39, v38;
	[tilespmem:s20+$0x14420] =	vst v40  }
0x301: {  	v60 =	vld [tilespmem:s20+$0x7C60];
	v49 =	vmul.f32 v42, v41;
	[tilespmem:s20+$0x16C20] =	vst v43  }
0x302: {  	v61 =	vld [tilespmem:s20+$0x470];
	v52 =	vmul.f32 v45, v44;
	[tilespmem:s20+$0x14430] =	vst v46  }
0x303: {  	v62 =	vld [tilespmem:s20+$0x2C70];
	v55 =	vmul.f32 v48, v47;
	[tilespmem:s20+$0x16C30] =	vst v49  }
0x304: {  	v58 =	vmul.f32 v51, v50;
	[tilespmem:s20+$0x14440] =	vst v52  }
0x305: {  	v2 =	vmul.f32 v54, v53;
	[tilespmem:s20+$0x16C40] =	vst v55  }
0x306: {  	v63 =	vmul.f32 v60, v59;
	[tilespmem:s20+$0x14450] =	vst v58  }
0x307: {  	v1 =	vmul.f32 v57, v56;
	[tilespmem:s20+$0x16C50] =	vst v2  }
0x308: {  	v0 =	vmul.f32 v62, v61;
	[tilespmem:s20+$0x16C60] =	vst v63  }
0x309: {  	[tilespmem:s20+$0x14460] =	vst v1  }
0x30a: {  	s21 =	rddreg [dreg:$0x16];
	[tilespmem:s20+$0x14470] =	vst v0  }
0x30b: {  	[hbm4b:s21+s2] =	stream.linear.scatter [tilespmem:s0], [sflag:$0x5], $0x2800, $0x38;
	[tilespmem:$0x19400] =	vst v63  }
0x30c: {  	s22 =	rddreg [dreg:$0x17]  }
0x30d: {  	[hbm4b:s22+s2] =	stream.linear.scatter [tilespmem:s3], [sflag:$0x5], $0x2800, $0x38;
	[tilespmem:$0x19400] =	vst v63  }
0x30e: {  	_ =	swait.ge [sflag:s19], $0x2800  }
0x30f: {  	[sflag:s19] =	ssyncset.done $0x0  }
0x310: {  	[sflag:s19] =	ssyncadd.s32 $0xFFFFD800  }
0x311: {  	_ =	swait.ge [sflag:s19], $0x2800  }
0x312: {  	s18 =	rddreg [dreg:$0x19]  }
0x313: {  	s28 =	rddreg [dreg:$0x18];
	s18 =	sadd.s32 $0x1, s18  }
0x314: {  	p0 =	sne.s32 s18, s28  }
.Ltmp6:
0x315: {  	_ = 	snop;
	(pc) =	sbr.rel @p0 .LBB2_1-.Ltmp6, $3  }
0x316: {  	_ =	sdelay $0x1  }
0x317: {  	[sflag:s19] =	ssyncset.done $0x0  }
0x318: {  	[sflag:s19] =	ssyncadd.s32 $0xFFFFD800  }
0x319: {  	_ =	sfence.sel $0x180000  }
0x31a: {  	[bflag:$0x0] =	sbarrier.arrive $0xFFFF  }
0x31b: {  	_ =	strace $0x9000004A  }
0x31c: {  	s0 =	stileid.u32;
	[bflag:$0x2] =	sbarrier.arrive $0xFFFF  }
0x31d: {  	p0 =	sne.s32 s0, $0x0;
	s0 =	rddreg [dreg:$0x2]  }
0x31e: {  	s0 =	sadd.s32 @!p0 $0x100000, s0  }
0x31f: {  	[sflag:s0] =	ssyncadd.tile.s32 @!p0 $0x1;
	_ =	shalt  }
.Lfunc_end2:
_tile_overlayer_lowered:
.L_overlay_start_2:
0x320: {  	(tag) =	ssettag $0x2  }
0x321: {  	s0 =	rddreg [dreg:$0x0];
	s2 =	stileid.u32  }
0x322: {  	s1 =	rddreg [dreg:$0x1];
	p0 =	sne.s32 s2, $0x0  }
0x323: {  	s3 =	rddreg [dreg:$0x2];
	[bflag:$0x3] =	sbarrier.arrive $0xFFFF;
	s2 =	simm.s32 @!p0 $0x1C06  }
0x324: {  	[timem:s3], [sflag:s2] =	dma.local @!p0 [hbm:s0], s1  }
0x325: {  	s0 =	simm.s32 @!p0 $0x6  }
0x326: {  	_ =	swait.ge @!p0 [sflag:s0], s1  }
0x327: {  	s1 =	ssub.s32 @!p0 $0x0, s1;
	[sflag:s0] =	ssyncset.done @!p0 $0x0  }
0x328: {  	[sflag:s0] =	ssyncadd.s32 @!p0 s1  }
0x329: {  	[bflag:$0x3] =	sbarrier.arrive $0xFFFF  }
0x32a: {  	_ =	shalt  }

// kernel: kernel.14.cloned.1.call-start
scs
__scs_entry_jumppad:
0x0: {  	(pc) =	sbr.rel $0x88, $3  }
0x1: {  	(tag) =	ssettag $0x0;
	lr =	simm.s32 $0x1  }
0x2: {  	[smem:$0x3F91] =	sst lr;
	_ =	strace $0xD0000000  }
0x3: {  	_ = 	snop  }
0x4: {  	_ = 	snop  }
0x5: {  	_ = 	snop  }
0x6: {  	_ = 	snop  }
0x7: {  	_ = 	snop  }
__scs_overlays_trampoline_lowered:
0x8: {  	[smem:$0x3FA0] =	sst s0  }
0x9: {  	[smem:$0x3FA1] =	sst s1  }
0xa: {  	[smem:$0x3FA2] =	sst s2  }
0xb: {  	[smem:$0x3FA3] =	sst s3  }
0xc: {  	[smem:$0x3FA4] =	sst s4  }
0xd: {  	[smem:$0x3FA5] =	sst s5  }
0xe: {  	[smem:$0x3FA6] =	sst s6  }
0xf: {  	[smem:$0x3FA7] =	sst s7  }
0x10: {  	[smem:$0x3FA8] =	sst s8  }
0x11: {  	[smem:$0x3FA9] =	sst s9;
	s0 =	simm.s32 @!p0 $0x0  }
0x12: {  	s1 =	sld [smem:$0x3F8F];
	s0 =	simm.s32 @p0 $0x1  }
0x13: {  	[smem:$0x3FAA] =	sst s0;
	s0 =	simm.s32 @!p1 $0x0  }
0x14: {  	s2 =	sld [smem:$0x3F8E];
	s0 =	simm.s32 @p1 $0x1  }
0x15: {  	[smem:$0x3FAB] =	sst s0;
	s0 =	simm.s32 @!p2 $0x0  }
0x16: {  	s3 =	sld [smem:$0x3FDB];
	s0 =	simm.s32 @p2 $0x1  }
0x17: {  	s4 =	simm.s32 $0x1BF5;
	[smem:$0x3FAD] =	sst s0  }
0x18: {  	s0 =	sld [smem:$0x3F90];
	_ =	swait.ge [sflag:s4], $0x0  }
0x19: {  	s7 =	sld [smem:$0x3F91]  }
0x1a: {  	s8 =	sadd.s32 $0xFFFFE003, lr  }
0x1b: {  	s9 =	sadd.s32 $0xFFFFFEF7, lr;
	s5 =	simm.s32 $0xFFFFFFFF;
	p2 =	slt.u32 s8, $0xFFFFF086  }
0x1c: {  	p1 =	slt.u32 s9, $0xF7A;
	s5 =	simm.s32 @!p2 $0x0  }
0x1d: {  	s5 =	simm.s32 @p1 $0x1;
	p0 =	seq.s32 s7, s2  }
0x1e: {  	s7 =	smul.u32 @!p0 $0xF7A, s2;
	p2 =	seq.s32 @!p0 s5, $0x0  }
0x1f: {  	s9 =	smul.u32 $0xF7A, s1;
	s8 =	simm.s32 @!p0 $0x1BF5;
	p2 =	por !p2, p0  }
0x20: {  	[sflag:s8] =	ssyncset.s32 @!p0 $0xFFFFF086;
	s6 =	sadd.s32 @!p0 s3, s7;
	s7 =	simm.s32 @!p0 $0x108  }
0x21: {  	s3 =	sadd.s32 s3, s9;
	s6 =	sadd.s32 @!p0 $0x88, s6;
	s7 =	simm.s32 @p2 $0x1082  }
0x22: {  	[simem:s7], [sflag:s8] =	dma.local @!p0 [hbm:s6], $0xF7A  }
0x23: {  	s9 =	sor.u32 $0xD0000000, s2;
	s6 =	simm.s32 $0x108;
	_ =	swait.ge @!p0 [sflag:s8], $0x0  }
0x24: {  	s3 =	sadd.s32 $0x88, s3;
	s6 =	simm.s32 @!p1 $0x1082;
	[sflag:s4] =	ssyncset.s32 $0xFFFFF086  }
0x25: {  	[simem:s6], [sflag:s4] =	dma.local [hbm:s3], $0xF7A  }
0x26: {  	[smem:$0x3F91] =	sst s1;
	(tag) =	ssettag s2;
	_ =	strace s9  }
0x27: {  	s1 =	sld [smem:$0x3FA1]  }
0x28: {  	s2 =	sld [smem:$0x3FA2]  }
0x29: {  	s4 =	sld [smem:$0x3FA4]  }
0x2a: {  	p0 =	seq.s32 s5, $0x0;
	s5 =	sld [smem:$0x3FA5]  }
0x2b: {  	s6 =	sld [smem:$0x3FA6]  }
0x2c: {  	s7 =	sld [smem:$0x3FA7]  }
0x2d: {  	s3 =	simm.s32 $0x108;
	s8 =	sld [smem:$0x3FA8]  }
0x2e: {  	s3 =	simm.s32 @!p0 $0x1082;
	s9 =	sld [smem:$0x3FA9]  }
0x2f: {  	lr =	sadd.s32 s0, s3;
	s0 =	sld [smem:$0x3FA0]  }
0x30: {  	s3 =	sld [smem:$0x3FA3]  }
0x31: {  	[smem:$0x3FAC] =	sst s10  }
0x32: {  	s10 =	sld [smem:$0x3FAA];
	_ =	sdelay $0x3  }
0x33: {  	p0 =	seq.s32 s10, $0x1;
	s10 =	sld [smem:$0x3FAC];
	_ =	sdelay $0x3  }
0x34: {  	[smem:$0x3FAC] =	sst s10  }
0x35: {  	s10 =	sld [smem:$0x3FAB];
	_ =	sdelay $0x3  }
0x36: {  	p1 =	seq.s32 s10, $0x1;
	s10 =	sld [smem:$0x3FAC];
	_ =	sdelay $0x3  }
0x37: {  	[smem:$0x3FAC] =	sst s10  }
0x38: {  	s10 =	sld [smem:$0x3FAD]  }
0x39: {  	_ = 	snop;
	(pc) =	sbr.ind lr, $3  }
0x3a: {  	_ = 	snop  }
0x3b: {  	_ = 	snop  }
0x3c: {  	p2 =	seq.s32 s10, $0x1;
	s10 =	sld [smem:$0x3FAC]  }
0x3d: {  	_ =	shalt  }
0x3e: {  	_ =	shalt  }
0x3f: {  	_ =	shalt  }
0x40: {  	_ =	shalt  }
0x41: {  	_ =	shalt  }
0x42: {  	_ =	shalt  }
0x43: {  	_ =	shalt  }
0x44: {  	_ =	shalt  }
0x45: {  	_ =	shalt  }
0x46: {  	_ =	shalt  }
0x47: {  	_ =	shalt  }
0x48: {  	_ =	shalt  }
0x49: {  	_ =	shalt  }
0x4a: {  	_ =	shalt  }
0x4b: {  	_ =	shalt  }
0x4c: {  	_ =	shalt  }
0x4d: {  	_ =	shalt  }
0x4e: {  	_ =	shalt  }
0x4f: {  	_ =	shalt  }
0x50: {  	_ =	shalt  }
0x51: {  	_ =	shalt  }
0x52: {  	_ =	shalt  }
0x53: {  	_ =	shalt  }
0x54: {  	_ =	shalt  }
0x55: {  	_ =	shalt  }
0x56: {  	_ =	shalt  }
0x57: {  	_ =	shalt  }
0x58: {  	_ =	shalt  }
0x59: {  	_ =	shalt  }
0x5a: {  	_ =	shalt  }
0x5b: {  	_ =	shalt  }
0x5c: {  	_ =	shalt  }
0x5d: {  	_ =	shalt  }
0x5e: {  	_ =	shalt  }
0x5f: {  	_ =	shalt  }
0x60: {  	_ =	shalt  }
0x61: {  	_ =	shalt  }
0x62: {  	_ =	shalt  }
0x63: {  	_ =	shalt  }
0x64: {  	_ =	shalt  }
0x65: {  	_ =	shalt  }
0x66: {  	_ =	shalt  }
0x67: {  	_ =	shalt  }
0x68: {  	_ =	shalt  }
0x69: {  	_ =	shalt  }
0x6a: {  	_ =	shalt  }
0x6b: {  	_ =	shalt  }
0x6c: {  	_ =	shalt  }
0x6d: {  	_ =	shalt  }
0x6e: {  	_ =	shalt  }
0x6f: {  	_ =	shalt  }
0x70: {  	_ =	shalt  }
0x71: {  	_ =	shalt  }
0x72: {  	_ =	shalt  }
0x73: {  	_ =	shalt  }
0x74: {  	_ =	shalt  }
0x75: {  	_ =	shalt  }
0x76: {  	_ =	shalt  }
0x77: {  	_ =	shalt  }
0x78: {  	_ =	shalt  }
0x79: {  	_ =	shalt  }
0x7a: {  	_ =	shalt  }
0x7b: {  	_ =	shalt  }
0x7c: {  	_ =	shalt  }
0x7d: {  	_ =	shalt  }
0x7e: {  	_ =	shalt  }
0x7f: {  	_ =	shalt  }
0x80: {  	_ =	shalt  }
0x81: {  	_ =	shalt  }
0x82: {  	_ =	shalt  }
0x83: {  	_ =	shalt  }
0x84: {  	_ =	shalt  }
0x85: {  	_ =	shalt  }
0x86: {  	_ =	shalt  }
0x87: {  	_ =	shalt  }
.Lfunc_end0:
.L_simem_size_0:
called_computation.2_lowered:
.L_overlay_start_0:
0x88: {  	s2 =	sld [smem:$0x3FD9]  }
0x89: {  	s3 =	sld [smem:$0x3FFE];
	_ =	sdelay $0x1  }
0x8a: {  	s1 =	srdreg.scid  }
0x8b: {  	s0 =	sand.u32 $0x1, s1  }
0x8c: {  	s16 =	sshll.u32 s0, $0xA;
	s2 =	sadd.s32 s3, s2  }
0x8d: {  	s2 =	sadd.s32 s2, s16  }
0x8e: {  	[smem:$0x3FB8] =	sst s2  }
0x8f: {  	_ = 	snop  }
0x90: {  	(tm) =	ssettm $0x1  }
0x91: {  	s17 =	sld [smem:$0x3FFB];
	_ =	sdelay $0x3  }
0x92: {  	_ =	strace s17  }
0x93: {  	s2 =	sld [smem:$0x3FFC];
	_ =	sdelay $0x3  }
0x94: {  	_ =	strace s2  }
0x95: {  	s2 =	sld [smem:$0x3FFD];
	_ =	sdelay $0x3  }
0x96: {  	_ =	strace s2  }
0x97: {  	_ =	strace $0x8FFFFFFF  }
0x98: {  	s18 =	sld [smem:$0x3FDB];
	_ =	sdelay $0x1  }
0x99: {  	s19 =	simm.s32 $_scs_section_size  }
0x9a: {  	s4 =	simm.s32 $_size__tile_overlayer_lowered;
	s5 =	simm.s32 $_tile_overlayer_lowered  }
0x9b: {  	s22 =	simm.s32 $0x1BFF;
	s21 =	sshll.u32 s5, $0x1;
	s2 =	sadd.s32 s19, s18  }
0x9c: {  	s6 =	simm.s32 $0x0;
	s20 =	sshll.u32 s4, $0x1;
	s4 =	sadd.s32 s21, s2  }
0x9d: {  	[timem:s6], [sflag:s22] =	dma.local [hbm:s4], s20  }
0x9e: {  	_ =	swait.ge [sflag:s22], s20  }
0x9f: {  	s3 =	ssub.s32 $0x0, s20;
	[sflag:s22] =	ssyncset.done $0x0  }
0xa0: {  	[sflag:s22] =	ssyncadd.s32 s3;
	_ =	sdelay $0x1  }
0xa1: {  	s23 =	simm.s32 $0x1B8B  }
0xa2: {  	_ =	swait.ge [sflag:s23], $0x1  }
0xa3: {  	[sflag:s23] =	ssyncset.done $0x0  }
0xa4: {  	s25 =	simm.s32 $0x1B8E;
	s24 =	sld [smem:$0x3FFE];
	[sflag:s23] =	ssyncadd.s32 $0xFFFFFFFF  }
0xa5: {  	s26 =	simm.s32 $execute0_lowered;
	[smem:$0x3FD2] =	sst s25  }
0xa6: {  	s4 =	sshll.u32 s26, $0x1;
	_ =	strace $0x8000004C;
	[dreg:$0x1] =	wrdreg $0xFFFFFFFF  }
0xa7: {  	s28 =	simm.s32 $_size_execute0_lowered;
	s2 =	sadd.s32 s2, s4;
	[dreg:$0x0] =	wrdreg $0x0  }
0xa8: {  	s4 =	sshll.u32 s28, $0x1;
	[dreg:$0x2] =	wrdreg s2  }
0xa9: {  	[dreg:$0x3] =	wrdreg s4  }
0xaa: {  	[dreg:$0x4] =	wrdreg $0xC0  }
0xab: {  	_ =	task [dreg:s6], $0x5FFFF  }
0xac: {  	[dreg:$0x1] =	wrdreg $0xFFFFFFFF  }
0xad: {  	[dreg:$0x0] =	wrdreg $0x60  }
0xae: {  	[dreg:$0x2] =	wrdreg s24  }
0xaf: {  	[dreg:$0x3] =	wrdreg $0x91000  }
0xb0: {  	[dreg:$0x4] =	wrdreg $0x9  }
0xb1: {  	_ =	task.clear_ibuf [dreg:s6], $0x5FFFF;
	_ =	strace $0x9000004C  }
0xb2: {  	s29 =	simm.s32 $0x9;
	_ =	strace $0x8000004E  }
0xb3: {  	_ =	swait.ge [sflag:s29], $0x1  }
0xb4: {  	[sflag:s29] =	ssyncadd.s32 $0xFFFFFFFF  }
0xb5: {  	_ =	strace $0x9000004E  }
0xb6: {  	_ =	sfence  }
0xb7: {  	s30 =	sld [smem:$0x0];
	_ =	sdelay $0x2  }
0xb8: {  	s31 =	sshll.u32 s1, $0xD;
	s1 =	sshrl.u32 s1, $0x2  }
0xb9: {  	s3 =	sand.u32 $0x4000, s31;
	s1 =	sadd.s32 s1, s30  }
0xba: {  	s0 =	sor.u32 s3, s0;
	s1 =	sshll.u32 s1, $0x11  }
0xbb: {  	s0 =	sor.u32 s1, s0  }
0xbc: {  	s0 =	sadd.s32 $0x8F2B, s0  }
0xbd: {  	[sflag:s0] =	ssyncadd.remote.s32 $0x1  }
0xbe: {  	_ =	sfence.sel $0xFFFF  }
0xbf: {  	[dreg:$0x0] =	wrdreg $0xFFFFFFFF;
	(pc) =	sbr.abs _section_cstart, $3  }
0xc0: {  	[dreg:$0x1] =	wrdreg $0xFFFFFFFF  }
0xc1: {  	_ =	task.clear_ibuf [dreg:s6], $0x2FFFF;
	_ =	strace $0x9FFFFFFF  }
0xc2: {  	(tm) =	ssettm $0x7FFFFFFF  }
0xc3: {  	_ =	shalt  }
tec
execute0_lowered:
.L_overlay_start_1:
0x0: {  	(tag) =	ssettag $0x1  }
0x1: {  	s0 =	rddreg [dreg:$0x0]  }
0x2: {  	s2 =	rddreg [dreg:$0x1];
	s16 =	stileid.u32  }
0x3: {  	s1 =	srdreg.scid;
	s5 =	smul.u32 $0x280, s16  }
0x4: {  	s3 =	simm.s32 $0x0;
	s28 =	simm.s32 $0x5000;
	s24 =	smul.u32 $0x50000, s16  }
0x5: {  	s29 =	simm.s32 $0x1;
	s30 =	simm.s32 $0x50;
	s11 =	smul.u32 $0x2710, s16  }
0x6: {  	s31 =	simm.s32 $0x5080;
	s1 =	sand.u32 $0x1, s1;
	s23 =	smul.u32 $0x27100, s16  }
0x7: {  	[smem:$0x7FF] =	sst s3;
	s10 =	sadd.s32 $0x13D8800, s0;
	s6 =	smul.u32 $0x2800, s1  }
0x8: {  	s4 =	sadd.s32 $0x32E00, s0;
	s7 =	ssub.s32 $0x2, s1;
	s8 =	smul.u32 $0x27100, s1  }
0x9: {  	_ =	strace $0x8000004D;
	s1 =	smul.u32 $0x271000, s1;
	s9 =	sshrl.u32 s7, $0x1  }
0xa: {  	s5 =	sadd.s32 s5, s6;
	s6 =	sshrl.u32 s24, $0x2;
	s12 =	ssub.s32 s7, s9  }
0xb: {  	s11 =	sadd.s32 s11, s8;
	s1 =	sadd.s32 s1, s10;
	s5 =	sshll.u32 s5, $0x4  }
0xc: {  	s13 =	sshrl.u32 s11, $0x3;
	s25 =	sshll.u32 s11, $0x4;
	s14 =	sadd.s32 $0x50, s11  }
0xd: {  	s15 =	sadd.s32 $0x26C0, s11;
	s24 =	sadd.s32 $0xF0, s11;
	s0 =	sadd.s32 s5, s0  }
0xe: {  	s5 =	sadd.s32 s6, s2;
	s13 =	sadd.s32 s4, s13;
	s26 =	sshrl.u32 s14, $0x3  }
0xf: {  	s14 =	sshll.u32 s14, $0x4;
	s17 =	sshrl.u32 s15, $0x3;
	s19 =	sshll.u32 s15, $0x4  }
0x10: {  	s6 =	sadd.s32 $0x4000, s5;
	[dreg:$0x3] =	wrdreg s13;
	s13 =	sadd.s32 s10, s25  }
0x11: {  	s7 =	sadd.s32 $0x8000, s5;
	s18 =	sadd.s32 s4, s17;
	[dreg:$0x4] =	wrdreg s13  }
0x12: {  	s8 =	sadd.s32 $0xC000, s5;
	s20 =	sadd.s32 $0x3CC00, s0;
	[dreg:$0x7] =	wrdreg s18  }
0x13: {  	s9 =	sadd.s32 $0x10000, s5;
	s21 =	sadd.s32 $0x3D400, s0;
	[dreg:$0x9] =	wrdreg s20  }
0x14: {  	s22 =	sadd.s32 $0x3DC00, s0;
	s25 =	sadd.s32 s23, s1;
	[dreg:$0xa] =	wrdreg s21  }
0x15: {  	s1 =	simm.s32 $0x2;
	s13 =	sadd.s32 s4, s26;
	[dreg:$0xb] =	wrdreg s22  }
0x16: {  	s20 =	sadd.s32 $0x3EC00, s0;
	s26 =	sshrl.u32 s24, $0x3;
	s21 =	smax.u32 s12, $0x1  }
0x17: {  	s16 =	sadd.s32 $0xF00, s25;
	s24 =	sadd.s32 $0xA0, s11;
	s25 =	simm.s32 $0x5100  }
0x18: {  	s11 =	simm.s32 $0x4;
	s12 =	simm.s32 $0x0;
	[dreg:$0x5] =	wrdreg s13  }
0x19: {  	s13 =	sadd.s32 s10, s14;
	s23 =	sadd.s32 s26, s4;
	s26 =	simm.s32 $0x5  }
0x1a: {  	[dreg:$0x6] =	wrdreg s13;
	s13 =	sadd.s32 s10, s19;
	s19 =	sadd.s32 $0x3E400, s0  }
0x1b: {  	v0 =	vimm.f32 $0.0e+00;
	s0 =	simm.s32 $0x2800;
	s10 =	simm.s32 $0x3;
	[dreg:$0x8] =	wrdreg s13  }
.LBB2_1:
0x1c: {  	s13 =	simm.s32 $0x0;
	s14 =	simm.s32 $0x200  }
.LBB2_2:
0x1d: {  	p0 =	sne.s32 s14, $0xFE00;
	[tilespmem:s13+$0x5170] =	vst v0  }
0x1e: {  	[tilespmem:s13+$0x5100] =	vst v0  }
0x1f: {  	[tilespmem:s13+$0x5110] =	vst v0  }
.Ltmp0:
0x20: {  	[tilespmem:s13+$0x5120] =	vst v0;
	(pc) =	sbr.rel @p0 .LBB2_2-.Ltmp0, $4  }
0x21: {  	[tilespmem:s13+$0x5130] =	vst v0  }
0x22: {  	[tilespmem:s13+$0x5140] =	vst v0  }
0x23: {  	[tilespmem:s13+$0x5150] =	vst v0  }
0x24: {  	[tilespmem:s13+$0x5160] =	vst v0;
	s13 =	sshra.s32 s14, $0x2;
	s14 =	sadd.s32 $0x200, s14  }
0x25: {  	[tilespmem:s13+$0x5170] =	vst v0  }
0x26: {  	[tilespmem:s13+$0x5100] =	vst v0  }
0x27: {  	[tilespmem:s13+$0x5110] =	vst v0  }
0x28: {  	[tilespmem:s13+$0x5120] =	vst v0  }
0x29: {  	[tilespmem:s13+$0x5130] =	vst v0  }
0x2a: {  	[tilespmem:s13+$0x5140] =	vst v0  }
0x2b: {  	[tilespmem:s13+$0x5150] =	vst v0  }
0x2c: {  	[tilespmem:s13+$0x5160] =	vst v0  }
0x2d: {  	[spmem:s5] =	stream.linear.scatter [tilespmem:s25], [sflag:$0x5], $0x4000, $0x38;
	[tilespmem:$0x1D100] =	vst v63  }
0x2e: {  	_ =	swait.ge [sflag:s26], $0x4000  }
0x2f: {  	[sflag:s26] =	ssyncset.done $0x0  }
0x30: {  	[sflag:s26] =	ssyncadd.s32 $0xFFFFC000  }
0x31: {  	[spmem:s6] =	stream.linear.scatter [tilespmem:s25], [sflag:$0x5], $0x4000, $0x38;
	[tilespmem:$0x1D100] =	vst v63  }
0x32: {  	_ =	swait.ge [sflag:s26], $0x4000  }
0x33: {  	[sflag:s26] =	ssyncset.done $0x0  }
0x34: {  	[sflag:s26] =	ssyncadd.s32 $0xFFFFC000  }
0x35: {  	[spmem:s7] =	stream.linear.scatter [tilespmem:s25], [sflag:$0x5], $0x4000, $0x38;
	[tilespmem:$0x1D100] =	vst v63  }
0x36: {  	_ =	swait.ge [sflag:s26], $0x4000  }
0x37: {  	[sflag:s26] =	ssyncset.done $0x0  }
0x38: {  	[sflag:s26] =	ssyncadd.s32 $0xFFFFC000  }
0x39: {  	[spmem:s8] =	stream.linear.scatter [tilespmem:s25], [sflag:$0x5], $0x4000, $0x38;
	[tilespmem:$0x1D100] =	vst v63  }
0x3a: {  	_ =	swait.ge [sflag:s26], $0x4000  }
0x3b: {  	[sflag:s26] =	ssyncset.done $0x0  }
0x3c: {  	[sflag:s26] =	ssyncadd.s32 $0xFFFFC000  }
0x3d: {  	[spmem:s9] =	stream.linear.scatter [tilespmem:s25], [sflag:$0x5], $0x4000, $0x38;
	[tilespmem:$0x1D100] =	vst v63  }
0x3e: {  	_ =	swait.ge [sflag:s26], $0x4000  }
0x3f: {  	[sflag:s26] =	ssyncset.done $0x0  }
0x40: {  	[sflag:s26] =	ssyncadd.s32 $0xFFFFC000  }
0x41: {  	[bflag:$0x0] =	sbarrier.arrive $0xFFFF  }
0x42: {  	s17 =	simm.s32 $0x0;
	s14 =	rddreg [dreg:$0x3]  }
0x43: {  	[tilespmem:s28], [sflag:$0x1] =	stream.linear.gather [hbm4b:s14+s17], $0x50, $0x38;
	[tilespmem:$0x1D100] =	vst v63  }
0x44: {  	s18 =	rddreg [dreg:$0x4]  }
0x45: {  	[tilespmem:s17], [sflag:$0x1] =	stream.linear.gather [hbm4b:s18+s17], $0x2800, $0x38;
	[tilespmem:$0x1D100] =	vst v63  }
0x46: {  	_ =	swait.ge [sflag:s29], $0x50  }
0x47: {  	[sflag:s29] =	ssyncset.done $0x0  }
0x48: {  	[sflag:s29] =	ssyncadd.s32 $0xFFFFFFB0  }
0x49: {  	_ =	swait.ge [sflag:s29], $0x2800  }
0x4a: {  	[sflag:s29] =	ssyncset.done $0x0  }
0x4b: {  	[sflag:s29] =	ssyncadd.s32 $0xFFFFD800  }
0x4c: {  	[spmem:s2] =	stream.indirect.scatter.add.f32 [tilespmem:s17], [sflag:$0x3], $0x80, s28, s30, $0xb8;
	[tilespmem:$0x1D100] =	vst v63  }
0x4d: {  	s22 =	rddreg [dreg:$0x5]  }
0x4e: {  	[tilespmem:s31], [sflag:$0x2] =	stream.linear.gather [hbm4b:s22+s17], $0x50, $0x38;
	[tilespmem:$0x1D100] =	vst v63  }
0x4f: {  	s15 =	rddreg [dreg:$0x6]  }
0x50: {  	[tilespmem:s0], [sflag:$0x2] =	stream.linear.gather [hbm4b:s15+s17], $0x2800, $0x38;
	[tilespmem:$0x1D100] =	vst v63  }
0x51: {  	_ =	swait.ge [sflag:s1], $0x50  }
0x52: {  	[sflag:s1] =	ssyncset.done $0x0  }
0x53: {  	[sflag:s1] =	ssyncadd.s32 $0xFFFFFFB0  }
0x54: {  	_ =	swait.ge [sflag:s1], $0x2800  }
0x55: {  	[sflag:s1] =	ssyncset.done $0x0  }
0x56: {  	[sflag:s1] =	ssyncadd.s32 $0xFFFFD800  }
0x57: {  	[spmem:s2] =	stream.indirect.scatter.add.f32 [tilespmem:s0], [sflag:$0x4], $0x80, s31, s30, $0xb8;
	[tilespmem:$0x1D100] =	vst v63  }
0x58: {  	_ =	swait.ge [sflag:s10], $0x2800  }
0x59: {  	s17 =	sshrl.u32 s24, $0x3;
	[sflag:s10] =	ssyncset.done $0x0  }
0x5a: {  	s13 =	sadd.s32 s4, s17;
	[sflag:s10] =	ssyncadd.s32 $0xFFFFD800  }
0x5b: {  	[tilespmem:s28], [sflag:$0x1] =	stream.linear.gather [hbm4b:s13+s3], $0x50, $0x38;
	[tilespmem:$0x1D100] =	vst v63  }
0x5c: {  	s18 =	sadd.s32 $0xFFFFFB00, s16  }
0x5d: {  	[tilespmem:s3], [sflag:$0x1] =	stream.linear.gather [hbm4b:s18+s3], $0x2800, $0x38;
	[tilespmem:$0x1D100] =	vst v63  }
0x5e: {  	_ =	swait.ge [sflag:s29], $0x50  }
0x5f: {  	[sflag:s29] =	ssyncset.done $0x0  }
0x60: {  	[sflag:s29] =	ssyncadd.s32 $0xFFFFFFB0  }
0x61: {  	_ =	swait.ge [sflag:s29], $0x2800  }
0x62: {  	[sflag:s29] =	ssyncset.done $0x0  }
0x63: {  	[sflag:s29] =	ssyncadd.s32 $0xFFFFD800  }
0x64: {  	[spmem:s2] =	stream.indirect.scatter.add.f32 [tilespmem:s3], [sflag:$0x3], $0x80, s28, s30, $0xb8;
	[tilespmem:$0x1D100] =	vst v63  }
0x65: {  	_ =	swait.ge [sflag:s11], $0x2800  }
0x66: {  	[sflag:s11] =	ssyncset.done $0x0  }
0x67: {  	s14 =	sadd.s32 $0xA00, s16;
	s22 =	sadd.s32 $0x0, s23;
	[sflag:s11] =	ssyncadd.s32 $0xFFFFD800  }
0x68: {  	[tilespmem:s31], [sflag:$0x2] =	stream.linear.gather [hbm4b:s22+s3], $0x50, $0x38;
	[tilespmem:$0x1D100] =	vst v63  }
0x69: {  	s15 =	sadd.s32 $0xA0, s24;
	s13 =	simm.s32 $0x14;
	s22 =	smov.u32 s16  }
.LBB2_4:
0x6a: {  	[tilespmem:s0], [sflag:$0x2] =	stream.linear.gather [hbm4b:s22+s3], $0x2800, $0x38;
	[tilespmem:$0x1D100] =	vst v63  }
0x6b: {  	s17 =	smov.u32 s13;
	s22 =	smov.u32 s14  }
0x6c: {  	p0 =	sne.s32 s13, $0x4B0;
	s13 =	sadd.s32 $0x14, s13;
	_ =	swait.ge [sflag:s1], $0x50  }
0x6d: {  	[sflag:s1] =	ssyncset.done $0x0  }
0x6e: {  	[sflag:s1] =	ssyncadd.s32 $0xFFFFFFB0  }
0x6f: {  	_ =	swait.ge [sflag:s1], $0x2800  }
0x70: {  	[sflag:s1] =	ssyncset.done $0x0  }
0x71: {  	[sflag:s1] =	ssyncadd.s32 $0xFFFFD800  }
0x72: {  	[spmem:s2] =	stream.indirect.scatter.add.f32 [tilespmem:s0], [sflag:$0x4], $0x80, s31, s30, $0xb8;
	[tilespmem:$0x1D100] =	vst v63  }
0x73: {  	_ =	swait.ge [sflag:s10], $0x2800  }
0x74: {  	s18 =	sshrl.u32 s15, $0x3;
	[sflag:s10] =	ssyncset.done $0x0  }
0x75: {  	s18 =	sadd.s32 s4, s18;
	[sflag:s10] =	ssyncadd.s32 $0xFFFFD800  }
0x76: {  	[tilespmem:s28], [sflag:$0x1] =	stream.linear.gather [hbm4b:s18+s3], $0x50, $0x38;
	[tilespmem:$0x1D100] =	vst v63  }
0x77: {  	s18 =	sadd.s32 $0xFFFFFB00, s14  }
0x78: {  	[tilespmem:s3], [sflag:$0x1] =	stream.linear.gather [hbm4b:s18+s3], $0x2800, $0x38;
	[tilespmem:$0x1D100] =	vst v63  }
0x79: {  	_ =	swait.ge [sflag:s29], $0x50  }
0x7a: {  	[sflag:s29] =	ssyncset.done $0x0  }
0x7b: {  	[sflag:s29] =	ssyncadd.s32 $0xFFFFFFB0  }
0x7c: {  	_ =	swait.ge [sflag:s29], $0x2800  }
0x7d: {  	[sflag:s29] =	ssyncset.done $0x0  }
0x7e: {  	[sflag:s29] =	ssyncadd.s32 $0xFFFFD800  }
0x7f: {  	[spmem:s2] =	stream.indirect.scatter.add.f32 [tilespmem:s3], [sflag:$0x3], $0x80, s28, s30, $0xb8;
	[tilespmem:$0x1D100] =	vst v63  }
.Ltmp1:
0x80: {  	_ =	swait.ge [sflag:s11], $0x2800;
	(pc) =	sbr.rel @p0 .LBB2_4-.Ltmp1, $4  }
0x81: {  	[sflag:s11] =	ssyncset.done $0x0  }
0x82: {  	s17 =	sadd.s32 s17, s23;
	[sflag:s11] =	ssyncadd.s32 $0xFFFFD800  }
0x83: {  	[tilespmem:s31], [sflag:$0x2] =	stream.linear.gather [hbm4b:s17+s3], $0x50, $0x38;
	[tilespmem:$0x1D100] =	vst v63  }
0x84: {  	s15 =	sadd.s32 $0xA0, s15;
	s14 =	sadd.s32 $0xA00, s14  }
0x85: {  	[tilespmem:s0], [sflag:$0x2] =	stream.linear.gather [hbm4b:s22+s3], $0x2800, $0x38;
	[tilespmem:$0x1D100] =	vst v63  }
0x86: {  	_ =	swait.ge [sflag:s1], $0x50  }
0x87: {  	[sflag:s1] =	ssyncset.done $0x0  }
0x88: {  	[sflag:s1] =	ssyncadd.s32 $0xFFFFFFB0  }
0x89: {  	_ =	swait.ge [sflag:s1], $0x2800  }
0x8a: {  	[sflag:s1] =	ssyncset.done $0x0  }
0x8b: {  	[sflag:s1] =	ssyncadd.s32 $0xFFFFD800  }
0x8c: {  	[spmem:s2] =	stream.indirect.scatter.add.f32 [tilespmem:s0], [sflag:$0x4], $0x80, s31, s30, $0xb8;
	[tilespmem:$0x1D100] =	vst v63  }
0x8d: {  	_ =	swait.ge [sflag:s10], $0x2800  }
0x8e: {  	[sflag:s10] =	ssyncset.done $0x0  }
0x8f: {  	s13 =	rddreg [dreg:$0x7];
	[sflag:s10] =	ssyncadd.s32 $0xFFFFD800  }
0x90: {  	[tilespmem:s28], [sflag:$0x1] =	stream.linear.gather [hbm4b:s13+s3], $0x50, $0x38;
	[tilespmem:$0x1D100] =	vst v63  }
0x91: {  	s15 =	rddreg [dreg:$0x8]  }
0x92: {  	[tilespmem:s3], [sflag:$0x1] =	stream.linear.gather [hbm4b:s15+s3], $0x2800, $0x38;
	[tilespmem:$0x1D100] =	vst v63  }
0x93: {  	_ =	swait.ge [sflag:s29], $0x50  }
0x94: {  	[sflag:s29] =	ssyncset.done $0x0  }
0x95: {  	[sflag:s29] =	ssyncadd.s32 $0xFFFFFFB0  }
0x96: {  	_ =	swait.ge [sflag:s29], $0x2800  }
0x97: {  	[sflag:s29] =	ssyncset.done $0x0  }
0x98: {  	[sflag:s29] =	ssyncadd.s32 $0xFFFFD800  }
0x99: {  	[spmem:s2] =	stream.indirect.scatter.add.f32 [tilespmem:s3], [sflag:$0x3], $0x80, s28, s30, $0xb8;
	[tilespmem:$0x1D100] =	vst v63  }
0x9a: {  	_ =	swait.ge [sflag:s11], $0x2800  }
0x9b: {  	[sflag:s11] =	ssyncset.done $0x0  }
0x9c: {  	[sflag:s11] =	ssyncadd.s32 $0xFFFFD800  }
0x9d: {  	_ =	swait.ge [sflag:s10], $0x2800  }
0x9e: {  	[sflag:s10] =	ssyncset.done $0x0  }
0x9f: {  	[sflag:s10] =	ssyncadd.s32 $0xFFFFD800  }
0xa0: {  	[bflag:$0x0] =	sbarrier.arrive $0xFFFF  }
0xa1: {  	[tilespmem:s25], [sflag:$0x5] =	stream.linear.gather [spmem:s5], $0x4000, $0x38;
	[tilespmem:$0x1D100] =	vst v63  }
0xa2: {  	_ =	swait.ge [sflag:s26], $0x4000  }
0xa3: {  	[sflag:s26] =	ssyncset.done $0x0  }
0xa4: {  	s17 =	rddreg [dreg:$0x9];
	[sflag:s26] =	ssyncadd.s32 $0xFFFFC000  }
0xa5: {  	[hbm4b:s17+s3] =	stream.linear.scatter [tilespmem:s25], [sflag:$0x5], $0x4000, $0x38;
	[tilespmem:$0x1D100] =	vst v63  }
0xa6: {  	_ =	swait.ge [sflag:s26], $0x4000  }
0xa7: {  	[sflag:s26] =	ssyncset.done $0x0  }
0xa8: {  	[sflag:s26] =	ssyncadd.s32 $0xFFFFC000  }
0xa9: {  	[tilespmem:s25], [sflag:$0x5] =	stream.linear.gather [spmem:s6], $0x4000, $0x38;
	[tilespmem:$0x1D100] =	vst v63  }
0xaa: {  	_ =	swait.ge [sflag:s26], $0x4000  }
0xab: {  	[sflag:s26] =	ssyncset.done $0x0  }
0xac: {  	s18 =	rddreg [dreg:$0xa];
	[sflag:s26] =	ssyncadd.s32 $0xFFFFC000  }
0xad: {  	[hbm4b:s18+s3] =	stream.linear.scatter [tilespmem:s25], [sflag:$0x5], $0x4000, $0x38;
	[tilespmem:$0x1D100] =	vst v63  }
0xae: {  	_ =	swait.ge [sflag:s26], $0x4000  }
0xaf: {  	[sflag:s26] =	ssyncset.done $0x0  }
0xb0: {  	[sflag:s26] =	ssyncadd.s32 $0xFFFFC000  }
0xb1: {  	[tilespmem:s25], [sflag:$0x5] =	stream.linear.gather [spmem:s7], $0x4000, $0x38;
	[tilespmem:$0x1D100] =	vst v63  }
0xb2: {  	_ =	swait.ge [sflag:s26], $0x4000  }
0xb3: {  	[sflag:s26] =	ssyncset.done $0x0  }
0xb4: {  	s22 =	rddreg [dreg:$0xb];
	[sflag:s26] =	ssyncadd.s32 $0xFFFFC000  }
0xb5: {  	[hbm4b:s22+s3] =	stream.linear.scatter [tilespmem:s25], [sflag:$0x5], $0x4000, $0x38;
	[tilespmem:$0x1D100] =	vst v63  }
0xb6: {  	_ =	swait.ge [sflag:s26], $0x4000  }
0xb7: {  	[sflag:s26] =	ssyncset.done $0x0  }
0xb8: {  	[sflag:s26] =	ssyncadd.s32 $0xFFFFC000  }
0xb9: {  	[tilespmem:s25], [sflag:$0x5] =	stream.linear.gather [spmem:s8], $0x4000, $0x38;
	[tilespmem:$0x1D100] =	vst v63  }
0xba: {  	_ =	swait.ge [sflag:s26], $0x4000  }
0xbb: {  	[sflag:s26] =	ssyncset.done $0x0  }
0xbc: {  	[sflag:s26] =	ssyncadd.s32 $0xFFFFC000  }
0xbd: {  	[hbm4b:s19+s3] =	stream.linear.scatter [tilespmem:s25], [sflag:$0x5], $0x4000, $0x38;
	[tilespmem:$0x1D100] =	vst v63  }
0xbe: {  	_ =	swait.ge [sflag:s26], $0x4000  }
0xbf: {  	[sflag:s26] =	ssyncset.done $0x0  }
0xc0: {  	[sflag:s26] =	ssyncadd.s32 $0xFFFFC000  }
0xc1: {  	[tilespmem:s25], [sflag:$0x5] =	stream.linear.gather [spmem:s9], $0x4000, $0x38;
	[tilespmem:$0x1D100] =	vst v63  }
0xc2: {  	s12 =	sadd.s32 $0x1, s12;
	_ =	swait.ge [sflag:s26], $0x4000  }
0xc3: {  	p0 =	sne.s32 s12, s21;
	[sflag:s26] =	ssyncset.done $0x0  }
.Ltmp2:
0xc4: {  	[sflag:s26] =	ssyncadd.s32 $0xFFFFC000;
	(pc) =	sbr.rel @p0 .LBB2_1-.Ltmp2, $4  }
0xc5: {  	[hbm4b:s20+s3] =	stream.linear.scatter [tilespmem:s25], [sflag:$0x5], $0x4000, $0x38;
	[tilespmem:$0x1D100] =	vst v63  }
0xc6: {  	_ =	swait.ge [sflag:s26], $0x4000  }
0xc7: {  	[sflag:s26] =	ssyncset.done $0x0  }
0xc8: {  	[sflag:s26] =	ssyncadd.s32 $0xFFFFC000  }
0xc9: {  	_ =	sfence.sel $0x180000  }
0xca: {  	[bflag:$0x0] =	sbarrier.arrive $0xFFFF  }
0xcb: {  	_ =	strace $0x9000004D  }
0xcc: {  	s0 =	stileid.u32;
	[bflag:$0x2] =	sbarrier.arrive $0xFFFF  }
0xcd: {  	p0 =	sne.s32 s0, $0x0;
	s0 =	rddreg [dreg:$0x2]  }
0xce: {  	s0 =	sadd.s32 @!p0 $0x100000, s0  }
0xcf: {  	[sflag:s0] =	ssyncadd.tile.s32 @!p0 $0x1;
	_ =	shalt  }
.Lfunc_end2:
_tile_overlayer_lowered:
.L_overlay_start_2:
0xd0: {  	(tag) =	ssettag $0x2  }
0xd1: {  	s0 =	rddreg [dreg:$0x0];
	s2 =	stileid.u32  }
0xd2: {  	s1 =	rddreg [dreg:$0x1];
	p0 =	sne.s32 s2, $0x0  }
0xd3: {  	s3 =	rddreg [dreg:$0x2];
	[bflag:$0x3] =	sbarrier.arrive $0xFFFF;
	s2 =	simm.s32 @!p0 $0x1C05  }
0xd4: {  	[timem:s3], [sflag:s2] =	dma.local @!p0 [hbm:s0], s1  }
0xd5: {  	s0 =	simm.s32 @!p0 $0x5  }
0xd6: {  	_ =	swait.ge @!p0 [sflag:s0], s1  }
0xd7: {  	s1 =	ssub.s32 @!p0 $0x0, s1;
	[sflag:s0] =	ssyncset.done @!p0 $0x0  }
0xd8: {  	[sflag:s0] =	ssyncadd.s32 @!p0 s1  }
0xd9: {  	[bflag:$0x3] =	sbarrier.arrive $0xFFFF  }
0xda: {  	_ =	shalt  }

// kernel: kernel.17.cloned.1.call-start
scs
__scs_entry_jumppad:
0x0: {  	(pc) =	sbr.rel $0x88, $3  }
0x1: {  	(tag) =	ssettag $0x0;
	lr =	simm.s32 $0x1  }
0x2: {  	[smem:$0x3F91] =	sst lr;
	_ =	strace $0xD0000000  }
0x3: {  	_ = 	snop  }
0x4: {  	_ = 	snop  }
0x5: {  	_ = 	snop  }
0x6: {  	_ = 	snop  }
0x7: {  	_ = 	snop  }
__scs_overlays_trampoline_lowered:
0x8: {  	[smem:$0x3FA0] =	sst s0  }
0x9: {  	[smem:$0x3FA1] =	sst s1  }
0xa: {  	[smem:$0x3FA2] =	sst s2  }
0xb: {  	[smem:$0x3FA3] =	sst s3  }
0xc: {  	[smem:$0x3FA4] =	sst s4  }
0xd: {  	[smem:$0x3FA5] =	sst s5  }
0xe: {  	[smem:$0x3FA6] =	sst s6  }
0xf: {  	[smem:$0x3FA7] =	sst s7  }
0x10: {  	[smem:$0x3FA8] =	sst s8  }
0x11: {  	[smem:$0x3FA9] =	sst s9;
	s0 =	simm.s32 @!p0 $0x0  }
0x12: {  	s1 =	sld [smem:$0x3F8F];
	s0 =	simm.s32 @p0 $0x1  }
0x13: {  	[smem:$0x3FAA] =	sst s0;
	s0 =	simm.s32 @!p1 $0x0  }
0x14: {  	s2 =	sld [smem:$0x3F8E];
	s0 =	simm.s32 @p1 $0x1  }
0x15: {  	[smem:$0x3FAB] =	sst s0;
	s0 =	simm.s32 @!p2 $0x0  }
0x16: {  	s3 =	sld [smem:$0x3FDB];
	s0 =	simm.s32 @p2 $0x1  }
0x17: {  	s4 =	simm.s32 $0x1BF5;
	[smem:$0x3FAD] =	sst s0  }
0x18: {  	s0 =	sld [smem:$0x3F90];
	_ =	swait.ge [sflag:s4], $0x0  }
0x19: {  	s7 =	sld [smem:$0x3F91]  }
0x1a: {  	s8 =	sadd.s32 $0xFFFFE003, lr  }
0x1b: {  	s9 =	sadd.s32 $0xFFFFFEF7, lr;
	s5 =	simm.s32 $0xFFFFFFFF;
	p2 =	slt.u32 s8, $0xFFFFF086  }
0x1c: {  	p1 =	slt.u32 s9, $0xF7A;
	s5 =	simm.s32 @!p2 $0x0  }
0x1d: {  	s5 =	simm.s32 @p1 $0x1;
	p0 =	seq.s32 s7, s2  }
0x1e: {  	s7 =	smul.u32 @!p0 $0xF7A, s2;
	p2 =	seq.s32 @!p0 s5, $0x0  }
0x1f: {  	s9 =	smul.u32 $0xF7A, s1;
	s8 =	simm.s32 @!p0 $0x1BF5;
	p2 =	por !p2, p0  }
0x20: {  	[sflag:s8] =	ssyncset.s32 @!p0 $0xFFFFF086;
	s6 =	sadd.s32 @!p0 s3, s7;
	s7 =	simm.s32 @!p0 $0x108  }
0x21: {  	s3 =	sadd.s32 s3, s9;
	s6 =	sadd.s32 @!p0 $0x88, s6;
	s7 =	simm.s32 @p2 $0x1082  }
0x22: {  	[simem:s7], [sflag:s8] =	dma.local @!p0 [hbm:s6], $0xF7A  }
0x23: {  	s9 =	sor.u32 $0xD0000000, s2;
	s6 =	simm.s32 $0x108;
	_ =	swait.ge @!p0 [sflag:s8], $0x0  }
0x24: {  	s3 =	sadd.s32 $0x88, s3;
	s6 =	simm.s32 @!p1 $0x1082;
	[sflag:s4] =	ssyncset.s32 $0xFFFFF086  }
0x25: {  	[simem:s6], [sflag:s4] =	dma.local [hbm:s3], $0xF7A  }
0x26: {  	[smem:$0x3F91] =	sst s1;
	(tag) =	ssettag s2;
	_ =	strace s9  }
0x27: {  	s1 =	sld [smem:$0x3FA1]  }
0x28: {  	s2 =	sld [smem:$0x3FA2]  }
0x29: {  	s4 =	sld [smem:$0x3FA4]  }
0x2a: {  	p0 =	seq.s32 s5, $0x0;
	s5 =	sld [smem:$0x3FA5]  }
0x2b: {  	s6 =	sld [smem:$0x3FA6]  }
0x2c: {  	s7 =	sld [smem:$0x3FA7]  }
0x2d: {  	s3 =	simm.s32 $0x108;
	s8 =	sld [smem:$0x3FA8]  }
0x2e: {  	s3 =	simm.s32 @!p0 $0x1082;
	s9 =	sld [smem:$0x3FA9]  }
0x2f: {  	lr =	sadd.s32 s0, s3;
	s0 =	sld [smem:$0x3FA0]  }
0x30: {  	s3 =	sld [smem:$0x3FA3]  }
0x31: {  	[smem:$0x3FAC] =	sst s10  }
0x32: {  	s10 =	sld [smem:$0x3FAA];
	_ =	sdelay $0x3  }
0x33: {  	p0 =	seq.s32 s10, $0x1;
	s10 =	sld [smem:$0x3FAC];
	_ =	sdelay $0x3  }
0x34: {  	[smem:$0x3FAC] =	sst s10  }
0x35: {  	s10 =	sld [smem:$0x3FAB];
	_ =	sdelay $0x3  }
0x36: {  	p1 =	seq.s32 s10, $0x1;
	s10 =	sld [smem:$0x3FAC];
	_ =	sdelay $0x3  }
0x37: {  	[smem:$0x3FAC] =	sst s10  }
0x38: {  	s10 =	sld [smem:$0x3FAD]  }
0x39: {  	_ = 	snop;
	(pc) =	sbr.ind lr, $3  }
0x3a: {  	_ = 	snop  }
0x3b: {  	_ = 	snop  }
0x3c: {  	p2 =	seq.s32 s10, $0x1;
	s10 =	sld [smem:$0x3FAC]  }
0x3d: {  	_ =	shalt  }
0x3e: {  	_ =	shalt  }
0x3f: {  	_ =	shalt  }
0x40: {  	_ =	shalt  }
0x41: {  	_ =	shalt  }
0x42: {  	_ =	shalt  }
0x43: {  	_ =	shalt  }
0x44: {  	_ =	shalt  }
0x45: {  	_ =	shalt  }
0x46: {  	_ =	shalt  }
0x47: {  	_ =	shalt  }
0x48: {  	_ =	shalt  }
0x49: {  	_ =	shalt  }
0x4a: {  	_ =	shalt  }
0x4b: {  	_ =	shalt  }
0x4c: {  	_ =	shalt  }
0x4d: {  	_ =	shalt  }
0x4e: {  	_ =	shalt  }
0x4f: {  	_ =	shalt  }
0x50: {  	_ =	shalt  }
0x51: {  	_ =	shalt  }
0x52: {  	_ =	shalt  }
0x53: {  	_ =	shalt  }
0x54: {  	_ =	shalt  }
0x55: {  	_ =	shalt  }
0x56: {  	_ =	shalt  }
0x57: {  	_ =	shalt  }
0x58: {  	_ =	shalt  }
0x59: {  	_ =	shalt  }
0x5a: {  	_ =	shalt  }
0x5b: {  	_ =	shalt  }
0x5c: {  	_ =	shalt  }
0x5d: {  	_ =	shalt  }
0x5e: {  	_ =	shalt  }
0x5f: {  	_ =	shalt  }
0x60: {  	_ =	shalt  }
0x61: {  	_ =	shalt  }
0x62: {  	_ =	shalt  }
0x63: {  	_ =	shalt  }
0x64: {  	_ =	shalt  }
0x65: {  	_ =	shalt  }
0x66: {  	_ =	shalt  }
0x67: {  	_ =	shalt  }
0x68: {  	_ =	shalt  }
0x69: {  	_ =	shalt  }
0x6a: {  	_ =	shalt  }
0x6b: {  	_ =	shalt  }
0x6c: {  	_ =	shalt  }
0x6d: {  	_ =	shalt  }
0x6e: {  	_ =	shalt  }
0x6f: {  	_ =	shalt  }
0x70: {  	_ =	shalt  }
0x71: {  	_ =	shalt  }
0x72: {  	_ =	shalt  }
0x73: {  	_ =	shalt  }
0x74: {  	_ =	shalt  }
0x75: {  	_ =	shalt  }
0x76: {  	_ =	shalt  }
0x77: {  	_ =	shalt  }
0x78: {  	_ =	shalt  }
0x79: {  	_ =	shalt  }
0x7a: {  	_ =	shalt  }
0x7b: {  	_ =	shalt  }
0x7c: {  	_ =	shalt  }
0x7d: {  	_ =	shalt  }
0x7e: {  	_ =	shalt  }
0x7f: {  	_ =	shalt  }
0x80: {  	_ =	shalt  }
0x81: {  	_ =	shalt  }
0x82: {  	_ =	shalt  }
0x83: {  	_ =	shalt  }
0x84: {  	_ =	shalt  }
0x85: {  	_ =	shalt  }
0x86: {  	_ =	shalt  }
0x87: {  	_ =	shalt  }
.Lfunc_end0:
.L_simem_size_0:
called_computation.3_lowered:
.L_overlay_start_0:
0x88: {  	s2 =	sld [smem:$0x3FD9]  }
0x89: {  	s3 =	sld [smem:$0x3FFE];
	_ =	sdelay $0x1  }
0x8a: {  	s1 =	srdreg.scid  }
0x8b: {  	s0 =	sand.u32 $0x1, s1  }
0x8c: {  	s17 =	sshll.u32 s0, $0xA;
	s2 =	sadd.s32 s3, s2  }
0x8d: {  	s2 =	sadd.s32 s2, s17  }
0x8e: {  	[smem:$0x3FB8] =	sst s2  }
0x8f: {  	_ = 	snop  }
0x90: {  	(tm) =	ssettm $0x1  }
0x91: {  	s18 =	sld [smem:$0x3FFB];
	_ =	sdelay $0x3  }
0x92: {  	_ =	strace s18  }
0x93: {  	s2 =	sld [smem:$0x3FFC];
	_ =	sdelay $0x3  }
0x94: {  	_ =	strace s2  }
0x95: {  	s2 =	sld [smem:$0x3FFD];
	_ =	sdelay $0x3  }
0x96: {  	_ =	strace s2  }
0x97: {  	_ =	strace $0x8FFFFFFF  }
0x98: {  	s19 =	sld [smem:$0x3FDB];
	_ =	sdelay $0x1  }
0x99: {  	s20 =	simm.s32 $_scs_section_size  }
0x9a: {  	s4 =	simm.s32 $_size__tile_overlayer_lowered;
	s5 =	simm.s32 $_tile_overlayer_lowered  }
0x9b: {  	s6 =	simm.s32 $0x1BFF;
	s21 =	sshll.u32 s5, $0x1;
	s3 =	sadd.s32 s20, s19  }
0x9c: {  	s22 =	simm.s32 $0x0;
	s4 =	sshll.u32 s4, $0x1;
	s5 =	sadd.s32 s21, s3  }
0x9d: {  	[timem:s22], [sflag:s6] =	dma.local [hbm:s5], s4  }
0x9e: {  	_ =	swait.ge [sflag:s6], s4  }
0x9f: {  	s4 =	ssub.s32 $0x0, s4;
	[sflag:s6] =	ssyncset.done $0x0  }
0xa0: {  	[sflag:s6] =	ssyncadd.s32 s4;
	_ =	sdelay $0x1  }
0xa1: {  	s23 =	simm.s32 $0x1B8B  }
0xa2: {  	_ =	swait.ge [sflag:s23], $0x1  }
0xa3: {  	[sflag:s23] =	ssyncset.done $0x0  }
0xa4: {  	[sflag:s23] =	ssyncadd.s32 $0xFFFFFFFF  }
0xa5: {  	s4 =	sld [smem:$0x0]  }
0xa6: {  	s5 =	sand.u32 $0xFFFFFFFE, s1  }
0xa7: {  	p0 =	sne.s32 s1, s5  }
0xa8: {  	s5 =	sshll.u32 @p0 s5, $0xE  }
0xa9: {  	s5 =	sadd.s32 @p0 $0x11B8D, s5;
	s6 =	sshll.u32 @p0 s4, $0x11  }
0xaa: {  	s5 =	sor.u32 @p0 s6, s5  }
0xab: {  	[sflag:s5] =	ssyncadd.remote.s32 @p0 $0x1;
	_ =	sdelay $0x1  }
0xac: {  	s5 =	simm.s32 @p0 $0x1B8D  }
0xad: {  	_ =	swait.eq @p0 [sflag:s5], $0x1  }
0xae: {  	[sflag:s5] =	ssyncadd.s32 @p0 $0xFFFFFFFF  }
0xaf: {  	s6 =	sshll.u32 @!p0 s1, $0xE  }
0xb0: {  	s6 =	sor.u32 @!p0 $0x4000, s6;
	s5 =	simm.s32 @!p0 $0x1B8D  }
0xb1: {  	s4 =	sshll.u32 @!p0 s4, $0x11;
	s6 =	sadd.s32 @!p0 $0x11B8D, s6;
	_ =	swait.eq @!p0 [sflag:s5], $0x1  }
0xb2: {  	s4 =	sor.u32 @!p0 s4, s6;
	[sflag:s5] =	ssyncadd.s32 @!p0 $0xFFFFFFFF  }
0xb3: {  	s25 =	simm.s32 $0x1B8E;
	s24 =	sld [smem:$0x3FFE];
	[sflag:s4] =	ssyncadd.remote.s32 @!p0 $0x1  }
0xb4: {  	s26 =	simm.s32 $execute0_lowered;
	[smem:$0x3FD2] =	sst s25  }
0xb5: {  	s5 =	sshll.u32 s26, $0x1;
	_ =	strace $0x8000004F;
	[dreg:$0x1] =	wrdreg $0xFFFFFFFF  }
0xb6: {  	s28 =	simm.s32 $_size_execute0_lowered;
	s3 =	sadd.s32 s3, s5;
	[dreg:$0x0] =	wrdreg $0x0  }
0xb7: {  	s5 =	sshll.u32 s28, $0x1;
	[dreg:$0x2] =	wrdreg s3  }
0xb8: {  	[dreg:$0x3] =	wrdreg s5  }
0xb9: {  	[dreg:$0x4] =	wrdreg $0xC0  }
0xba: {  	_ =	task [dreg:s22], $0x5FFFF  }
0xbb: {  	[dreg:$0x1] =	wrdreg $0xFFFFFFFF  }
0xbc: {  	[dreg:$0x0] =	wrdreg $0x60  }
0xbd: {  	[dreg:$0x2] =	wrdreg s24  }
0xbe: {  	[dreg:$0x3] =	wrdreg $0x69000  }
0xbf: {  	[dreg:$0x4] =	wrdreg $0xA  }
0xc0: {  	_ =	task.clear_ibuf [dreg:s22], $0x5FFFF;
	_ =	strace $0x9000004F  }
0xc1: {  	s29 =	simm.s32 $0xA;
	_ =	strace $0x80000051  }
0xc2: {  	_ =	swait.ge [sflag:s29], $0x1  }
0xc3: {  	[sflag:s29] =	ssyncadd.s32 $0xFFFFFFFF  }
0xc4: {  	_ =	strace $0x90000051  }
0xc5: {  	_ =	sfence  }
0xc6: {  	s30 =	sld [smem:$0x0];
	_ =	sdelay $0x2  }
0xc7: {  	s31 =	sshll.u32 s1, $0xD;
	s1 =	sshrl.u32 s1, $0x2  }
0xc8: {  	s4 =	sand.u32 $0x4000, s31;
	s1 =	sadd.s32 s1, s30  }
0xc9: {  	s0 =	sor.u32 s4, s0;
	s1 =	sshll.u32 s1, $0x11  }
0xca: {  	s0 =	sor.u32 s1, s0  }
0xcb: {  	s0 =	sadd.s32 $0x8F2B, s0  }
0xcc: {  	[sflag:s0] =	ssyncadd.remote.s32 $0x1  }
0xcd: {  	_ =	sfence.sel $0xFFFF  }
0xce: {  	[dreg:$0x0] =	wrdreg $0xFFFFFFFF;
	(pc) =	sbr.abs _section_cstart, $3  }
0xcf: {  	[dreg:$0x1] =	wrdreg $0xFFFFFFFF  }
0xd0: {  	_ =	task.clear_ibuf [dreg:s22], $0x2FFFF;
	_ =	strace $0x9FFFFFFF  }
0xd1: {  	(tm) =	ssettm $0x7FFFFFFF  }
tec
execute0_lowered:
.L_overlay_start_1:
0x0: {  	(tag) =	ssettag $0x1  }
0x1: {  	s0 =	srdreg.scid;
	s1 =	rddreg [dreg:$0x0]  }
0x2: {  	s8 =	stileid.u32;
	s2 =	rddreg [dreg:$0x1];
	s3 =	simm.s32 $0x0  }
0x3: {  	s21 =	simm.s32 $0x2900;
	s22 =	simm.s32 $0x5;
	s4 =	smul.u32 $0x280, s8  }
0x4: {  	s28 =	simm.s32 $0x2;
	s29 =	simm.s32 $0x3;
	s6 =	smul.u32 $0x50000, s8  }
0x5: {  	s30 =	simm.s32 $0x4;
	s0 =	sand.u32 $0x1, s0;
	s8 =	smul.u32 $0x2710, s8  }
0x6: {  	s31 =	simm.s32 $0x0;
	[smem:$0x7FF] =	sst s3;
	s5 =	smul.u32 $0x2800, s0  }
0x7: {  	s23 =	smul.u32 $0x27100, s0;
	_ =	strace $0x80000050;
	s0 =	ssub.s32 $0x2, s0  }
0x8: {  	s24 =	sshrl.u32 s0, $0x1;
	s6 =	sshrl.u32 s6, $0x2;
	s4 =	sadd.s32 s4, s5  }
0x9: {  	s11 =	sadd.s32 s8, s23;
	s0 =	ssub.s32 s0, s24;
	s5 =	sadd.s32 s6, s2  }
0xa: {  	s23 =	simm.s32 $0x2800;
	s24 =	simm.s32 $0x1;
	s7 =	sshll.u32 s4, $0x4  }
0xb: {  	s4 =	sadd.s32 $0x1800, s1;
	s8 =	sshrl.u32 s11, $0x3;
	s6 =	sadd.s32 $0x4000, s5  }
0xc: {  	s9 =	sadd.s32 $0xC000, s5;
	s10 =	sadd.s32 $0x10000, s5;
	s19 =	sadd.s32 $0xF0, s11  }
0xd: {  	s18 =	smax.u32 s0, $0x1;
	s20 =	sadd.s32 $0xA0, s11;
	s1 =	sadd.s32 s7, s1  }
0xe: {  	s7 =	sadd.s32 $0x8000, s5;
	s8 =	sadd.s32 s4, s8;
	s26 =	sshrl.u32 s19, $0x3  }
0xf: {  	s12 =	sadd.s32 $0xA, s8;
	s25 =	sadd.s32 $0x4D8, s8;
	s13 =	sadd.s32 $0x8CC00, s1  }
0x10: {  	s14 =	sadd.s32 $0x8D400, s1;
	s15 =	sadd.s32 $0x8DC00, s1;
	s16 =	sadd.s32 $0x8E400, s1  }
0x11: {  	v0 =	vimm.f32 $0.0e+00;
	vm0 =	vcmask $0x300;
	s17 =	sadd.s32 $0x8EC00, s1;
	s19 =	sadd.s32 s26, s4;
	[dreg:$0x3] =	wrdreg s12  }
0x12: {  	v1 =	vsel vm0, $0x3F800000, v0;
	s26 =	simm.s32 $0x2880;
	[dreg:$0x4] =	wrdreg s25;
	s25 =	simm.s32 $0x50  }
.LBB2_1:
0x13: {  	s0 =	simm.s32 $0x0;
	s1 =	simm.s32 $0x200  }
.LBB2_2:
0x14: {  	p0 =	sne.s32 s1, $0xFE00;
	[tilespmem:s0+$0x2970] =	vst v0  }
0x15: {  	[tilespmem:s0+$0x2900] =	vst v0  }
0x16: {  	[tilespmem:s0+$0x2910] =	vst v0  }
.Ltmp0:
0x17: {  	[tilespmem:s0+$0x2920] =	vst v0;
	(pc) =	sbr.rel @p0 .LBB2_2-.Ltmp0, $4  }
0x18: {  	[tilespmem:s0+$0x2930] =	vst v0  }
0x19: {  	[tilespmem:s0+$0x2940] =	vst v0  }
0x1a: {  	[tilespmem:s0+$0x2950] =	vst v0  }
0x1b: {  	[tilespmem:s0+$0x2960] =	vst v0;
	s0 =	sshra.s32 s1, $0x2;
	s1 =	sadd.s32 $0x200, s1  }
0x1c: {  	[tilespmem:s0+$0x2970] =	vst v0  }
0x1d: {  	[tilespmem:s0+$0x2900] =	vst v0  }
0x1e: {  	[tilespmem:s0+$0x2910] =	vst v0  }
0x1f: {  	[tilespmem:s0+$0x2920] =	vst v0  }
0x20: {  	[tilespmem:s0+$0x2930] =	vst v0  }
0x21: {  	[tilespmem:s0+$0x2940] =	vst v0  }
0x22: {  	[tilespmem:s0+$0x2950] =	vst v0  }
0x23: {  	[tilespmem:s0+$0x2960] =	vst v0;
	s0 =	simm.s32 $0x0;
	s1 =	simm.s32 $0x200  }
.LBB2_4:
0x24: {  	p0 =	sne.s32 s1, $0x9E00;
	[tilespmem:s0+$0x70] =	vst v0  }
0x25: {  	[tilespmem:s0+$0x0] =	vst v1  }
0x26: {  	[tilespmem:s0+$0x10] =	vst v0  }
.Ltmp1:
0x27: {  	[tilespmem:s0+$0x20] =	vst v0;
	(pc) =	sbr.rel @p0 .LBB2_4-.Ltmp1, $4  }
0x28: {  	[tilespmem:s0+$0x30] =	vst v0  }
0x29: {  	[tilespmem:s0+$0x40] =	vst v0  }
0x2a: {  	[tilespmem:s0+$0x50] =	vst v0  }
0x2b: {  	[tilespmem:s0+$0x60] =	vst v0;
	s0 =	sshra.s32 s1, $0x2;
	s1 =	sadd.s32 $0x200, s1  }
0x2c: {  	[tilespmem:s0+$0x70] =	vst v0  }
0x2d: {  	[tilespmem:s0+$0x0] =	vst v1  }
0x2e: {  	[tilespmem:s0+$0x10] =	vst v0  }
0x2f: {  	[tilespmem:s0+$0x20] =	vst v0  }
0x30: {  	[tilespmem:s0+$0x30] =	vst v0  }
0x31: {  	[tilespmem:s0+$0x40] =	vst v0  }
0x32: {  	[tilespmem:s0+$0x50] =	vst v0  }
0x33: {  	[tilespmem:s0+$0x60] =	vst v0  }
0x34: {  	[spmem:s5] =	stream.linear.scatter [tilespmem:s21], [sflag:$0x5], $0x4000, $0x38;
	[tilespmem:$0x1A900] =	vst v63  }
0x35: {  	_ =	swait.ge [sflag:s22], $0x4000  }
0x36: {  	[sflag:s22] =	ssyncset.done $0x0  }
0x37: {  	[sflag:s22] =	ssyncadd.s32 $0xFFFFC000  }
0x38: {  	[spmem:s6] =	stream.linear.scatter [tilespmem:s21], [sflag:$0x5], $0x4000, $0x38;
	[tilespmem:$0x1A900] =	vst v63  }
0x39: {  	_ =	swait.ge [sflag:s22], $0x4000  }
0x3a: {  	[sflag:s22] =	ssyncset.done $0x0  }
0x3b: {  	[sflag:s22] =	ssyncadd.s32 $0xFFFFC000  }
0x3c: {  	[spmem:s7] =	stream.linear.scatter [tilespmem:s21], [sflag:$0x5], $0x4000, $0x38;
	[tilespmem:$0x1A900] =	vst v63  }
0x3d: {  	_ =	swait.ge [sflag:s22], $0x4000  }
0x3e: {  	[sflag:s22] =	ssyncset.done $0x0  }
0x3f: {  	[sflag:s22] =	ssyncadd.s32 $0xFFFFC000  }
0x40: {  	[spmem:s9] =	stream.linear.scatter [tilespmem:s21], [sflag:$0x5], $0x4000, $0x38;
	[tilespmem:$0x1A900] =	vst v63  }
0x41: {  	_ =	swait.ge [sflag:s22], $0x4000  }
0x42: {  	[sflag:s22] =	ssyncset.done $0x0  }
0x43: {  	[sflag:s22] =	ssyncadd.s32 $0xFFFFC000  }
0x44: {  	[spmem:s10] =	stream.linear.scatter [tilespmem:s21], [sflag:$0x5], $0x4000, $0x38;
	[tilespmem:$0x1A900] =	vst v63  }
0x45: {  	_ =	swait.ge [sflag:s22], $0x4000  }
0x46: {  	[sflag:s22] =	ssyncset.done $0x0  }
0x47: {  	[sflag:s22] =	ssyncadd.s32 $0xFFFFC000  }
0x48: {  	s11 =	simm.s32 $0x0;
	[bflag:$0x0] =	sbarrier.arrive $0xFFFF  }
0x49: {  	[tilespmem:s23], [sflag:$0x1] =	stream.linear.gather [hbm4b:s8+s11], $0x50, $0x38;
	[tilespmem:$0x1A900] =	vst v63  }
0x4a: {  	_ =	swait.ge [sflag:s24], $0x50  }
0x4b: {  	[sflag:s24] =	ssyncset.done $0x0  }
0x4c: {  	[sflag:s24] =	ssyncadd.s32 $0xFFFFFFB0  }
0x4d: {  	[spmem:s2] =	stream.indirect.scatter.add.f32 [tilespmem:s11], [sflag:$0x3], $0x80, s23, s25, $0xb8;
	[tilespmem:$0x1A900] =	vst v63  }
0x4e: {  	s1 =	rddreg [dreg:$0x3]  }
0x4f: {  	[tilespmem:s26], [sflag:$0x2] =	stream.linear.gather [hbm4b:s1+s11], $0x50, $0x38;
	[tilespmem:$0x1A900] =	vst v63  }
0x50: {  	_ =	swait.ge [sflag:s28], $0x50  }
0x51: {  	[sflag:s28] =	ssyncset.done $0x0  }
0x52: {  	[sflag:s28] =	ssyncadd.s32 $0xFFFFFFB0  }
0x53: {  	[spmem:s2] =	stream.indirect.scatter.add.f32 [tilespmem:s3], [sflag:$0x4], $0x80, s26, s25, $0xb8;
	[tilespmem:$0x1A900] =	vst v63  }
0x54: {  	_ =	swait.ge [sflag:s29], $0x2800  }
0x55: {  	s12 =	sshrl.u32 s20, $0x3;
	[sflag:s29] =	ssyncset.done $0x0  }
0x56: {  	s0 =	sadd.s32 s4, s12;
	[sflag:s29] =	ssyncadd.s32 $0xFFFFD800  }
0x57: {  	[tilespmem:s23], [sflag:$0x1] =	stream.linear.gather [hbm4b:s0+s3], $0x50, $0x38;
	[tilespmem:$0x1A900] =	vst v63  }
0x58: {  	_ =	swait.ge [sflag:s24], $0x50  }
0x59: {  	[sflag:s24] =	ssyncset.done $0x0  }
0x5a: {  	[sflag:s24] =	ssyncadd.s32 $0xFFFFFFB0  }
0x5b: {  	[spmem:s2] =	stream.indirect.scatter.add.f32 [tilespmem:s3], [sflag:$0x3], $0x80, s23, s25, $0xb8;
	[tilespmem:$0x1A900] =	vst v63  }
0x5c: {  	_ =	swait.ge [sflag:s30], $0x2800  }
0x5d: {  	s1 =	simm.s32 $0x14;
	[sflag:s30] =	ssyncset.done $0x0  }
0x5e: {  	s11 =	sadd.s32 $0x0, s19;
	s0 =	sadd.s32 $0xA0, s20;
	[sflag:s30] =	ssyncadd.s32 $0xFFFFD800  }
.LBB2_6:
0x5f: {  	[tilespmem:s26], [sflag:$0x2] =	stream.linear.gather [hbm4b:s11+s3], $0x50, $0x38;
	[tilespmem:$0x1A900] =	vst v63  }
0x60: {  	s11 =	smov.u32 s1  }
0x61: {  	p0 =	sne.s32 s1, $0x4B0;
	s1 =	sadd.s32 $0x14, s1;
	_ =	swait.ge [sflag:s28], $0x50  }
0x62: {  	[sflag:s28] =	ssyncset.done $0x0  }
0x63: {  	[sflag:s28] =	ssyncadd.s32 $0xFFFFFFB0  }
0x64: {  	[spmem:s2] =	stream.indirect.scatter.add.f32 [tilespmem:s3], [sflag:$0x4], $0x80, s26, s25, $0xb8;
	[tilespmem:$0x1A900] =	vst v63  }
0x65: {  	_ =	swait.ge [sflag:s29], $0x2800  }
0x66: {  	s12 =	sshrl.u32 s0, $0x3;
	[sflag:s29] =	ssyncset.done $0x0  }
0x67: {  	s12 =	sadd.s32 s4, s12;
	[sflag:s29] =	ssyncadd.s32 $0xFFFFD800  }
0x68: {  	[tilespmem:s23], [sflag:$0x1] =	stream.linear.gather [hbm4b:s12+s3], $0x50, $0x38;
	[tilespmem:$0x1A900] =	vst v63  }
0x69: {  	_ =	swait.ge [sflag:s24], $0x50  }
0x6a: {  	[sflag:s24] =	ssyncset.done $0x0  }
.Ltmp2:
0x6b: {  	[sflag:s24] =	ssyncadd.s32 $0xFFFFFFB0;
	(pc) =	sbr.rel @p0 .LBB2_6-.Ltmp2, $4  }
0x6c: {  	[spmem:s2] =	stream.indirect.scatter.add.f32 [tilespmem:s3], [sflag:$0x3], $0x80, s23, s25, $0xb8;
	[tilespmem:$0x1A900] =	vst v63  }
0x6d: {  	_ =	swait.ge [sflag:s30], $0x2800  }
0x6e: {  	[sflag:s30] =	ssyncset.done $0x0  }
0x6f: {  	s0 =	sadd.s32 $0xA0, s0;
	s11 =	sadd.s32 s11, s19;
	[sflag:s30] =	ssyncadd.s32 $0xFFFFD800  }
0x70: {  	[tilespmem:s26], [sflag:$0x2] =	stream.linear.gather [hbm4b:s11+s3], $0x50, $0x38;
	[tilespmem:$0x1A900] =	vst v63  }
0x71: {  	_ =	swait.ge [sflag:s28], $0x50  }
0x72: {  	[sflag:s28] =	ssyncset.done $0x0  }
0x73: {  	[sflag:s28] =	ssyncadd.s32 $0xFFFFFFB0  }
0x74: {  	[spmem:s2] =	stream.indirect.scatter.add.f32 [tilespmem:s3], [sflag:$0x4], $0x80, s26, s25, $0xb8;
	[tilespmem:$0x1A900] =	vst v63  }
0x75: {  	_ =	swait.ge [sflag:s29], $0x2800  }
0x76: {  	[sflag:s29] =	ssyncset.done $0x0  }
0x77: {  	s0 =	rddreg [dreg:$0x4];
	[sflag:s29] =	ssyncadd.s32 $0xFFFFD800  }
0x78: {  	[tilespmem:s23], [sflag:$0x1] =	stream.linear.gather [hbm4b:s0+s3], $0x50, $0x38;
	[tilespmem:$0x1A900] =	vst v63  }
0x79: {  	_ =	swait.ge [sflag:s24], $0x50  }
0x7a: {  	[sflag:s24] =	ssyncset.done $0x0  }
0x7b: {  	[sflag:s24] =	ssyncadd.s32 $0xFFFFFFB0  }
0x7c: {  	[spmem:s2] =	stream.indirect.scatter.add.f32 [tilespmem:s3], [sflag:$0x3], $0x80, s23, s25, $0xb8;
	[tilespmem:$0x1A900] =	vst v63  }
0x7d: {  	_ =	swait.ge [sflag:s30], $0x2800  }
0x7e: {  	[sflag:s30] =	ssyncset.done $0x0  }
0x7f: {  	[sflag:s30] =	ssyncadd.s32 $0xFFFFD800  }
0x80: {  	_ =	swait.ge [sflag:s29], $0x2800  }
0x81: {  	[sflag:s29] =	ssyncset.done $0x0  }
0x82: {  	[sflag:s29] =	ssyncadd.s32 $0xFFFFD800  }
0x83: {  	[bflag:$0x0] =	sbarrier.arrive $0xFFFF  }
0x84: {  	[tilespmem:s21], [sflag:$0x5] =	stream.linear.gather [spmem:s5], $0x4000, $0x38;
	[tilespmem:$0x1A900] =	vst v63  }
0x85: {  	_ =	swait.ge [sflag:s22], $0x4000  }
0x86: {  	[sflag:s22] =	ssyncset.done $0x0  }
0x87: {  	[sflag:s22] =	ssyncadd.s32 $0xFFFFC000  }
0x88: {  	[hbm4b:s13+s3] =	stream.linear.scatter [tilespmem:s21], [sflag:$0x5], $0x4000, $0x38;
	[tilespmem:$0x1A900] =	vst v63  }
0x89: {  	_ =	swait.ge [sflag:s22], $0x4000  }
0x8a: {  	[sflag:s22] =	ssyncset.done $0x0  }
0x8b: {  	[sflag:s22] =	ssyncadd.s32 $0xFFFFC000  }
0x8c: {  	[tilespmem:s21], [sflag:$0x5] =	stream.linear.gather [spmem:s6], $0x4000, $0x38;
	[tilespmem:$0x1A900] =	vst v63  }
0x8d: {  	_ =	swait.ge [sflag:s22], $0x4000  }
0x8e: {  	[sflag:s22] =	ssyncset.done $0x0  }
0x8f: {  	[sflag:s22] =	ssyncadd.s32 $0xFFFFC000  }
0x90: {  	[hbm4b:s14+s3] =	stream.linear.scatter [tilespmem:s21], [sflag:$0x5], $0x4000, $0x38;
	[tilespmem:$0x1A900] =	vst v63  }
0x91: {  	_ =	swait.ge [sflag:s22], $0x4000  }
0x92: {  	[sflag:s22] =	ssyncset.done $0x0  }
0x93: {  	[sflag:s22] =	ssyncadd.s32 $0xFFFFC000  }
0x94: {  	[tilespmem:s21], [sflag:$0x5] =	stream.linear.gather [spmem:s7], $0x4000, $0x38;
	[tilespmem:$0x1A900] =	vst v63  }
0x95: {  	_ =	swait.ge [sflag:s22], $0x4000  }
0x96: {  	[sflag:s22] =	ssyncset.done $0x0  }
0x97: {  	[sflag:s22] =	ssyncadd.s32 $0xFFFFC000  }
0x98: {  	[hbm4b:s15+s3] =	stream.linear.scatter [tilespmem:s21], [sflag:$0x5], $0x4000, $0x38;
	[tilespmem:$0x1A900] =	vst v63  }
0x99: {  	_ =	swait.ge [sflag:s22], $0x4000  }
0x9a: {  	[sflag:s22] =	ssyncset.done $0x0  }
0x9b: {  	[sflag:s22] =	ssyncadd.s32 $0xFFFFC000  }
0x9c: {  	[tilespmem:s21], [sflag:$0x5] =	stream.linear.gather [spmem:s9], $0x4000, $0x38;
	[tilespmem:$0x1A900] =	vst v63  }
0x9d: {  	_ =	swait.ge [sflag:s22], $0x4000  }
0x9e: {  	[sflag:s22] =	ssyncset.done $0x0  }
0x9f: {  	[sflag:s22] =	ssyncadd.s32 $0xFFFFC000  }
0xa0: {  	[hbm4b:s16+s3] =	stream.linear.scatter [tilespmem:s21], [sflag:$0x5], $0x4000, $0x38;
	[tilespmem:$0x1A900] =	vst v63  }
0xa1: {  	_ =	swait.ge [sflag:s22], $0x4000  }
0xa2: {  	[sflag:s22] =	ssyncset.done $0x0  }
0xa3: {  	[sflag:s22] =	ssyncadd.s32 $0xFFFFC000  }
0xa4: {  	[tilespmem:s21], [sflag:$0x5] =	stream.linear.gather [spmem:s10], $0x4000, $0x38;
	[tilespmem:$0x1A900] =	vst v63  }
0xa5: {  	s31 =	sadd.s32 $0x1, s31;
	_ =	swait.ge [sflag:s22], $0x4000  }
0xa6: {  	p0 =	sne.s32 s31, s18;
	[sflag:s22] =	ssyncset.done $0x0  }
.Ltmp3:
0xa7: {  	[sflag:s22] =	ssyncadd.s32 $0xFFFFC000;
	(pc) =	sbr.rel @p0 .LBB2_1-.Ltmp3, $4  }
0xa8: {  	[hbm4b:s17+s3] =	stream.linear.scatter [tilespmem:s21], [sflag:$0x5], $0x4000, $0x38;
	[tilespmem:$0x1A900] =	vst v63  }
0xa9: {  	_ =	swait.ge [sflag:s22], $0x4000  }
0xaa: {  	[sflag:s22] =	ssyncset.done $0x0  }
0xab: {  	[sflag:s22] =	ssyncadd.s32 $0xFFFFC000  }
0xac: {  	_ =	sfence.sel $0x180000  }
0xad: {  	[bflag:$0x0] =	sbarrier.arrive $0xFFFF  }
0xae: {  	_ =	strace $0x90000050  }
0xaf: {  	s0 =	stileid.u32;
	[bflag:$0x2] =	sbarrier.arrive $0xFFFF  }
0xb0: {  	p0 =	sne.s32 s0, $0x0;
	s0 =	rddreg [dreg:$0x2]  }
0xb1: {  	s0 =	sadd.s32 @!p0 $0x100000, s0  }
0xb2: {  	[sflag:s0] =	ssyncadd.tile.s32 @!p0 $0x1;
	_ =	shalt  }
.Lfunc_end2:
_tile_overlayer_lowered:
.L_overlay_start_2:
0xb3: {  	(tag) =	ssettag $0x2  }
0xb4: {  	s0 =	rddreg [dreg:$0x0];
	s2 =	stileid.u32  }
0xb5: {  	s1 =	rddreg [dreg:$0x1];
	p0 =	sne.s32 s2, $0x0  }
0xb6: {  	s3 =	rddreg [dreg:$0x2];
	[bflag:$0x3] =	sbarrier.arrive $0xFFFF;
	s2 =	simm.s32 @!p0 $0x1C05  }
0xb7: {  	[timem:s3], [sflag:s2] =	dma.local @!p0 [hbm:s0], s1  }
0xb8: {  	s0 =	simm.s32 @!p0 $0x5  }
0xb9: {  	_ =	swait.ge @!p0 [sflag:s0], s1  }
0xba: {  	s1 =	ssub.s32 @!p0 $0x0, s1;
	[sflag:s0] =	ssyncset.done @!p0 $0x0  }
0xbb: {  	[sflag:s0] =	ssyncadd.s32 @!p0 s1  }
0xbc: {  	[bflag:$0x3] =	sbarrier.arrive $0xFFFF  }
0xbd: {  	_ =	shalt  }

// kernel: kernel.8.cloned.1.call-start
scs
__scs_entry_jumppad:
0x0: {  	(pc) =	sbr.rel $0x88, $3  }
0x1: {  	(tag) =	ssettag $0x0;
	lr =	simm.s32 $0x1  }
0x2: {  	[smem:$0x3F91] =	sst lr;
	_ =	strace $0xD0000000  }
0x3: {  	_ = 	snop  }
0x4: {  	_ = 	snop  }
0x5: {  	_ = 	snop  }
0x6: {  	_ = 	snop  }
0x7: {  	_ = 	snop  }
__scs_overlays_trampoline_lowered:
0x8: {  	[smem:$0x3FA0] =	sst s0  }
0x9: {  	[smem:$0x3FA1] =	sst s1  }
0xa: {  	[smem:$0x3FA2] =	sst s2  }
0xb: {  	[smem:$0x3FA3] =	sst s3  }
0xc: {  	[smem:$0x3FA4] =	sst s4  }
0xd: {  	[smem:$0x3FA5] =	sst s5  }
0xe: {  	[smem:$0x3FA6] =	sst s6  }
0xf: {  	[smem:$0x3FA7] =	sst s7  }
0x10: {  	[smem:$0x3FA8] =	sst s8  }
0x11: {  	[smem:$0x3FA9] =	sst s9;
	s0 =	simm.s32 @!p0 $0x0  }
0x12: {  	s1 =	sld [smem:$0x3F8F];
	s0 =	simm.s32 @p0 $0x1  }
0x13: {  	[smem:$0x3FAA] =	sst s0;
	s0 =	simm.s32 @!p1 $0x0  }
0x14: {  	s2 =	sld [smem:$0x3F8E];
	s0 =	simm.s32 @p1 $0x1  }
0x15: {  	[smem:$0x3FAB] =	sst s0;
	s0 =	simm.s32 @!p2 $0x0  }
0x16: {  	s3 =	sld [smem:$0x3FDB];
	s0 =	simm.s32 @p2 $0x1  }
0x17: {  	s4 =	simm.s32 $0x1BF5;
	[smem:$0x3FAD] =	sst s0  }
0x18: {  	s0 =	sld [smem:$0x3F90];
	_ =	swait.ge [sflag:s4], $0x0  }
0x19: {  	s7 =	sld [smem:$0x3F91]  }
0x1a: {  	s8 =	sadd.s32 $0xFFFFE003, lr  }
0x1b: {  	s9 =	sadd.s32 $0xFFFFFEF7, lr;
	s5 =	simm.s32 $0xFFFFFFFF;
	p2 =	slt.u32 s8, $0xFFFFF086  }
0x1c: {  	p1 =	slt.u32 s9, $0xF7A;
	s5 =	simm.s32 @!p2 $0x0  }
0x1d: {  	s5 =	simm.s32 @p1 $0x1;
	p0 =	seq.s32 s7, s2  }
0x1e: {  	s7 =	smul.u32 @!p0 $0xF7A, s2;
	p2 =	seq.s32 @!p0 s5, $0x0  }
0x1f: {  	s9 =	smul.u32 $0xF7A, s1;
	s8 =	simm.s32 @!p0 $0x1BF5;
	p2 =	por !p2, p0  }
0x20: {  	[sflag:s8] =	ssyncset.s32 @!p0 $0xFFFFF086;
	s6 =	sadd.s32 @!p0 s3, s7;
	s7 =	simm.s32 @!p0 $0x108  }
0x21: {  	s3 =	sadd.s32 s3, s9;
	s6 =	sadd.s32 @!p0 $0x88, s6;
	s7 =	simm.s32 @p2 $0x1082  }
0x22: {  	[simem:s7], [sflag:s8] =	dma.local @!p0 [hbm:s6], $0xF7A  }
0x23: {  	s9 =	sor.u32 $0xD0000000, s2;
	s6 =	simm.s32 $0x108;
	_ =	swait.ge @!p0 [sflag:s8], $0x0  }
0x24: {  	s3 =	sadd.s32 $0x88, s3;
	s6 =	simm.s32 @!p1 $0x1082;
	[sflag:s4] =	ssyncset.s32 $0xFFFFF086  }
0x25: {  	[simem:s6], [sflag:s4] =	dma.local [hbm:s3], $0xF7A  }
0x26: {  	[smem:$0x3F91] =	sst s1;
	(tag) =	ssettag s2;
	_ =	strace s9  }
0x27: {  	s1 =	sld [smem:$0x3FA1]  }
0x28: {  	s2 =	sld [smem:$0x3FA2]  }
0x29: {  	s4 =	sld [smem:$0x3FA4]  }
0x2a: {  	p0 =	seq.s32 s5, $0x0;
	s5 =	sld [smem:$0x3FA5]  }
0x2b: {  	s6 =	sld [smem:$0x3FA6]  }
0x2c: {  	s7 =	sld [smem:$0x3FA7]  }
0x2d: {  	s3 =	simm.s32 $0x108;
	s8 =	sld [smem:$0x3FA8]  }
0x2e: {  	s3 =	simm.s32 @!p0 $0x1082;
	s9 =	sld [smem:$0x3FA9]  }
0x2f: {  	lr =	sadd.s32 s0, s3;
	s0 =	sld [smem:$0x3FA0]  }
0x30: {  	s3 =	sld [smem:$0x3FA3]  }
0x31: {  	[smem:$0x3FAC] =	sst s10  }
0x32: {  	s10 =	sld [smem:$0x3FAA];
	_ =	sdelay $0x3  }
0x33: {  	p0 =	seq.s32 s10, $0x1;
	s10 =	sld [smem:$0x3FAC];
	_ =	sdelay $0x3  }
0x34: {  	[smem:$0x3FAC] =	sst s10  }
0x35: {  	s10 =	sld [smem:$0x3FAB];
	_ =	sdelay $0x3  }
0x36: {  	p1 =	seq.s32 s10, $0x1;
	s10 =	sld [smem:$0x3FAC];
	_ =	sdelay $0x3  }
0x37: {  	[smem:$0x3FAC] =	sst s10  }
0x38: {  	s10 =	sld [smem:$0x3FAD]  }
0x39: {  	_ = 	snop;
	(pc) =	sbr.ind lr, $3  }
0x3a: {  	_ = 	snop  }
0x3b: {  	_ = 	snop  }
0x3c: {  	p2 =	seq.s32 s10, $0x1;
	s10 =	sld [smem:$0x3FAC]  }
0x3d: {  	_ =	shalt  }
0x3e: {  	_ =	shalt  }
0x3f: {  	_ =	shalt  }
0x40: {  	_ =	shalt  }
0x41: {  	_ =	shalt  }
0x42: {  	_ =	shalt  }
0x43: {  	_ =	shalt  }
0x44: {  	_ =	shalt  }
0x45: {  	_ =	shalt  }
0x46: {  	_ =	shalt  }
0x47: {  	_ =	shalt  }
0x48: {  	_ =	shalt  }
0x49: {  	_ =	shalt  }
0x4a: {  	_ =	shalt  }
0x4b: {  	_ =	shalt  }
0x4c: {  	_ =	shalt  }
0x4d: {  	_ =	shalt  }
0x4e: {  	_ =	shalt  }
0x4f: {  	_ =	shalt  }
0x50: {  	_ =	shalt  }
0x51: {  	_ =	shalt  }
0x52: {  	_ =	shalt  }
0x53: {  	_ =	shalt  }
0x54: {  	_ =	shalt  }
0x55: {  	_ =	shalt  }
0x56: {  	_ =	shalt  }
0x57: {  	_ =	shalt  }
0x58: {  	_ =	shalt  }
0x59: {  	_ =	shalt  }
0x5a: {  	_ =	shalt  }
0x5b: {  	_ =	shalt  }
0x5c: {  	_ =	shalt  }
0x5d: {  	_ =	shalt  }
0x5e: {  	_ =	shalt  }
0x5f: {  	_ =	shalt  }
0x60: {  	_ =	shalt  }
0x61: {  	_ =	shalt  }
0x62: {  	_ =	shalt  }
0x63: {  	_ =	shalt  }
0x64: {  	_ =	shalt  }
0x65: {  	_ =	shalt  }
0x66: {  	_ =	shalt  }
0x67: {  	_ =	shalt  }
0x68: {  	_ =	shalt  }
0x69: {  	_ =	shalt  }
0x6a: {  	_ =	shalt  }
0x6b: {  	_ =	shalt  }
0x6c: {  	_ =	shalt  }
0x6d: {  	_ =	shalt  }
0x6e: {  	_ =	shalt  }
0x6f: {  	_ =	shalt  }
0x70: {  	_ =	shalt  }
0x71: {  	_ =	shalt  }
0x72: {  	_ =	shalt  }
0x73: {  	_ =	shalt  }
0x74: {  	_ =	shalt  }
0x75: {  	_ =	shalt  }
0x76: {  	_ =	shalt  }
0x77: {  	_ =	shalt  }
0x78: {  	_ =	shalt  }
0x79: {  	_ =	shalt  }
0x7a: {  	_ =	shalt  }
0x7b: {  	_ =	shalt  }
0x7c: {  	_ =	shalt  }
0x7d: {  	_ =	shalt  }
0x7e: {  	_ =	shalt  }
0x7f: {  	_ =	shalt  }
0x80: {  	_ =	shalt  }
0x81: {  	_ =	shalt  }
0x82: {  	_ =	shalt  }
0x83: {  	_ =	shalt  }
0x84: {  	_ =	shalt  }
0x85: {  	_ =	shalt  }
0x86: {  	_ =	shalt  }
0x87: {  	_ =	shalt  }
.Lfunc_end0:
.L_simem_size_0:
called_computation_lowered:
.L_overlay_start_0:
0x88: {  	s2 =	sld [smem:$0x3FD9]  }
0x89: {  	s3 =	sld [smem:$0x3FFE];
	_ =	sdelay $0x1  }
0x8a: {  	s1 =	srdreg.scid  }
0x8b: {  	s0 =	sand.u32 $0x1, s1  }
0x8c: {  	s17 =	sshll.u32 s0, $0xA;
	s2 =	sadd.s32 s3, s2  }
0x8d: {  	s2 =	sadd.s32 s2, s17  }
0x8e: {  	[smem:$0x3FB8] =	sst s2  }
0x8f: {  	_ = 	snop  }
0x90: {  	s2 =	sld [smem:$0x3FC5];
	(tm) =	ssettm $0x1  }
0x91: {  	s18 =	sld [smem:$0x3FFB];
	_ =	sdelay $0x3  }
0x92: {  	_ =	strace s18  }
0x93: {  	s3 =	sld [smem:$0x3FFC];
	_ =	sdelay $0x3  }
0x94: {  	_ =	strace s3  }
0x95: {  	s3 =	sld [smem:$0x3FFD];
	_ =	sdelay $0x3  }
0x96: {  	_ =	strace s3  }
0x97: {  	_ =	strace $0x8FFFFFFF  }
0x98: {  	s19 =	sld [smem:$0x3FDB];
	_ =	sdelay $0x1  }
0x99: {  	s4 =	simm.s32 $_scs_section_size  }
0x9a: {  	s5 =	simm.s32 $_size__tile_overlayer_lowered;
	s6 =	simm.s32 $_tile_overlayer_lowered  }
0x9b: {  	s22 =	simm.s32 $0x1BFF;
	s21 =	sshll.u32 s6, $0x1;
	s3 =	sadd.s32 s4, s19  }
0x9c: {  	s7 =	simm.s32 $0x0;
	s20 =	sshll.u32 s5, $0x1;
	s5 =	sadd.s32 s21, s3  }
0x9d: {  	[timem:s7], [sflag:s22] =	dma.local [hbm:s5], s20  }
0x9e: {  	_ =	swait.ge [sflag:s22], s20  }
0x9f: {  	s4 =	ssub.s32 $0x0, s20;
	[sflag:s22] =	ssyncset.done $0x0  }
0xa0: {  	[sflag:s22] =	ssyncadd.s32 s4;
	_ =	sdelay $0x1  }
0xa1: {  	s23 =	simm.s32 $0x1B8B  }
0xa2: {  	_ =	swait.ge [sflag:s23], $0x1  }
0xa3: {  	[sflag:s23] =	ssyncset.done $0x0  }
0xa4: {  	s25 =	simm.s32 $0x1B8E;
	s24 =	sld [smem:$0x3FFE];
	[sflag:s23] =	ssyncadd.s32 $0xFFFFFFFF  }
0xa5: {  	s26 =	simm.s32 $execute0_lowered;
	[smem:$0x3FD2] =	sst s25  }
0xa6: {  	s5 =	sshll.u32 s26, $0x1;
	_ =	strace $0x80000046;
	[dreg:$0x1] =	wrdreg $0xFFFFFFFF  }
0xa7: {  	s28 =	simm.s32 $_size_execute0_lowered;
	s3 =	sadd.s32 s3, s5;
	[dreg:$0x0] =	wrdreg $0x0  }
0xa8: {  	s5 =	sshll.u32 s28, $0x1;
	[dreg:$0x2] =	wrdreg s3  }
0xa9: {  	[dreg:$0x3] =	wrdreg s5  }
0xaa: {  	[dreg:$0x4] =	wrdreg $0xC0  }
0xab: {  	_ =	task [dreg:s7], $0x5FFFF  }
0xac: {  	[dreg:$0x1] =	wrdreg $0xFFFFFFFF  }
0xad: {  	[dreg:$0x0] =	wrdreg $0x60  }
0xae: {  	[dreg:$0x2] =	wrdreg s2  }
0xaf: {  	[dreg:$0x3] =	wrdreg s24  }
0xb0: {  	[dreg:$0x4] =	wrdreg $0x9  }
0xb1: {  	_ =	task.clear_ibuf [dreg:s7], $0x5FFFF;
	_ =	strace $0x90000046  }
0xb2: {  	s29 =	simm.s32 $0x9;
	_ =	strace $0x80000048  }
0xb3: {  	_ =	swait.ge [sflag:s29], $0x1  }
0xb4: {  	[sflag:s29] =	ssyncadd.s32 $0xFFFFFFFF  }
0xb5: {  	_ =	strace $0x90000048  }
0xb6: {  	_ =	sfence  }
0xb7: {  	s30 =	sld [smem:$0x0];
	_ =	sdelay $0x2  }
0xb8: {  	s31 =	sshll.u32 s1, $0xD;
	s1 =	sshrl.u32 s1, $0x2  }
0xb9: {  	s3 =	sand.u32 $0x4000, s31;
	s1 =	sadd.s32 s1, s30  }
0xba: {  	s0 =	sor.u32 s3, s0;
	s1 =	sshll.u32 s1, $0x11  }
0xbb: {  	s0 =	sor.u32 s1, s0  }
0xbc: {  	s0 =	sadd.s32 $0x8F2B, s0  }
0xbd: {  	[sflag:s0] =	ssyncadd.remote.s32 $0x1  }
0xbe: {  	_ =	sfence.sel $0xFFFF  }
0xbf: {  	[dreg:$0x0] =	wrdreg $0xFFFFFFFF;
	(pc) =	sbr.abs _section_cstart, $3  }
0xc0: {  	[dreg:$0x1] =	wrdreg $0xFFFFFFFF  }
0xc1: {  	_ =	task.clear_ibuf [dreg:s7], $0x2FFFF;
	_ =	strace $0x9FFFFFFF  }
0xc2: {  	(tm) =	ssettm $0x7FFFFFFF  }
0xc3: {  	_ =	shalt  }
tec
execute0_lowered:
.L_overlay_start_1:
0x0: {  	(tag) =	ssettag $0x1  }
0x1: {  	s0 =	srdreg.scid  }
0x2: {  	s17 =	sand.u32 $0x1, s0  }
0x3: {  	s0 =	stileid.u32;
	s1 =	sshll.u32 s17, $0x4  }
0x4: {  	s2 =	rddreg [dreg:$0x0];
	s15 =	sor.u32 s0, s1  }
0x5: {  	s9 =	rddreg [dreg:$0x1];
	s3 =	simm.s32 $0x0;
	s4 =	smul.u32 $0xA, s15  }
0x6: {  	s5 =	simm.s32 $0x2;
	[smem:$0x7FF] =	sst s3;
	s14 =	sadd.s32 $0x1800, s9  }
0x7: {  	s1 =	rddreg [dreg:$0x2];
	_ =	strace $0x80000047;
	s4 =	sadd.s32 s14, s4  }
0x8: {  	[tilespmem:s3], [sflag:$0x2] =	stream.linear.gather [hbm4b:s4+s3], $0x50, $0x38;
	[tilespmem:$0x2880] =	vst v63  }
0x9: {  	_ =	swait.ge [sflag:s5], $0x50  }
0xa: {  	s6 =	simm.s32 $0x50;
	[sflag:s5] =	ssyncset.done $0x0  }
0xb: {  	s7 =	simm.s32 $0x80;
	s8 =	simm.s32 $0x1;
	[sflag:s5] =	ssyncadd.s32 $0xFFFFFFB0  }
0xc: {  	[tilespmem:s7], [sflag:$0x1] =	stream.indirect.gather [hbm4b:s2+s6], $0x80, s3, s6, $0xb8;
	[tilespmem:$0x2880] =	vst v63  }
0xd: {  	s10 =	smul.u32 $0x500, s15;
	_ =	swait.ge [sflag:s8], $0x2800  }
0xe: {  	s20 =	sadd.s32 $0x1E00, s9;
	[sflag:s8] =	ssyncset.done $0x0  }
0xf: {  	s11 =	sor.u32 $0x20, s15;
	s9 =	sadd.s32 s20, s10;
	[sflag:s8] =	ssyncadd.s32 $0xFFFFD800  }
0x10: {  	[hbm4b:s9+s3] =	stream.linear.scatter [tilespmem:s7], [sflag:$0x2], $0x2800, $0x38;
	[tilespmem:$0x2880] =	vst v63  }
0x11: {  	s31 =	smul.u32 $0xA, s11;
	_ =	swait.ge [sflag:s5], $0x2800  }
0x12: {  	[sflag:s5] =	ssyncset.done $0x0  }
0x13: {  	s10 =	sadd.s32 s14, s31;
	[sflag:s5] =	ssyncadd.s32 $0xFFFFD800  }
0x14: {  	[tilespmem:s3], [sflag:$0x2] =	stream.linear.gather [hbm4b:s10+s3], $0x50, $0x38;
	[tilespmem:$0x2880] =	vst v63  }
0x15: {  	_ =	swait.ge [sflag:s5], $0x50  }
0x16: {  	[sflag:s5] =	ssyncset.done $0x0  }
0x17: {  	[sflag:s5] =	ssyncadd.s32 $0xFFFFFFB0  }
0x18: {  	[tilespmem:s7], [sflag:$0x1] =	stream.indirect.gather [hbm4b:s2+s6], $0x80, s3, s6, $0xb8;
	[tilespmem:$0x2880] =	vst v63  }
0x19: {  	s11 =	smul.u32 $0x500, s11;
	_ =	swait.ge [sflag:s8], $0x2800  }
0x1a: {  	[sflag:s8] =	ssyncset.done $0x0  }
0x1b: {  	s13 =	sor.u32 $0x40, s15;
	s11 =	sadd.s32 s20, s11;
	[sflag:s8] =	ssyncadd.s32 $0xFFFFD800  }
0x1c: {  	[hbm4b:s11+s3] =	stream.linear.scatter [tilespmem:s7], [sflag:$0x2], $0x2800, $0x38;
	[tilespmem:$0x2880] =	vst v63  }
0x1d: {  	s12 =	smul.u32 $0xA, s13;
	_ =	swait.ge [sflag:s5], $0x2800  }
0x1e: {  	[sflag:s5] =	ssyncset.done $0x0  }
0x1f: {  	s12 =	sadd.s32 s14, s12;
	[sflag:s5] =	ssyncadd.s32 $0xFFFFD800  }
0x20: {  	[tilespmem:s3], [sflag:$0x2] =	stream.linear.gather [hbm4b:s12+s3], $0x50, $0x38;
	[tilespmem:$0x2880] =	vst v63  }
0x21: {  	_ =	swait.ge [sflag:s5], $0x50  }
0x22: {  	[sflag:s5] =	ssyncset.done $0x0  }
0x23: {  	[sflag:s5] =	ssyncadd.s32 $0xFFFFFFB0  }
0x24: {  	[tilespmem:s7], [sflag:$0x1] =	stream.indirect.gather [hbm4b:s2+s6], $0x80, s3, s6, $0xb8;
	[tilespmem:$0x2880] =	vst v63  }
0x25: {  	s22 =	ssub.s32 $0x2, s17;
	s13 =	smul.u32 $0x500, s13;
	_ =	swait.ge [sflag:s8], $0x2800  }
0x26: {  	s23 =	sshrl.u32 s22, $0x1;
	s21 =	sor.u32 $0x60, s15;
	[sflag:s8] =	ssyncset.done $0x0  }
0x27: {  	p0 =	sgt.u32 s15, $0x1C;
	s13 =	sadd.s32 s20, s13;
	[sflag:s8] =	ssyncadd.s32 $0xFFFFD800  }
0x28: {  	[hbm4b:s13+s3] =	stream.linear.scatter [tilespmem:s7], [sflag:$0x2], $0x2800, $0x38;
	[tilespmem:$0x2880] =	vst v63  }
0x29: {  	s22 =	ssub.s32 s22, s23;
	s16 =	smul.u32 $0xA, s21;
	_ =	swait.ge [sflag:s5], $0x2800  }
0x2a: {  	s15 =	simm.s32 @!p0 $0x2;
	s17 =	simm.s32 @!p0 $0x1;
	[sflag:s5] =	ssyncset.done $0x0  }
0x2b: {  	s14 =	sadd.s32 s14, s16;
	s16 =	simm.s32 @!p0 $0x0;
	[sflag:s5] =	ssyncadd.s32 $0xFFFFD800  }
0x2c: {  	[tilespmem:s16], [sflag:$0x2] =	stream.linear.gather @!p0 [hbm4b:s14+s16], $0x50, $0x38;
	[tilespmem:$0x2880] =	vst v63  }
0x2d: {  	s18 =	simm.s32 @!p0 $0x50;
	s21 =	smul.u32 $0x500, s21;
	_ =	swait.ge @!p0 [sflag:s15], $0x50  }
0x2e: {  	s19 =	simm.s32 @!p0 $0x80;
	s22 =	smax.u32 s22, $0x1;
	[sflag:s15] =	ssyncset.done @!p0 $0x0  }
0x2f: {  	s20 =	sadd.s32 s20, s21;
	s21 =	sadd.s32 $0xFFFFFFFF, s22;
	[sflag:s15] =	ssyncadd.s32 @!p0 $0xFFFFFFB0  }
0x30: {  	[tilespmem:s19], [sflag:$0x1] =	stream.indirect.gather @!p0 [hbm4b:s2+s18], $0x80, s16, s18, $0xb8;
	[tilespmem:$0x2880] =	vst v63  }
0x31: {  	p1 =	sne.s32 s21, $0x0;
	_ =	swait.ge @!p0 [sflag:s17], $0x2800  }
.Ltmp0:
0x32: {  	[sflag:s17] =	ssyncset.done @!p0 $0x0;
	(pc) =	sbr.rel @!p1 .LBB2_2-.Ltmp0, $4  }
0x33: {  	[sflag:s17] =	ssyncadd.s32 @!p0 $0xFFFFD800  }
0x34: {  	[hbm4b:s20+s16] =	stream.linear.scatter @!p0 [tilespmem:s19], [sflag:$0x2], $0x2800, $0x38;
	[tilespmem:$0x2880] =	vst v63  }
0x35: {  	_ =	swait.ge @!p0 [sflag:s15], $0x2800  }
0x36: {  	[sflag:s15] =	ssyncset.done @!p0 $0x0  }
.LBB2_1:
0x37: {  	s21 =	sadd.s32 $0xFFFFFFFF, s21;
	[sflag:s15] =	ssyncadd.s32 @!p0 $0xFFFFD800  }
0x38: {  	[tilespmem:s3], [sflag:$0x2] =	stream.linear.gather [hbm4b:s4+s3], $0x50, $0x38;
	[tilespmem:$0x2880] =	vst v63  }
0x39: {  	p1 =	sne.s32 s21, $0x0;
	_ =	swait.ge [sflag:s5], $0x50  }
0x3a: {  	[sflag:s5] =	ssyncset.done $0x0  }
0x3b: {  	[sflag:s5] =	ssyncadd.s32 $0xFFFFFFB0  }
0x3c: {  	[tilespmem:s7], [sflag:$0x1] =	stream.indirect.gather [hbm4b:s2+s6], $0x80, s3, s6, $0xb8;
	[tilespmem:$0x2880] =	vst v63  }
0x3d: {  	_ =	swait.ge [sflag:s8], $0x2800  }
0x3e: {  	[sflag:s8] =	ssyncset.done $0x0  }
0x3f: {  	[sflag:s8] =	ssyncadd.s32 $0xFFFFD800  }
0x40: {  	[hbm4b:s9+s3] =	stream.linear.scatter [tilespmem:s7], [sflag:$0x2], $0x2800, $0x38;
	[tilespmem:$0x2880] =	vst v63  }
0x41: {  	_ =	swait.ge [sflag:s5], $0x2800  }
0x42: {  	[sflag:s5] =	ssyncset.done $0x0  }
0x43: {  	[sflag:s5] =	ssyncadd.s32 $0xFFFFD800  }
0x44: {  	[tilespmem:s3], [sflag:$0x2] =	stream.linear.gather [hbm4b:s10+s3], $0x50, $0x38;
	[tilespmem:$0x2880] =	vst v63  }
0x45: {  	_ =	swait.ge [sflag:s5], $0x50  }
0x46: {  	[sflag:s5] =	ssyncset.done $0x0  }
0x47: {  	[sflag:s5] =	ssyncadd.s32 $0xFFFFFFB0  }
0x48: {  	[tilespmem:s7], [sflag:$0x1] =	stream.indirect.gather [hbm4b:s2+s6], $0x80, s3, s6, $0xb8;
	[tilespmem:$0x2880] =	vst v63  }
0x49: {  	_ =	swait.ge [sflag:s8], $0x2800  }
0x4a: {  	[sflag:s8] =	ssyncset.done $0x0  }
0x4b: {  	[sflag:s8] =	ssyncadd.s32 $0xFFFFD800  }
0x4c: {  	[hbm4b:s11+s3] =	stream.linear.scatter [tilespmem:s7], [sflag:$0x2], $0x2800, $0x38;
	[tilespmem:$0x2880] =	vst v63  }
0x4d: {  	_ =	swait.ge [sflag:s5], $0x2800  }
0x4e: {  	[sflag:s5] =	ssyncset.done $0x0  }
0x4f: {  	[sflag:s5] =	ssyncadd.s32 $0xFFFFD800  }
0x50: {  	[tilespmem:s3], [sflag:$0x2] =	stream.linear.gather [hbm4b:s12+s3], $0x50, $0x38;
	[tilespmem:$0x2880] =	vst v63  }
0x51: {  	_ =	swait.ge [sflag:s5], $0x50  }
0x52: {  	[sflag:s5] =	ssyncset.done $0x0  }
0x53: {  	[sflag:s5] =	ssyncadd.s32 $0xFFFFFFB0  }
0x54: {  	[tilespmem:s7], [sflag:$0x1] =	stream.indirect.gather [hbm4b:s2+s6], $0x80, s3, s6, $0xb8;
	[tilespmem:$0x2880] =	vst v63  }
0x55: {  	_ =	swait.ge [sflag:s8], $0x2800  }
0x56: {  	[sflag:s8] =	ssyncset.done $0x0  }
0x57: {  	[sflag:s8] =	ssyncadd.s32 $0xFFFFD800  }
0x58: {  	[hbm4b:s13+s3] =	stream.linear.scatter [tilespmem:s7], [sflag:$0x2], $0x2800, $0x38;
	[tilespmem:$0x2880] =	vst v63  }
0x59: {  	_ =	swait.ge [sflag:s5], $0x2800  }
0x5a: {  	[sflag:s5] =	ssyncset.done $0x0  }
0x5b: {  	[sflag:s5] =	ssyncadd.s32 $0xFFFFD800  }
0x5c: {  	[tilespmem:s16], [sflag:$0x2] =	stream.linear.gather @!p0 [hbm4b:s14+s16], $0x50, $0x38;
	[tilespmem:$0x2880] =	vst v63  }
0x5d: {  	_ =	swait.ge @!p0 [sflag:s15], $0x50  }
0x5e: {  	[sflag:s15] =	ssyncset.done @!p0 $0x0  }
0x5f: {  	[sflag:s15] =	ssyncadd.s32 @!p0 $0xFFFFFFB0  }
0x60: {  	[tilespmem:s19], [sflag:$0x1] =	stream.indirect.gather @!p0 [hbm4b:s2+s18], $0x80, s16, s18, $0xb8;
	[tilespmem:$0x2880] =	vst v63  }
0x61: {  	_ =	swait.ge @!p0 [sflag:s17], $0x2800  }
.Ltmp1:
0x62: {  	[sflag:s17] =	ssyncset.done @!p0 $0x0;
	(pc) =	sbr.rel @p1 .LBB2_1-.Ltmp1, $4  }
0x63: {  	[sflag:s17] =	ssyncadd.s32 @!p0 $0xFFFFD800  }
0x64: {  	[hbm4b:s20+s16] =	stream.linear.scatter @!p0 [tilespmem:s19], [sflag:$0x2], $0x2800, $0x38;
	[tilespmem:$0x2880] =	vst v63  }
0x65: {  	_ =	swait.ge @!p0 [sflag:s15], $0x2800  }
0x66: {  	[sflag:s15] =	ssyncset.done @!p0 $0x0  }
.LBB2_2:
0x67: {  	[sflag:s15] =	ssyncadd.s32 @!p0 $0xFFFFD800  }
0x68: {  	_ =	sfence.sel $0x180000  }
0x69: {  	[bflag:$0x0] =	sbarrier.arrive $0xFFFF  }
0x6a: {  	p0 =	sne.s32 s0, $0x0;
	_ =	strace $0x90000047  }
0x6b: {  	s0 =	sadd.s32 @!p0 $0x100000, s1;
	[bflag:$0x2] =	sbarrier.arrive $0xFFFF  }
0x6c: {  	[sflag:s0] =	ssyncadd.tile.s32 @!p0 $0x1;
	_ =	shalt  }
.Lfunc_end2:
_tile_overlayer_lowered:
.L_overlay_start_2:
0x6d: {  	(tag) =	ssettag $0x2  }
0x6e: {  	s0 =	rddreg [dreg:$0x0];
	s2 =	stileid.u32  }
0x6f: {  	s1 =	rddreg [dreg:$0x1];
	p0 =	sne.s32 s2, $0x0  }
0x70: {  	s3 =	rddreg [dreg:$0x2];
	[bflag:$0x3] =	sbarrier.arrive $0xFFFF;
	s2 =	simm.s32 @!p0 $0x1C02  }
0x71: {  	[timem:s3], [sflag:s2] =	dma.local @!p0 [hbm:s0], s1  }
0x72: {  	s0 =	simm.s32 @!p0 $0x2  }
0x73: {  	_ =	swait.ge @!p0 [sflag:s0], s1  }
0x74: {  	s1 =	ssub.s32 @!p0 $0x0, s1;
	[sflag:s0] =	ssyncset.done @!p0 $0x0  }
0x75: {  	[sflag:s0] =	ssyncadd.s32 @!p0 s1  }
0x76: {  	[bflag:$0x3] =	sbarrier.arrive $0xFFFF  }
0x77: {  	_ =	shalt  }

</sc_bundles>
